<compile_context>
chip_gen: v7x
topology: tpu7x:2x2x1
jax: 0.10.2.dev20260603
libtpu: 0.0.44.dev20260713+nightly
codegen_flags: <defaults>
</compile_context>

<pallas_src>
import functools

import jax
import jax.numpy as jnp
from jax import lax
from jax.experimental import pallas as pl
from jax.experimental.pallas import tpu as pltpu
from jax.experimental.pallas import tpu_sc as plsc

N = 10000
E = 320000
D = 128
NC, NS = 2, 16
NW = NC * NS
N_PAD = 10240
RPT = N_PAD // NS

EPW = E // NW
CH = 80
NCHUNK = EPW // CH
CH2 = 40
NCHUNK2 = EPW // CH2

NBUF = 8
LOOKAHEAD = 4
IBUF = 16
ILOOK = 10

_mesh = plsc.VectorSubcoreMesh(core_axis_name="c", subcore_axis_name="s")


@functools.partial(
    pl.kernel,
    out_type=jax.ShapeDtypeStruct((NC * N_PAD,), jnp.float32),
    mesh=_mesh,
    scratch_types=[
        pltpu.VMEM((NCHUNK, CH), jnp.int32),
        pltpu.VMEM((CH,), jnp.float32),
        pltpu.VMEM_SHARED((N_PAD,), jnp.float32),
        pltpu.SemaphoreType.DMA,
    ],
)
def _deg_kernel(dst_hbm, zero1_hbm, out_hbm, didx_v, ones_v, acc_sh, sem):
    cid = lax.axis_index("c")
    sid = lax.axis_index("s")
    wid = cid * NS + sid
    pltpu.sync_copy(dst_hbm.at[wid], didx_v)
    pltpu.sync_copy(zero1_hbm.at[pl.ds(sid * RPT, RPT)],
                    acc_sh.at[pl.ds(sid * RPT, RPT)])
    for i in range(CH // 16):
        ones_v[pl.ds(i * 16, 16)] = jnp.ones((16,), jnp.float32)
    plsc.subcore_barrier()

    for k in range(5):
        pltpu.async_copy(ones_v, acc_sh.at[didx_v.at[k]], sem, add=True)

    def body(k, carry):
        pltpu.async_copy(ones_v, acc_sh.at[didx_v.at[k + 5]], sem, add=True)
        pltpu.make_async_copy(ones_v, acc_sh.at[didx_v.at[k]], sem).wait()
        return carry

    lax.fori_loop(0, NCHUNK - 5, body, 0)
    for k in range(NCHUNK - 5, NCHUNK):
        pltpu.make_async_copy(ones_v, acc_sh.at[didx_v.at[k]], sem).wait()
    plsc.subcore_barrier()
    pltpu.sync_copy(acc_sh.at[pl.ds(sid * RPT, RPT)],
                    out_hbm.at[pl.ds(cid * N_PAD + sid * RPT, RPT)])


@functools.partial(
    pl.kernel,
    out_type=jax.ShapeDtypeStruct((NC * N_PAD, D), jnp.float32),
    mesh=_mesh,
    scratch_types=[
        pltpu.VMEM((IBUF, CH2), jnp.int32),
        pltpu.VMEM((IBUF, CH2), jnp.int32),
        pltpu.VMEM((NBUF, CH2, D), jnp.float32),
        pltpu.VMEM_SHARED((N_PAD, D), jnp.float32),
        pltpu.SemaphoreType.DMA,
        pltpu.SemaphoreType.DMA,
        pltpu.SemaphoreType.DMA,
    ],
)
def _edge_sum_kernel(src_hbm, dst_hbm, table_hbm, zeros_hbm, out_hbm,
                     sidx_v, didx_v, rows_v, acc_sh, gsem, ssem, isem):
    cid = lax.axis_index("c")
    sid = lax.axis_index("s")
    wid = cid * NS + sid

    def idx_issue(k):
        i = lax.rem(k, IBUF) if not isinstance(k, int) else k % IBUF
        pltpu.async_copy(src_hbm.at[wid].at[k], sidx_v.at[i], isem)
        pltpu.async_copy(dst_hbm.at[wid].at[k], didx_v.at[i], isem)

    def idx_wait(k):
        i = lax.rem(k, IBUF) if not isinstance(k, int) else k % IBUF
        pltpu.make_async_copy(src_hbm.at[wid].at[k], sidx_v.at[i],
                              isem).wait()
        pltpu.make_async_copy(dst_hbm.at[wid].at[k], didx_v.at[i],
                              isem).wait()

    def gather(k, slot):
        i = lax.rem(k, IBUF) if not isinstance(k, int) else k % IBUF
        return pltpu.async_copy(table_hbm.at[sidx_v.at[i]], rows_v.at[slot],
                                gsem)

    def gather_wait(k, slot):
        i = lax.rem(k, IBUF) if not isinstance(k, int) else k % IBUF
        pltpu.make_async_copy(table_hbm.at[sidx_v.at[i]], rows_v.at[slot],
                              gsem).wait()

    def scat(k, slot):
        i = lax.rem(k, IBUF) if not isinstance(k, int) else k % IBUF
        return pltpu.async_copy(rows_v.at[slot], acc_sh.at[didx_v.at[i]],
                                ssem, add=True)

    def scat_wait(k, slot):
        i = lax.rem(k, IBUF) if not isinstance(k, int) else k % IBUF
        pltpu.make_async_copy(rows_v.at[slot], acc_sh.at[didx_v.at[i]],
                              ssem).wait()

    for k in range(ILOOK):
        idx_issue(k)
    for k in range(LOOKAHEAD):
        idx_wait(k)
        gather(k, k)
    pltpu.sync_copy(zeros_hbm.at[pl.ds(sid * RPT, RPT)],
                    acc_sh.at[pl.ds(sid * RPT, RPT)])
    plsc.subcore_barrier()

    def body(k, carry):
        slot = lax.rem(k, NBUF)
        gather_wait(k, slot)
        scat(k, slot)

        @pl.when(k >= LOOKAHEAD)
        def _():
            kd = k - LOOKAHEAD
            scat_wait(kd, lax.rem(kd, NBUF))

        @pl.when(k < NCHUNK2 - ILOOK)
        def _():
            idx_issue(k + ILOOK)

        @pl.when(k < NCHUNK2 - LOOKAHEAD)
        def _():
            kn = k + LOOKAHEAD
            idx_wait(kn)
            gather(kn, lax.rem(kn, NBUF))
        return carry

    lax.fori_loop(0, NCHUNK2, body, 0)
    for k in range(NCHUNK2 - LOOKAHEAD, NCHUNK2):
        scat_wait(k, k % NBUF)
    plsc.subcore_barrier()
    pltpu.sync_copy(acc_sh.at[pl.ds(sid * RPT, RPT)],
                    out_hbm.at[pl.ds(cid * N_PAD + sid * RPT, RPT)])


BLK = 640
GRID = 16
GRID_S = N_PAD // BLK

_row_spec = pl.BlockSpec((BLK, D), lambda i: (i, 0))
_w_spec = pl.BlockSpec((D, D), lambda i: (0, 0))
_vec_spec = pl.BlockSpec((1, D), lambda i: (0, 0))
_dinv_spec = pl.BlockSpec((BLK, 1), lambda i: (i, 0))
_s0_spec = pl.BlockSpec((BLK, D), lambda i: (i, 0))
_s1_spec = pl.BlockSpec((BLK, D), lambda i: (GRID_S + i, 0))


def _tc_h0_body(x_ref, win_ref, bin_ref, h0_ref):
    h0_ref[...] = jnp.dot(x_ref[...], win_ref[...],
                          preferred_element_type=jnp.float32) + bin_ref[...]


_tc_h0 = pl.pallas_call(
    _tc_h0_body,
    grid=(GRID,),
    in_specs=[_row_spec, _w_spec, _vec_spec],
    out_specs=_row_spec,
    out_shape=jax.ShapeDtypeStruct((N, D), jnp.float32),
)


def _tc0_body(degp_ref, h0_ref, w0_ref, hT0_ref, dinv_ref):
    deg = degp_ref[:, 0:1] + degp_ref[:, 1:2] + 1.0
    dinv = lax.rsqrt(deg)
    hT0_ref[...] = dinv * jnp.dot(h0_ref[...], w0_ref[...],
                                  preferred_element_type=jnp.float32)
    dinv_ref[...] = dinv


_tc0 = pl.pallas_call(
    _tc0_body,
    grid=(GRID,),
    in_specs=[pl.BlockSpec((BLK, NC), lambda i: (i, 0)),
              _row_spec, _w_spec],
    out_specs=[_row_spec, _dinv_spec],
    out_shape=[jax.ShapeDtypeStruct((N, D), jnp.float32),
               jax.ShapeDtypeStruct((N, 1), jnp.float32)],
)


def _post_agg(s0, s1, hT, h, dinv, b, g, be):
    agg = dinv * (s0 + s1 + hT) + b
    mu = jnp.mean(agg, axis=-1, keepdims=True)
    xc = agg - mu
    var = jnp.mean(xc * xc, axis=-1, keepdims=True)
    ln = xc * lax.rsqrt(var + 1e-5) * g + be
    return jnp.maximum(ln, 0.0) + h


def _mid_body(s_ref, s1_ref, hT_ref, h_ref, dinv_ref, b_ref, g_ref, be_ref,
              wn_ref, h1_ref, hT1_ref):
    dinv = dinv_ref[...]
    hn = _post_agg(s_ref[...], s1_ref[...], hT_ref[...], h_ref[...],
                   dinv, b_ref[...], g_ref[...], be_ref[...])
    h1_ref[...] = hn
    hT1_ref[...] = dinv * jnp.dot(hn, wn_ref[...],
                                  preferred_element_type=jnp.float32)


_tc_mid = pl.pallas_call(
    _mid_body,
    grid=(GRID,),
    in_specs=[_s0_spec, _s1_spec, _row_spec, _row_spec, _dinv_spec,
              _vec_spec, _vec_spec, _vec_spec, _w_spec],
    out_specs=[_row_spec, _row_spec],
    out_shape=[jax.ShapeDtypeStruct((N, D), jnp.float32),
               jax.ShapeDtypeStruct((N, D), jnp.float32)],
)


def _fin_body(s_ref, s1_ref, hT_ref, h_ref, dinv_ref, b_ref, g_ref, be_ref,
              h1_ref):
    h1_ref[...] = _post_agg(s_ref[...], s1_ref[...], hT_ref[...], h_ref[...],
                            dinv_ref[...], b_ref[...], g_ref[...], be_ref[...])


_tc_fin = pl.pallas_call(
    _fin_body,
    grid=(GRID,),
    in_specs=[_s0_spec, _s1_spec, _row_spec, _row_spec, _dinv_spec,
              _vec_spec, _vec_spec, _vec_spec],
    out_specs=_row_spec,
    out_shape=jax.ShapeDtypeStruct((N, D), jnp.float32),
)


def kernel(x, edge_index, W_in, b_in, W0, b0, g0, be0,
           W1, b1, g1, be1, W2, b2, g2, be2):
    src = edge_index[0].reshape(NW, NCHUNK2, CH2)
    dst = edge_index[1].reshape(NW, NCHUNK, CH)
    dst2 = edge_index[1].reshape(NW, NCHUNK2, CH2)
    zeros2 = jnp.zeros((N_PAD, D), jnp.float32)
    zeros1 = jnp.zeros((N_PAD,), jnp.float32)

    degp = _deg_kernel(dst, zeros1)
    h = _tc_h0(x, W_in, b_in.reshape(1, D))
    degp2 = jnp.transpose(degp.reshape(NC, N_PAD))
    hT, dinv = _tc0(degp2, h, W0)

    for (b, g, be, Wn) in ((b0, g0, be0, W1), (b1, g1, be1, W2),
                           (b2, g2, be2, None)):
        s = _edge_sum_kernel(src, dst2, hT, zeros2)
        if Wn is None:
            h = _tc_fin(s, s, hT, h, dinv, b.reshape(1, D), g.reshape(1, D),
                        be.reshape(1, D))
        else:
            h, hT = _tc_mid(s, s, hT, h, dinv, b.reshape(1, D),
                            g.reshape(1, D), be.reshape(1, D), Wn)
    return h

# --- scband reference (transcript-rebuilt; emitter-appended) ---
"""Pipeline reference for scband-gcnencoder-61134564491387 (READ-ONLY COPY).

The authoritative reference and input builder live on the scoring server;
editing this copy changes nothing except your own understanding.
"""

import jax, jax.numpy as jnp
import numpy as np

N = 10000
E = 320000
D = 128
L = 3


def setup_inputs(seed: int = 0) -> dict:
    key = jax.random.key(seed)
    ks = jax.random.split(key, 4 + 4 * L)
    inp = {}
    inp['x'] = jax.random.normal(ks[0], (N, D), dtype=jnp.float32)
    inp['edge_index'] = jax.random.randint(ks[1], (2, E), 0, N, dtype=jnp.int32)
    scale = 1.0 / np.sqrt(D)
    inp['W_in'] = jax.random.normal(ks[2], (D, D), dtype=jnp.float32) * scale
    inp['b_in'] = jnp.zeros((D,), dtype=jnp.float32)
    for l in range(L):
        inp['W%d' % l] = jax.random.normal(ks[4 + 4 * l], (D, D), dtype=jnp.float32) * scale
        inp['b%d' % l] = jnp.zeros((D,), dtype=jnp.float32)
        inp['g%d' % l] = jnp.ones((D,), dtype=jnp.float32)
        inp['be%d' % l] = jnp.zeros((D,), dtype=jnp.float32)
    return inp


def _layernorm(h, g, b):
    mu = jnp.mean(h, axis=-1, keepdims=True)
    var = jnp.mean((h - mu) ** 2, axis=-1, keepdims=True)
    return (h - mu) / jnp.sqrt(var + 1e-5) * g + b


def _gcn_conv(h, src, dst, W, b):
    hW = h @ W
    deg = jnp.zeros((N,), dtype=h.dtype).at[dst].add(1.0)
    dinv = jnp.where(deg > 0, jax.lax.rsqrt(jnp.maximum(deg, 1e-12)), 0.0)
    norm = dinv[src] * dinv[dst]
    out = jnp.zeros_like(hW).at[dst].add(hW[src] * norm[:, None])
    return out + b


def reference(x, edge_index, W_in, b_in, W0, b0, g0, be0, W1, b1, g1, be1, W2, b2, g2, be2):
    # xemb: Dropout(0) -> Linear -> Identity (dropout=0 in eval/inference)
    loops = jnp.arange(N, dtype=edge_index.dtype)
    src = jnp.concatenate([edge_index[0], loops])
    dst = jnp.concatenate([edge_index[1], loops])
    h = x @ W_in + b_in
    layer_params = [(W0, b0, g0, be0), (W1, b1, g1, be1), (W2, b2, g2, be2)]
    for (W, b, g, be) in layer_params:
        h1 = jax.nn.relu(_layernorm(_gcn_conv(h, src, dst, W, b), g, be))
        h = h1 + h  # residual connection (use_res=True)
    return h

if __name__ == "__main__":
    import jax
    _d = setup_inputs()
    print(jax.jit(kernel)(*tuple(_d.values())))

</pallas_src>

<mosaic_0001>
#map = affine_map<(d0, d1) -> (0, 0, 0)>
#map1 = affine_map<(d0, d1) -> (0)>
module attributes {stable_mosaic.version = 14 : i64} {
  func.func @_deg_kernel(%arg0: i32, %arg1: i32, %arg2: memref<32x125x80xi32, #tpu.memory_space<hbm>>, %arg3: memref<10240xf32, #tpu.memory_space<hbm>>, %arg4: memref<20480xf32, #tpu.memory_space<hbm>>, %arg5: memref<125x80xi32, #tpu.memory_space<vmem>>, %arg6: memref<80xf32, #tpu.memory_space<vmem>>, %arg7: memref<10240xf32, #tpu.memory_space<vmem_shared>>, %arg8: memref<!tpu.dma_semaphore, #tpu.memory_space<semaphore_mem>>) attributes {dimension_semantics = [#tpu.dimension_semantics<core_parallel>, #tpu.dimension_semantics<subcore_parallel>], iteration_bounds = array<i64: 2, 16>, scalar_prefetch = 0 : i64, scratch_operands = 4 : i64, tpu.core_type = #tpu.core_type<sc_vector_subcore>, window_params = [{transform_indices = #map}, {transform_indices = #map1}, {transform_indices = #map1}]} {
    %mul3A = arith.constant 16 : i32
    %mul3A_0 = arith.muli %arg0, %mul3A : i32
    %add3A = arith.addi %mul3A_0, %arg1 : i32
    "tpu.region"() ({
      %run_scoped3A = tpu.sem_alloc : memref<!tpu.dma_semaphore, #tpu.memory_space<semaphore_mem>>
      %dma_start3A_104 = arith.constant 0 : i32
      %dma_start3A_105 = arith.constant 0 : i32
      %dma_start3A_106 = tpu.memref_slice %arg2[%add3A, %dma_start3A_104, %dma_start3A_105] : memref<32x125x80xi32, #tpu.memory_space<hbm>> -> memref<1x125x80xi32, #tpu.memory_space<hbm>>
      %dma_start3A_107 = tpu.memref_squeeze %dma_start3A_106 : memref<1x125x80xi32, #tpu.memory_space<hbm>> -> memref<125x80xi32, #tpu.memory_space<hbm>>
      %dma_start3A_108 = arith.constant 0 : i32
      %dma_start3A_109 = arith.constant 0 : i32
      %dma_start3A_110 = tpu.memref_slice %arg2[%add3A, %dma_start3A_108, %dma_start3A_109] : memref<32x125x80xi32, #tpu.memory_space<hbm>> -> memref<1x125x80xi32, #tpu.memory_space<hbm>>
      %dma_start3A_111 = tpu.memref_squeeze %dma_start3A_110 : memref<1x125x80xi32, #tpu.memory_space<hbm>> -> memref<125x80xi32, #tpu.memory_space<hbm>>
      tpu.enqueue_dma source(%dma_start3A_111 : memref<125x80xi32, #tpu.memory_space<hbm>>) target(%arg5 : memref<125x80xi32, #tpu.memory_space<vmem>>) target_semaphore(%run_scoped3A : memref<!tpu.dma_semaphore, #tpu.memory_space<semaphore_mem>>)
      %dma_wait3A_112 = arith.constant 0 : i32
      %dma_wait3A_113 = arith.constant 0 : i32
      %dma_wait3A_114 = tpu.memref_slice %arg2[%add3A, %dma_wait3A_112, %dma_wait3A_113] : memref<32x125x80xi32, #tpu.memory_space<hbm>> -> memref<1x125x80xi32, #tpu.memory_space<hbm>>
      %dma_wait3A_115 = tpu.memref_squeeze %dma_wait3A_114 : memref<1x125x80xi32, #tpu.memory_space<hbm>> -> memref<125x80xi32, #tpu.memory_space<hbm>>
      %dma_wait3A_116 = arith.constant 0 : i32
      %dma_wait3A_117 = arith.constant 0 : i32
      %dma_wait3A_118 = tpu.memref_slice %arg2[%add3A, %dma_wait3A_116, %dma_wait3A_117] : memref<32x125x80xi32, #tpu.memory_space<hbm>> -> memref<1x125x80xi32, #tpu.memory_space<hbm>>
      %dma_wait3A_119 = tpu.memref_squeeze %dma_wait3A_118 : memref<1x125x80xi32, #tpu.memory_space<hbm>> -> memref<125x80xi32, #tpu.memory_space<hbm>>
      tpu.wait_dma2 semaphore(%run_scoped3A : memref<!tpu.dma_semaphore, #tpu.memory_space<semaphore_mem>>) src(%dma_wait3A_119 : memref<125x80xi32, #tpu.memory_space<hbm>>) dst(%arg5 : memref<125x80xi32, #tpu.memory_space<vmem>>)
      tpu.yield
    }) : () -> ()
    %mul3A_1 = arith.constant 640 : i32
    %mul3A_2 = arith.muli %arg1, %mul3A_1 : i32
    %mul3A_3 = arith.constant 640 : i32
    %mul3A_4 = arith.muli %arg1, %mul3A_3 : i32
    "tpu.region"() ({
      %run_scoped3A = tpu.sem_alloc : memref<!tpu.dma_semaphore, #tpu.memory_space<semaphore_mem>>
      %dma_start3A_104 = tpu.memref_slice %arg7[%mul3A_4] : memref<10240xf32, #tpu.memory_space<vmem_shared>> -> memref<640xf32, #tpu.memory_space<vmem_shared>>
      %dma_start3A_105 = tpu.memref_slice %arg3[%mul3A_2] : memref<10240xf32, #tpu.memory_space<hbm>> -> memref<640xf32, #tpu.memory_space<hbm>>
      tpu.enqueue_dma source(%dma_start3A_105 : memref<640xf32, #tpu.memory_space<hbm>>) target(%dma_start3A_104 : memref<640xf32, #tpu.memory_space<vmem_shared>>) target_semaphore(%run_scoped3A : memref<!tpu.dma_semaphore, #tpu.memory_space<semaphore_mem>>)
      %dma_wait3A_106 = tpu.memref_slice %arg7[%mul3A_4] : memref<10240xf32, #tpu.memory_space<vmem_shared>> -> memref<640xf32, #tpu.memory_space<vmem_shared>>
      %dma_wait3A_107 = tpu.memref_slice %arg3[%mul3A_2] : memref<10240xf32, #tpu.memory_space<hbm>> -> memref<640xf32, #tpu.memory_space<hbm>>
      tpu.wait_dma2 semaphore(%run_scoped3A : memref<!tpu.dma_semaphore, #tpu.memory_space<semaphore_mem>>) src(%dma_wait3A_107 : memref<640xf32, #tpu.memory_space<hbm>>) dst(%dma_wait3A_106 : memref<640xf32, #tpu.memory_space<vmem_shared>>)
      tpu.yield
    }) : () -> ()
    %broadcast_in_dim3A = arith.constant 1.000000e+00 : f32
    %broadcast_in_dim3A_5 = vector.broadcast %broadcast_in_dim3A : f32 to vector<16xf32>
    %swap3A = arith.constant 0 : index
    %swap3A_6 = tpu.vector_load %arg6[%swap3A] {strides = array<i32>} : memref<80xf32, #tpu.memory_space<vmem>>, vector<16xf32>,
    %swap3A_7 = vector.shape_cast %swap3A_6 : vector<16xf32> to vector<16xf32>
    %swap3A_8 = vector.shape_cast %broadcast_in_dim3A_5 : vector<16xf32> to vector<16xf32>
    tpu.vector_store %arg6[%swap3A], %swap3A_8 {strides = array<i32>} : memref<80xf32, #tpu.memory_space<vmem>>, vector<16xf32>,
    %broadcast_in_dim3A_9 = arith.constant 1.000000e+00 : f32
    %broadcast_in_dim3A_10 = vector.broadcast %broadcast_in_dim3A_9 : f32 to vector<16xf32>
    %swap3A_11 = arith.constant 16 : index
    %swap3A_12 = tpu.vector_load %arg6[%swap3A_11] {strides = array<i32>} : memref<80xf32, #tpu.memory_space<vmem>>, vector<16xf32>,
    %swap3A_13 = vector.shape_cast %swap3A_12 : vector<16xf32> to vector<16xf32>
    %swap3A_14 = vector.shape_cast %broadcast_in_dim3A_10 : vector<16xf32> to vector<16xf32>
    tpu.vector_store %arg6[%swap3A_11], %swap3A_14 {strides = array<i32>} : memref<80xf32, #tpu.memory_space<vmem>>, vector<16xf32>,
    %broadcast_in_dim3A_15 = arith.constant 1.000000e+00 : f32
    %broadcast_in_dim3A_16 = vector.broadcast %broadcast_in_dim3A_15 : f32 to vector<16xf32>
    %swap3A_17 = arith.constant 32 : index
    %swap3A_18 = tpu.vector_load %arg6[%swap3A_17] {strides = array<i32>} : memref<80xf32, #tpu.memory_space<vmem>>, vector<16xf32>,
    %swap3A_19 = vector.shape_cast %swap3A_18 : vector<16xf32> to vector<16xf32>
    %swap3A_20 = vector.shape_cast %broadcast_in_dim3A_16 : vector<16xf32> to vector<16xf32>
    tpu.vector_store %arg6[%swap3A_17], %swap3A_20 {strides = array<i32>} : memref<80xf32, #tpu.memory_space<vmem>>, vector<16xf32>,
    %broadcast_in_dim3A_21 = arith.constant 1.000000e+00 : f32
    %broadcast_in_dim3A_22 = vector.broadcast %broadcast_in_dim3A_21 : f32 to vector<16xf32>
    %swap3A_23 = arith.constant 48 : index
    %swap3A_24 = tpu.vector_load %arg6[%swap3A_23] {strides = array<i32>} : memref<80xf32, #tpu.memory_space<vmem>>, vector<16xf32>,
    %swap3A_25 = vector.shape_cast %swap3A_24 : vector<16xf32> to vector<16xf32>
    %swap3A_26 = vector.shape_cast %broadcast_in_dim3A_22 : vector<16xf32> to vector<16xf32>
    tpu.vector_store %arg6[%swap3A_23], %swap3A_26 {strides = array<i32>} : memref<80xf32, #tpu.memory_space<vmem>>, vector<16xf32>,
    %broadcast_in_dim3A_27 = arith.constant 1.000000e+00 : f32
    %broadcast_in_dim3A_28 = vector.broadcast %broadcast_in_dim3A_27 : f32 to vector<16xf32>
    %swap3A_29 = arith.constant 64 : index
    %swap3A_30 = tpu.vector_load %arg6[%swap3A_29] {strides = array<i32>} : memref<80xf32, #tpu.memory_space<vmem>>, vector<16xf32>,
    %swap3A_31 = vector.shape_cast %swap3A_30 : vector<16xf32> to vector<16xf32>
    %swap3A_32 = vector.shape_cast %broadcast_in_dim3A_28 : vector<16xf32> to vector<16xf32>
    tpu.vector_store %arg6[%swap3A_29], %swap3A_32 {strides = array<i32>} : memref<80xf32, #tpu.memory_space<vmem>>, vector<16xf32>,
    %barrier3A = arith.constant 0 : index
    tpu.barrier barrier_id(%barrier3A)
    %dma_start3A = arith.constant 0 : i32
    %dma_start3A_33 = arith.constant 0 : i32
    %dma_start3A_34 = tpu.memref_slice %arg5[%dma_start3A, %dma_start3A_33] : memref<125x80xi32, #tpu.memory_space<vmem>> -> memref<1x80xi32, #tpu.memory_space<vmem>>
    %dma_start3A_35 = tpu.memref_squeeze %dma_start3A_34 : memref<1x80xi32, #tpu.memory_space<vmem>> -> memref<80xi32, #tpu.memory_space<vmem>>
    %dma_start3A_36 = arith.constant 0 : i32
    %dma_start3A_37 = tpu.memref_slice %arg7[%dma_start3A_36] : memref<10240xf32, #tpu.memory_space<vmem_shared>> -> memref<10240xf32, #tpu.memory_space<vmem_shared>>
    tpu.enqueue_indirect_dma source(%arg6 : memref<80xf32, #tpu.memory_space<vmem>>) target(%dma_start3A_37 : memref<10240xf32, #tpu.memory_space<vmem_shared>>) offsets(%dma_start3A_35 : memref<80xi32, #tpu.memory_space<vmem>>) semaphore(%arg8 : memref<!tpu.dma_semaphore, #tpu.memory_space<semaphore_mem>>) {add = true}
    %dma_start3A_38 = arith.constant 1 : i32
    %dma_start3A_39 = arith.constant 0 : i32
    %dma_start3A_40 = tpu.memref_slice %arg5[%dma_start3A_38, %dma_start3A_39] : memref<125x80xi32, #tpu.memory_space<vmem>> -> memref<1x80xi32, #tpu.memory_space<vmem>>
    %dma_start3A_41 = tpu.memref_squeeze %dma_start3A_40 : memref<1x80xi32, #tpu.memory_space<vmem>> -> memref<80xi32, #tpu.memory_space<vmem>>
    %dma_start3A_42 = arith.constant 0 : i32
    %dma_start3A_43 = tpu.memref_slice %arg7[%dma_start3A_42] : memref<10240xf32, #tpu.memory_space<vmem_shared>> -> memref<10240xf32, #tpu.memory_space<vmem_shared>>
    tpu.enqueue_indirect_dma source(%arg6 : memref<80xf32, #tpu.memory_space<vmem>>) target(%dma_start3A_43 : memref<10240xf32, #tpu.memory_space<vmem_shared>>) offsets(%dma_start3A_41 : memref<80xi32, #tpu.memory_space<vmem>>) semaphore(%arg8 : memref<!tpu.dma_semaphore, #tpu.memory_space<semaphore_mem>>) {add = true}
    %dma_start3A_44 = arith.constant 2 : i32
    %dma_start3A_45 = arith.constant 0 : i32
    %dma_start3A_46 = tpu.memref_slice %arg5[%dma_start3A_44, %dma_start3A_45] : memref<125x80xi32, #tpu.memory_space<vmem>> -> memref<1x80xi32, #tpu.memory_space<vmem>>
    %dma_start3A_47 = tpu.memref_squeeze %dma_start3A_46 : memref<1x80xi32, #tpu.memory_space<vmem>> -> memref<80xi32, #tpu.memory_space<vmem>>
    %dma_start3A_48 = arith.constant 0 : i32
    %dma_start3A_49 = tpu.memref_slice %arg7[%dma_start3A_48] : memref<10240xf32, #tpu.memory_space<vmem_shared>> -> memref<10240xf32, #tpu.memory_space<vmem_shared>>
    tpu.enqueue_indirect_dma source(%arg6 : memref<80xf32, #tpu.memory_space<vmem>>) target(%dma_start3A_49 : memref<10240xf32, #tpu.memory_space<vmem_shared>>) offsets(%dma_start3A_47 : memref<80xi32, #tpu.memory_space<vmem>>) semaphore(%arg8 : memref<!tpu.dma_semaphore, #tpu.memory_space<semaphore_mem>>) {add = true}
    %dma_start3A_50 = arith.constant 3 : i32
    %dma_start3A_51 = arith.constant 0 : i32
    %dma_start3A_52 = tpu.memref_slice %arg5[%dma_start3A_50, %dma_start3A_51] : memref<125x80xi32, #tpu.memory_space<vmem>> -> memref<1x80xi32, #tpu.memory_space<vmem>>
    %dma_start3A_53 = tpu.memref_squeeze %dma_start3A_52 : memref<1x80xi32, #tpu.memory_space<vmem>> -> memref<80xi32, #tpu.memory_space<vmem>>
    %dma_start3A_54 = arith.constant 0 : i32
    %dma_start3A_55 = tpu.memref_slice %arg7[%dma_start3A_54] : memref<10240xf32, #tpu.memory_space<vmem_shared>> -> memref<10240xf32, #tpu.memory_space<vmem_shared>>
    tpu.enqueue_indirect_dma source(%arg6 : memref<80xf32, #tpu.memory_space<vmem>>) target(%dma_start3A_55 : memref<10240xf32, #tpu.memory_space<vmem_shared>>) offsets(%dma_start3A_53 : memref<80xi32, #tpu.memory_space<vmem>>) semaphore(%arg8 : memref<!tpu.dma_semaphore, #tpu.memory_space<semaphore_mem>>) {add = true}
    %dma_start3A_56 = arith.constant 4 : i32
    %dma_start3A_57 = arith.constant 0 : i32
    %dma_start3A_58 = tpu.memref_slice %arg5[%dma_start3A_56, %dma_start3A_57] : memref<125x80xi32, #tpu.memory_space<vmem>> -> memref<1x80xi32, #tpu.memory_space<vmem>>
    %dma_start3A_59 = tpu.memref_squeeze %dma_start3A_58 : memref<1x80xi32, #tpu.memory_space<vmem>> -> memref<80xi32, #tpu.memory_space<vmem>>
    %dma_start3A_60 = arith.constant 0 : i32
    %dma_start3A_61 = tpu.memref_slice %arg7[%dma_start3A_60] : memref<10240xf32, #tpu.memory_space<vmem_shared>> -> memref<10240xf32, #tpu.memory_space<vmem_shared>>
    tpu.enqueue_indirect_dma source(%arg6 : memref<80xf32, #tpu.memory_space<vmem>>) target(%dma_start3A_61 : memref<10240xf32, #tpu.memory_space<vmem_shared>>) offsets(%dma_start3A_59 : memref<80xi32, #tpu.memory_space<vmem>>) semaphore(%arg8 : memref<!tpu.dma_semaphore, #tpu.memory_space<semaphore_mem>>) {add = true}
    %scan3A = arith.constant 0 : i32
    %scan3A_62 = arith.constant 0 : i32
    %scan3A_63 = arith.constant 120 : i32
    %scan3A_64 = arith.addi %scan3A_62, %scan3A_63 : i32
    %scan3A_65 = arith.constant 1 : i32
    scf.for %scan3A_104 = %scan3A_62 to %scan3A_64 step %scan3A_65  : i32 {
      %add3A_105 = arith.constant 5 : i32
      %add3A_106 = arith.addi %scan3A_104, %add3A_105 : i32
      %dma_start3A_107 = arith.constant 0 : i32
      %dma_start3A_108 = tpu.memref_slice %arg5[%add3A_106, %dma_start3A_107] : memref<125x80xi32, #tpu.memory_space<vmem>> -> memref<1x80xi32, #tpu.memory_space<vmem>>
      %dma_start3A_109 = tpu.memref_squeeze %dma_start3A_108 : memref<1x80xi32, #tpu.memory_space<vmem>> -> memref<80xi32, #tpu.memory_space<vmem>>
      %dma_start3A_110 = arith.constant 0 : i32
      %dma_start3A_111 = tpu.memref_slice %arg7[%dma_start3A_110] : memref<10240xf32, #tpu.memory_space<vmem_shared>> -> memref<10240xf32, #tpu.memory_space<vmem_shared>>
      tpu.enqueue_indirect_dma source(%arg6 : memref<80xf32, #tpu.memory_space<vmem>>) target(%dma_start3A_111 : memref<10240xf32, #tpu.memory_space<vmem_shared>>) offsets(%dma_start3A_109 : memref<80xi32, #tpu.memory_space<vmem>>) semaphore(%arg8 : memref<!tpu.dma_semaphore, #tpu.memory_space<semaphore_mem>>) {add = true}
      %dma_wait3A_112 = arith.constant 0 : i32
      %dma_wait3A_113 = tpu.memref_slice %arg5[%scan3A_104, %dma_wait3A_112] : memref<125x80xi32, #tpu.memory_space<vmem>> -> memref<1x80xi32, #tpu.memory_space<vmem>>
      %dma_wait3A_114 = tpu.memref_squeeze %dma_wait3A_113 : memref<1x80xi32, #tpu.memory_space<vmem>> -> memref<80xi32, #tpu.memory_space<vmem>>
      %dma_wait3A_115 = arith.constant 0 : i32
      %dma_wait3A_116 = tpu.memref_slice %arg7[%dma_wait3A_115] : memref<10240xf32, #tpu.memory_space<vmem_shared>> -> memref<10240xf32, #tpu.memory_space<vmem_shared>>
      tpu.wait_indirect_dma semaphore(%arg8 : memref<!tpu.dma_semaphore, #tpu.memory_space<semaphore_mem>>) src(%arg6 : memref<80xf32, #tpu.memory_space<vmem>>) dst(%dma_wait3A_116 : memref<10240xf32, #tpu.memory_space<vmem_shared>>)
    }
    %scan3A_66 = arith.constant 120 : i32
    %dma_wait3A = arith.constant 120 : i32
    %dma_wait3A_67 = arith.constant 0 : i32
    %dma_wait3A_68 = tpu.memref_slice %arg5[%dma_wait3A, %dma_wait3A_67] : memref<125x80xi32, #tpu.memory_space<vmem>> -> memref<1x80xi32, #tpu.memory_space<vmem>>
    %dma_wait3A_69 = tpu.memref_squeeze %dma_wait3A_68 : memref<1x80xi32, #tpu.memory_space<vmem>> -> memref<80xi32, #tpu.memory_space<vmem>>
    %dma_wait3A_70 = arith.constant 0 : i32
    %dma_wait3A_71 = tpu.memref_slice %arg7[%dma_wait3A_70] : memref<10240xf32, #tpu.memory_space<vmem_shared>> -> memref<10240xf32, #tpu.memory_space<vmem_shared>>
    tpu.wait_indirect_dma semaphore(%arg8 : memref<!tpu.dma_semaphore, #tpu.memory_space<semaphore_mem>>) src(%arg6 : memref<80xf32, #tpu.memory_space<vmem>>) dst(%dma_wait3A_71 : memref<10240xf32, #tpu.memory_space<vmem_shared>>)
    %dma_wait3A_72 = arith.constant 121 : i32
    %dma_wait3A_73 = arith.constant 0 : i32
    %dma_wait3A_74 = tpu.memref_slice %arg5[%dma_wait3A_72, %dma_wait3A_73] : memref<125x80xi32, #tpu.memory_space<vmem>> -> memref<1x80xi32, #tpu.memory_space<vmem>>
    %dma_wait3A_75 = tpu.memref_squeeze %dma_wait3A_74 : memref<1x80xi32, #tpu.memory_space<vmem>> -> memref<80xi32, #tpu.memory_space<vmem>>
    %dma_wait3A_76 = arith.constant 0 : i32
    %dma_wait3A_77 = tpu.memref_slice %arg7[%dma_wait3A_76] : memref<10240xf32, #tpu.memory_space<vmem_shared>> -> memref<10240xf32, #tpu.memory_space<vmem_shared>>
    tpu.wait_indirect_dma semaphore(%arg8 : memref<!tpu.dma_semaphore, #tpu.memory_space<semaphore_mem>>) src(%arg6 : memref<80xf32, #tpu.memory_space<vmem>>) dst(%dma_wait3A_77 : memref<10240xf32, #tpu.memory_space<vmem_shared>>)
    %dma_wait3A_78 = arith.constant 122 : i32
    %dma_wait3A_79 = arith.constant 0 : i32
    %dma_wait3A_80 = tpu.memref_slice %arg5[%dma_wait3A_78, %dma_wait3A_79] : memref<125x80xi32, #tpu.memory_space<vmem>> -> memref<1x80xi32, #tpu.memory_space<vmem>>
    %dma_wait3A_81 = tpu.memref_squeeze %dma_wait3A_80 : memref<1x80xi32, #tpu.memory_space<vmem>> -> memref<80xi32, #tpu.memory_space<vmem>>
    %dma_wait3A_82 = arith.constant 0 : i32
    %dma_wait3A_83 = tpu.memref_slice %arg7[%dma_wait3A_82] : memref<10240xf32, #tpu.memory_space<vmem_shared>> -> memref<10240xf32, #tpu.memory_space<vmem_shared>>
    tpu.wait_indirect_dma semaphore(%arg8 : memref<!tpu.dma_semaphore, #tpu.memory_space<semaphore_mem>>) src(%arg6 : memref<80xf32, #tpu.memory_space<vmem>>) dst(%dma_wait3A_83 : memref<10240xf32, #tpu.memory_space<vmem_shared>>)
    %dma_wait3A_84 = arith.constant 123 : i32
    %dma_wait3A_85 = arith.constant 0 : i32
    %dma_wait3A_86 = tpu.memref_slice %arg5[%dma_wait3A_84, %dma_wait3A_85] : memref<125x80xi32, #tpu.memory_space<vmem>> -> memref<1x80xi32, #tpu.memory_space<vmem>>
    %dma_wait3A_87 = tpu.memref_squeeze %dma_wait3A_86 : memref<1x80xi32, #tpu.memory_space<vmem>> -> memref<80xi32, #tpu.memory_space<vmem>>
    %dma_wait3A_88 = arith.constant 0 : i32
    %dma_wait3A_89 = tpu.memref_slice %arg7[%dma_wait3A_88] : memref<10240xf32, #tpu.memory_space<vmem_shared>> -> memref<10240xf32, #tpu.memory_space<vmem_shared>>
    tpu.wait_indirect_dma semaphore(%arg8 : memref<!tpu.dma_semaphore, #tpu.memory_space<semaphore_mem>>) src(%arg6 : memref<80xf32, #tpu.memory_space<vmem>>) dst(%dma_wait3A_89 : memref<10240xf32, #tpu.memory_space<vmem_shared>>)
    %dma_wait3A_90 = arith.constant 124 : i32
    %dma_wait3A_91 = arith.constant 0 : i32
    %dma_wait3A_92 = tpu.memref_slice %arg5[%dma_wait3A_90, %dma_wait3A_91] : memref<125x80xi32, #tpu.memory_space<vmem>> -> memref<1x80xi32, #tpu.memory_space<vmem>>
    %dma_wait3A_93 = tpu.memref_squeeze %dma_wait3A_92 : memref<1x80xi32, #tpu.memory_space<vmem>> -> memref<80xi32, #tpu.memory_space<vmem>>
    %dma_wait3A_94 = arith.constant 0 : i32
    %dma_wait3A_95 = tpu.memref_slice %arg7[%dma_wait3A_94] : memref<10240xf32, #tpu.memory_space<vmem_shared>> -> memref<10240xf32, #tpu.memory_space<vmem_shared>>
    tpu.wait_indirect_dma semaphore(%arg8 : memref<!tpu.dma_semaphore, #tpu.memory_space<semaphore_mem>>) src(%arg6 : memref<80xf32, #tpu.memory_space<vmem>>) dst(%dma_wait3A_95 : memref<10240xf32, #tpu.memory_space<vmem_shared>>)
    %barrier3A_96 = arith.constant 0 : index
    tpu.barrier barrier_id(%barrier3A_96)
    %mul3A_97 = arith.constant 640 : i32
    %mul3A_98 = arith.muli %arg1, %mul3A_97 : i32
    %mul3A_99 = arith.constant 10240 : i32
    %mul3A_100 = arith.muli %arg0, %mul3A_99 : i32
    %mul3A_101 = arith.constant 640 : i32
    %mul3A_102 = arith.muli %arg1, %mul3A_101 : i32
    %add3A_103 = arith.addi %mul3A_100, %mul3A_102 : i32
    "tpu.region"() ({
      %run_scoped3A = tpu.sem_alloc : memref<!tpu.dma_semaphore, #tpu.memory_space<semaphore_mem>>
      %dma_start3A_104 = tpu.memref_slice %arg4[%add3A_103] : memref<20480xf32, #tpu.memory_space<hbm>> -> memref<640xf32, #tpu.memory_space<hbm>>
      %dma_start3A_105 = tpu.memref_slice %arg7[%mul3A_98] : memref<10240xf32, #tpu.memory_space<vmem_shared>> -> memref<640xf32, #tpu.memory_space<vmem_shared>>
      tpu.enqueue_dma source(%dma_start3A_105 : memref<640xf32, #tpu.memory_space<vmem_shared>>) target(%dma_start3A_104 : memref<640xf32, #tpu.memory_space<hbm>>) target_semaphore(%run_scoped3A : memref<!tpu.dma_semaphore, #tpu.memory_space<semaphore_mem>>)
      %dma_wait3A_106 = tpu.memref_slice %arg4[%add3A_103] : memref<20480xf32, #tpu.memory_space<hbm>> -> memref<640xf32, #tpu.memory_space<hbm>>
      %dma_wait3A_107 = tpu.memref_slice %arg7[%mul3A_98] : memref<10240xf32, #tpu.memory_space<vmem_shared>> -> memref<640xf32, #tpu.memory_space<vmem_shared>>
      tpu.wait_dma2 semaphore(%run_scoped3A : memref<!tpu.dma_semaphore, #tpu.memory_space<semaphore_mem>>) src(%dma_wait3A_107 : memref<640xf32, #tpu.memory_space<vmem_shared>>) dst(%dma_wait3A_106 : memref<640xf32, #tpu.memory_space<hbm>>)
      tpu.yield
    }) : () -> ()
    return
  }
}

#map = affine_map<(d0, d1) -> (0, 0, 0)>
#map1 = affine_map<(d0, d1) -> (0, 0)>
module attributes {stable_mosaic.version = 14 : i64} {
  func.func @_edge_sum_kernel(%arg0: i32, %arg1: i32, %arg2: memref<32x250x40xi32, #tpu.memory_space<hbm>>, %arg3: memref<32x250x40xi32, #tpu.memory_space<hbm>>, %arg4: memref<10000x128xf32, #tpu.memory_space<hbm>>, %arg5: memref<10240x128xf32, #tpu.memory_space<hbm>>, %arg6: memref<20480x128xf32, #tpu.memory_space<hbm>>, %arg7: memref<16x40xi32, #tpu.memory_space<vmem>>, %arg8: memref<16x40xi32, #tpu.memory_space<vmem>>, %arg9: memref<8x40x128xf32, #tpu.memory_space<vmem>>, %arg10: memref<10240x128xf32, #tpu.memory_space<vmem_shared>>, %arg11: memref<!tpu.dma_semaphore, #tpu.memory_space<semaphore_mem>>, %arg12: memref<!tpu.dma_semaphore, #tpu.memory_space<semaphore_mem>>, %arg13: memref<!tpu.dma_semaphore, #tpu.memory_space<semaphore_mem>>) attributes {dimension_semantics = [#tpu.dimension_semantics<core_parallel>, #tpu.dimension_semantics<subcore_parallel>], iteration_bounds = array<i64: 2, 16>, scalar_prefetch = 0 : i64, scratch_operands = 7 : i64, tpu.core_type = #tpu.core_type<sc_vector_subcore>, window_params = [{transform_indices = #map}, {transform_indices = #map}, {transform_indices = #map1}, {transform_indices = #map1}, {transform_indices = #map1}]} {
    %mul3A = arith.constant 16 : i32
    %mul3A_0 = arith.muli %arg0, %mul3A : i32
    %add3A = arith.addi %mul3A_0, %arg1 : i32
    %dma_start3A = arith.constant 0 : i32
    %dma_start3A_1 = arith.constant 0 : i32
    %dma_start3A_2 = arith.constant 0 : i32
    %dma_start3A_3 = tpu.memref_slice %arg7[%dma_start3A_1, %dma_start3A_2] : memref<16x40xi32, #tpu.memory_space<vmem>> -> memref<1x40xi32, #tpu.memory_space<vmem>>
    %dma_start3A_4 = tpu.memref_squeeze %dma_start3A_3 : memref<1x40xi32, #tpu.memory_space<vmem>> -> memref<40xi32, #tpu.memory_space<vmem>>
    %dma_start3A_5 = arith.constant 0 : i32
    %dma_start3A_6 = arith.constant 0 : i32
    %dma_start3A_7 = tpu.memref_slice %arg2[%add3A, %dma_start3A_5, %dma_start3A_6] : memref<32x250x40xi32, #tpu.memory_space<hbm>> -> memref<1x250x40xi32, #tpu.memory_space<hbm>>
    %dma_start3A_8 = tpu.memref_squeeze %dma_start3A_7 : memref<1x250x40xi32, #tpu.memory_space<hbm>> -> memref<250x40xi32, #tpu.memory_space<hbm>>
    %dma_start3A_9 = arith.constant 0 : i32
    %dma_start3A_10 = tpu.memref_slice %dma_start3A_8[%dma_start3A, %dma_start3A_9] : memref<250x40xi32, #tpu.memory_space<hbm>> -> memref<1x40xi32, #tpu.memory_space<hbm>>
    %dma_start3A_11 = tpu.memref_squeeze %dma_start3A_10 : memref<1x40xi32, #tpu.memory_space<hbm>> -> memref<40xi32, #tpu.memory_space<hbm>>
    %dma_start3A_12 = arith.constant 0 : i32
    %dma_start3A_13 = tpu.memref_slice %arg7[%dma_start3A_1, %dma_start3A_12] : memref<16x40xi32, #tpu.memory_space<vmem>> -> memref<1x40xi32, #tpu.memory_space<vmem>>
    %dma_start3A_14 = tpu.memref_squeeze %dma_start3A_13 : memref<1x40xi32, #tpu.memory_space<vmem>> -> memref<40xi32, #tpu.memory_space<vmem>>
    %dma_start3A_15 = arith.constant 0 : i32
    %dma_start3A_16 = arith.constant 0 : i32
    %dma_start3A_17 = tpu.memref_slice %arg2[%add3A, %dma_start3A_15, %dma_start3A_16] : memref<32x250x40xi32, #tpu.memory_space<hbm>> -> memref<1x250x40xi32, #tpu.memory_space<hbm>>
    %dma_start3A_18 = tpu.memref_squeeze %dma_start3A_17 : memref<1x250x40xi32, #tpu.memory_space<hbm>> -> memref<250x40xi32, #tpu.memory_space<hbm>>
    %dma_start3A_19 = arith.constant 0 : i32
    %dma_start3A_20 = tpu.memref_slice %dma_start3A_18[%dma_start3A, %dma_start3A_19] : memref<250x40xi32, #tpu.memory_space<hbm>> -> memref<1x40xi32, #tpu.memory_space<hbm>>
    %dma_start3A_21 = tpu.memref_squeeze %dma_start3A_20 : memref<1x40xi32, #tpu.memory_space<hbm>> -> memref<40xi32, #tpu.memory_space<hbm>>
    tpu.enqueue_dma source(%dma_start3A_21 : memref<40xi32, #tpu.memory_space<hbm>>) target(%dma_start3A_14 : memref<40xi32, #tpu.memory_space<vmem>>) target_semaphore(%arg13 : memref<!tpu.dma_semaphore, #tpu.memory_space<semaphore_mem>>)
    %dma_start3A_22 = arith.constant 0 : i32
    %dma_start3A_23 = arith.constant 0 : i32
    %dma_start3A_24 = arith.constant 0 : i32
    %dma_start3A_25 = tpu.memref_slice %arg8[%dma_start3A_23, %dma_start3A_24] : memref<16x40xi32, #tpu.memory_space<vmem>> -> memref<1x40xi32, #tpu.memory_space<vmem>>
    %dma_start3A_26 = tpu.memref_squeeze %dma_start3A_25 : memref<1x40xi32, #tpu.memory_space<vmem>> -> memref<40xi32, #tpu.memory_space<vmem>>
    %dma_start3A_27 = arith.constant 0 : i32
    %dma_start3A_28 = arith.constant 0 : i32
    %dma_start3A_29 = tpu.memref_slice %arg3[%add3A, %dma_start3A_27, %dma_start3A_28] : memref<32x250x40xi32, #tpu.memory_space<hbm>> -> memref<1x250x40xi32, #tpu.memory_space<hbm>>
    %dma_start3A_30 = tpu.memref_squeeze %dma_start3A_29 : memref<1x250x40xi32, #tpu.memory_space<hbm>> -> memref<250x40xi32, #tpu.memory_space<hbm>>
    %dma_start3A_31 = arith.constant 0 : i32
    %dma_start3A_32 = tpu.memref_slice %dma_start3A_30[%dma_start3A_22, %dma_start3A_31] : memref<250x40xi32, #tpu.memory_space<hbm>> -> memref<1x40xi32, #tpu.memory_space<hbm>>
    %dma_start3A_33 = tpu.memref_squeeze %dma_start3A_32 : memref<1x40xi32, #tpu.memory_space<hbm>> -> memref<40xi32, #tpu.memory_space<hbm>>
    %dma_start3A_34 = arith.constant 0 : i32
    %dma_start3A_35 = tpu.memref_slice %arg8[%dma_start3A_23, %dma_start3A_34] : memref<16x40xi32, #tpu.memory_space<vmem>> -> memref<1x40xi32, #tpu.memory_space<vmem>>
    %dma_start3A_36 = tpu.memref_squeeze %dma_start3A_35 : memref<1x40xi32, #tpu.memory_space<vmem>> -> memref<40xi32, #tpu.memory_space<vmem>>
    %dma_start3A_37 = arith.constant 0 : i32
    %dma_start3A_38 = arith.constant 0 : i32
    %dma_start3A_39 = tpu.memref_slice %arg3[%add3A, %dma_start3A_37, %dma_start3A_38] : memref<32x250x40xi32, #tpu.memory_space<hbm>> -> memref<1x250x40xi32, #tpu.memory_space<hbm>>
    %dma_start3A_40 = tpu.memref_squeeze %dma_start3A_39 : memref<1x250x40xi32, #tpu.memory_space<hbm>> -> memref<250x40xi32, #tpu.memory_space<hbm>>
    %dma_start3A_41 = arith.constant 0 : i32
    %dma_start3A_42 = tpu.memref_slice %dma_start3A_40[%dma_start3A_22, %dma_start3A_41] : memref<250x40xi32, #tpu.memory_space<hbm>> -> memref<1x40xi32, #tpu.memory_space<hbm>>
    %dma_start3A_43 = tpu.memref_squeeze %dma_start3A_42 : memref<1x40xi32, #tpu.memory_space<hbm>> -> memref<40xi32, #tpu.memory_space<hbm>>
    tpu.enqueue_dma source(%dma_start3A_43 : memref<40xi32, #tpu.memory_space<hbm>>) target(%dma_start3A_36 : memref<40xi32, #tpu.memory_space<vmem>>) target_semaphore(%arg13 : memref<!tpu.dma_semaphore, #tpu.memory_space<semaphore_mem>>)
    %dma_start3A_44 = arith.constant 1 : i32
    %dma_start3A_45 = arith.constant 1 : i32
    %dma_start3A_46 = arith.constant 0 : i32
    %dma_start3A_47 = tpu.memref_slice %arg7[%dma_start3A_45, %dma_start3A_46] : memref<16x40xi32, #tpu.memory_space<vmem>> -> memref<1x40xi32, #tpu.memory_space<vmem>>
    %dma_start3A_48 = tpu.memref_squeeze %dma_start3A_47 : memref<1x40xi32, #tpu.memory_space<vmem>> -> memref<40xi32, #tpu.memory_space<vmem>>
    %dma_start3A_49 = arith.constant 0 : i32
    %dma_start3A_50 = arith.constant 0 : i32
    %dma_start3A_51 = tpu.memref_slice %arg2[%add3A, %dma_start3A_49, %dma_start3A_50] : memref<32x250x40xi32, #tpu.memory_space<hbm>> -> memref<1x250x40xi32, #tpu.memory_space<hbm>>
    %dma_start3A_52 = tpu.memref_squeeze %dma_start3A_51 : memref<1x250x40xi32, #tpu.memory_space<hbm>> -> memref<250x40xi32, #tpu.memory_space<hbm>>
    %dma_start3A_53 = arith.constant 0 : i32
    %dma_start3A_54 = tpu.memref_slice %dma_start3A_52[%dma_start3A_44, %dma_start3A_53] : memref<250x40xi32, #tpu.memory_space<hbm>> -> memref<1x40xi32, #tpu.memory_space<hbm>>
    %dma_start3A_55 = tpu.memref_squeeze %dma_start3A_54 : memref<1x40xi32, #tpu.memory_space<hbm>> -> memref<40xi32, #tpu.memory_space<hbm>>
    %dma_start3A_56 = arith.constant 0 : i32
    %dma_start3A_57 = tpu.memref_slice %arg7[%dma_start3A_45, %dma_start3A_56] : memref<16x40xi32, #tpu.memory_space<vmem>> -> memref<1x40xi32, #tpu.memory_space<vmem>>
    %dma_start3A_58 = tpu.memref_squeeze %dma_start3A_57 : memref<1x40xi32, #tpu.memory_space<vmem>> -> memref<40xi32, #tpu.memory_space<vmem>>
    %dma_start3A_59 = arith.constant 0 : i32
    %dma_start3A_60 = arith.constant 0 : i32
    %dma_start3A_61 = tpu.memref_slice %arg2[%add3A, %dma_start3A_59, %dma_start3A_60] : memref<32x250x40xi32, #tpu.memory_space<hbm>> -> memref<1x250x40xi32, #tpu.memory_space<hbm>>
    %dma_start3A_62 = tpu.memref_squeeze %dma_start3A_61 : memref<1x250x40xi32, #tpu.memory_space<hbm>> -> memref<250x40xi32, #tpu.memory_space<hbm>>
    %dma_start3A_63 = arith.constant 0 : i32
    %dma_start3A_64 = tpu.memref_slice %dma_start3A_62[%dma_start3A_44, %dma_start3A_63] : memref<250x40xi32, #tpu.memory_space<hbm>> -> memref<1x40xi32, #tpu.memory_space<hbm>>
    %dma_start3A_65 = tpu.memref_squeeze %dma_start3A_64 : memref<1x40xi32, #tpu.memory_space<hbm>> -> memref<40xi32, #tpu.memory_space<hbm>>
    tpu.enqueue_dma source(%dma_start3A_65 : memref<40xi32, #tpu.memory_space<hbm>>) target(%dma_start3A_58 : memref<40xi32, #tpu.memory_space<vmem>>) target_semaphore(%arg13 : memref<!tpu.dma_semaphore, #tpu.memory_space<semaphore_mem>>)
    %dma_start3A_66 = arith.constant 1 : i32
    %dma_start3A_67 = arith.constant 1 : i32
    %dma_start3A_68 = arith.constant 0 : i32
    %dma_start3A_69 = tpu.memref_slice %arg8[%dma_start3A_67, %dma_start3A_68] : memref<16x40xi32, #tpu.memory_space<vmem>> -> memref<1x40xi32, #tpu.memory_space<vmem>>
    %dma_start3A_70 = tpu.memref_squeeze %dma_start3A_69 : memref<1x40xi32, #tpu.memory_space<vmem>> -> memref<40xi32, #tpu.memory_space<vmem>>
    %dma_start3A_71 = arith.constant 0 : i32
    %dma_start3A_72 = arith.constant 0 : i32
    %dma_start3A_73 = tpu.memref_slice %arg3[%add3A, %dma_start3A_71, %dma_start3A_72] : memref<32x250x40xi32, #tpu.memory_space<hbm>> -> memref<1x250x40xi32, #tpu.memory_space<hbm>>
    %dma_start3A_74 = tpu.memref_squeeze %dma_start3A_73 : memref<1x250x40xi32, #tpu.memory_space<hbm>> -> memref<250x40xi32, #tpu.memory_space<hbm>>
    %dma_start3A_75 = arith.constant 0 : i32
    %dma_start3A_76 = tpu.memref_slice %dma_start3A_74[%dma_start3A_66, %dma_start3A_75] : memref<250x40xi32, #tpu.memory_space<hbm>> -> memref<1x40xi32, #tpu.memory_space<hbm>>
    %dma_start3A_77 = tpu.memref_squeeze %dma_start3A_76 : memref<1x40xi32, #tpu.memory_space<hbm>> -> memref<40xi32, #tpu.memory_space<hbm>>
    %dma_start3A_78 = arith.constant 0 : i32
    %dma_start3A_79 = tpu.memref_slice %arg8[%dma_start3A_67, %dma_start3A_78] : memref<16x40xi32, #tpu.memory_space<vmem>> -> memref<1x40xi32, #tpu.memory_space<vmem>>
    %dma_start3A_80 = tpu.memref_squeeze %dma_start3A_79 : memref<1x40xi32, #tpu.memory_space<vmem>> -> memref<40xi32, #tpu.memory_space<vmem>>
    %dma_start3A_81 = arith.constant 0 : i32
    %dma_start3A_82 = arith.constant 0 : i32
    %dma_start3A_83 = tpu.memref_slice %arg3[%add3A, %dma_start3A_81, %dma_start3A_82] : memref<32x250x40xi32, #tpu.memory_space<hbm>> -> memref<1x250x40xi32, #tpu.memory_space<hbm>>
    %dma_start3A_84 = tpu.memref_squeeze %dma_start3A_83 : memref<1x250x40xi32, #tpu.memory_space<hbm>> -> memref<250x40xi32, #tpu.memory_space<hbm>>
    %dma_start3A_85 = arith.constant 0 : i32
    %dma_start3A_86 = tpu.memref_slice %dma_start3A_84[%dma_start3A_66, %dma_start3A_85] : memref<250x40xi32, #tpu.memory_space<hbm>> -> memref<1x40xi32, #tpu.memory_space<hbm>>
    %dma_start3A_87 = tpu.memref_squeeze %dma_start3A_86 : memref<1x40xi32, #tpu.memory_space<hbm>> -> memref<40xi32, #tpu.memory_space<hbm>>
    tpu.enqueue_dma source(%dma_start3A_87 : memref<40xi32, #tpu.memory_space<hbm>>) target(%dma_start3A_80 : memref<40xi32, #tpu.memory_space<vmem>>) target_semaphore(%arg13 : memref<!tpu.dma_semaphore, #tpu.memory_space<semaphore_mem>>)
    %dma_start3A_88 = arith.constant 2 : i32
    %dma_start3A_89 = arith.constant 2 : i32
    %dma_start3A_90 = arith.constant 0 : i32
    %dma_start3A_91 = tpu.memref_slice %arg7[%dma_start3A_89, %dma_start3A_90] : memref<16x40xi32, #tpu.memory_space<vmem>> -> memref<1x40xi32, #tpu.memory_space<vmem>>
    %dma_start3A_92 = tpu.memref_squeeze %dma_start3A_91 : memref<1x40xi32, #tpu.memory_space<vmem>> -> memref<40xi32, #tpu.memory_space<vmem>>
    %dma_start3A_93 = arith.constant 0 : i32
    %dma_start3A_94 = arith.constant 0 : i32
    %dma_start3A_95 = tpu.memref_slice %arg2[%add3A, %dma_start3A_93, %dma_start3A_94] : memref<32x250x40xi32, #tpu.memory_space<hbm>> -> memref<1x250x40xi32, #tpu.memory_space<hbm>>
    %dma_start3A_96 = tpu.memref_squeeze %dma_start3A_95 : memref<1x250x40xi32, #tpu.memory_space<hbm>> -> memref<250x40xi32, #tpu.memory_space<hbm>>
    %dma_start3A_97 = arith.constant 0 : i32
    %dma_start3A_98 = tpu.memref_slice %dma_start3A_96[%dma_start3A_88, %dma_start3A_97] : memref<250x40xi32, #tpu.memory_space<hbm>> -> memref<1x40xi32, #tpu.memory_space<hbm>>
    %dma_start3A_99 = tpu.memref_squeeze %dma_start3A_98 : memref<1x40xi32, #tpu.memory_space<hbm>> -> memref<40xi32, #tpu.memory_space<hbm>>
    %dma_start3A_100 = arith.constant 0 : i32
    %dma_start3A_101 = tpu.memref_slice %arg7[%dma_start3A_89, %dma_start3A_100] : memref<16x40xi32, #tpu.memory_space<vmem>> -> memref<1x40xi32, #tpu.memory_space<vmem>>
    %dma_start3A_102 = tpu.memref_squeeze %dma_start3A_101 : memref<1x40xi32, #tpu.memory_space<vmem>> -> memref<40xi32, #tpu.memory_space<vmem>>
    %dma_start3A_103 = arith.constant 0 : i32
    %dma_start3A_104 = arith.constant 0 : i32
    %dma_start3A_105 = tpu.memref_slice %arg2[%add3A, %dma_start3A_103, %dma_start3A_104] : memref<32x250x40xi32, #tpu.memory_space<hbm>> -> memref<1x250x40xi32, #tpu.memory_space<hbm>>
    %dma_start3A_106 = tpu.memref_squeeze %dma_start3A_105 : memref<1x250x40xi32, #tpu.memory_space<hbm>> -> memref<250x40xi32, #tpu.memory_space<hbm>>
    %dma_start3A_107 = arith.constant 0 : i32
    %dma_start3A_108 = tpu.memref_slice %dma_start3A_106[%dma_start3A_88, %dma_start3A_107] : memref<250x40xi32, #tpu.memory_space<hbm>> -> memref<1x40xi32, #tpu.memory_space<hbm>>
    %dma_start3A_109 = tpu.memref_squeeze %dma_start3A_108 : memref<1x40xi32, #tpu.memory_space<hbm>> -> memref<40xi32, #tpu.memory_space<hbm>>
    tpu.enqueue_dma source(%dma_start3A_109 : memref<40xi32, #tpu.memory_space<hbm>>) target(%dma_start3A_102 : memref<40xi32, #tpu.memory_space<vmem>>) target_semaphore(%arg13 : memref<!tpu.dma_semaphore, #tpu.memory_space<semaphore_mem>>)
    %dma_start3A_110 = arith.constant 2 : i32
    %dma_start3A_111 = arith.constant 2 : i32
    %dma_start3A_112 = arith.constant 0 : i32
    %dma_start3A_113 = tpu.memref_slice %arg8[%dma_start3A_111, %dma_start3A_112] : memref<16x40xi32, #tpu.memory_space<vmem>> -> memref<1x40xi32, #tpu.memory_space<vmem>>
    %dma_start3A_114 = tpu.memref_squeeze %dma_start3A_113 : memref<1x40xi32, #tpu.memory_space<vmem>> -> memref<40xi32, #tpu.memory_space<vmem>>
    %dma_start3A_115 = arith.constant 0 : i32
    %dma_start3A_116 = arith.constant 0 : i32
    %dma_start3A_117 = tpu.memref_slice %arg3[%add3A, %dma_start3A_115, %dma_start3A_116] : memref<32x250x40xi32, #tpu.memory_space<hbm>> -> memref<1x250x40xi32, #tpu.memory_space<hbm>>
    %dma_start3A_118 = tpu.memref_squeeze %dma_start3A_117 : memref<1x250x40xi32, #tpu.memory_space<hbm>> -> memref<250x40xi32, #tpu.memory_space<hbm>>
    %dma_start3A_119 = arith.constant 0 : i32
    %dma_start3A_120 = tpu.memref_slice %dma_start3A_118[%dma_start3A_110, %dma_start3A_119] : memref<250x40xi32, #tpu.memory_space<hbm>> -> memref<1x40xi32, #tpu.memory_space<hbm>>
    %dma_start3A_121 = tpu.memref_squeeze %dma_start3A_120 : memref<1x40xi32, #tpu.memory_space<hbm>> -> memref<40xi32, #tpu.memory_space<hbm>>
    %dma_start3A_122 = arith.constant 0 : i32
    %dma_start3A_123 = tpu.memref_slice %arg8[%dma_start3A_111, %dma_start3A_122] : memref<16x40xi32, #tpu.memory_space<vmem>> -> memref<1x40xi32, #tpu.memory_space<vmem>>
    %dma_start3A_124 = tpu.memref_squeeze %dma_start3A_123 : memref<1x40xi32, #tpu.memory_space<vmem>> -> memref<40xi32, #tpu.memory_space<vmem>>
    %dma_start3A_125 = arith.constant 0 : i32
    %dma_start3A_126 = arith.constant 0 : i32
    %dma_start3A_127 = tpu.memref_slice %arg3[%add3A, %dma_start3A_125, %dma_start3A_126] : memref<32x250x40xi32, #tpu.memory_space<hbm>> -> memref<1x250x40xi32, #tpu.memory_space<hbm>>
    %dma_start3A_128 = tpu.memref_squeeze %dma_start3A_127 : memref<1x250x40xi32, #tpu.memory_space<hbm>> -> memref<250x40xi32, #tpu.memory_space<hbm>>
    %dma_start3A_129 = arith.constant 0 : i32
    %dma_start3A_130 = tpu.memref_slice %dma_start3A_128[%dma_start3A_110, %dma_start3A_129] : memref<250x40xi32, #tpu.memory_space<hbm>> -> memref<1x40xi32, #tpu.memory_space<hbm>>
    %dma_start3A_131 = tpu.memref_squeeze %dma_start3A_130 : memref<1x40xi32, #tpu.memory_space<hbm>> -> memref<40xi32, #tpu.memory_space<hbm>>
    tpu.enqueue_dma source(%dma_start3A_131 : memref<40xi32, #tpu.memory_space<hbm>>) target(%dma_start3A_124 : memref<40xi32, #tpu.memory_space<vmem>>) target_semaphore(%arg13 : memref<!tpu.dma_semaphore, #tpu.memory_space<semaphore_mem>>)
    %dma_start3A_132 = arith.constant 3 : i32
    %dma_start3A_133 = arith.constant 3 : i32
    %dma_start3A_134 = arith.constant 0 : i32
    %dma_start3A_135 = tpu.memref_slice %arg7[%dma_start3A_133, %dma_start3A_134] : memref<16x40xi32, #tpu.memory_space<vmem>> -> memref<1x40xi32, #tpu.memory_space<vmem>>
    %dma_start3A_136 = tpu.memref_squeeze %dma_start3A_135 : memref<1x40xi32, #tpu.memory_space<vmem>> -> memref<40xi32, #tpu.memory_space<vmem>>
    %dma_start3A_137 = arith.constant 0 : i32
    %dma_start3A_138 = arith.constant 0 : i32
    %dma_start3A_139 = tpu.memref_slice %arg2[%add3A, %dma_start3A_137, %dma_start3A_138] : memref<32x250x40xi32, #tpu.memory_space<hbm>> -> memref<1x250x40xi32, #tpu.memory_space<hbm>>
    %dma_start3A_140 = tpu.memref_squeeze %dma_start3A_139 : memref<1x250x40xi32, #tpu.memory_space<hbm>> -> memref<250x40xi32, #tpu.memory_space<hbm>>
    %dma_start3A_141 = arith.constant 0 : i32
    %dma_start3A_142 = tpu.memref_slice %dma_start3A_140[%dma_start3A_132, %dma_start3A_141] : memref<250x40xi32, #tpu.memory_space<hbm>> -> memref<1x40xi32, #tpu.memory_space<hbm>>
    %dma_start3A_143 = tpu.memref_squeeze %dma_start3A_142 : memref<1x40xi32, #tpu.memory_space<hbm>> -> memref<40xi32, #tpu.memory_space<hbm>>
    %dma_start3A_144 = arith.constant 0 : i32
    %dma_start3A_145 = tpu.memref_slice %arg7[%dma_start3A_133, %dma_start3A_144] : memref<16x40xi32, #tpu.memory_space<vmem>> -> memref<1x40xi32, #tpu.memory_space<vmem>>
    %dma_start3A_146 = tpu.memref_squeeze %dma_start3A_145 : memref<1x40xi32, #tpu.memory_space<vmem>> -> memref<40xi32, #tpu.memory_space<vmem>>
    %dma_start3A_147 = arith.constant 0 : i32
    %dma_start3A_148 = arith.constant 0 : i32
    %dma_start3A_149 = tpu.memref_slice %arg2[%add3A, %dma_start3A_147, %dma_start3A_148] : memref<32x250x40xi32, #tpu.memory_space<hbm>> -> memref<1x250x40xi32, #tpu.memory_space<hbm>>
    %dma_start3A_150 = tpu.memref_squeeze %dma_start3A_149 : memref<1x250x40xi32, #tpu.memory_space<hbm>> -> memref<250x40xi32, #tpu.memory_space<hbm>>
    %dma_start3A_151 = arith.constant 0 : i32
    %dma_start3A_152 = tpu.memref_slice %dma_start3A_150[%dma_start3A_132, %dma_start3A_151] : memref<250x40xi32, #tpu.memory_space<hbm>> -> memref<1x40xi32, #tpu.memory_space<hbm>>
    %dma_start3A_153 = tpu.memref_squeeze %dma_start3A_152 : memref<1x40xi32, #tpu.memory_space<hbm>> -> memref<40xi32, #tpu.memory_space<hbm>>
    tpu.enqueue_dma source(%dma_start3A_153 : memref<40xi32, #tpu.memory_space<hbm>>) target(%dma_start3A_146 : memref<40xi32, #tpu.memory_space<vmem>>) target_semaphore(%arg13 : memref<!tpu.dma_semaphore, #tpu.memory_space<semaphore_mem>>)
    %dma_start3A_154 = arith.constant 3 : i32
    %dma_start3A_155 = arith.constant 3 : i32
    %dma_start3A_156 = arith.constant 0 : i32
    %dma_start3A_157 = tpu.memref_slice %arg8[%dma_start3A_155, %dma_start3A_156] : memref<16x40xi32, #tpu.memory_space<vmem>> -> memref<1x40xi32, #tpu.memory_space<vmem>>
    %dma_start3A_158 = tpu.memref_squeeze %dma_start3A_157 : memref<1x40xi32, #tpu.memory_space<vmem>> -> memref<40xi32, #tpu.memory_space<vmem>>
    %dma_start3A_159 = arith.constant 0 : i32
    %dma_start3A_160 = arith.constant 0 : i32
    %dma_start3A_161 = tpu.memref_slice %arg3[%add3A, %dma_start3A_159, %dma_start3A_160] : memref<32x250x40xi32, #tpu.memory_space<hbm>> -> memref<1x250x40xi32, #tpu.memory_space<hbm>>
    %dma_start3A_162 = tpu.memref_squeeze %dma_start3A_161 : memref<1x250x40xi32, #tpu.memory_space<hbm>> -> memref<250x40xi32, #tpu.memory_space<hbm>>
    %dma_start3A_163 = arith.constant 0 : i32
    %dma_start3A_164 = tpu.memref_slice %dma_start3A_162[%dma_start3A_154, %dma_start3A_163] : memref<250x40xi32, #tpu.memory_space<hbm>> -> memref<1x40xi32, #tpu.memory_space<hbm>>
    %dma_start3A_165 = tpu.memref_squeeze %dma_start3A_164 : memref<1x40xi32, #tpu.memory_space<hbm>> -> memref<40xi32, #tpu.memory_space<hbm>>
    %dma_start3A_166 = arith.constant 0 : i32
    %dma_start3A_167 = tpu.memref_slice %arg8[%dma_start3A_155, %dma_start3A_166] : memref<16x40xi32, #tpu.memory_space<vmem>> -> memref<1x40xi32, #tpu.memory_space<vmem>>
    %dma_start3A_168 = tpu.memref_squeeze %dma_start3A_167 : memref<1x40xi32, #tpu.memory_space<vmem>> -> memref<40xi32, #tpu.memory_space<vmem>>
    %dma_start3A_169 = arith.constant 0 : i32
    %dma_start3A_170 = arith.constant 0 : i32
    %dma_start3A_171 = tpu.memref_slice %arg3[%add3A, %dma_start3A_169, %dma_start3A_170] : memref<32x250x40xi32, #tpu.memory_space<hbm>> -> memref<1x250x40xi32, #tpu.memory_space<hbm>>
    %dma_start3A_172 = tpu.memref_squeeze %dma_start3A_171 : memref<1x250x40xi32, #tpu.memory_space<hbm>> -> memref<250x40xi32, #tpu.memory_space<hbm>>
    %dma_start3A_173 = arith.constant 0 : i32
    %dma_start3A_174 = tpu.memref_slice %dma_start3A_172[%dma_start3A_154, %dma_start3A_173] : memref<250x40xi32, #tpu.memory_space<hbm>> -> memref<1x40xi32, #tpu.memory_space<hbm>>
    %dma_start3A_175 = tpu.memref_squeeze %dma_start3A_174 : memref<1x40xi32, #tpu.memory_space<hbm>> -> memref<40xi32, #tpu.memory_space<hbm>>
    tpu.enqueue_dma source(%dma_start3A_175 : memref<40xi32, #tpu.memory_space<hbm>>) target(%dma_start3A_168 : memref<40xi32, #tpu.memory_space<vmem>>) target_semaphore(%arg13 : memref<!tpu.dma_semaphore, #tpu.memory_space<semaphore_mem>>)
    %dma_start3A_176 = arith.constant 4 : i32
    %dma_start3A_177 = arith.constant 4 : i32
    %dma_start3A_178 = arith.constant 0 : i32
    %dma_start3A_179 = tpu.memref_slice %arg7[%dma_start3A_177, %dma_start3A_178] : memref<16x40xi32, #tpu.memory_space<vmem>> -> memref<1x40xi32, #tpu.memory_space<vmem>>
    %dma_start3A_180 = tpu.memref_squeeze %dma_start3A_179 : memref<1x40xi32, #tpu.memory_space<vmem>> -> memref<40xi32, #tpu.memory_space<vmem>>
    %dma_start3A_181 = arith.constant 0 : i32
    %dma_start3A_182 = arith.constant 0 : i32
    %dma_start3A_183 = tpu.memref_slice %arg2[%add3A, %dma_start3A_181, %dma_start3A_182] : memref<32x250x40xi32, #tpu.memory_space<hbm>> -> memref<1x250x40xi32, #tpu.memory_space<hbm>>
    %dma_start3A_184 = tpu.memref_squeeze %dma_start3A_183 : memref<1x250x40xi32, #tpu.memory_space<hbm>> -> memref<250x40xi32, #tpu.memory_space<hbm>>
    %dma_start3A_185 = arith.constant 0 : i32
    %dma_start3A_186 = tpu.memref_slice %dma_start3A_184[%dma_start3A_176, %dma_start3A_185] : memref<250x40xi32, #tpu.memory_space<hbm>> -> memref<1x40xi32, #tpu.memory_space<hbm>>
    %dma_start3A_187 = tpu.memref_squeeze %dma_start3A_186 : memref<1x40xi32, #tpu.memory_space<hbm>> -> memref<40xi32, #tpu.memory_space<hbm>>
    %dma_start3A_188 = arith.constant 0 : i32
    %dma_start3A_189 = tpu.memref_slice %arg7[%dma_start3A_177, %dma_start3A_188] : memref<16x40xi32, #tpu.memory_space<vmem>> -> memref<1x40xi32, #tpu.memory_space<vmem>>
    %dma_start3A_190 = tpu.memref_squeeze %dma_start3A_189 : memref<1x40xi32, #tpu.memory_space<vmem>> -> memref<40xi32, #tpu.memory_space<vmem>>
    %dma_start3A_191 = arith.constant 0 : i32
    %dma_start3A_192 = arith.constant 0 : i32
    %dma_start3A_193 = tpu.memref_slice %arg2[%add3A, %dma_start3A_191, %dma_start3A_192] : memref<32x250x40xi32, #tpu.memory_space<hbm>> -> memref<1x250x40xi32, #tpu.memory_space<hbm>>
    %dma_start3A_194 = tpu.memref_squeeze %dma_start3A_193 : memref<1x250x40xi32, #tpu.memory_space<hbm>> -> memref<250x40xi32, #tpu.memory_space<hbm>>
    %dma_start3A_195 = arith.constant 0 : i32
    %dma_start3A_196 = tpu.memref_slice %dma_start3A_194[%dma_start3A_176, %dma_start3A_195] : memref<250x40xi32, #tpu.memory_space<hbm>> -> memref<1x40xi32, #tpu.memory_space<hbm>>
    %dma_start3A_197 = tpu.memref_squeeze %dma_start3A_196 : memref<1x40xi32, #tpu.memory_space<hbm>> -> memref<40xi32, #tpu.memory_space<hbm>>
    tpu.enqueue_dma source(%dma_start3A_197 : memref<40xi32, #tpu.memory_space<hbm>>) target(%dma_start3A_190 : memref<40xi32, #tpu.memory_space<vmem>>) target_semaphore(%arg13 : memref<!tpu.dma_semaphore, #tpu.memory_space<semaphore_mem>>)
    %dma_start3A_198 = arith.constant 4 : i32
    %dma_start3A_199 = arith.constant 4 : i32
    %dma_start3A_200 = arith.constant 0 : i32
    %dma_start3A_201 = tpu.memref_slice %arg8[%dma_start3A_199, %dma_start3A_200] : memref<16x40xi32, #tpu.memory_space<vmem>> -> memref<1x40xi32, #tpu.memory_space<vmem>>
    %dma_start3A_202 = tpu.memref_squeeze %dma_start3A_201 : memref<1x40xi32, #tpu.memory_space<vmem>> -> memref<40xi32, #tpu.memory_space<vmem>>
    %dma_start3A_203 = arith.constant 0 : i32
    %dma_start3A_204 = arith.constant 0 : i32
    %dma_start3A_205 = tpu.memref_slice %arg3[%add3A, %dma_start3A_203, %dma_start3A_204] : memref<32x250x40xi32, #tpu.memory_space<hbm>> -> memref<1x250x40xi32, #tpu.memory_space<hbm>>
    %dma_start3A_206 = tpu.memref_squeeze %dma_start3A_205 : memref<1x250x40xi32, #tpu.memory_space<hbm>> -> memref<250x40xi32, #tpu.memory_space<hbm>>
    %dma_start3A_207 = arith.constant 0 : i32
    %dma_start3A_208 = tpu.memref_slice %dma_start3A_206[%dma_start3A_198, %dma_start3A_207] : memref<250x40xi32, #tpu.memory_space<hbm>> -> memref<1x40xi32, #tpu.memory_space<hbm>>
    %dma_start3A_209 = tpu.memref_squeeze %dma_start3A_208 : memref<1x40xi32, #tpu.memory_space<hbm>> -> memref<40xi32, #tpu.memory_space<hbm>>
    %dma_start3A_210 = arith.constant 0 : i32
    %dma_start3A_211 = tpu.memref_slice %arg8[%dma_start3A_199, %dma_start3A_210] : memref<16x40xi32, #tpu.memory_space<vmem>> -> memref<1x40xi32, #tpu.memory_space<vmem>>
    %dma_start3A_212 = tpu.memref_squeeze %dma_start3A_211 : memref<1x40xi32, #tpu.memory_space<vmem>> -> memref<40xi32, #tpu.memory_space<vmem>>
    %dma_start3A_213 = arith.constant 0 : i32
    %dma_start3A_214 = arith.constant 0 : i32
    %dma_start3A_215 = tpu.memref_slice %arg3[%add3A, %dma_start3A_213, %dma_start3A_214] : memref<32x250x40xi32, #tpu.memory_space<hbm>> -> memref<1x250x40xi32, #tpu.memory_space<hbm>>
    %dma_start3A_216 = tpu.memref_squeeze %dma_start3A_215 : memref<1x250x40xi32, #tpu.memory_space<hbm>> -> memref<250x40xi32, #tpu.memory_space<hbm>>
    %dma_start3A_217 = arith.constant 0 : i32
    %dma_start3A_218 = tpu.memref_slice %dma_start3A_216[%dma_start3A_198, %dma_start3A_217] : memref<250x40xi32, #tpu.memory_space<hbm>> -> memref<1x40xi32, #tpu.memory_space<hbm>>
    %dma_start3A_219 = tpu.memref_squeeze %dma_start3A_218 : memref<1x40xi32, #tpu.memory_space<hbm>> -> memref<40xi32, #tpu.memory_space<hbm>>
    tpu.enqueue_dma source(%dma_start3A_219 : memref<40xi32, #tpu.memory_space<hbm>>) target(%dma_start3A_212 : memref<40xi32, #tpu.memory_space<vmem>>) target_semaphore(%arg13 : memref<!tpu.dma_semaphore, #tpu.memory_space<semaphore_mem>>)
    %dma_start3A_220 = arith.constant 5 : i32
    %dma_start3A_221 = arith.constant 5 : i32
    %dma_start3A_222 = arith.constant 0 : i32
    %dma_start3A_223 = tpu.memref_slice %arg7[%dma_start3A_221, %dma_start3A_222] : memref<16x40xi32, #tpu.memory_space<vmem>> -> memref<1x40xi32, #tpu.memory_space<vmem>>
    %dma_start3A_224 = tpu.memref_squeeze %dma_start3A_223 : memref<1x40xi32, #tpu.memory_space<vmem>> -> memref<40xi32, #tpu.memory_space<vmem>>
    %dma_start3A_225 = arith.constant 0 : i32
    %dma_start3A_226 = arith.constant 0 : i32
    %dma_start3A_227 = tpu.memref_slice %arg2[%add3A, %dma_start3A_225, %dma_start3A_226] : memref<32x250x40xi32, #tpu.memory_space<hbm>> -> memref<1x250x40xi32, #tpu.memory_space<hbm>>
    %dma_start3A_228 = tpu.memref_squeeze %dma_start3A_227 : memref<1x250x40xi32, #tpu.memory_space<hbm>> -> memref<250x40xi32, #tpu.memory_space<hbm>>
    %dma_start3A_229 = arith.constant 0 : i32
    %dma_start3A_230 = tpu.memref_slice %dma_start3A_228[%dma_start3A_220, %dma_start3A_229] : memref<250x40xi32, #tpu.memory_space<hbm>> -> memref<1x40xi32, #tpu.memory_space<hbm>>
    %dma_start3A_231 = tpu.memref_squeeze %dma_start3A_230 : memref<1x40xi32, #tpu.memory_space<hbm>> -> memref<40xi32, #tpu.memory_space<hbm>>
    %dma_start3A_232 = arith.constant 0 : i32
    %dma_start3A_233 = tpu.memref_slice %arg7[%dma_start3A_221, %dma_start3A_232] : memref<16x40xi32, #tpu.memory_space<vmem>> -> memref<1x40xi32, #tpu.memory_space<vmem>>
    %dma_start3A_234 = tpu.memref_squeeze %dma_start3A_233 : memref<1x40xi32, #tpu.memory_space<vmem>> -> memref<40xi32, #tpu.memory_space<vmem>>
    %dma_start3A_235 = arith.constant 0 : i32
    %dma_start3A_236 = arith.constant 0 : i32
    %dma_start3A_237 = tpu.memref_slice %arg2[%add3A, %dma_start3A_235, %dma_start3A_236] : memref<32x250x40xi32, #tpu.memory_space<hbm>> -> memref<1x250x40xi32, #tpu.memory_space<hbm>>
    %dma_start3A_238 = tpu.memref_squeeze %dma_start3A_237 : memref<1x250x40xi32, #tpu.memory_space<hbm>> -> memref<250x40xi32, #tpu.memory_space<hbm>>
    %dma_start3A_239 = arith.constant 0 : i32
    %dma_start3A_240 = tpu.memref_slice %dma_start3A_238[%dma_start3A_220, %dma_start3A_239] : memref<250x40xi32, #tpu.memory_space<hbm>> -> memref<1x40xi32, #tpu.memory_space<hbm>>
    %dma_start3A_241 = tpu.memref_squeeze %dma_start3A_240 : memref<1x40xi32, #tpu.memory_space<hbm>> -> memref<40xi32, #tpu.memory_space<hbm>>
    tpu.enqueue_dma source(%dma_start3A_241 : memref<40xi32, #tpu.memory_space<hbm>>) target(%dma_start3A_234 : memref<40xi32, #tpu.memory_space<vmem>>) target_semaphore(%arg13 : memref<!tpu.dma_semaphore, #tpu.memory_space<semaphore_mem>>)
    %dma_start3A_242 = arith.constant 5 : i32
    %dma_start3A_243 = arith.constant 5 : i32
    %dma_start3A_244 = arith.constant 0 : i32
    %dma_start3A_245 = tpu.memref_slice %arg8[%dma_start3A_243, %dma_start3A_244] : memref<16x40xi32, #tpu.memory_space<vmem>> -> memref<1x40xi32, #tpu.memory_space<vmem>>
    %dma_start3A_246 = tpu.memref_squeeze %dma_start3A_245 : memref<1x40xi32, #tpu.memory_space<vmem>> -> memref<40xi32, #tpu.memory_space<vmem>>
    %dma_start3A_247 = arith.constant 0 : i32
    %dma_start3A_248 = arith.constant 0 : i32
    %dma_start3A_249 = tpu.memref_slice %arg3[%add3A, %dma_start3A_247, %dma_start3A_248] : memref<32x250x40xi32, #tpu.memory_space<hbm>> -> memref<1x250x40xi32, #tpu.memory_space<hbm>>
    %dma_start3A_250 = tpu.memref_squeeze %dma_start3A_249 : memref<1x250x40xi32, #tpu.memory_space<hbm>> -> memref<250x40xi32, #tpu.memory_space<hbm>>
    %dma_start3A_251 = arith.constant 0 : i32
    %dma_start3A_252 = tpu.memref_slice %dma_start3A_250[%dma_start3A_242, %dma_start3A_251] : memref<250x40xi32, #tpu.memory_space<hbm>> -> memref<1x40xi32, #tpu.memory_space<hbm>>
    %dma_start3A_253 = tpu.memref_squeeze %dma_start3A_252 : memref<1x40xi32, #tpu.memory_space<hbm>> -> memref<40xi32, #tpu.memory_space<hbm>>
    %dma_start3A_254 = arith.constant 0 : i32
    %dma_start3A_255 = tpu.memref_slice %arg8[%dma_start3A_243, %dma_start3A_254] : memref<16x40xi32, #tpu.memory_space<vmem>> -> memref<1x40xi32, #tpu.memory_space<vmem>>
    %dma_start3A_256 = tpu.memref_squeeze %dma_start3A_255 : memref<1x40xi32, #tpu.memory_space<vmem>> -> memref<40xi32, #tpu.memory_space<vmem>>
    %dma_start3A_257 = arith.constant 0 : i32
    %dma_start3A_258 = arith.constant 0 : i32
    %dma_start3A_259 = tpu.memref_slice %arg3[%add3A, %dma_start3A_257, %dma_start3A_258] : memref<32x250x40xi32, #tpu.memory_space<hbm>> -> memref<1x250x40xi32, #tpu.memory_space<hbm>>
    %dma_start3A_260 = tpu.memref_squeeze %dma_start3A_259 : memref<1x250x40xi32, #tpu.memory_space<hbm>> -> memref<250x40xi32, #tpu.memory_space<hbm>>
    %dma_start3A_261 = arith.constant 0 : i32
    %dma_start3A_262 = tpu.memref_slice %dma_start3A_260[%dma_start3A_242, %dma_start3A_261] : memref<250x40xi32, #tpu.memory_space<hbm>> -> memref<1x40xi32, #tpu.memory_space<hbm>>
    %dma_start3A_263 = tpu.memref_squeeze %dma_start3A_262 : memref<1x40xi32, #tpu.memory_space<hbm>> -> memref<40xi32, #tpu.memory_space<hbm>>
    tpu.enqueue_dma source(%dma_start3A_263 : memref<40xi32, #tpu.memory_space<hbm>>) target(%dma_start3A_256 : memref<40xi32, #tpu.memory_space<vmem>>) target_semaphore(%arg13 : memref<!tpu.dma_semaphore, #tpu.memory_space<semaphore_mem>>)
    %dma_start3A_264 = arith.constant 6 : i32
    %dma_start3A_265 = arith.constant 6 : i32
    %dma_start3A_266 = arith.constant 0 : i32
    %dma_start3A_267 = tpu.memref_slice %arg7[%dma_start3A_265, %dma_start3A_266] : memref<16x40xi32, #tpu.memory_space<vmem>> -> memref<1x40xi32, #tpu.memory_space<vmem>>
    %dma_start3A_268 = tpu.memref_squeeze %dma_start3A_267 : memref<1x40xi32, #tpu.memory_space<vmem>> -> memref<40xi32, #tpu.memory_space<vmem>>
    %dma_start3A_269 = arith.constant 0 : i32
    %dma_start3A_270 = arith.constant 0 : i32
    %dma_start3A_271 = tpu.memref_slice %arg2[%add3A, %dma_start3A_269, %dma_start3A_270] : memref<32x250x40xi32, #tpu.memory_space<hbm>> -> memref<1x250x40xi32, #tpu.memory_space<hbm>>
    %dma_start3A_272 = tpu.memref_squeeze %dma_start3A_271 : memref<1x250x40xi32, #tpu.memory_space<hbm>> -> memref<250x40xi32, #tpu.memory_space<hbm>>
    %dma_start3A_273 = arith.constant 0 : i32
    %dma_start3A_274 = tpu.memref_slice %dma_start3A_272[%dma_start3A_264, %dma_start3A_273] : memref<250x40xi32, #tpu.memory_space<hbm>> -> memref<1x40xi32, #tpu.memory_space<hbm>>
    %dma_start3A_275 = tpu.memref_squeeze %dma_start3A_274 : memref<1x40xi32, #tpu.memory_space<hbm>> -> memref<40xi32, #tpu.memory_space<hbm>>
    %dma_start3A_276 = arith.constant 0 : i32
    %dma_start3A_277 = tpu.memref_slice %arg7[%dma_start3A_265, %dma_start3A_276] : memref<16x40xi32, #tpu.memory_space<vmem>> -> memref<1x40xi32, #tpu.memory_space<vmem>>
    %dma_start3A_278 = tpu.memref_squeeze %dma_start3A_277 : memref<1x40xi32, #tpu.memory_space<vmem>> -> memref<40xi32, #tpu.memory_space<vmem>>
    %dma_start3A_279 = arith.constant 0 : i32
    %dma_start3A_280 = arith.constant 0 : i32
    %dma_start3A_281 = tpu.memref_slice %arg2[%add3A, %dma_start3A_279, %dma_start3A_280] : memref<32x250x40xi32, #tpu.memory_space<hbm>> -> memref<1x250x40xi32, #tpu.memory_space<hbm>>
    %dma_start3A_282 = tpu.memref_squeeze %dma_start3A_281 : memref<1x250x40xi32, #tpu.memory_space<hbm>> -> memref<250x40xi32, #tpu.memory_space<hbm>>
    %dma_start3A_283 = arith.constant 0 : i32
    %dma_start3A_284 = tpu.memref_slice %dma_start3A_282[%dma_start3A_264, %dma_start3A_283] : memref<250x40xi32, #tpu.memory_space<hbm>> -> memref<1x40xi32, #tpu.memory_space<hbm>>
    %dma_start3A_285 = tpu.memref_squeeze %dma_start3A_284 : memref<1x40xi32, #tpu.memory_space<hbm>> -> memref<40xi32, #tpu.memory_space<hbm>>
    tpu.enqueue_dma source(%dma_start3A_285 : memref<40xi32, #tpu.memory_space<hbm>>) target(%dma_start3A_278 : memref<40xi32, #tpu.memory_space<vmem>>) target_semaphore(%arg13 : memref<!tpu.dma_semaphore, #tpu.memory_space<semaphore_mem>>)
    %dma_start3A_286 = arith.constant 6 : i32
    %dma_start3A_287 = arith.constant 6 : i32
    %dma_start3A_288 = arith.constant 0 : i32
    %dma_start3A_289 = tpu.memref_slice %arg8[%dma_start3A_287, %dma_start3A_288] : memref<16x40xi32, #tpu.memory_space<vmem>> -> memref<1x40xi32, #tpu.memory_space<vmem>>
    %dma_start3A_290 = tpu.memref_squeeze %dma_start3A_289 : memref<1x40xi32, #tpu.memory_space<vmem>> -> memref<40xi32, #tpu.memory_space<vmem>>
    %dma_start3A_291 = arith.constant 0 : i32
    %dma_start3A_292 = arith.constant 0 : i32
    %dma_start3A_293 = tpu.memref_slice %arg3[%add3A, %dma_start3A_291, %dma_start3A_292] : memref<32x250x40xi32, #tpu.memory_space<hbm>> -> memref<1x250x40xi32, #tpu.memory_space<hbm>>
    %dma_start3A_294 = tpu.memref_squeeze %dma_start3A_293 : memref<1x250x40xi32, #tpu.memory_space<hbm>> -> memref<250x40xi32, #tpu.memory_space<hbm>>
    %dma_start3A_295 = arith.constant 0 : i32
    %dma_start3A_296 = tpu.memref_slice %dma_start3A_294[%dma_start3A_286, %dma_start3A_295] : memref<250x40xi32, #tpu.memory_space<hbm>> -> memref<1x40xi32, #tpu.memory_space<hbm>>
    %dma_start3A_297 = tpu.memref_squeeze %dma_start3A_296 : memref<1x40xi32, #tpu.memory_space<hbm>> -> memref<40xi32, #tpu.memory_space<hbm>>
    %dma_start3A_298 = arith.constant 0 : i32
    %dma_start3A_299 = tpu.memref_slice %arg8[%dma_start3A_287, %dma_start3A_298] : memref<16x40xi32, #tpu.memory_space<vmem>> -> memref<1x40xi32, #tpu.memory_space<vmem>>
    %dma_start3A_300 = tpu.memref_squeeze %dma_start3A_299 : memref<1x40xi32, #tpu.memory_space<vmem>> -> memref<40xi32, #tpu.memory_space<vmem>>
    %dma_start3A_301 = arith.constant 0 : i32
    %dma_start3A_302 = arith.constant 0 : i32
    %dma_start3A_303 = tpu.memref_slice %arg3[%add3A, %dma_start3A_301, %dma_start3A_302] : memref<32x250x40xi32, #tpu.memory_space<hbm>> -> memref<1x250x40xi32, #tpu.memory_space<hbm>>
    %dma_start3A_304 = tpu.memref_squeeze %dma_start3A_303 : memref<1x250x40xi32, #tpu.memory_space<hbm>> -> memref<250x40xi32, #tpu.memory_space<hbm>>
    %dma_start3A_305 = arith.constant 0 : i32
    %dma_start3A_306 = tpu.memref_slice %dma_start3A_304[%dma_start3A_286, %dma_start3A_305] : memref<250x40xi32, #tpu.memory_space<hbm>> -> memref<1x40xi32, #tpu.memory_space<hbm>>
    %dma_start3A_307 = tpu.memref_squeeze %dma_start3A_306 : memref<1x40xi32, #tpu.memory_space<hbm>> -> memref<40xi32, #tpu.memory_space<hbm>>
    tpu.enqueue_dma source(%dma_start3A_307 : memref<40xi32, #tpu.memory_space<hbm>>) target(%dma_start3A_300 : memref<40xi32, #tpu.memory_space<vmem>>) target_semaphore(%arg13 : memref<!tpu.dma_semaphore, #tpu.memory_space<semaphore_mem>>)
    %dma_start3A_308 = arith.constant 7 : i32
    %dma_start3A_309 = arith.constant 7 : i32
    %dma_start3A_310 = arith.constant 0 : i32
    %dma_start3A_311 = tpu.memref_slice %arg7[%dma_start3A_309, %dma_start3A_310] : memref<16x40xi32, #tpu.memory_space<vmem>> -> memref<1x40xi32, #tpu.memory_space<vmem>>
    %dma_start3A_312 = tpu.memref_squeeze %dma_start3A_311 : memref<1x40xi32, #tpu.memory_space<vmem>> -> memref<40xi32, #tpu.memory_space<vmem>>
    %dma_start3A_313 = arith.constant 0 : i32
    %dma_start3A_314 = arith.constant 0 : i32
    %dma_start3A_315 = tpu.memref_slice %arg2[%add3A, %dma_start3A_313, %dma_start3A_314] : memref<32x250x40xi32, #tpu.memory_space<hbm>> -> memref<1x250x40xi32, #tpu.memory_space<hbm>>
    %dma_start3A_316 = tpu.memref_squeeze %dma_start3A_315 : memref<1x250x40xi32, #tpu.memory_space<hbm>> -> memref<250x40xi32, #tpu.memory_space<hbm>>
    %dma_start3A_317 = arith.constant 0 : i32
    %dma_start3A_318 = tpu.memref_slice %dma_start3A_316[%dma_start3A_308, %dma_start3A_317] : memref<250x40xi32, #tpu.memory_space<hbm>> -> memref<1x40xi32, #tpu.memory_space<hbm>>
    %dma_start3A_319 = tpu.memref_squeeze %dma_start3A_318 : memref<1x40xi32, #tpu.memory_space<hbm>> -> memref<40xi32, #tpu.memory_space<hbm>>
    %dma_start3A_320 = arith.constant 0 : i32
    %dma_start3A_321 = tpu.memref_slice %arg7[%dma_start3A_309, %dma_start3A_320] : memref<16x40xi32, #tpu.memory_space<vmem>> -> memref<1x40xi32, #tpu.memory_space<vmem>>
    %dma_start3A_322 = tpu.memref_squeeze %dma_start3A_321 : memref<1x40xi32, #tpu.memory_space<vmem>> -> memref<40xi32, #tpu.memory_space<vmem>>
    %dma_start3A_323 = arith.constant 0 : i32
    %dma_start3A_324 = arith.constant 0 : i32
    %dma_start3A_325 = tpu.memref_slice %arg2[%add3A, %dma_start3A_323, %dma_start3A_324] : memref<32x250x40xi32, #tpu.memory_space<hbm>> -> memref<1x250x40xi32, #tpu.memory_space<hbm>>
    %dma_start3A_326 = tpu.memref_squeeze %dma_start3A_325 : memref<1x250x40xi32, #tpu.memory_space<hbm>> -> memref<250x40xi32, #tpu.memory_space<hbm>>
    %dma_start3A_327 = arith.constant 0 : i32
    %dma_start3A_328 = tpu.memref_slice %dma_start3A_326[%dma_start3A_308, %dma_start3A_327] : memref<250x40xi32, #tpu.memory_space<hbm>> -> memref<1x40xi32, #tpu.memory_space<hbm>>
    %dma_start3A_329 = tpu.memref_squeeze %dma_start3A_328 : memref<1x40xi32, #tpu.memory_space<hbm>> -> memref<40xi32, #tpu.memory_space<hbm>>
    tpu.enqueue_dma source(%dma_start3A_329 : memref<40xi32, #tpu.memory_space<hbm>>) target(%dma_start3A_322 : memref<40xi32, #tpu.memory_space<vmem>>) target_semaphore(%arg13 : memref<!tpu.dma_semaphore, #tpu.memory_space<semaphore_mem>>)
    %dma_start3A_330 = arith.constant 7 : i32
    %dma_start3A_331 = arith.constant 7 : i32
    %dma_start3A_332 = arith.constant 0 : i32
    %dma_start3A_333 = tpu.memref_slice %arg8[%dma_start3A_331, %dma_start3A_332] : memref<16x40xi32, #tpu.memory_space<vmem>> -> memref<1x40xi32, #tpu.memory_space<vmem>>
    %dma_start3A_334 = tpu.memref_squeeze %dma_start3A_333 : memref<1x40xi32, #tpu.memory_space<vmem>> -> memref<40xi32, #tpu.memory_space<vmem>>
    %dma_start3A_335 = arith.constant 0 : i32
    %dma_start3A_336 = arith.constant 0 : i32
    %dma_start3A_337 = tpu.memref_slice %arg3[%add3A, %dma_start3A_335, %dma_start3A_336] : memref<32x250x40xi32, #tpu.memory_space<hbm>> -> memref<1x250x40xi32, #tpu.memory_space<hbm>>
    %dma_start3A_338 = tpu.memref_squeeze %dma_start3A_337 : memref<1x250x40xi32, #tpu.memory_space<hbm>> -> memref<250x40xi32, #tpu.memory_space<hbm>>
    %dma_start3A_339 = arith.constant 0 : i32
    %dma_start3A_340 = tpu.memref_slice %dma_start3A_338[%dma_start3A_330, %dma_start3A_339] : memref<250x40xi32, #tpu.memory_space<hbm>> -> memref<1x40xi32, #tpu.memory_space<hbm>>
    %dma_start3A_341 = tpu.memref_squeeze %dma_start3A_340 : memref<1x40xi32, #tpu.memory_space<hbm>> -> memref<40xi32, #tpu.memory_space<hbm>>
    %dma_start3A_342 = arith.constant 0 : i32
    %dma_start3A_343 = tpu.memref_slice %arg8[%dma_start3A_331, %dma_start3A_342] : memref<16x40xi32, #tpu.memory_space<vmem>> -> memref<1x40xi32, #tpu.memory_space<vmem>>
    %dma_start3A_344 = tpu.memref_squeeze %dma_start3A_343 : memref<1x40xi32, #tpu.memory_space<vmem>> -> memref<40xi32, #tpu.memory_space<vmem>>
    %dma_start3A_345 = arith.constant 0 : i32
    %dma_start3A_346 = arith.constant 0 : i32
    %dma_start3A_347 = tpu.memref_slice %arg3[%add3A, %dma_start3A_345, %dma_start3A_346] : memref<32x250x40xi32, #tpu.memory_space<hbm>> -> memref<1x250x40xi32, #tpu.memory_space<hbm>>
    %dma_start3A_348 = tpu.memref_squeeze %dma_start3A_347 : memref<1x250x40xi32, #tpu.memory_space<hbm>> -> memref<250x40xi32, #tpu.memory_space<hbm>>
    %dma_start3A_349 = arith.constant 0 : i32
    %dma_start3A_350 = tpu.memref_slice %dma_start3A_348[%dma_start3A_330, %dma_start3A_349] : memref<250x40xi32, #tpu.memory_space<hbm>> -> memref<1x40xi32, #tpu.memory_space<hbm>>
    %dma_start3A_351 = tpu.memref_squeeze %dma_start3A_350 : memref<1x40xi32, #tpu.memory_space<hbm>> -> memref<40xi32, #tpu.memory_space<hbm>>
    tpu.enqueue_dma source(%dma_start3A_351 : memref<40xi32, #tpu.memory_space<hbm>>) target(%dma_start3A_344 : memref<40xi32, #tpu.memory_space<vmem>>) target_semaphore(%arg13 : memref<!tpu.dma_semaphore, #tpu.memory_space<semaphore_mem>>)
    %dma_start3A_352 = arith.constant 8 : i32
    %dma_start3A_353 = arith.constant 8 : i32
    %dma_start3A_354 = arith.constant 0 : i32
    %dma_start3A_355 = tpu.memref_slice %arg7[%dma_start3A_353, %dma_start3A_354] : memref<16x40xi32, #tpu.memory_space<vmem>> -> memref<1x40xi32, #tpu.memory_space<vmem>>
    %dma_start3A_356 = tpu.memref_squeeze %dma_start3A_355 : memref<1x40xi32, #tpu.memory_space<vmem>> -> memref<40xi32, #tpu.memory_space<vmem>>
    %dma_start3A_357 = arith.constant 0 : i32
    %dma_start3A_358 = arith.constant 0 : i32
    %dma_start3A_359 = tpu.memref_slice %arg2[%add3A, %dma_start3A_357, %dma_start3A_358] : memref<32x250x40xi32, #tpu.memory_space<hbm>> -> memref<1x250x40xi32, #tpu.memory_space<hbm>>
    %dma_start3A_360 = tpu.memref_squeeze %dma_start3A_359 : memref<1x250x40xi32, #tpu.memory_space<hbm>> -> memref<250x40xi32, #tpu.memory_space<hbm>>
    %dma_start3A_361 = arith.constant 0 : i32
    %dma_start3A_362 = tpu.memref_slice %dma_start3A_360[%dma_start3A_352, %dma_start3A_361] : memref<250x40xi32, #tpu.memory_space<hbm>> -> memref<1x40xi32, #tpu.memory_space<hbm>>
    %dma_start3A_363 = tpu.memref_squeeze %dma_start3A_362 : memref<1x40xi32, #tpu.memory_space<hbm>> -> memref<40xi32, #tpu.memory_space<hbm>>
    %dma_start3A_364 = arith.constant 0 : i32
    %dma_start3A_365 = tpu.memref_slice %arg7[%dma_start3A_353, %dma_start3A_364] : memref<16x40xi32, #tpu.memory_space<vmem>> -> memref<1x40xi32, #tpu.memory_space<vmem>>
    %dma_start3A_366 = tpu.memref_squeeze %dma_start3A_365 : memref<1x40xi32, #tpu.memory_space<vmem>> -> memref<40xi32, #tpu.memory_space<vmem>>
    %dma_start3A_367 = arith.constant 0 : i32
    %dma_start3A_368 = arith.constant 0 : i32
    %dma_start3A_369 = tpu.memref_slice %arg2[%add3A, %dma_start3A_367, %dma_start3A_368] : memref<32x250x40xi32, #tpu.memory_space<hbm>> -> memref<1x250x40xi32, #tpu.memory_space<hbm>>
    %dma_start3A_370 = tpu.memref_squeeze %dma_start3A_369 : memref<1x250x40xi32, #tpu.memory_space<hbm>> -> memref<250x40xi32, #tpu.memory_space<hbm>>
    %dma_start3A_371 = arith.constant 0 : i32
    %dma_start3A_372 = tpu.memref_slice %dma_start3A_370[%dma_start3A_352, %dma_start3A_371] : memref<250x40xi32, #tpu.memory_space<hbm>> -> memref<1x40xi32, #tpu.memory_space<hbm>>
    %dma_start3A_373 = tpu.memref_squeeze %dma_start3A_372 : memref<1x40xi32, #tpu.memory_space<hbm>> -> memref<40xi32, #tpu.memory_space<hbm>>
    tpu.enqueue_dma source(%dma_start3A_373 : memref<40xi32, #tpu.memory_space<hbm>>) target(%dma_start3A_366 : memref<40xi32, #tpu.memory_space<vmem>>) target_semaphore(%arg13 : memref<!tpu.dma_semaphore, #tpu.memory_space<semaphore_mem>>)
    %dma_start3A_374 = arith.constant 8 : i32
    %dma_start3A_375 = arith.constant 8 : i32
    %dma_start3A_376 = arith.constant 0 : i32
    %dma_start3A_377 = tpu.memref_slice %arg8[%dma_start3A_375, %dma_start3A_376] : memref<16x40xi32, #tpu.memory_space<vmem>> -> memref<1x40xi32, #tpu.memory_space<vmem>>
    %dma_start3A_378 = tpu.memref_squeeze %dma_start3A_377 : memref<1x40xi32, #tpu.memory_space<vmem>> -> memref<40xi32, #tpu.memory_space<vmem>>
    %dma_start3A_379 = arith.constant 0 : i32
    %dma_start3A_380 = arith.constant 0 : i32
    %dma_start3A_381 = tpu.memref_slice %arg3[%add3A, %dma_start3A_379, %dma_start3A_380] : memref<32x250x40xi32, #tpu.memory_space<hbm>> -> memref<1x250x40xi32, #tpu.memory_space<hbm>>
    %dma_start3A_382 = tpu.memref_squeeze %dma_start3A_381 : memref<1x250x40xi32, #tpu.memory_space<hbm>> -> memref<250x40xi32, #tpu.memory_space<hbm>>
    %dma_start3A_383 = arith.constant 0 : i32
    %dma_start3A_384 = tpu.memref_slice %dma_start3A_382[%dma_start3A_374, %dma_start3A_383] : memref<250x40xi32, #tpu.memory_space<hbm>> -> memref<1x40xi32, #tpu.memory_space<hbm>>
    %dma_start3A_385 = tpu.memref_squeeze %dma_start3A_384 : memref<1x40xi32, #tpu.memory_space<hbm>> -> memref<40xi32, #tpu.memory_space<hbm>>
    %dma_start3A_386 = arith.constant 0 : i32
    %dma_start3A_387 = tpu.memref_slice %arg8[%dma_start3A_375, %dma_start3A_386] : memref<16x40xi32, #tpu.memory_space<vmem>> -> memref<1x40xi32, #tpu.memory_space<vmem>>
    %dma_start3A_388 = tpu.memref_squeeze %dma_start3A_387 : memref<1x40xi32, #tpu.memory_space<vmem>> -> memref<40xi32, #tpu.memory_space<vmem>>
    %dma_start3A_389 = arith.constant 0 : i32
    %dma_start3A_390 = arith.constant 0 : i32
    %dma_start3A_391 = tpu.memref_slice %arg3[%add3A, %dma_start3A_389, %dma_start3A_390] : memref<32x250x40xi32, #tpu.memory_space<hbm>> -> memref<1x250x40xi32, #tpu.memory_space<hbm>>
    %dma_start3A_392 = tpu.memref_squeeze %dma_start3A_391 : memref<1x250x40xi32, #tpu.memory_space<hbm>> -> memref<250x40xi32, #tpu.memory_space<hbm>>
    %dma_start3A_393 = arith.constant 0 : i32
    %dma_start3A_394 = tpu.memref_slice %dma_start3A_392[%dma_start3A_374, %dma_start3A_393] : memref<250x40xi32, #tpu.memory_space<hbm>> -> memref<1x40xi32, #tpu.memory_space<hbm>>
    %dma_start3A_395 = tpu.memref_squeeze %dma_start3A_394 : memref<1x40xi32, #tpu.memory_space<hbm>> -> memref<40xi32, #tpu.memory_space<hbm>>
    tpu.enqueue_dma source(%dma_start3A_395 : memref<40xi32, #tpu.memory_space<hbm>>) target(%dma_start3A_388 : memref<40xi32, #tpu.memory_space<vmem>>) target_semaphore(%arg13 : memref<!tpu.dma_semaphore, #tpu.memory_space<semaphore_mem>>)
    %dma_start3A_396 = arith.constant 9 : i32
    %dma_start3A_397 = arith.constant 9 : i32
    %dma_start3A_398 = arith.constant 0 : i32
    %dma_start3A_399 = tpu.memref_slice %arg7[%dma_start3A_397, %dma_start3A_398] : memref<16x40xi32, #tpu.memory_space<vmem>> -> memref<1x40xi32, #tpu.memory_space<vmem>>
    %dma_start3A_400 = tpu.memref_squeeze %dma_start3A_399 : memref<1x40xi32, #tpu.memory_space<vmem>> -> memref<40xi32, #tpu.memory_space<vmem>>
    %dma_start3A_401 = arith.constant 0 : i32
    %dma_start3A_402 = arith.constant 0 : i32
    %dma_start3A_403 = tpu.memref_slice %arg2[%add3A, %dma_start3A_401, %dma_start3A_402] : memref<32x250x40xi32, #tpu.memory_space<hbm>> -> memref<1x250x40xi32, #tpu.memory_space<hbm>>
    %dma_start3A_404 = tpu.memref_squeeze %dma_start3A_403 : memref<1x250x40xi32, #tpu.memory_space<hbm>> -> memref<250x40xi32, #tpu.memory_space<hbm>>
    %dma_start3A_405 = arith.constant 0 : i32
    %dma_start3A_406 = tpu.memref_slice %dma_start3A_404[%dma_start3A_396, %dma_start3A_405] : memref<250x40xi32, #tpu.memory_space<hbm>> -> memref<1x40xi32, #tpu.memory_space<hbm>>
    %dma_start3A_407 = tpu.memref_squeeze %dma_start3A_406 : memref<1x40xi32, #tpu.memory_space<hbm>> -> memref<40xi32, #tpu.memory_space<hbm>>
    %dma_start3A_408 = arith.constant 0 : i32
    %dma_start3A_409 = tpu.memref_slice %arg7[%dma_start3A_397, %dma_start3A_408] : memref<16x40xi32, #tpu.memory_space<vmem>> -> memref<1x40xi32, #tpu.memory_space<vmem>>
    %dma_start3A_410 = tpu.memref_squeeze %dma_start3A_409 : memref<1x40xi32, #tpu.memory_space<vmem>> -> memref<40xi32, #tpu.memory_space<vmem>>
    %dma_start3A_411 = arith.constant 0 : i32
    %dma_start3A_412 = arith.constant 0 : i32
    %dma_start3A_413 = tpu.memref_slice %arg2[%add3A, %dma_start3A_411, %dma_start3A_412] : memref<32x250x40xi32, #tpu.memory_space<hbm>> -> memref<1x250x40xi32, #tpu.memory_space<hbm>>
    %dma_start3A_414 = tpu.memref_squeeze %dma_start3A_413 : memref<1x250x40xi32, #tpu.memory_space<hbm>> -> memref<250x40xi32, #tpu.memory_space<hbm>>
    %dma_start3A_415 = arith.constant 0 : i32
    %dma_start3A_416 = tpu.memref_slice %dma_start3A_414[%dma_start3A_396, %dma_start3A_415] : memref<250x40xi32, #tpu.memory_space<hbm>> -> memref<1x40xi32, #tpu.memory_space<hbm>>
    %dma_start3A_417 = tpu.memref_squeeze %dma_start3A_416 : memref<1x40xi32, #tpu.memory_space<hbm>> -> memref<40xi32, #tpu.memory_space<hbm>>
    tpu.enqueue_dma source(%dma_start3A_417 : memref<40xi32, #tpu.memory_space<hbm>>) target(%dma_start3A_410 : memref<40xi32, #tpu.memory_space<vmem>>) target_semaphore(%arg13 : memref<!tpu.dma_semaphore, #tpu.memory_space<semaphore_mem>>)
    %dma_start3A_418 = arith.constant 9 : i32
    %dma_start3A_419 = arith.constant 9 : i32
    %dma_start3A_420 = arith.constant 0 : i32
    %dma_start3A_421 = tpu.memref_slice %arg8[%dma_start3A_419, %dma_start3A_420] : memref<16x40xi32, #tpu.memory_space<vmem>> -> memref<1x40xi32, #tpu.memory_space<vmem>>
    %dma_start3A_422 = tpu.memref_squeeze %dma_start3A_421 : memref<1x40xi32, #tpu.memory_space<vmem>> -> memref<40xi32, #tpu.memory_space<vmem>>
    %dma_start3A_423 = arith.constant 0 : i32
    %dma_start3A_424 = arith.constant 0 : i32
    %dma_start3A_425 = tpu.memref_slice %arg3[%add3A, %dma_start3A_423, %dma_start3A_424] : memref<32x250x40xi32, #tpu.memory_space<hbm>> -> memref<1x250x40xi32, #tpu.memory_space<hbm>>
    %dma_start3A_426 = tpu.memref_squeeze %dma_start3A_425 : memref<1x250x40xi32, #tpu.memory_space<hbm>> -> memref<250x40xi32, #tpu.memory_space<hbm>>
    %dma_start3A_427 = arith.constant 0 : i32
    %dma_start3A_428 = tpu.memref_slice %dma_start3A_426[%dma_start3A_418, %dma_start3A_427] : memref<250x40xi32, #tpu.memory_space<hbm>> -> memref<1x40xi32, #tpu.memory_space<hbm>>
    %dma_start3A_429 = tpu.memref_squeeze %dma_start3A_428 : memref<1x40xi32, #tpu.memory_space<hbm>> -> memref<40xi32, #tpu.memory_space<hbm>>
    %dma_start3A_430 = arith.constant 0 : i32
    %dma_start3A_431 = tpu.memref_slice %arg8[%dma_start3A_419, %dma_start3A_430] : memref<16x40xi32, #tpu.memory_space<vmem>> -> memref<1x40xi32, #tpu.memory_space<vmem>>
    %dma_start3A_432 = tpu.memref_squeeze %dma_start3A_431 : memref<1x40xi32, #tpu.memory_space<vmem>> -> memref<40xi32, #tpu.memory_space<vmem>>
    %dma_start3A_433 = arith.constant 0 : i32
    %dma_start3A_434 = arith.constant 0 : i32
    %dma_start3A_435 = tpu.memref_slice %arg3[%add3A, %dma_start3A_433, %dma_start3A_434] : memref<32x250x40xi32, #tpu.memory_space<hbm>> -> memref<1x250x40xi32, #tpu.memory_space<hbm>>
    %dma_start3A_436 = tpu.memref_squeeze %dma_start3A_435 : memref<1x250x40xi32, #tpu.memory_space<hbm>> -> memref<250x40xi32, #tpu.memory_space<hbm>>
    %dma_start3A_437 = arith.constant 0 : i32
    %dma_start3A_438 = tpu.memref_slice %dma_start3A_436[%dma_start3A_418, %dma_start3A_437] : memref<250x40xi32, #tpu.memory_space<hbm>> -> memref<1x40xi32, #tpu.memory_space<hbm>>
    %dma_start3A_439 = tpu.memref_squeeze %dma_start3A_438 : memref<1x40xi32, #tpu.memory_space<hbm>> -> memref<40xi32, #tpu.memory_space<hbm>>
    tpu.enqueue_dma source(%dma_start3A_439 : memref<40xi32, #tpu.memory_space<hbm>>) target(%dma_start3A_432 : memref<40xi32, #tpu.memory_space<vmem>>) target_semaphore(%arg13 : memref<!tpu.dma_semaphore, #tpu.memory_space<semaphore_mem>>)
    %dma_wait3A = arith.constant 0 : i32
    %dma_wait3A_440 = arith.constant 0 : i32
    %dma_wait3A_441 = arith.constant 0 : i32
    %dma_wait3A_442 = tpu.memref_slice %arg7[%dma_wait3A_440, %dma_wait3A_441] : memref<16x40xi32, #tpu.memory_space<vmem>> -> memref<1x40xi32, #tpu.memory_space<vmem>>
    %dma_wait3A_443 = tpu.memref_squeeze %dma_wait3A_442 : memref<1x40xi32, #tpu.memory_space<vmem>> -> memref<40xi32, #tpu.memory_space<vmem>>
    %dma_wait3A_444 = arith.constant 0 : i32
    %dma_wait3A_445 = arith.constant 0 : i32
    %dma_wait3A_446 = tpu.memref_slice %arg2[%add3A, %dma_wait3A_444, %dma_wait3A_445] : memref<32x250x40xi32, #tpu.memory_space<hbm>> -> memref<1x250x40xi32, #tpu.memory_space<hbm>>
    %dma_wait3A_447 = tpu.memref_squeeze %dma_wait3A_446 : memref<1x250x40xi32, #tpu.memory_space<hbm>> -> memref<250x40xi32, #tpu.memory_space<hbm>>
    %dma_wait3A_448 = arith.constant 0 : i32
    %dma_wait3A_449 = tpu.memref_slice %dma_wait3A_447[%dma_wait3A, %dma_wait3A_448] : memref<250x40xi32, #tpu.memory_space<hbm>> -> memref<1x40xi32, #tpu.memory_space<hbm>>
    %dma_wait3A_450 = tpu.memref_squeeze %dma_wait3A_449 : memref<1x40xi32, #tpu.memory_space<hbm>> -> memref<40xi32, #tpu.memory_space<hbm>>
    %dma_wait3A_451 = arith.constant 0 : i32
    %dma_wait3A_452 = tpu.memref_slice %arg7[%dma_wait3A_440, %dma_wait3A_451] : memref<16x40xi32, #tpu.memory_space<vmem>> -> memref<1x40xi32, #tpu.memory_space<vmem>>
    %dma_wait3A_453 = tpu.memref_squeeze %dma_wait3A_452 : memref<1x40xi32, #tpu.memory_space<vmem>> -> memref<40xi32, #tpu.memory_space<vmem>>
    %dma_wait3A_454 = arith.constant 0 : i32
    %dma_wait3A_455 = arith.constant 0 : i32
    %dma_wait3A_456 = tpu.memref_slice %arg2[%add3A, %dma_wait3A_454, %dma_wait3A_455] : memref<32x250x40xi32, #tpu.memory_space<hbm>> -> memref<1x250x40xi32, #tpu.memory_space<hbm>>
    %dma_wait3A_457 = tpu.memref_squeeze %dma_wait3A_456 : memref<1x250x40xi32, #tpu.memory_space<hbm>> -> memref<250x40xi32, #tpu.memory_space<hbm>>
    %dma_wait3A_458 = arith.constant 0 : i32
    %dma_wait3A_459 = tpu.memref_slice %dma_wait3A_457[%dma_wait3A, %dma_wait3A_458] : memref<250x40xi32, #tpu.memory_space<hbm>> -> memref<1x40xi32, #tpu.memory_space<hbm>>
    %dma_wait3A_460 = tpu.memref_squeeze %dma_wait3A_459 : memref<1x40xi32, #tpu.memory_space<hbm>> -> memref<40xi32, #tpu.memory_space<hbm>>
    tpu.wait_dma2 semaphore(%arg13 : memref<!tpu.dma_semaphore, #tpu.memory_space<semaphore_mem>>) src(%dma_wait3A_460 : memref<40xi32, #tpu.memory_space<hbm>>) dst(%dma_wait3A_453 : memref<40xi32, #tpu.memory_space<vmem>>)
    %dma_wait3A_461 = arith.constant 0 : i32
    %dma_wait3A_462 = arith.constant 0 : i32
    %dma_wait3A_463 = arith.constant 0 : i32
    %dma_wait3A_464 = tpu.memref_slice %arg8[%dma_wait3A_462, %dma_wait3A_463] : memref<16x40xi32, #tpu.memory_space<vmem>> -> memref<1x40xi32, #tpu.memory_space<vmem>>
    %dma_wait3A_465 = tpu.memref_squeeze %dma_wait3A_464 : memref<1x40xi32, #tpu.memory_space<vmem>> -> memref<40xi32, #tpu.memory_space<vmem>>
    %dma_wait3A_466 = arith.constant 0 : i32
    %dma_wait3A_467 = arith.constant 0 : i32
    %dma_wait3A_468 = tpu.memref_slice %arg3[%add3A, %dma_wait3A_466, %dma_wait3A_467] : memref<32x250x40xi32, #tpu.memory_space<hbm>> -> memref<1x250x40xi32, #tpu.memory_space<hbm>>
    %dma_wait3A_469 = tpu.memref_squeeze %dma_wait3A_468 : memref<1x250x40xi32, #tpu.memory_space<hbm>> -> memref<250x40xi32, #tpu.memory_space<hbm>>
    %dma_wait3A_470 = arith.constant 0 : i32
    %dma_wait3A_471 = tpu.memref_slice %dma_wait3A_469[%dma_wait3A_461, %dma_wait3A_470] : memref<250x40xi32, #tpu.memory_space<hbm>> -> memref<1x40xi32, #tpu.memory_space<hbm>>
    %dma_wait3A_472 = tpu.memref_squeeze %dma_wait3A_471 : memref<1x40xi32, #tpu.memory_space<hbm>> -> memref<40xi32, #tpu.memory_space<hbm>>
    %dma_wait3A_473 = arith.constant 0 : i32
    %dma_wait3A_474 = tpu.memref_slice %arg8[%dma_wait3A_462, %dma_wait3A_473] : memref<16x40xi32, #tpu.memory_space<vmem>> -> memref<1x40xi32, #tpu.memory_space<vmem>>
    %dma_wait3A_475 = tpu.memref_squeeze %dma_wait3A_474 : memref<1x40xi32, #tpu.memory_space<vmem>> -> memref<40xi32, #tpu.memory_space<vmem>>
    %dma_wait3A_476 = arith.constant 0 : i32
    %dma_wait3A_477 = arith.constant 0 : i32
    %dma_wait3A_478 = tpu.memref_slice %arg3[%add3A, %dma_wait3A_476, %dma_wait3A_477] : memref<32x250x40xi32, #tpu.memory_space<hbm>> -> memref<1x250x40xi32, #tpu.memory_space<hbm>>
    %dma_wait3A_479 = tpu.memref_squeeze %dma_wait3A_478 : memref<1x250x40xi32, #tpu.memory_space<hbm>> -> memref<250x40xi32, #tpu.memory_space<hbm>>
    %dma_wait3A_480 = arith.constant 0 : i32
    %dma_wait3A_481 = tpu.memref_slice %dma_wait3A_479[%dma_wait3A_461, %dma_wait3A_480] : memref<250x40xi32, #tpu.memory_space<hbm>> -> memref<1x40xi32, #tpu.memory_space<hbm>>
    %dma_wait3A_482 = tpu.memref_squeeze %dma_wait3A_481 : memref<1x40xi32, #tpu.memory_space<hbm>> -> memref<40xi32, #tpu.memory_space<hbm>>
    tpu.wait_dma2 semaphore(%arg13 : memref<!tpu.dma_semaphore, #tpu.memory_space<semaphore_mem>>) src(%dma_wait3A_482 : memref<40xi32, #tpu.memory_space<hbm>>) dst(%dma_wait3A_475 : memref<40xi32, #tpu.memory_space<vmem>>)
    %dma_start3A_483 = arith.constant 0 : i32
    %dma_start3A_484 = arith.constant 0 : i32
    %dma_start3A_485 = arith.constant 0 : i32
    %dma_start3A_486 = arith.constant 0 : i32
    %dma_start3A_487 = tpu.memref_slice %arg9[%dma_start3A_484, %dma_start3A_485, %dma_start3A_486] : memref<8x40x128xf32, #tpu.memory_space<vmem>> -> memref<1x40x128xf32, #tpu.memory_space<vmem>>
    %dma_start3A_488 = tpu.memref_squeeze %dma_start3A_487 : memref<1x40x128xf32, #tpu.memory_space<vmem>> -> memref<40x128xf32, #tpu.memory_space<vmem>>
    %dma_start3A_489 = arith.constant 0 : i32
    %dma_start3A_490 = tpu.memref_slice %arg7[%dma_start3A_483, %dma_start3A_489] : memref<16x40xi32, #tpu.memory_space<vmem>> -> memref<1x40xi32, #tpu.memory_space<vmem>>
    %dma_start3A_491 = tpu.memref_squeeze %dma_start3A_490 : memref<1x40xi32, #tpu.memory_space<vmem>> -> memref<40xi32, #tpu.memory_space<vmem>>
    %dma_start3A_492 = arith.constant 0 : i32
    %dma_start3A_493 = arith.constant 0 : i32
    %dma_start3A_494 = tpu.memref_slice %arg4[%dma_start3A_492, %dma_start3A_493] : memref<10000x128xf32, #tpu.memory_space<hbm>> -> memref<10000x128xf32, #tpu.memory_space<hbm>>
    tpu.enqueue_indirect_dma source(%dma_start3A_494 : memref<10000x128xf32, #tpu.memory_space<hbm>>) target(%dma_start3A_488 : memref<40x128xf32, #tpu.memory_space<vmem>>) offsets(%dma_start3A_491 : memref<40xi32, #tpu.memory_space<vmem>>) semaphore(%arg11 : memref<!tpu.dma_semaphore, #tpu.memory_space<semaphore_mem>>)
    %dma_wait3A_495 = arith.constant 1 : i32
    %dma_wait3A_496 = arith.constant 1 : i32
    %dma_wait3A_497 = arith.constant 0 : i32
    %dma_wait3A_498 = tpu.memref_slice %arg7[%dma_wait3A_496, %dma_wait3A_497] : memref<16x40xi32, #tpu.memory_space<vmem>> -> memref<1x40xi32, #tpu.memory_space<vmem>>
    %dma_wait3A_499 = tpu.memref_squeeze %dma_wait3A_498 : memref<1x40xi32, #tpu.memory_space<vmem>> -> memref<40xi32, #tpu.memory_space<vmem>>
    %dma_wait3A_500 = arith.constant 0 : i32
    %dma_wait3A_501 = arith.constant 0 : i32
    %dma_wait3A_502 = tpu.memref_slice %arg2[%add3A, %dma_wait3A_500, %dma_wait3A_501] : memref<32x250x40xi32, #tpu.memory_space<hbm>> -> memref<1x250x40xi32, #tpu.memory_space<hbm>>
    %dma_wait3A_503 = tpu.memref_squeeze %dma_wait3A_502 : memref<1x250x40xi32, #tpu.memory_space<hbm>> -> memref<250x40xi32, #tpu.memory_space<hbm>>
    %dma_wait3A_504 = arith.constant 0 : i32
    %dma_wait3A_505 = tpu.memref_slice %dma_wait3A_503[%dma_wait3A_495, %dma_wait3A_504] : memref<250x40xi32, #tpu.memory_space<hbm>> -> memref<1x40xi32, #tpu.memory_space<hbm>>
    %dma_wait3A_506 = tpu.memref_squeeze %dma_wait3A_505 : memref<1x40xi32, #tpu.memory_space<hbm>> -> memref<40xi32, #tpu.memory_space<hbm>>
    %dma_wait3A_507 = arith.constant 0 : i32
    %dma_wait3A_508 = tpu.memref_slice %arg7[%dma_wait3A_496, %dma_wait3A_507] : memref<16x40xi32, #tpu.memory_space<vmem>> -> memref<1x40xi32, #tpu.memory_space<vmem>>
    %dma_wait3A_509 = tpu.memref_squeeze %dma_wait3A_508 : memref<1x40xi32, #tpu.memory_space<vmem>> -> memref<40xi32, #tpu.memory_space<vmem>>
    %dma_wait3A_510 = arith.constant 0 : i32
    %dma_wait3A_511 = arith.constant 0 : i32
    %dma_wait3A_512 = tpu.memref_slice %arg2[%add3A, %dma_wait3A_510, %dma_wait3A_511] : memref<32x250x40xi32, #tpu.memory_space<hbm>> -> memref<1x250x40xi32, #tpu.memory_space<hbm>>
    %dma_wait3A_513 = tpu.memref_squeeze %dma_wait3A_512 : memref<1x250x40xi32, #tpu.memory_space<hbm>> -> memref<250x40xi32, #tpu.memory_space<hbm>>
    %dma_wait3A_514 = arith.constant 0 : i32
    %dma_wait3A_515 = tpu.memref_slice %dma_wait3A_513[%dma_wait3A_495, %dma_wait3A_514] : memref<250x40xi32, #tpu.memory_space<hbm>> -> memref<1x40xi32, #tpu.memory_space<hbm>>
    %dma_wait3A_516 = tpu.memref_squeeze %dma_wait3A_515 : memref<1x40xi32, #tpu.memory_space<hbm>> -> memref<40xi32, #tpu.memory_space<hbm>>
    tpu.wait_dma2 semaphore(%arg13 : memref<!tpu.dma_semaphore, #tpu.memory_space<semaphore_mem>>) src(%dma_wait3A_516 : memref<40xi32, #tpu.memory_space<hbm>>) dst(%dma_wait3A_509 : memref<40xi32, #tpu.memory_space<vmem>>)
    %dma_wait3A_517 = arith.constant 1 : i32
    %dma_wait3A_518 = arith.constant 1 : i32
    %dma_wait3A_519 = arith.constant 0 : i32
    %dma_wait3A_520 = tpu.memref_slice %arg8[%dma_wait3A_518, %dma_wait3A_519] : memref<16x40xi32, #tpu.memory_space<vmem>> -> memref<1x40xi32, #tpu.memory_space<vmem>>
    %dma_wait3A_521 = tpu.memref_squeeze %dma_wait3A_520 : memref<1x40xi32, #tpu.memory_space<vmem>> -> memref<40xi32, #tpu.memory_space<vmem>>
    %dma_wait3A_522 = arith.constant 0 : i32
    %dma_wait3A_523 = arith.constant 0 : i32
    %dma_wait3A_524 = tpu.memref_slice %arg3[%add3A, %dma_wait3A_522, %dma_wait3A_523] : memref<32x250x40xi32, #tpu.memory_space<hbm>> -> memref<1x250x40xi32, #tpu.memory_space<hbm>>
    %dma_wait3A_525 = tpu.memref_squeeze %dma_wait3A_524 : memref<1x250x40xi32, #tpu.memory_space<hbm>> -> memref<250x40xi32, #tpu.memory_space<hbm>>
    %dma_wait3A_526 = arith.constant 0 : i32
    %dma_wait3A_527 = tpu.memref_slice %dma_wait3A_525[%dma_wait3A_517, %dma_wait3A_526] : memref<250x40xi32, #tpu.memory_space<hbm>> -> memref<1x40xi32, #tpu.memory_space<hbm>>
    %dma_wait3A_528 = tpu.memref_squeeze %dma_wait3A_527 : memref<1x40xi32, #tpu.memory_space<hbm>> -> memref<40xi32, #tpu.memory_space<hbm>>
    %dma_wait3A_529 = arith.constant 0 : i32
    %dma_wait3A_530 = tpu.memref_slice %arg8[%dma_wait3A_518, %dma_wait3A_529] : memref<16x40xi32, #tpu.memory_space<vmem>> -> memref<1x40xi32, #tpu.memory_space<vmem>>
    %dma_wait3A_531 = tpu.memref_squeeze %dma_wait3A_530 : memref<1x40xi32, #tpu.memory_space<vmem>> -> memref<40xi32, #tpu.memory_space<vmem>>
    %dma_wait3A_532 = arith.constant 0 : i32
    %dma_wait3A_533 = arith.constant 0 : i32
    %dma_wait3A_534 = tpu.memref_slice %arg3[%add3A, %dma_wait3A_532, %dma_wait3A_533] : memref<32x250x40xi32, #tpu.memory_space<hbm>> -> memref<1x250x40xi32, #tpu.memory_space<hbm>>
    %dma_wait3A_535 = tpu.memref_squeeze %dma_wait3A_534 : memref<1x250x40xi32, #tpu.memory_space<hbm>> -> memref<250x40xi32, #tpu.memory_space<hbm>>
    %dma_wait3A_536 = arith.constant 0 : i32
    %dma_wait3A_537 = tpu.memref_slice %dma_wait3A_535[%dma_wait3A_517, %dma_wait3A_536] : memref<250x40xi32, #tpu.memory_space<hbm>> -> memref<1x40xi32, #tpu.memory_space<hbm>>
    %dma_wait3A_538 = tpu.memref_squeeze %dma_wait3A_537 : memref<1x40xi32, #tpu.memory_space<hbm>> -> memref<40xi32, #tpu.memory_space<hbm>>
    tpu.wait_dma2 semaphore(%arg13 : memref<!tpu.dma_semaphore, #tpu.memory_space<semaphore_mem>>) src(%dma_wait3A_538 : memref<40xi32, #tpu.memory_space<hbm>>) dst(%dma_wait3A_531 : memref<40xi32, #tpu.memory_space<vmem>>)
    %dma_start3A_539 = arith.constant 1 : i32
    %dma_start3A_540 = arith.constant 1 : i32
    %dma_start3A_541 = arith.constant 0 : i32
    %dma_start3A_542 = arith.constant 0 : i32
    %dma_start3A_543 = tpu.memref_slice %arg9[%dma_start3A_540, %dma_start3A_541, %dma_start3A_542] : memref<8x40x128xf32, #tpu.memory_space<vmem>> -> memref<1x40x128xf32, #tpu.memory_space<vmem>>
    %dma_start3A_544 = tpu.memref_squeeze %dma_start3A_543 : memref<1x40x128xf32, #tpu.memory_space<vmem>> -> memref<40x128xf32, #tpu.memory_space<vmem>>
    %dma_start3A_545 = arith.constant 0 : i32
    %dma_start3A_546 = tpu.memref_slice %arg7[%dma_start3A_539, %dma_start3A_545] : memref<16x40xi32, #tpu.memory_space<vmem>> -> memref<1x40xi32, #tpu.memory_space<vmem>>
    %dma_start3A_547 = tpu.memref_squeeze %dma_start3A_546 : memref<1x40xi32, #tpu.memory_space<vmem>> -> memref<40xi32, #tpu.memory_space<vmem>>
    %dma_start3A_548 = arith.constant 0 : i32
    %dma_start3A_549 = arith.constant 0 : i32
    %dma_start3A_550 = tpu.memref_slice %arg4[%dma_start3A_548, %dma_start3A_549] : memref<10000x128xf32, #tpu.memory_space<hbm>> -> memref<10000x128xf32, #tpu.memory_space<hbm>>
    tpu.enqueue_indirect_dma source(%dma_start3A_550 : memref<10000x128xf32, #tpu.memory_space<hbm>>) target(%dma_start3A_544 : memref<40x128xf32, #tpu.memory_space<vmem>>) offsets(%dma_start3A_547 : memref<40xi32, #tpu.memory_space<vmem>>) semaphore(%arg11 : memref<!tpu.dma_semaphore, #tpu.memory_space<semaphore_mem>>)
    %dma_wait3A_551 = arith.constant 2 : i32
    %dma_wait3A_552 = arith.constant 2 : i32
    %dma_wait3A_553 = arith.constant 0 : i32
    %dma_wait3A_554 = tpu.memref_slice %arg7[%dma_wait3A_552, %dma_wait3A_553] : memref<16x40xi32, #tpu.memory_space<vmem>> -> memref<1x40xi32, #tpu.memory_space<vmem>>
    %dma_wait3A_555 = tpu.memref_squeeze %dma_wait3A_554 : memref<1x40xi32, #tpu.memory_space<vmem>> -> memref<40xi32, #tpu.memory_space<vmem>>
    %dma_wait3A_556 = arith.constant 0 : i32
    %dma_wait3A_557 = arith.constant 0 : i32
    %dma_wait3A_558 = tpu.memref_slice %arg2[%add3A, %dma_wait3A_556, %dma_wait3A_557] : memref<32x250x40xi32, #tpu.memory_space<hbm>> -> memref<1x250x40xi32, #tpu.memory_space<hbm>>
    %dma_wait3A_559 = tpu.memref_squeeze %dma_wait3A_558 : memref<1x250x40xi32, #tpu.memory_space<hbm>> -> memref<250x40xi32, #tpu.memory_space<hbm>>
    %dma_wait3A_560 = arith.constant 0 : i32
    %dma_wait3A_561 = tpu.memref_slice %dma_wait3A_559[%dma_wait3A_551, %dma_wait3A_560] : memref<250x40xi32, #tpu.memory_space<hbm>> -> memref<1x40xi32, #tpu.memory_space<hbm>>
    %dma_wait3A_562 = tpu.memref_squeeze %dma_wait3A_561 : memref<1x40xi32, #tpu.memory_space<hbm>> -> memref<40xi32, #tpu.memory_space<hbm>>
    %dma_wait3A_563 = arith.constant 0 : i32
    %dma_wait3A_564 = tpu.memref_slice %arg7[%dma_wait3A_552, %dma_wait3A_563] : memref<16x40xi32, #tpu.memory_space<vmem>> -> memref<1x40xi32, #tpu.memory_space<vmem>>
    %dma_wait3A_565 = tpu.memref_squeeze %dma_wait3A_564 : memref<1x40xi32, #tpu.memory_space<vmem>> -> memref<40xi32, #tpu.memory_space<vmem>>
    %dma_wait3A_566 = arith.constant 0 : i32
    %dma_wait3A_567 = arith.constant 0 : i32
    %dma_wait3A_568 = tpu.memref_slice %arg2[%add3A, %dma_wait3A_566, %dma_wait3A_567] : memref<32x250x40xi32, #tpu.memory_space<hbm>> -> memref<1x250x40xi32, #tpu.memory_space<hbm>>
    %dma_wait3A_569 = tpu.memref_squeeze %dma_wait3A_568 : memref<1x250x40xi32, #tpu.memory_space<hbm>> -> memref<250x40xi32, #tpu.memory_space<hbm>>
    %dma_wait3A_570 = arith.constant 0 : i32
    %dma_wait3A_571 = tpu.memref_slice %dma_wait3A_569[%dma_wait3A_551, %dma_wait3A_570] : memref<250x40xi32, #tpu.memory_space<hbm>> -> memref<1x40xi32, #tpu.memory_space<hbm>>
    %dma_wait3A_572 = tpu.memref_squeeze %dma_wait3A_571 : memref<1x40xi32, #tpu.memory_space<hbm>> -> memref<40xi32, #tpu.memory_space<hbm>>
    tpu.wait_dma2 semaphore(%arg13 : memref<!tpu.dma_semaphore, #tpu.memory_space<semaphore_mem>>) src(%dma_wait3A_572 : memref<40xi32, #tpu.memory_space<hbm>>) dst(%dma_wait3A_565 : memref<40xi32, #tpu.memory_space<vmem>>)
    %dma_wait3A_573 = arith.constant 2 : i32
    %dma_wait3A_574 = arith.constant 2 : i32
    %dma_wait3A_575 = arith.constant 0 : i32
    %dma_wait3A_576 = tpu.memref_slice %arg8[%dma_wait3A_574, %dma_wait3A_575] : memref<16x40xi32, #tpu.memory_space<vmem>> -> memref<1x40xi32, #tpu.memory_space<vmem>>
    %dma_wait3A_577 = tpu.memref_squeeze %dma_wait3A_576 : memref<1x40xi32, #tpu.memory_space<vmem>> -> memref<40xi32, #tpu.memory_space<vmem>>
    %dma_wait3A_578 = arith.constant 0 : i32
    %dma_wait3A_579 = arith.constant 0 : i32
    %dma_wait3A_580 = tpu.memref_slice %arg3[%add3A, %dma_wait3A_578, %dma_wait3A_579] : memref<32x250x40xi32, #tpu.memory_space<hbm>> -> memref<1x250x40xi32, #tpu.memory_space<hbm>>
    %dma_wait3A_581 = tpu.memref_squeeze %dma_wait3A_580 : memref<1x250x40xi32, #tpu.memory_space<hbm>> -> memref<250x40xi32, #tpu.memory_space<hbm>>
    %dma_wait3A_582 = arith.constant 0 : i32
    %dma_wait3A_583 = tpu.memref_slice %dma_wait3A_581[%dma_wait3A_573, %dma_wait3A_582] : memref<250x40xi32, #tpu.memory_space<hbm>> -> memref<1x40xi32, #tpu.memory_space<hbm>>
    %dma_wait3A_584 = tpu.memref_squeeze %dma_wait3A_583 : memref<1x40xi32, #tpu.memory_space<hbm>> -> memref<40xi32, #tpu.memory_space<hbm>>
    %dma_wait3A_585 = arith.constant 0 : i32
    %dma_wait3A_586 = tpu.memref_slice %arg8[%dma_wait3A_574, %dma_wait3A_585] : memref<16x40xi32, #tpu.memory_space<vmem>> -> memref<1x40xi32, #tpu.memory_space<vmem>>
    %dma_wait3A_587 = tpu.memref_squeeze %dma_wait3A_586 : memref<1x40xi32, #tpu.memory_space<vmem>> -> memref<40xi32, #tpu.memory_space<vmem>>
    %dma_wait3A_588 = arith.constant 0 : i32
    %dma_wait3A_589 = arith.constant 0 : i32
    %dma_wait3A_590 = tpu.memref_slice %arg3[%add3A, %dma_wait3A_588, %dma_wait3A_589] : memref<32x250x40xi32, #tpu.memory_space<hbm>> -> memref<1x250x40xi32, #tpu.memory_space<hbm>>
    %dma_wait3A_591 = tpu.memref_squeeze %dma_wait3A_590 : memref<1x250x40xi32, #tpu.memory_space<hbm>> -> memref<250x40xi32, #tpu.memory_space<hbm>>
    %dma_wait3A_592 = arith.constant 0 : i32
    %dma_wait3A_593 = tpu.memref_slice %dma_wait3A_591[%dma_wait3A_573, %dma_wait3A_592] : memref<250x40xi32, #tpu.memory_space<hbm>> -> memref<1x40xi32, #tpu.memory_space<hbm>>
    %dma_wait3A_594 = tpu.memref_squeeze %dma_wait3A_593 : memref<1x40xi32, #tpu.memory_space<hbm>> -> memref<40xi32, #tpu.memory_space<hbm>>
    tpu.wait_dma2 semaphore(%arg13 : memref<!tpu.dma_semaphore, #tpu.memory_space<semaphore_mem>>) src(%dma_wait3A_594 : memref<40xi32, #tpu.memory_space<hbm>>) dst(%dma_wait3A_587 : memref<40xi32, #tpu.memory_space<vmem>>)
    %dma_start3A_595 = arith.constant 2 : i32
    %dma_start3A_596 = arith.constant 2 : i32
    %dma_start3A_597 = arith.constant 0 : i32
    %dma_start3A_598 = arith.constant 0 : i32
    %dma_start3A_599 = tpu.memref_slice %arg9[%dma_start3A_596, %dma_start3A_597, %dma_start3A_598] : memref<8x40x128xf32, #tpu.memory_space<vmem>> -> memref<1x40x128xf32, #tpu.memory_space<vmem>>
    %dma_start3A_600 = tpu.memref_squeeze %dma_start3A_599 : memref<1x40x128xf32, #tpu.memory_space<vmem>> -> memref<40x128xf32, #tpu.memory_space<vmem>>
    %dma_start3A_601 = arith.constant 0 : i32
    %dma_start3A_602 = tpu.memref_slice %arg7[%dma_start3A_595, %dma_start3A_601] : memref<16x40xi32, #tpu.memory_space<vmem>> -> memref<1x40xi32, #tpu.memory_space<vmem>>
    %dma_start3A_603 = tpu.memref_squeeze %dma_start3A_602 : memref<1x40xi32, #tpu.memory_space<vmem>> -> memref<40xi32, #tpu.memory_space<vmem>>
    %dma_start3A_604 = arith.constant 0 : i32
    %dma_start3A_605 = arith.constant 0 : i32
    %dma_start3A_606 = tpu.memref_slice %arg4[%dma_start3A_604, %dma_start3A_605] : memref<10000x128xf32, #tpu.memory_space<hbm>> -> memref<10000x128xf32, #tpu.memory_space<hbm>>
    tpu.enqueue_indirect_dma source(%dma_start3A_606 : memref<10000x128xf32, #tpu.memory_space<hbm>>) target(%dma_start3A_600 : memref<40x128xf32, #tpu.memory_space<vmem>>) offsets(%dma_start3A_603 : memref<40xi32, #tpu.memory_space<vmem>>) semaphore(%arg11 : memref<!tpu.dma_semaphore, #tpu.memory_space<semaphore_mem>>)
    %dma_wait3A_607 = arith.constant 3 : i32
    %dma_wait3A_608 = arith.constant 3 : i32
    %dma_wait3A_609 = arith.constant 0 : i32
    %dma_wait3A_610 = tpu.memref_slice %arg7[%dma_wait3A_608, %dma_wait3A_609] : memref<16x40xi32, #tpu.memory_space<vmem>> -> memref<1x40xi32, #tpu.memory_space<vmem>>
    %dma_wait3A_611 = tpu.memref_squeeze %dma_wait3A_610 : memref<1x40xi32, #tpu.memory_space<vmem>> -> memref<40xi32, #tpu.memory_space<vmem>>
    %dma_wait3A_612 = arith.constant 0 : i32
    %dma_wait3A_613 = arith.constant 0 : i32
    %dma_wait3A_614 = tpu.memref_slice %arg2[%add3A, %dma_wait3A_612, %dma_wait3A_613] : memref<32x250x40xi32, #tpu.memory_space<hbm>> -> memref<1x250x40xi32, #tpu.memory_space<hbm>>
    %dma_wait3A_615 = tpu.memref_squeeze %dma_wait3A_614 : memref<1x250x40xi32, #tpu.memory_space<hbm>> -> memref<250x40xi32, #tpu.memory_space<hbm>>
    %dma_wait3A_616 = arith.constant 0 : i32
    %dma_wait3A_617 = tpu.memref_slice %dma_wait3A_615[%dma_wait3A_607, %dma_wait3A_616] : memref<250x40xi32, #tpu.memory_space<hbm>> -> memref<1x40xi32, #tpu.memory_space<hbm>>
    %dma_wait3A_618 = tpu.memref_squeeze %dma_wait3A_617 : memref<1x40xi32, #tpu.memory_space<hbm>> -> memref<40xi32, #tpu.memory_space<hbm>>
    %dma_wait3A_619 = arith.constant 0 : i32
    %dma_wait3A_620 = tpu.memref_slice %arg7[%dma_wait3A_608, %dma_wait3A_619] : memref<16x40xi32, #tpu.memory_space<vmem>> -> memref<1x40xi32, #tpu.memory_space<vmem>>
    %dma_wait3A_621 = tpu.memref_squeeze %dma_wait3A_620 : memref<1x40xi32, #tpu.memory_space<vmem>> -> memref<40xi32, #tpu.memory_space<vmem>>
    %dma_wait3A_622 = arith.constant 0 : i32
    %dma_wait3A_623 = arith.constant 0 : i32
    %dma_wait3A_624 = tpu.memref_slice %arg2[%add3A, %dma_wait3A_622, %dma_wait3A_623] : memref<32x250x40xi32, #tpu.memory_space<hbm>> -> memref<1x250x40xi32, #tpu.memory_space<hbm>>
    %dma_wait3A_625 = tpu.memref_squeeze %dma_wait3A_624 : memref<1x250x40xi32, #tpu.memory_space<hbm>> -> memref<250x40xi32, #tpu.memory_space<hbm>>
    %dma_wait3A_626 = arith.constant 0 : i32
    %dma_wait3A_627 = tpu.memref_slice %dma_wait3A_625[%dma_wait3A_607, %dma_wait3A_626] : memref<250x40xi32, #tpu.memory_space<hbm>> -> memref<1x40xi32, #tpu.memory_space<hbm>>
    %dma_wait3A_628 = tpu.memref_squeeze %dma_wait3A_627 : memref<1x40xi32, #tpu.memory_space<hbm>> -> memref<40xi32, #tpu.memory_space<hbm>>
    tpu.wait_dma2 semaphore(%arg13 : memref<!tpu.dma_semaphore, #tpu.memory_space<semaphore_mem>>) src(%dma_wait3A_628 : memref<40xi32, #tpu.memory_space<hbm>>) dst(%dma_wait3A_621 : memref<40xi32, #tpu.memory_space<vmem>>)
    %dma_wait3A_629 = arith.constant 3 : i32
    %dma_wait3A_630 = arith.constant 3 : i32
    %dma_wait3A_631 = arith.constant 0 : i32
    %dma_wait3A_632 = tpu.memref_slice %arg8[%dma_wait3A_630, %dma_wait3A_631] : memref<16x40xi32, #tpu.memory_space<vmem>> -> memref<1x40xi32, #tpu.memory_space<vmem>>
    %dma_wait3A_633 = tpu.memref_squeeze %dma_wait3A_632 : memref<1x40xi32, #tpu.memory_space<vmem>> -> memref<40xi32, #tpu.memory_space<vmem>>
    %dma_wait3A_634 = arith.constant 0 : i32
    %dma_wait3A_635 = arith.constant 0 : i32
    %dma_wait3A_636 = tpu.memref_slice %arg3[%add3A, %dma_wait3A_634, %dma_wait3A_635] : memref<32x250x40xi32, #tpu.memory_space<hbm>> -> memref<1x250x40xi32, #tpu.memory_space<hbm>>
    %dma_wait3A_637 = tpu.memref_squeeze %dma_wait3A_636 : memref<1x250x40xi32, #tpu.memory_space<hbm>> -> memref<250x40xi32, #tpu.memory_space<hbm>>
    %dma_wait3A_638 = arith.constant 0 : i32
    %dma_wait3A_639 = tpu.memref_slice %dma_wait3A_637[%dma_wait3A_629, %dma_wait3A_638] : memref<250x40xi32, #tpu.memory_space<hbm>> -> memref<1x40xi32, #tpu.memory_space<hbm>>
    %dma_wait3A_640 = tpu.memref_squeeze %dma_wait3A_639 : memref<1x40xi32, #tpu.memory_space<hbm>> -> memref<40xi32, #tpu.memory_space<hbm>>
    %dma_wait3A_641 = arith.constant 0 : i32
    %dma_wait3A_642 = tpu.memref_slice %arg8[%dma_wait3A_630, %dma_wait3A_641] : memref<16x40xi32, #tpu.memory_space<vmem>> -> memref<1x40xi32, #tpu.memory_space<vmem>>
    %dma_wait3A_643 = tpu.memref_squeeze %dma_wait3A_642 : memref<1x40xi32, #tpu.memory_space<vmem>> -> memref<40xi32, #tpu.memory_space<vmem>>
    %dma_wait3A_644 = arith.constant 0 : i32
    %dma_wait3A_645 = arith.constant 0 : i32
    %dma_wait3A_646 = tpu.memref_slice %arg3[%add3A, %dma_wait3A_644, %dma_wait3A_645] : memref<32x250x40xi32, #tpu.memory_space<hbm>> -> memref<1x250x40xi32, #tpu.memory_space<hbm>>
    %dma_wait3A_647 = tpu.memref_squeeze %dma_wait3A_646 : memref<1x250x40xi32, #tpu.memory_space<hbm>> -> memref<250x40xi32, #tpu.memory_space<hbm>>
    %dma_wait3A_648 = arith.constant 0 : i32
    %dma_wait3A_649 = tpu.memref_slice %dma_wait3A_647[%dma_wait3A_629, %dma_wait3A_648] : memref<250x40xi32, #tpu.memory_space<hbm>> -> memref<1x40xi32, #tpu.memory_space<hbm>>
    %dma_wait3A_650 = tpu.memref_squeeze %dma_wait3A_649 : memref<1x40xi32, #tpu.memory_space<hbm>> -> memref<40xi32, #tpu.memory_space<hbm>>
    tpu.wait_dma2 semaphore(%arg13 : memref<!tpu.dma_semaphore, #tpu.memory_space<semaphore_mem>>) src(%dma_wait3A_650 : memref<40xi32, #tpu.memory_space<hbm>>) dst(%dma_wait3A_643 : memref<40xi32, #tpu.memory_space<vmem>>)
    %dma_start3A_651 = arith.constant 3 : i32
    %dma_start3A_652 = arith.constant 3 : i32
    %dma_start3A_653 = arith.constant 0 : i32
    %dma_start3A_654 = arith.constant 0 : i32
    %dma_start3A_655 = tpu.memref_slice %arg9[%dma_start3A_652, %dma_start3A_653, %dma_start3A_654] : memref<8x40x128xf32, #tpu.memory_space<vmem>> -> memref<1x40x128xf32, #tpu.memory_space<vmem>>
    %dma_start3A_656 = tpu.memref_squeeze %dma_start3A_655 : memref<1x40x128xf32, #tpu.memory_space<vmem>> -> memref<40x128xf32, #tpu.memory_space<vmem>>
    %dma_start3A_657 = arith.constant 0 : i32
    %dma_start3A_658 = tpu.memref_slice %arg7[%dma_start3A_651, %dma_start3A_657] : memref<16x40xi32, #tpu.memory_space<vmem>> -> memref<1x40xi32, #tpu.memory_space<vmem>>
    %dma_start3A_659 = tpu.memref_squeeze %dma_start3A_658 : memref<1x40xi32, #tpu.memory_space<vmem>> -> memref<40xi32, #tpu.memory_space<vmem>>
    %dma_start3A_660 = arith.constant 0 : i32
    %dma_start3A_661 = arith.constant 0 : i32
    %dma_start3A_662 = tpu.memref_slice %arg4[%dma_start3A_660, %dma_start3A_661] : memref<10000x128xf32, #tpu.memory_space<hbm>> -> memref<10000x128xf32, #tpu.memory_space<hbm>>
    tpu.enqueue_indirect_dma source(%dma_start3A_662 : memref<10000x128xf32, #tpu.memory_space<hbm>>) target(%dma_start3A_656 : memref<40x128xf32, #tpu.memory_space<vmem>>) offsets(%dma_start3A_659 : memref<40xi32, #tpu.memory_space<vmem>>) semaphore(%arg11 : memref<!tpu.dma_semaphore, #tpu.memory_space<semaphore_mem>>)
    %mul3A_663 = arith.constant 640 : i32
    %mul3A_664 = arith.muli %arg1, %mul3A_663 : i32
    %mul3A_665 = arith.constant 640 : i32
    %mul3A_666 = arith.muli %arg1, %mul3A_665 : i32
    "tpu.region"() ({
      %run_scoped3A = tpu.sem_alloc : memref<!tpu.dma_semaphore, #tpu.memory_space<semaphore_mem>>
      %dma_start3A_728 = arith.constant 0 : i32
      %dma_start3A_729 = tpu.memref_slice %arg10[%mul3A_666, %dma_start3A_728] : memref<10240x128xf32, #tpu.memory_space<vmem_shared>> -> memref<640x128xf32, #tpu.memory_space<vmem_shared>>
      %dma_start3A_730 = arith.constant 0 : i32
      %dma_start3A_731 = tpu.memref_slice %arg5[%mul3A_664, %dma_start3A_730] : memref<10240x128xf32, #tpu.memory_space<hbm>> -> memref<640x128xf32, #tpu.memory_space<hbm>>
      tpu.enqueue_dma source(%dma_start3A_731 : memref<640x128xf32, #tpu.memory_space<hbm>>) target(%dma_start3A_729 : memref<640x128xf32, #tpu.memory_space<vmem_shared>>) target_semaphore(%run_scoped3A : memref<!tpu.dma_semaphore, #tpu.memory_space<semaphore_mem>>)
      %dma_wait3A_732 = arith.constant 0 : i32
      %dma_wait3A_733 = tpu.memref_slice %arg10[%mul3A_666, %dma_wait3A_732] : memref<10240x128xf32, #tpu.memory_space<vmem_shared>> -> memref<640x128xf32, #tpu.memory_space<vmem_shared>>
      %dma_wait3A_734 = arith.constant 0 : i32
      %dma_wait3A_735 = tpu.memref_slice %arg5[%mul3A_664, %dma_wait3A_734] : memref<10240x128xf32, #tpu.memory_space<hbm>> -> memref<640x128xf32, #tpu.memory_space<hbm>>
      tpu.wait_dma2 semaphore(%run_scoped3A : memref<!tpu.dma_semaphore, #tpu.memory_space<semaphore_mem>>) src(%dma_wait3A_735 : memref<640x128xf32, #tpu.memory_space<hbm>>) dst(%dma_wait3A_733 : memref<640x128xf32, #tpu.memory_space<vmem_shared>>)
      tpu.yield
    }) : () -> ()
    %barrier3A = arith.constant 0 : index
    tpu.barrier barrier_id(%barrier3A)
    %scan3A = arith.constant 0 : i32
    %scan3A_667 = arith.constant 0 : i32
    %scan3A_668 = arith.constant 250 : i32
    %scan3A_669 = arith.addi %scan3A_667, %scan3A_668 : i32
    %scan3A_670 = arith.constant 1 : i32
    scf.for %scan3A_728 = %scan3A_667 to %scan3A_669 step %scan3A_670  : i32 {
      %rem3A = arith.constant 8 : i32
      %rem3A_729 = arith.remsi %scan3A_728, %rem3A : i32
      %rem3A_730 = arith.constant 16 : i32
      %rem3A_731 = arith.remsi %scan3A_728, %rem3A_730 : i32
      %dma_wait3A_732 = arith.constant 0 : i32
      %dma_wait3A_733 = arith.constant 0 : i32
      %dma_wait3A_734 = tpu.memref_slice %arg9[%rem3A_729, %dma_wait3A_732, %dma_wait3A_733] : memref<8x40x128xf32, #tpu.memory_space<vmem>> -> memref<1x40x128xf32, #tpu.memory_space<vmem>>
      %dma_wait3A_735 = tpu.memref_squeeze %dma_wait3A_734 : memref<1x40x128xf32, #tpu.memory_space<vmem>> -> memref<40x128xf32, #tpu.memory_space<vmem>>
      %dma_wait3A_736 = arith.constant 0 : i32
      %dma_wait3A_737 = tpu.memref_slice %arg7[%rem3A_731, %dma_wait3A_736] : memref<16x40xi32, #tpu.memory_space<vmem>> -> memref<1x40xi32, #tpu.memory_space<vmem>>
      %dma_wait3A_738 = tpu.memref_squeeze %dma_wait3A_737 : memref<1x40xi32, #tpu.memory_space<vmem>> -> memref<40xi32, #tpu.memory_space<vmem>>
      %dma_wait3A_739 = arith.constant 0 : i32
      %dma_wait3A_740 = arith.constant 0 : i32
      %dma_wait3A_741 = tpu.memref_slice %arg4[%dma_wait3A_739, %dma_wait3A_740] : memref<10000x128xf32, #tpu.memory_space<hbm>> -> memref<10000x128xf32, #tpu.memory_space<hbm>>
      tpu.wait_indirect_dma semaphore(%arg11 : memref<!tpu.dma_semaphore, #tpu.memory_space<semaphore_mem>>) src(%dma_wait3A_741 : memref<10000x128xf32, #tpu.memory_space<hbm>>) dst(%dma_wait3A_735 : memref<40x128xf32, #tpu.memory_space<vmem>>)
      %rem3A_742 = arith.constant 16 : i32
      %rem3A_743 = arith.remsi %scan3A_728, %rem3A_742 : i32
      %dma_start3A_744 = arith.constant 0 : i32
      %dma_start3A_745 = arith.constant 0 : i32
      %dma_start3A_746 = tpu.memref_slice %arg9[%rem3A_729, %dma_start3A_744, %dma_start3A_745] : memref<8x40x128xf32, #tpu.memory_space<vmem>> -> memref<1x40x128xf32, #tpu.memory_space<vmem>>
      %dma_start3A_747 = tpu.memref_squeeze %dma_start3A_746 : memref<1x40x128xf32, #tpu.memory_space<vmem>> -> memref<40x128xf32, #tpu.memory_space<vmem>>
      %dma_start3A_748 = arith.constant 0 : i32
      %dma_start3A_749 = tpu.memref_slice %arg8[%rem3A_743, %dma_start3A_748] : memref<16x40xi32, #tpu.memory_space<vmem>> -> memref<1x40xi32, #tpu.memory_space<vmem>>
      %dma_start3A_750 = tpu.memref_squeeze %dma_start3A_749 : memref<1x40xi32, #tpu.memory_space<vmem>> -> memref<40xi32, #tpu.memory_space<vmem>>
      %dma_start3A_751 = arith.constant 0 : i32
      %dma_start3A_752 = arith.constant 0 : i32
      %dma_start3A_753 = tpu.memref_slice %arg10[%dma_start3A_751, %dma_start3A_752] : memref<10240x128xf32, #tpu.memory_space<vmem_shared>> -> memref<10240x128xf32, #tpu.memory_space<vmem_shared>>
      tpu.enqueue_indirect_dma source(%dma_start3A_747 : memref<40x128xf32, #tpu.memory_space<vmem>>) target(%dma_start3A_753 : memref<10240x128xf32, #tpu.memory_space<vmem_shared>>) offsets(%dma_start3A_750 : memref<40xi32, #tpu.memory_space<vmem>>) semaphore(%arg12 : memref<!tpu.dma_semaphore, #tpu.memory_space<semaphore_mem>>) {add = true}
      %ge3A = arith.constant 4 : i32
      %ge3A_754 = arith.cmpi sge, %scan3A_728, %ge3A : i32
      %convert_element_type3A = arith.extui %ge3A_754 : i1 to i32
      %cond3A = arith.constant 0 : i32
      %cond3A_755 = arith.cmpi ne, %convert_element_type3A, %cond3A : i32
      scf.if %cond3A_755 {
        %sub3A = arith.constant 4 : i32
        %sub3A_765 = arith.subi %scan3A_728, %sub3A : i32
        %rem3A_766 = arith.constant 8 : i32
        %rem3A_767 = arith.remsi %sub3A_765, %rem3A_766 : i32
        %rem3A_768 = arith.constant 16 : i32
        %rem3A_769 = arith.remsi %sub3A_765, %rem3A_768 : i32
        %dma_wait3A_770 = arith.constant 0 : i32
        %dma_wait3A_771 = arith.constant 0 : i32
        %dma_wait3A_772 = tpu.memref_slice %arg9[%rem3A_767, %dma_wait3A_770, %dma_wait3A_771] : memref<8x40x128xf32, #tpu.memory_space<vmem>> -> memref<1x40x128xf32, #tpu.memory_space<vmem>>
        %dma_wait3A_773 = tpu.memref_squeeze %dma_wait3A_772 : memref<1x40x128xf32, #tpu.memory_space<vmem>> -> memref<40x128xf32, #tpu.memory_space<vmem>>
        %dma_wait3A_774 = arith.constant 0 : i32
        %dma_wait3A_775 = tpu.memref_slice %arg8[%rem3A_769, %dma_wait3A_774] : memref<16x40xi32, #tpu.memory_space<vmem>> -> memref<1x40xi32, #tpu.memory_space<vmem>>
        %dma_wait3A_776 = tpu.memref_squeeze %dma_wait3A_775 : memref<1x40xi32, #tpu.memory_space<vmem>> -> memref<40xi32, #tpu.memory_space<vmem>>
        %dma_wait3A_777 = arith.constant 0 : i32
        %dma_wait3A_778 = arith.constant 0 : i32
        %dma_wait3A_779 = tpu.memref_slice %arg10[%dma_wait3A_777, %dma_wait3A_778] : memref<10240x128xf32, #tpu.memory_space<vmem_shared>> -> memref<10240x128xf32, #tpu.memory_space<vmem_shared>>
        tpu.wait_indirect_dma semaphore(%arg12 : memref<!tpu.dma_semaphore, #tpu.memory_space<semaphore_mem>>) src(%dma_wait3A_773 : memref<40x128xf32, #tpu.memory_space<vmem>>) dst(%dma_wait3A_779 : memref<10240x128xf32, #tpu.memory_space<vmem_shared>>)
      } else {
      }
      %lt3A = arith.constant 240 : i32
      %lt3A_756 = arith.cmpi slt, %scan3A_728, %lt3A : i32
      %convert_element_type3A_757 = arith.extui %lt3A_756 : i1 to i32
      %cond3A_758 = arith.constant 0 : i32
      %cond3A_759 = arith.cmpi ne, %convert_element_type3A_757, %cond3A_758 : i32
      scf.if %cond3A_759 {
        %add3A_765 = arith.constant 10 : i32
        %add3A_766 = arith.addi %scan3A_728, %add3A_765 : i32
        %rem3A_767 = arith.constant 16 : i32
        %rem3A_768 = arith.remsi %add3A_766, %rem3A_767 : i32
        %dma_start3A_769 = arith.constant 0 : i32
        %dma_start3A_770 = tpu.memref_slice %arg7[%rem3A_768, %dma_start3A_769] : memref<16x40xi32, #tpu.memory_space<vmem>> -> memref<1x40xi32, #tpu.memory_space<vmem>>
        %dma_start3A_771 = tpu.memref_squeeze %dma_start3A_770 : memref<1x40xi32, #tpu.memory_space<vmem>> -> memref<40xi32, #tpu.memory_space<vmem>>
        %dma_start3A_772 = arith.constant 0 : i32
        %dma_start3A_773 = arith.constant 0 : i32
        %dma_start3A_774 = tpu.memref_slice %arg2[%add3A, %dma_start3A_772, %dma_start3A_773] : memref<32x250x40xi32, #tpu.memory_space<hbm>> -> memref<1x250x40xi32, #tpu.memory_space<hbm>>
        %dma_start3A_775 = tpu.memref_squeeze %dma_start3A_774 : memref<1x250x40xi32, #tpu.memory_space<hbm>> -> memref<250x40xi32, #tpu.memory_space<hbm>>
        %dma_start3A_776 = arith.constant 0 : i32
        %dma_start3A_777 = tpu.memref_slice %dma_start3A_775[%add3A_766, %dma_start3A_776] : memref<250x40xi32, #tpu.memory_space<hbm>> -> memref<1x40xi32, #tpu.memory_space<hbm>>
        %dma_start3A_778 = tpu.memref_squeeze %dma_start3A_777 : memref<1x40xi32, #tpu.memory_space<hbm>> -> memref<40xi32, #tpu.memory_space<hbm>>
        %dma_start3A_779 = arith.constant 0 : i32
        %dma_start3A_780 = tpu.memref_slice %arg7[%rem3A_768, %dma_start3A_779] : memref<16x40xi32, #tpu.memory_space<vmem>> -> memref<1x40xi32, #tpu.memory_space<vmem>>
        %dma_start3A_781 = tpu.memref_squeeze %dma_start3A_780 : memref<1x40xi32, #tpu.memory_space<vmem>> -> memref<40xi32, #tpu.memory_space<vmem>>
        %dma_start3A_782 = arith.constant 0 : i32
        %dma_start3A_783 = arith.constant 0 : i32
        %dma_start3A_784 = tpu.memref_slice %arg2[%add3A, %dma_start3A_782, %dma_start3A_783] : memref<32x250x40xi32, #tpu.memory_space<hbm>> -> memref<1x250x40xi32, #tpu.memory_space<hbm>>
        %dma_start3A_785 = tpu.memref_squeeze %dma_start3A_784 : memref<1x250x40xi32, #tpu.memory_space<hbm>> -> memref<250x40xi32, #tpu.memory_space<hbm>>
        %dma_start3A_786 = arith.constant 0 : i32
        %dma_start3A_787 = tpu.memref_slice %dma_start3A_785[%add3A_766, %dma_start3A_786] : memref<250x40xi32, #tpu.memory_space<hbm>> -> memref<1x40xi32, #tpu.memory_space<hbm>>
        %dma_start3A_788 = tpu.memref_squeeze %dma_start3A_787 : memref<1x40xi32, #tpu.memory_space<hbm>> -> memref<40xi32, #tpu.memory_space<hbm>>
        tpu.enqueue_dma source(%dma_start3A_788 : memref<40xi32, #tpu.memory_space<hbm>>) target(%dma_start3A_781 : memref<40xi32, #tpu.memory_space<vmem>>) target_semaphore(%arg13 : memref<!tpu.dma_semaphore, #tpu.memory_space<semaphore_mem>>)
        %dma_start3A_789 = arith.constant 0 : i32
        %dma_start3A_790 = tpu.memref_slice %arg8[%rem3A_768, %dma_start3A_789] : memref<16x40xi32, #tpu.memory_space<vmem>> -> memref<1x40xi32, #tpu.memory_space<vmem>>
        %dma_start3A_791 = tpu.memref_squeeze %dma_start3A_790 : memref<1x40xi32, #tpu.memory_space<vmem>> -> memref<40xi32, #tpu.memory_space<vmem>>
        %dma_start3A_792 = arith.constant 0 : i32
        %dma_start3A_793 = arith.constant 0 : i32
        %dma_start3A_794 = tpu.memref_slice %arg3[%add3A, %dma_start3A_792, %dma_start3A_793] : memref<32x250x40xi32, #tpu.memory_space<hbm>> -> memref<1x250x40xi32, #tpu.memory_space<hbm>>
        %dma_start3A_795 = tpu.memref_squeeze %dma_start3A_794 : memref<1x250x40xi32, #tpu.memory_space<hbm>> -> memref<250x40xi32, #tpu.memory_space<hbm>>
        %dma_start3A_796 = arith.constant 0 : i32
        %dma_start3A_797 = tpu.memref_slice %dma_start3A_795[%add3A_766, %dma_start3A_796] : memref<250x40xi32, #tpu.memory_space<hbm>> -> memref<1x40xi32, #tpu.memory_space<hbm>>
        %dma_start3A_798 = tpu.memref_squeeze %dma_start3A_797 : memref<1x40xi32, #tpu.memory_space<hbm>> -> memref<40xi32, #tpu.memory_space<hbm>>
        %dma_start3A_799 = arith.constant 0 : i32
        %dma_start3A_800 = tpu.memref_slice %arg8[%rem3A_768, %dma_start3A_799] : memref<16x40xi32, #tpu.memory_space<vmem>> -> memref<1x40xi32, #tpu.memory_space<vmem>>
        %dma_start3A_801 = tpu.memref_squeeze %dma_start3A_800 : memref<1x40xi32, #tpu.memory_space<vmem>> -> memref<40xi32, #tpu.memory_space<vmem>>
        %dma_start3A_802 = arith.constant 0 : i32
        %dma_start3A_803 = arith.constant 0 : i32
        %dma_start3A_804 = tpu.memref_slice %arg3[%add3A, %dma_start3A_802, %dma_start3A_803] : memref<32x250x40xi32, #tpu.memory_space<hbm>> -> memref<1x250x40xi32, #tpu.memory_space<hbm>>
        %dma_start3A_805 = tpu.memref_squeeze %dma_start3A_804 : memref<1x250x40xi32, #tpu.memory_space<hbm>> -> memref<250x40xi32, #tpu.memory_space<hbm>>
        %dma_start3A_806 = arith.constant 0 : i32
        %dma_start3A_807 = tpu.memref_slice %dma_start3A_805[%add3A_766, %dma_start3A_806] : memref<250x40xi32, #tpu.memory_space<hbm>> -> memref<1x40xi32, #tpu.memory_space<hbm>>
        %dma_start3A_808 = tpu.memref_squeeze %dma_start3A_807 : memref<1x40xi32, #tpu.memory_space<hbm>> -> memref<40xi32, #tpu.memory_space<hbm>>
        tpu.enqueue_dma source(%dma_start3A_808 : memref<40xi32, #tpu.memory_space<hbm>>) target(%dma_start3A_801 : memref<40xi32, #tpu.memory_space<vmem>>) target_semaphore(%arg13 : memref<!tpu.dma_semaphore, #tpu.memory_space<semaphore_mem>>)
      } else {
      }
      %lt3A_760 = arith.constant 246 : i32
      %lt3A_761 = arith.cmpi slt, %scan3A_728, %lt3A_760 : i32
      %convert_element_type3A_762 = arith.extui %lt3A_761 : i1 to i32
      %cond3A_763 = arith.constant 0 : i32
      %cond3A_764 = arith.cmpi ne, %convert_element_type3A_762, %cond3A_763 : i32
      scf.if %cond3A_764 {
        %add3A_765 = arith.constant 4 : i32
        %add3A_766 = arith.addi %scan3A_728, %add3A_765 : i32
        %rem3A_767 = arith.constant 16 : i32
        %rem3A_768 = arith.remsi %add3A_766, %rem3A_767 : i32
        %dma_wait3A_769 = arith.constant 0 : i32
        %dma_wait3A_770 = tpu.memref_slice %arg7[%rem3A_768, %dma_wait3A_769] : memref<16x40xi32, #tpu.memory_space<vmem>> -> memref<1x40xi32, #tpu.memory_space<vmem>>
        %dma_wait3A_771 = tpu.memref_squeeze %dma_wait3A_770 : memref<1x40xi32, #tpu.memory_space<vmem>> -> memref<40xi32, #tpu.memory_space<vmem>>
        %dma_wait3A_772 = arith.constant 0 : i32
        %dma_wait3A_773 = arith.constant 0 : i32
        %dma_wait3A_774 = tpu.memref_slice %arg2[%add3A, %dma_wait3A_772, %dma_wait3A_773] : memref<32x250x40xi32, #tpu.memory_space<hbm>> -> memref<1x250x40xi32, #tpu.memory_space<hbm>>
        %dma_wait3A_775 = tpu.memref_squeeze %dma_wait3A_774 : memref<1x250x40xi32, #tpu.memory_space<hbm>> -> memref<250x40xi32, #tpu.memory_space<hbm>>
        %dma_wait3A_776 = arith.constant 0 : i32
        %dma_wait3A_777 = tpu.memref_slice %dma_wait3A_775[%add3A_766, %dma_wait3A_776] : memref<250x40xi32, #tpu.memory_space<hbm>> -> memref<1x40xi32, #tpu.memory_space<hbm>>
        %dma_wait3A_778 = tpu.memref_squeeze %dma_wait3A_777 : memref<1x40xi32, #tpu.memory_space<hbm>> -> memref<40xi32, #tpu.memory_space<hbm>>
        %dma_wait3A_779 = arith.constant 0 : i32
        %dma_wait3A_780 = tpu.memref_slice %arg7[%rem3A_768, %dma_wait3A_779] : memref<16x40xi32, #tpu.memory_space<vmem>> -> memref<1x40xi32, #tpu.memory_space<vmem>>
        %dma_wait3A_781 = tpu.memref_squeeze %dma_wait3A_780 : memref<1x40xi32, #tpu.memory_space<vmem>> -> memref<40xi32, #tpu.memory_space<vmem>>
        %dma_wait3A_782 = arith.constant 0 : i32
        %dma_wait3A_783 = arith.constant 0 : i32
        %dma_wait3A_784 = tpu.memref_slice %arg2[%add3A, %dma_wait3A_782, %dma_wait3A_783] : memref<32x250x40xi32, #tpu.memory_space<hbm>> -> memref<1x250x40xi32, #tpu.memory_space<hbm>>
        %dma_wait3A_785 = tpu.memref_squeeze %dma_wait3A_784 : memref<1x250x40xi32, #tpu.memory_space<hbm>> -> memref<250x40xi32, #tpu.memory_space<hbm>>
        %dma_wait3A_786 = arith.constant 0 : i32
        %dma_wait3A_787 = tpu.memref_slice %dma_wait3A_785[%add3A_766, %dma_wait3A_786] : memref<250x40xi32, #tpu.memory_space<hbm>> -> memref<1x40xi32, #tpu.memory_space<hbm>>
        %dma_wait3A_788 = tpu.memref_squeeze %dma_wait3A_787 : memref<1x40xi32, #tpu.memory_space<hbm>> -> memref<40xi32, #tpu.memory_space<hbm>>
        tpu.wait_dma2 semaphore(%arg13 : memref<!tpu.dma_semaphore, #tpu.memory_space<semaphore_mem>>) src(%dma_wait3A_788 : memref<40xi32, #tpu.memory_space<hbm>>) dst(%dma_wait3A_781 : memref<40xi32, #tpu.memory_space<vmem>>)
        %dma_wait3A_789 = arith.constant 0 : i32
        %dma_wait3A_790 = tpu.memref_slice %arg8[%rem3A_768, %dma_wait3A_789] : memref<16x40xi32, #tpu.memory_space<vmem>> -> memref<1x40xi32, #tpu.memory_space<vmem>>
        %dma_wait3A_791 = tpu.memref_squeeze %dma_wait3A_790 : memref<1x40xi32, #tpu.memory_space<vmem>> -> memref<40xi32, #tpu.memory_space<vmem>>
        %dma_wait3A_792 = arith.constant 0 : i32
        %dma_wait3A_793 = arith.constant 0 : i32
        %dma_wait3A_794 = tpu.memref_slice %arg3[%add3A, %dma_wait3A_792, %dma_wait3A_793] : memref<32x250x40xi32, #tpu.memory_space<hbm>> -> memref<1x250x40xi32, #tpu.memory_space<hbm>>
        %dma_wait3A_795 = tpu.memref_squeeze %dma_wait3A_794 : memref<1x250x40xi32, #tpu.memory_space<hbm>> -> memref<250x40xi32, #tpu.memory_space<hbm>>
        %dma_wait3A_796 = arith.constant 0 : i32
        %dma_wait3A_797 = tpu.memref_slice %dma_wait3A_795[%add3A_766, %dma_wait3A_796] : memref<250x40xi32, #tpu.memory_space<hbm>> -> memref<1x40xi32, #tpu.memory_space<hbm>>
        %dma_wait3A_798 = tpu.memref_squeeze %dma_wait3A_797 : memref<1x40xi32, #tpu.memory_space<hbm>> -> memref<40xi32, #tpu.memory_space<hbm>>
        %dma_wait3A_799 = arith.constant 0 : i32
        %dma_wait3A_800 = tpu.memref_slice %arg8[%rem3A_768, %dma_wait3A_799] : memref<16x40xi32, #tpu.memory_space<vmem>> -> memref<1x40xi32, #tpu.memory_space<vmem>>
        %dma_wait3A_801 = tpu.memref_squeeze %dma_wait3A_800 : memref<1x40xi32, #tpu.memory_space<vmem>> -> memref<40xi32, #tpu.memory_space<vmem>>
        %dma_wait3A_802 = arith.constant 0 : i32
        %dma_wait3A_803 = arith.constant 0 : i32
        %dma_wait3A_804 = tpu.memref_slice %arg3[%add3A, %dma_wait3A_802, %dma_wait3A_803] : memref<32x250x40xi32, #tpu.memory_space<hbm>> -> memref<1x250x40xi32, #tpu.memory_space<hbm>>
        %dma_wait3A_805 = tpu.memref_squeeze %dma_wait3A_804 : memref<1x250x40xi32, #tpu.memory_space<hbm>> -> memref<250x40xi32, #tpu.memory_space<hbm>>
        %dma_wait3A_806 = arith.constant 0 : i32
        %dma_wait3A_807 = tpu.memref_slice %dma_wait3A_805[%add3A_766, %dma_wait3A_806] : memref<250x40xi32, #tpu.memory_space<hbm>> -> memref<1x40xi32, #tpu.memory_space<hbm>>
        %dma_wait3A_808 = tpu.memref_squeeze %dma_wait3A_807 : memref<1x40xi32, #tpu.memory_space<hbm>> -> memref<40xi32, #tpu.memory_space<hbm>>
        tpu.wait_dma2 semaphore(%arg13 : memref<!tpu.dma_semaphore, #tpu.memory_space<semaphore_mem>>) src(%dma_wait3A_808 : memref<40xi32, #tpu.memory_space<hbm>>) dst(%dma_wait3A_801 : memref<40xi32, #tpu.memory_space<vmem>>)
        %rem3A_809 = arith.constant 8 : i32
        %rem3A_810 = arith.remsi %add3A_766, %rem3A_809 : i32
        %rem3A_811 = arith.constant 16 : i32
        %rem3A_812 = arith.remsi %add3A_766, %rem3A_811 : i32
        %dma_start3A_813 = arith.constant 0 : i32
        %dma_start3A_814 = arith.constant 0 : i32
        %dma_start3A_815 = tpu.memref_slice %arg9[%rem3A_810, %dma_start3A_813, %dma_start3A_814] : memref<8x40x128xf32, #tpu.memory_space<vmem>> -> memref<1x40x128xf32, #tpu.memory_space<vmem>>
        %dma_start3A_816 = tpu.memref_squeeze %dma_start3A_815 : memref<1x40x128xf32, #tpu.memory_space<vmem>> -> memref<40x128xf32, #tpu.memory_space<vmem>>
        %dma_start3A_817 = arith.constant 0 : i32
        %dma_start3A_818 = tpu.memref_slice %arg7[%rem3A_812, %dma_start3A_817] : memref<16x40xi32, #tpu.memory_space<vmem>> -> memref<1x40xi32, #tpu.memory_space<vmem>>
        %dma_start3A_819 = tpu.memref_squeeze %dma_start3A_818 : memref<1x40xi32, #tpu.memory_space<vmem>> -> memref<40xi32, #tpu.memory_space<vmem>>
        %dma_start3A_820 = arith.constant 0 : i32
        %dma_start3A_821 = arith.constant 0 : i32
        %dma_start3A_822 = tpu.memref_slice %arg4[%dma_start3A_820, %dma_start3A_821] : memref<10000x128xf32, #tpu.memory_space<hbm>> -> memref<10000x128xf32, #tpu.memory_space<hbm>>
        tpu.enqueue_indirect_dma source(%dma_start3A_822 : memref<10000x128xf32, #tpu.memory_space<hbm>>) target(%dma_start3A_816 : memref<40x128xf32, #tpu.memory_space<vmem>>) offsets(%dma_start3A_819 : memref<40xi32, #tpu.memory_space<vmem>>) semaphore(%arg11 : memref<!tpu.dma_semaphore, #tpu.memory_space<semaphore_mem>>)
      } else {
      }
    }
    %scan3A_671 = arith.constant 250 : i32
    %dma_wait3A_672 = arith.constant 6 : i32
    %dma_wait3A_673 = arith.constant 6 : i32
    %dma_wait3A_674 = arith.constant 0 : i32
    %dma_wait3A_675 = arith.constant 0 : i32
    %dma_wait3A_676 = tpu.memref_slice %arg9[%dma_wait3A_672, %dma_wait3A_674, %dma_wait3A_675] : memref<8x40x128xf32, #tpu.memory_space<vmem>> -> memref<1x40x128xf32, #tpu.memory_space<vmem>>
    %dma_wait3A_677 = tpu.memref_squeeze %dma_wait3A_676 : memref<1x40x128xf32, #tpu.memory_space<vmem>> -> memref<40x128xf32, #tpu.memory_space<vmem>>
    %dma_wait3A_678 = arith.constant 0 : i32
    %dma_wait3A_679 = tpu.memref_slice %arg8[%dma_wait3A_673, %dma_wait3A_678] : memref<16x40xi32, #tpu.memory_space<vmem>> -> memref<1x40xi32, #tpu.memory_space<vmem>>
    %dma_wait3A_680 = tpu.memref_squeeze %dma_wait3A_679 : memref<1x40xi32, #tpu.memory_space<vmem>> -> memref<40xi32, #tpu.memory_space<vmem>>
    %dma_wait3A_681 = arith.constant 0 : i32
    %dma_wait3A_682 = arith.constant 0 : i32
    %dma_wait3A_683 = tpu.memref_slice %arg10[%dma_wait3A_681, %dma_wait3A_682] : memref<10240x128xf32, #tpu.memory_space<vmem_shared>> -> memref<10240x128xf32, #tpu.memory_space<vmem_shared>>
    tpu.wait_indirect_dma semaphore(%arg12 : memref<!tpu.dma_semaphore, #tpu.memory_space<semaphore_mem>>) src(%dma_wait3A_677 : memref<40x128xf32, #tpu.memory_space<vmem>>) dst(%dma_wait3A_683 : memref<10240x128xf32, #tpu.memory_space<vmem_shared>>)
    %dma_wait3A_684 = arith.constant 7 : i32
    %dma_wait3A_685 = arith.constant 7 : i32
    %dma_wait3A_686 = arith.constant 0 : i32
    %dma_wait3A_687 = arith.constant 0 : i32
    %dma_wait3A_688 = tpu.memref_slice %arg9[%dma_wait3A_684, %dma_wait3A_686, %dma_wait3A_687] : memref<8x40x128xf32, #tpu.memory_space<vmem>> -> memref<1x40x128xf32, #tpu.memory_space<vmem>>
    %dma_wait3A_689 = tpu.memref_squeeze %dma_wait3A_688 : memref<1x40x128xf32, #tpu.memory_space<vmem>> -> memref<40x128xf32, #tpu.memory_space<vmem>>
    %dma_wait3A_690 = arith.constant 0 : i32
    %dma_wait3A_691 = tpu.memref_slice %arg8[%dma_wait3A_685, %dma_wait3A_690] : memref<16x40xi32, #tpu.memory_space<vmem>> -> memref<1x40xi32, #tpu.memory_space<vmem>>
    %dma_wait3A_692 = tpu.memref_squeeze %dma_wait3A_691 : memref<1x40xi32, #tpu.memory_space<vmem>> -> memref<40xi32, #tpu.memory_space<vmem>>
    %dma_wait3A_693 = arith.constant 0 : i32
    %dma_wait3A_694 = arith.constant 0 : i32
    %dma_wait3A_695 = tpu.memref_slice %arg10[%dma_wait3A_693, %dma_wait3A_694] : memref<10240x128xf32, #tpu.memory_space<vmem_shared>> -> memref<10240x128xf32, #tpu.memory_space<vmem_shared>>
    tpu.wait_indirect_dma semaphore(%arg12 : memref<!tpu.dma_semaphore, #tpu.memory_space<semaphore_mem>>) src(%dma_wait3A_689 : memref<40x128xf32, #tpu.memory_space<vmem>>) dst(%dma_wait3A_695 : memref<10240x128xf32, #tpu.memory_space<vmem_shared>>)
    %dma_wait3A_696 = arith.constant 0 : i32
    %dma_wait3A_697 = arith.constant 8 : i32
    %dma_wait3A_698 = arith.constant 0 : i32
    %dma_wait3A_699 = arith.constant 0 : i32
    %dma_wait3A_700 = tpu.memref_slice %arg9[%dma_wait3A_696, %dma_wait3A_698, %dma_wait3A_699] : memref<8x40x128xf32, #tpu.memory_space<vmem>> -> memref<1x40x128xf32, #tpu.memory_space<vmem>>
    %dma_wait3A_701 = tpu.memref_squeeze %dma_wait3A_700 : memref<1x40x128xf32, #tpu.memory_space<vmem>> -> memref<40x128xf32, #tpu.memory_space<vmem>>
    %dma_wait3A_702 = arith.constant 0 : i32
    %dma_wait3A_703 = tpu.memref_slice %arg8[%dma_wait3A_697, %dma_wait3A_702] : memref<16x40xi32, #tpu.memory_space<vmem>> -> memref<1x40xi32, #tpu.memory_space<vmem>>
    %dma_wait3A_704 = tpu.memref_squeeze %dma_wait3A_703 : memref<1x40xi32, #tpu.memory_space<vmem>> -> memref<40xi32, #tpu.memory_space<vmem>>
    %dma_wait3A_705 = arith.constant 0 : i32
    %dma_wait3A_706 = arith.constant 0 : i32
    %dma_wait3A_707 = tpu.memref_slice %arg10[%dma_wait3A_705, %dma_wait3A_706] : memref<10240x128xf32, #tpu.memory_space<vmem_shared>> -> memref<10240x128xf32, #tpu.memory_space<vmem_shared>>
    tpu.wait_indirect_dma semaphore(%arg12 : memref<!tpu.dma_semaphore, #tpu.memory_space<semaphore_mem>>) src(%dma_wait3A_701 : memref<40x128xf32, #tpu.memory_space<vmem>>) dst(%dma_wait3A_707 : memref<10240x128xf32, #tpu.memory_space<vmem_shared>>)
    %dma_wait3A_708 = arith.constant 1 : i32
    %dma_wait3A_709 = arith.constant 9 : i32
    %dma_wait3A_710 = arith.constant 0 : i32
    %dma_wait3A_711 = arith.constant 0 : i32
    %dma_wait3A_712 = tpu.memref_slice %arg9[%dma_wait3A_708, %dma_wait3A_710, %dma_wait3A_711] : memref<8x40x128xf32, #tpu.memory_space<vmem>> -> memref<1x40x128xf32, #tpu.memory_space<vmem>>
    %dma_wait3A_713 = tpu.memref_squeeze %dma_wait3A_712 : memref<1x40x128xf32, #tpu.memory_space<vmem>> -> memref<40x128xf32, #tpu.memory_space<vmem>>
    %dma_wait3A_714 = arith.constant 0 : i32
    %dma_wait3A_715 = tpu.memref_slice %arg8[%dma_wait3A_709, %dma_wait3A_714] : memref<16x40xi32, #tpu.memory_space<vmem>> -> memref<1x40xi32, #tpu.memory_space<vmem>>
    %dma_wait3A_716 = tpu.memref_squeeze %dma_wait3A_715 : memref<1x40xi32, #tpu.memory_space<vmem>> -> memref<40xi32, #tpu.memory_space<vmem>>
    %dma_wait3A_717 = arith.constant 0 : i32
    %dma_wait3A_718 = arith.constant 0 : i32
    %dma_wait3A_719 = tpu.memref_slice %arg10[%dma_wait3A_717, %dma_wait3A_718] : memref<10240x128xf32, #tpu.memory_space<vmem_shared>> -> memref<10240x128xf32, #tpu.memory_space<vmem_shared>>
    tpu.wait_indirect_dma semaphore(%arg12 : memref<!tpu.dma_semaphore, #tpu.memory_space<semaphore_mem>>) src(%dma_wait3A_713 : memref<40x128xf32, #tpu.memory_space<vmem>>) dst(%dma_wait3A_719 : memref<10240x128xf32, #tpu.memory_space<vmem_shared>>)
    %barrier3A_720 = arith.constant 0 : index
    tpu.barrier barrier_id(%barrier3A_720)
    %mul3A_721 = arith.constant 640 : i32
    %mul3A_722 = arith.muli %arg1, %mul3A_721 : i32
    %mul3A_723 = arith.constant 10240 : i32
    %mul3A_724 = arith.muli %arg0, %mul3A_723 : i32
    %mul3A_725 = arith.constant 640 : i32
    %mul3A_726 = arith.muli %arg1, %mul3A_725 : i32
    %add3A_727 = arith.addi %mul3A_724, %mul3A_726 : i32
    "tpu.region"() ({
      %run_scoped3A = tpu.sem_alloc : memref<!tpu.dma_semaphore, #tpu.memory_space<semaphore_mem>>
      %dma_start3A_728 = arith.constant 0 : i32
      %dma_start3A_729 = tpu.memref_slice %arg6[%add3A_727, %dma_start3A_728] : memref<20480x128xf32, #tpu.memory_space<hbm>> -> memref<640x128xf32, #tpu.memory_space<hbm>>
      %dma_start3A_730 = arith.constant 0 : i32
      %dma_start3A_731 = tpu.memref_slice %arg10[%mul3A_722, %dma_start3A_730] : memref<10240x128xf32, #tpu.memory_space<vmem_shared>> -> memref<640x128xf32, #tpu.memory_space<vmem_shared>>
      tpu.enqueue_dma source(%dma_start3A_731 : memref<640x128xf32, #tpu.memory_space<vmem_shared>>) target(%dma_start3A_729 : memref<640x128xf32, #tpu.memory_space<hbm>>) target_semaphore(%run_scoped3A : memref<!tpu.dma_semaphore, #tpu.memory_space<semaphore_mem>>)
      %dma_wait3A_732 = arith.constant 0 : i32
      %dma_wait3A_733 = tpu.memref_slice %arg6[%add3A_727, %dma_wait3A_732] : memref<20480x128xf32, #tpu.memory_space<hbm>> -> memref<640x128xf32, #tpu.memory_space<hbm>>
      %dma_wait3A_734 = arith.constant 0 : i32
      %dma_wait3A_735 = tpu.memref_slice %arg10[%mul3A_722, %dma_wait3A_734] : memref<10240x128xf32, #tpu.memory_space<vmem_shared>> -> memref<640x128xf32, #tpu.memory_space<vmem_shared>>
      tpu.wait_dma2 semaphore(%run_scoped3A : memref<!tpu.dma_semaphore, #tpu.memory_space<semaphore_mem>>) src(%dma_wait3A_735 : memref<640x128xf32, #tpu.memory_space<vmem_shared>>) dst(%dma_wait3A_733 : memref<640x128xf32, #tpu.memory_space<hbm>>)
      tpu.yield
    }) : () -> ()
    return
  }
}

#map = affine_map<(d0, d1) -> (0, 0, 0)>
#map1 = affine_map<(d0, d1) -> (0, 0)>
module attributes {stable_mosaic.version = 14 : i64} {
  func.func @_edge_sum_kernel(%arg0: i32, %arg1: i32, %arg2: memref<32x250x40xi32, #tpu.memory_space<hbm>>, %arg3: memref<32x250x40xi32, #tpu.memory_space<hbm>>, %arg4: memref<10000x128xf32, #tpu.memory_space<hbm>>, %arg5: memref<10240x128xf32, #tpu.memory_space<hbm>>, %arg6: memref<20480x128xf32, #tpu.memory_space<hbm>>, %arg7: memref<16x40xi32, #tpu.memory_space<vmem>>, %arg8: memref<16x40xi32, #tpu.memory_space<vmem>>, %arg9: memref<8x40x128xf32, #tpu.memory_space<vmem>>, %arg10: memref<10240x128xf32, #tpu.memory_space<vmem_shared>>, %arg11: memref<!tpu.dma_semaphore, #tpu.memory_space<semaphore_mem>>, %arg12: memref<!tpu.dma_semaphore, #tpu.memory_space<semaphore_mem>>, %arg13: memref<!tpu.dma_semaphore, #tpu.memory_space<semaphore_mem>>) attributes {dimension_semantics = [#tpu.dimension_semantics<core_parallel>, #tpu.dimension_semantics<subcore_parallel>], iteration_bounds = array<i64: 2, 16>, scalar_prefetch = 0 : i64, scratch_operands = 7 : i64, tpu.core_type = #tpu.core_type<sc_vector_subcore>, window_params = [{transform_indices = #map}, {transform_indices = #map}, {transform_indices = #map1}, {transform_indices = #map1}, {transform_indices = #map1}]} {
    %mul3A = arith.constant 16 : i32
    %mul3A_0 = arith.muli %arg0, %mul3A : i32
    %add3A = arith.addi %mul3A_0, %arg1 : i32
    %dma_start3A = arith.constant 0 : i32
    %dma_start3A_1 = arith.constant 0 : i32
    %dma_start3A_2 = arith.constant 0 : i32
    %dma_start3A_3 = tpu.memref_slice %arg7[%dma_start3A_1, %dma_start3A_2] : memref<16x40xi32, #tpu.memory_space<vmem>> -> memref<1x40xi32, #tpu.memory_space<vmem>>
    %dma_start3A_4 = tpu.memref_squeeze %dma_start3A_3 : memref<1x40xi32, #tpu.memory_space<vmem>> -> memref<40xi32, #tpu.memory_space<vmem>>
    %dma_start3A_5 = arith.constant 0 : i32
    %dma_start3A_6 = arith.constant 0 : i32
    %dma_start3A_7 = tpu.memref_slice %arg2[%add3A, %dma_start3A_5, %dma_start3A_6] : memref<32x250x40xi32, #tpu.memory_space<hbm>> -> memref<1x250x40xi32, #tpu.memory_space<hbm>>
    %dma_start3A_8 = tpu.memref_squeeze %dma_start3A_7 : memref<1x250x40xi32, #tpu.memory_space<hbm>> -> memref<250x40xi32, #tpu.memory_space<hbm>>
    %dma_start3A_9 = arith.constant 0 : i32
    %dma_start3A_10 = tpu.memref_slice %dma_start3A_8[%dma_start3A, %dma_start3A_9] : memref<250x40xi32, #tpu.memory_space<hbm>> -> memref<1x40xi32, #tpu.memory_space<hbm>>
    %dma_start3A_11 = tpu.memref_squeeze %dma_start3A_10 : memref<1x40xi32, #tpu.memory_space<hbm>> -> memref<40xi32, #tpu.memory_space<hbm>>
    %dma_start3A_12 = arith.constant 0 : i32
    %dma_start3A_13 = tpu.memref_slice %arg7[%dma_start3A_1, %dma_start3A_12] : memref<16x40xi32, #tpu.memory_space<vmem>> -> memref<1x40xi32, #tpu.memory_space<vmem>>
    %dma_start3A_14 = tpu.memref_squeeze %dma_start3A_13 : memref<1x40xi32, #tpu.memory_space<vmem>> -> memref<40xi32, #tpu.memory_space<vmem>>
    %dma_start3A_15 = arith.constant 0 : i32
    %dma_start3A_16 = arith.constant 0 : i32
    %dma_start3A_17 = tpu.memref_slice %arg2[%add3A, %dma_start3A_15, %dma_start3A_16] : memref<32x250x40xi32, #tpu.memory_space<hbm>> -> memref<1x250x40xi32, #tpu.memory_space<hbm>>
    %dma_start3A_18 = tpu.memref_squeeze %dma_start3A_17 : memref<1x250x40xi32, #tpu.memory_space<hbm>> -> memref<250x40xi32, #tpu.memory_space<hbm>>
    %dma_start3A_19 = arith.constant 0 : i32
    %dma_start3A_20 = tpu.memref_slice %dma_start3A_18[%dma_start3A, %dma_start3A_19] : memref<250x40xi32, #tpu.memory_space<hbm>> -> memref<1x40xi32, #tpu.memory_space<hbm>>
    %dma_start3A_21 = tpu.memref_squeeze %dma_start3A_20 : memref<1x40xi32, #tpu.memory_space<hbm>> -> memref<40xi32, #tpu.memory_space<hbm>>
    tpu.enqueue_dma source(%dma_start3A_21 : memref<40xi32, #tpu.memory_space<hbm>>) target(%dma_start3A_14 : memref<40xi32, #tpu.memory_space<vmem>>) target_semaphore(%arg13 : memref<!tpu.dma_semaphore, #tpu.memory_space<semaphore_mem>>)
    %dma_start3A_22 = arith.constant 0 : i32
    %dma_start3A_23 = arith.constant 0 : i32
    %dma_start3A_24 = arith.constant 0 : i32
    %dma_start3A_25 = tpu.memref_slice %arg8[%dma_start3A_23, %dma_start3A_24] : memref<16x40xi32, #tpu.memory_space<vmem>> -> memref<1x40xi32, #tpu.memory_space<vmem>>
    %dma_start3A_26 = tpu.memref_squeeze %dma_start3A_25 : memref<1x40xi32, #tpu.memory_space<vmem>> -> memref<40xi32, #tpu.memory_space<vmem>>
    %dma_start3A_27 = arith.constant 0 : i32
    %dma_start3A_28 = arith.constant 0 : i32
    %dma_start3A_29 = tpu.memref_slice %arg3[%add3A, %dma_start3A_27, %dma_start3A_28] : memref<32x250x40xi32, #tpu.memory_space<hbm>> -> memref<1x250x40xi32, #tpu.memory_space<hbm>>
    %dma_start3A_30 = tpu.memref_squeeze %dma_start3A_29 : memref<1x250x40xi32, #tpu.memory_space<hbm>> -> memref<250x40xi32, #tpu.memory_space<hbm>>
    %dma_start3A_31 = arith.constant 0 : i32
    %dma_start3A_32 = tpu.memref_slice %dma_start3A_30[%dma_start3A_22, %dma_start3A_31] : memref<250x40xi32, #tpu.memory_space<hbm>> -> memref<1x40xi32, #tpu.memory_space<hbm>>
    %dma_start3A_33 = tpu.memref_squeeze %dma_start3A_32 : memref<1x40xi32, #tpu.memory_space<hbm>> -> memref<40xi32, #tpu.memory_space<hbm>>
    %dma_start3A_34 = arith.constant 0 : i32
    %dma_start3A_35 = tpu.memref_slice %arg8[%dma_start3A_23, %dma_start3A_34] : memref<16x40xi32, #tpu.memory_space<vmem>> -> memref<1x40xi32, #tpu.memory_space<vmem>>
    %dma_start3A_36 = tpu.memref_squeeze %dma_start3A_35 : memref<1x40xi32, #tpu.memory_space<vmem>> -> memref<40xi32, #tpu.memory_space<vmem>>
    %dma_start3A_37 = arith.constant 0 : i32
    %dma_start3A_38 = arith.constant 0 : i32
    %dma_start3A_39 = tpu.memref_slice %arg3[%add3A, %dma_start3A_37, %dma_start3A_38] : memref<32x250x40xi32, #tpu.memory_space<hbm>> -> memref<1x250x40xi32, #tpu.memory_space<hbm>>
    %dma_start3A_40 = tpu.memref_squeeze %dma_start3A_39 : memref<1x250x40xi32, #tpu.memory_space<hbm>> -> memref<250x40xi32, #tpu.memory_space<hbm>>
    %dma_start3A_41 = arith.constant 0 : i32
    %dma_start3A_42 = tpu.memref_slice %dma_start3A_40[%dma_start3A_22, %dma_start3A_41] : memref<250x40xi32, #tpu.memory_space<hbm>> -> memref<1x40xi32, #tpu.memory_space<hbm>>
    %dma_start3A_43 = tpu.memref_squeeze %dma_start3A_42 : memref<1x40xi32, #tpu.memory_space<hbm>> -> memref<40xi32, #tpu.memory_space<hbm>>
    tpu.enqueue_dma source(%dma_start3A_43 : memref<40xi32, #tpu.memory_space<hbm>>) target(%dma_start3A_36 : memref<40xi32, #tpu.memory_space<vmem>>) target_semaphore(%arg13 : memref<!tpu.dma_semaphore, #tpu.memory_space<semaphore_mem>>)
    %dma_start3A_44 = arith.constant 1 : i32
    %dma_start3A_45 = arith.constant 1 : i32
    %dma_start3A_46 = arith.constant 0 : i32
    %dma_start3A_47 = tpu.memref_slice %arg7[%dma_start3A_45, %dma_start3A_46] : memref<16x40xi32, #tpu.memory_space<vmem>> -> memref<1x40xi32, #tpu.memory_space<vmem>>
    %dma_start3A_48 = tpu.memref_squeeze %dma_start3A_47 : memref<1x40xi32, #tpu.memory_space<vmem>> -> memref<40xi32, #tpu.memory_space<vmem>>
    %dma_start3A_49 = arith.constant 0 : i32
    %dma_start3A_50 = arith.constant 0 : i32
    %dma_start3A_51 = tpu.memref_slice %arg2[%add3A, %dma_start3A_49, %dma_start3A_50] : memref<32x250x40xi32, #tpu.memory_space<hbm>> -> memref<1x250x40xi32, #tpu.memory_space<hbm>>
    %dma_start3A_52 = tpu.memref_squeeze %dma_start3A_51 : memref<1x250x40xi32, #tpu.memory_space<hbm>> -> memref<250x40xi32, #tpu.memory_space<hbm>>
    %dma_start3A_53 = arith.constant 0 : i32
    %dma_start3A_54 = tpu.memref_slice %dma_start3A_52[%dma_start3A_44, %dma_start3A_53] : memref<250x40xi32, #tpu.memory_space<hbm>> -> memref<1x40xi32, #tpu.memory_space<hbm>>
    %dma_start3A_55 = tpu.memref_squeeze %dma_start3A_54 : memref<1x40xi32, #tpu.memory_space<hbm>> -> memref<40xi32, #tpu.memory_space<hbm>>
    %dma_start3A_56 = arith.constant 0 : i32
    %dma_start3A_57 = tpu.memref_slice %arg7[%dma_start3A_45, %dma_start3A_56] : memref<16x40xi32, #tpu.memory_space<vmem>> -> memref<1x40xi32, #tpu.memory_space<vmem>>
    %dma_start3A_58 = tpu.memref_squeeze %dma_start3A_57 : memref<1x40xi32, #tpu.memory_space<vmem>> -> memref<40xi32, #tpu.memory_space<vmem>>
    %dma_start3A_59 = arith.constant 0 : i32
    %dma_start3A_60 = arith.constant 0 : i32
    %dma_start3A_61 = tpu.memref_slice %arg2[%add3A, %dma_start3A_59, %dma_start3A_60] : memref<32x250x40xi32, #tpu.memory_space<hbm>> -> memref<1x250x40xi32, #tpu.memory_space<hbm>>
    %dma_start3A_62 = tpu.memref_squeeze %dma_start3A_61 : memref<1x250x40xi32, #tpu.memory_space<hbm>> -> memref<250x40xi32, #tpu.memory_space<hbm>>
    %dma_start3A_63 = arith.constant 0 : i32
    %dma_start3A_64 = tpu.memref_slice %dma_start3A_62[%dma_start3A_44, %dma_start3A_63] : memref<250x40xi32, #tpu.memory_space<hbm>> -> memref<1x40xi32, #tpu.memory_space<hbm>>
    %dma_start3A_65 = tpu.memref_squeeze %dma_start3A_64 : memref<1x40xi32, #tpu.memory_space<hbm>> -> memref<40xi32, #tpu.memory_space<hbm>>
    tpu.enqueue_dma source(%dma_start3A_65 : memref<40xi32, #tpu.memory_space<hbm>>) target(%dma_start3A_58 : memref<40xi32, #tpu.memory_space<vmem>>) target_semaphore(%arg13 : memref<!tpu.dma_semaphore, #tpu.memory_space<semaphore_mem>>)
    %dma_start3A_66 = arith.constant 1 : i32
    %dma_start3A_67 = arith.constant 1 : i32
    %dma_start3A_68 = arith.constant 0 : i32
    %dma_start3A_69 = tpu.memref_slice %arg8[%dma_start3A_67, %dma_start3A_68] : memref<16x40xi32, #tpu.memory_space<vmem>> -> memref<1x40xi32, #tpu.memory_space<vmem>>
    %dma_start3A_70 = tpu.memref_squeeze %dma_start3A_69 : memref<1x40xi32, #tpu.memory_space<vmem>> -> memref<40xi32, #tpu.memory_space<vmem>>
    %dma_start3A_71 = arith.constant 0 : i32
    %dma_start3A_72 = arith.constant 0 : i32
    %dma_start3A_73 = tpu.memref_slice %arg3[%add3A, %dma_start3A_71, %dma_start3A_72] : memref<32x250x40xi32, #tpu.memory_space<hbm>> -> memref<1x250x40xi32, #tpu.memory_space<hbm>>
    %dma_start3A_74 = tpu.memref_squeeze %dma_start3A_73 : memref<1x250x40xi32, #tpu.memory_space<hbm>> -> memref<250x40xi32, #tpu.memory_space<hbm>>
    %dma_start3A_75 = arith.constant 0 : i32
    %dma_start3A_76 = tpu.memref_slice %dma_start3A_74[%dma_start3A_66, %dma_start3A_75] : memref<250x40xi32, #tpu.memory_space<hbm>> -> memref<1x40xi32, #tpu.memory_space<hbm>>
    %dma_start3A_77 = tpu.memref_squeeze %dma_start3A_76 : memref<1x40xi32, #tpu.memory_space<hbm>> -> memref<40xi32, #tpu.memory_space<hbm>>
    %dma_start3A_78 = arith.constant 0 : i32
    %dma_start3A_79 = tpu.memref_slice %arg8[%dma_start3A_67, %dma_start3A_78] : memref<16x40xi32, #tpu.memory_space<vmem>> -> memref<1x40xi32, #tpu.memory_space<vmem>>
    %dma_start3A_80 = tpu.memref_squeeze %dma_start3A_79 : memref<1x40xi32, #tpu.memory_space<vmem>> -> memref<40xi32, #tpu.memory_space<vmem>>
    %dma_start3A_81 = arith.constant 0 : i32
    %dma_start3A_82 = arith.constant 0 : i32
    %dma_start3A_83 = tpu.memref_slice %arg3[%add3A, %dma_start3A_81, %dma_start3A_82] : memref<32x250x40xi32, #tpu.memory_space<hbm>> -> memref<1x250x40xi32, #tpu.memory_space<hbm>>
    %dma_start3A_84 = tpu.memref_squeeze %dma_start3A_83 : memref<1x250x40xi32, #tpu.memory_space<hbm>> -> memref<250x40xi32, #tpu.memory_space<hbm>>
    %dma_start3A_85 = arith.constant 0 : i32
    %dma_start3A_86 = tpu.memref_slice %dma_start3A_84[%dma_start3A_66, %dma_start3A_85] : memref<250x40xi32, #tpu.memory_space<hbm>> -> memref<1x40xi32, #tpu.memory_space<hbm>>
    %dma_start3A_87 = tpu.memref_squeeze %dma_start3A_86 : memref<1x40xi32, #tpu.memory_space<hbm>> -> memref<40xi32, #tpu.memory_space<hbm>>
    tpu.enqueue_dma source(%dma_start3A_87 : memref<40xi32, #tpu.memory_space<hbm>>) target(%dma_start3A_80 : memref<40xi32, #tpu.memory_space<vmem>>) target_semaphore(%arg13 : memref<!tpu.dma_semaphore, #tpu.memory_space<semaphore_mem>>)
    %dma_start3A_88 = arith.constant 2 : i32
    %dma_start3A_89 = arith.constant 2 : i32
    %dma_start3A_90 = arith.constant 0 : i32
    %dma_start3A_91 = tpu.memref_slice %arg7[%dma_start3A_89, %dma_start3A_90] : memref<16x40xi32, #tpu.memory_space<vmem>> -> memref<1x40xi32, #tpu.memory_space<vmem>>
    %dma_start3A_92 = tpu.memref_squeeze %dma_start3A_91 : memref<1x40xi32, #tpu.memory_space<vmem>> -> memref<40xi32, #tpu.memory_space<vmem>>
    %dma_start3A_93 = arith.constant 0 : i32
    %dma_start3A_94 = arith.constant 0 : i32
    %dma_start3A_95 = tpu.memref_slice %arg2[%add3A, %dma_start3A_93, %dma_start3A_94] : memref<32x250x40xi32, #tpu.memory_space<hbm>> -> memref<1x250x40xi32, #tpu.memory_space<hbm>>
    %dma_start3A_96 = tpu.memref_squeeze %dma_start3A_95 : memref<1x250x40xi32, #tpu.memory_space<hbm>> -> memref<250x40xi32, #tpu.memory_space<hbm>>
    %dma_start3A_97 = arith.constant 0 : i32
    %dma_start3A_98 = tpu.memref_slice %dma_start3A_96[%dma_start3A_88, %dma_start3A_97] : memref<250x40xi32, #tpu.memory_space<hbm>> -> memref<1x40xi32, #tpu.memory_space<hbm>>
    %dma_start3A_99 = tpu.memref_squeeze %dma_start3A_98 : memref<1x40xi32, #tpu.memory_space<hbm>> -> memref<40xi32, #tpu.memory_space<hbm>>
    %dma_start3A_100 = arith.constant 0 : i32
    %dma_start3A_101 = tpu.memref_slice %arg7[%dma_start3A_89, %dma_start3A_100] : memref<16x40xi32, #tpu.memory_space<vmem>> -> memref<1x40xi32, #tpu.memory_space<vmem>>
    %dma_start3A_102 = tpu.memref_squeeze %dma_start3A_101 : memref<1x40xi32, #tpu.memory_space<vmem>> -> memref<40xi32, #tpu.memory_space<vmem>>
    %dma_start3A_103 = arith.constant 0 : i32
    %dma_start3A_104 = arith.constant 0 : i32
    %dma_start3A_105 = tpu.memref_slice %arg2[%add3A, %dma_start3A_103, %dma_start3A_104] : memref<32x250x40xi32, #tpu.memory_space<hbm>> -> memref<1x250x40xi32, #tpu.memory_space<hbm>>
    %dma_start3A_106 = tpu.memref_squeeze %dma_start3A_105 : memref<1x250x40xi32, #tpu.memory_space<hbm>> -> memref<250x40xi32, #tpu.memory_space<hbm>>
    %dma_start3A_107 = arith.constant 0 : i32
    %dma_start3A_108 = tpu.memref_slice %dma_start3A_106[%dma_start3A_88, %dma_start3A_107] : memref<250x40xi32, #tpu.memory_space<hbm>> -> memref<1x40xi32, #tpu.memory_space<hbm>>
    %dma_start3A_109 = tpu.memref_squeeze %dma_start3A_108 : memref<1x40xi32, #tpu.memory_space<hbm>> -> memref<40xi32, #tpu.memory_space<hbm>>
    tpu.enqueue_dma source(%dma_start3A_109 : memref<40xi32, #tpu.memory_space<hbm>>) target(%dma_start3A_102 : memref<40xi32, #tpu.memory_space<vmem>>) target_semaphore(%arg13 : memref<!tpu.dma_semaphore, #tpu.memory_space<semaphore_mem>>)
    %dma_start3A_110 = arith.constant 2 : i32
    %dma_start3A_111 = arith.constant 2 : i32
    %dma_start3A_112 = arith.constant 0 : i32
    %dma_start3A_113 = tpu.memref_slice %arg8[%dma_start3A_111, %dma_start3A_112] : memref<16x40xi32, #tpu.memory_space<vmem>> -> memref<1x40xi32, #tpu.memory_space<vmem>>
    %dma_start3A_114 = tpu.memref_squeeze %dma_start3A_113 : memref<1x40xi32, #tpu.memory_space<vmem>> -> memref<40xi32, #tpu.memory_space<vmem>>
    %dma_start3A_115 = arith.constant 0 : i32
    %dma_start3A_116 = arith.constant 0 : i32
    %dma_start3A_117 = tpu.memref_slice %arg3[%add3A, %dma_start3A_115, %dma_start3A_116] : memref<32x250x40xi32, #tpu.memory_space<hbm>> -> memref<1x250x40xi32, #tpu.memory_space<hbm>>
    %dma_start3A_118 = tpu.memref_squeeze %dma_start3A_117 : memref<1x250x40xi32, #tpu.memory_space<hbm>> -> memref<250x40xi32, #tpu.memory_space<hbm>>
    %dma_start3A_119 = arith.constant 0 : i32
    %dma_start3A_120 = tpu.memref_slice %dma_start3A_118[%dma_start3A_110, %dma_start3A_119] : memref<250x40xi32, #tpu.memory_space<hbm>> -> memref<1x40xi32, #tpu.memory_space<hbm>>
    %dma_start3A_121 = tpu.memref_squeeze %dma_start3A_120 : memref<1x40xi32, #tpu.memory_space<hbm>> -> memref<40xi32, #tpu.memory_space<hbm>>
    %dma_start3A_122 = arith.constant 0 : i32
    %dma_start3A_123 = tpu.memref_slice %arg8[%dma_start3A_111, %dma_start3A_122] : memref<16x40xi32, #tpu.memory_space<vmem>> -> memref<1x40xi32, #tpu.memory_space<vmem>>
    %dma_start3A_124 = tpu.memref_squeeze %dma_start3A_123 : memref<1x40xi32, #tpu.memory_space<vmem>> -> memref<40xi32, #tpu.memory_space<vmem>>
    %dma_start3A_125 = arith.constant 0 : i32
    %dma_start3A_126 = arith.constant 0 : i32
    %dma_start3A_127 = tpu.memref_slice %arg3[%add3A, %dma_start3A_125, %dma_start3A_126] : memref<32x250x40xi32, #tpu.memory_space<hbm>> -> memref<1x250x40xi32, #tpu.memory_space<hbm>>
    %dma_start3A_128 = tpu.memref_squeeze %dma_start3A_127 : memref<1x250x40xi32, #tpu.memory_space<hbm>> -> memref<250x40xi32, #tpu.memory_space<hbm>>
    %dma_start3A_129 = arith.constant 0 : i32
    %dma_start3A_130 = tpu.memref_slice %dma_start3A_128[%dma_start3A_110, %dma_start3A_129] : memref<250x40xi32, #tpu.memory_space<hbm>> -> memref<1x40xi32, #tpu.memory_space<hbm>>
    %dma_start3A_131 = tpu.memref_squeeze %dma_start3A_130 : memref<1x40xi32, #tpu.memory_space<hbm>> -> memref<40xi32, #tpu.memory_space<hbm>>
    tpu.enqueue_dma source(%dma_start3A_131 : memref<40xi32, #tpu.memory_space<hbm>>) target(%dma_start3A_124 : memref<40xi32, #tpu.memory_space<vmem>>) target_semaphore(%arg13 : memref<!tpu.dma_semaphore, #tpu.memory_space<semaphore_mem>>)
    %dma_start3A_132 = arith.constant 3 : i32
    %dma_start3A_133 = arith.constant 3 : i32
    %dma_start3A_134 = arith.constant 0 : i32
    %dma_start3A_135 = tpu.memref_slice %arg7[%dma_start3A_133, %dma_start3A_134] : memref<16x40xi32, #tpu.memory_space<vmem>> -> memref<1x40xi32, #tpu.memory_space<vmem>>
    %dma_start3A_136 = tpu.memref_squeeze %dma_start3A_135 : memref<1x40xi32, #tpu.memory_space<vmem>> -> memref<40xi32, #tpu.memory_space<vmem>>
    %dma_start3A_137 = arith.constant 0 : i32
    %dma_start3A_138 = arith.constant 0 : i32
    %dma_start3A_139 = tpu.memref_slice %arg2[%add3A, %dma_start3A_137, %dma_start3A_138] : memref<32x250x40xi32, #tpu.memory_space<hbm>> -> memref<1x250x40xi32, #tpu.memory_space<hbm>>
    %dma_start3A_140 = tpu.memref_squeeze %dma_start3A_139 : memref<1x250x40xi32, #tpu.memory_space<hbm>> -> memref<250x40xi32, #tpu.memory_space<hbm>>
    %dma_start3A_141 = arith.constant 0 : i32
    %dma_start3A_142 = tpu.memref_slice %dma_start3A_140[%dma_start3A_132, %dma_start3A_141] : memref<250x40xi32, #tpu.memory_space<hbm>> -> memref<1x40xi32, #tpu.memory_space<hbm>>
    %dma_start3A_143 = tpu.memref_squeeze %dma_start3A_142 : memref<1x40xi32, #tpu.memory_space<hbm>> -> memref<40xi32, #tpu.memory_space<hbm>>
    %dma_start3A_144 = arith.constant 0 : i32
    %dma_start3A_145 = tpu.memref_slice %arg7[%dma_start3A_133, %dma_start3A_144] : memref<16x40xi32, #tpu.memory_space<vmem>> -> memref<1x40xi32, #tpu.memory_space<vmem>>
    %dma_start3A_146 = tpu.memref_squeeze %dma_start3A_145 : memref<1x40xi32, #tpu.memory_space<vmem>> -> memref<40xi32, #tpu.memory_space<vmem>>
    %dma_start3A_147 = arith.constant 0 : i32
    %dma_start3A_148 = arith.constant 0 : i32
    %dma_start3A_149 = tpu.memref_slice %arg2[%add3A, %dma_start3A_147, %dma_start3A_148] : memref<32x250x40xi32, #tpu.memory_space<hbm>> -> memref<1x250x40xi32, #tpu.memory_space<hbm>>
    %dma_start3A_150 = tpu.memref_squeeze %dma_start3A_149 : memref<1x250x40xi32, #tpu.memory_space<hbm>> -> memref<250x40xi32, #tpu.memory_space<hbm>>
    %dma_start3A_151 = arith.constant 0 : i32
    %dma_start3A_152 = tpu.memref_slice %dma_start3A_150[%dma_start3A_132, %dma_start3A_151] : memref<250x40xi32, #tpu.memory_space<hbm>> -> memref<1x40xi32, #tpu.memory_space<hbm>>
    %dma_start3A_153 = tpu.memref_squeeze %dma_start3A_152 : memref<1x40xi32, #tpu.memory_space<hbm>> -> memref<40xi32, #tpu.memory_space<hbm>>
    tpu.enqueue_dma source(%dma_start3A_153 : memref<40xi32, #tpu.memory_space<hbm>>) target(%dma_start3A_146 : memref<40xi32, #tpu.memory_space<vmem>>) target_semaphore(%arg13 : memref<!tpu.dma_semaphore, #tpu.memory_space<semaphore_mem>>)
    %dma_start3A_154 = arith.constant 3 : i32
    %dma_start3A_155 = arith.constant 3 : i32
    %dma_start3A_156 = arith.constant 0 : i32
    %dma_start3A_157 = tpu.memref_slice %arg8[%dma_start3A_155, %dma_start3A_156] : memref<16x40xi32, #tpu.memory_space<vmem>> -> memref<1x40xi32, #tpu.memory_space<vmem>>
    %dma_start3A_158 = tpu.memref_squeeze %dma_start3A_157 : memref<1x40xi32, #tpu.memory_space<vmem>> -> memref<40xi32, #tpu.memory_space<vmem>>
    %dma_start3A_159 = arith.constant 0 : i32
    %dma_start3A_160 = arith.constant 0 : i32
    %dma_start3A_161 = tpu.memref_slice %arg3[%add3A, %dma_start3A_159, %dma_start3A_160] : memref<32x250x40xi32, #tpu.memory_space<hbm>> -> memref<1x250x40xi32, #tpu.memory_space<hbm>>
    %dma_start3A_162 = tpu.memref_squeeze %dma_start3A_161 : memref<1x250x40xi32, #tpu.memory_space<hbm>> -> memref<250x40xi32, #tpu.memory_space<hbm>>
    %dma_start3A_163 = arith.constant 0 : i32
    %dma_start3A_164 = tpu.memref_slice %dma_start3A_162[%dma_start3A_154, %dma_start3A_163] : memref<250x40xi32, #tpu.memory_space<hbm>> -> memref<1x40xi32, #tpu.memory_space<hbm>>
    %dma_start3A_165 = tpu.memref_squeeze %dma_start3A_164 : memref<1x40xi32, #tpu.memory_space<hbm>> -> memref<40xi32, #tpu.memory_space<hbm>>
    %dma_start3A_166 = arith.constant 0 : i32
    %dma_start3A_167 = tpu.memref_slice %arg8[%dma_start3A_155, %dma_start3A_166] : memref<16x40xi32, #tpu.memory_space<vmem>> -> memref<1x40xi32, #tpu.memory_space<vmem>>
    %dma_start3A_168 = tpu.memref_squeeze %dma_start3A_167 : memref<1x40xi32, #tpu.memory_space<vmem>> -> memref<40xi32, #tpu.memory_space<vmem>>
    %dma_start3A_169 = arith.constant 0 : i32
    %dma_start3A_170 = arith.constant 0 : i32
    %dma_start3A_171 = tpu.memref_slice %arg3[%add3A, %dma_start3A_169, %dma_start3A_170] : memref<32x250x40xi32, #tpu.memory_space<hbm>> -> memref<1x250x40xi32, #tpu.memory_space<hbm>>
    %dma_start3A_172 = tpu.memref_squeeze %dma_start3A_171 : memref<1x250x40xi32, #tpu.memory_space<hbm>> -> memref<250x40xi32, #tpu.memory_space<hbm>>
    %dma_start3A_173 = arith.constant 0 : i32
    %dma_start3A_174 = tpu.memref_slice %dma_start3A_172[%dma_start3A_154, %dma_start3A_173] : memref<250x40xi32, #tpu.memory_space<hbm>> -> memref<1x40xi32, #tpu.memory_space<hbm>>
    %dma_start3A_175 = tpu.memref_squeeze %dma_start3A_174 : memref<1x40xi32, #tpu.memory_space<hbm>> -> memref<40xi32, #tpu.memory_space<hbm>>
    tpu.enqueue_dma source(%dma_start3A_175 : memref<40xi32, #tpu.memory_space<hbm>>) target(%dma_start3A_168 : memref<40xi32, #tpu.memory_space<vmem>>) target_semaphore(%arg13 : memref<!tpu.dma_semaphore, #tpu.memory_space<semaphore_mem>>)
    %dma_start3A_176 = arith.constant 4 : i32
    %dma_start3A_177 = arith.constant 4 : i32
    %dma_start3A_178 = arith.constant 0 : i32
    %dma_start3A_179 = tpu.memref_slice %arg7[%dma_start3A_177, %dma_start3A_178] : memref<16x40xi32, #tpu.memory_space<vmem>> -> memref<1x40xi32, #tpu.memory_space<vmem>>
    %dma_start3A_180 = tpu.memref_squeeze %dma_start3A_179 : memref<1x40xi32, #tpu.memory_space<vmem>> -> memref<40xi32, #tpu.memory_space<vmem>>
    %dma_start3A_181 = arith.constant 0 : i32
    %dma_start3A_182 = arith.constant 0 : i32
    %dma_start3A_183 = tpu.memref_slice %arg2[%add3A, %dma_start3A_181, %dma_start3A_182] : memref<32x250x40xi32, #tpu.memory_space<hbm>> -> memref<1x250x40xi32, #tpu.memory_space<hbm>>
    %dma_start3A_184 = tpu.memref_squeeze %dma_start3A_183 : memref<1x250x40xi32, #tpu.memory_space<hbm>> -> memref<250x40xi32, #tpu.memory_space<hbm>>
    %dma_start3A_185 = arith.constant 0 : i32
    %dma_start3A_186 = tpu.memref_slice %dma_start3A_184[%dma_start3A_176, %dma_start3A_185] : memref<250x40xi32, #tpu.memory_space<hbm>> -> memref<1x40xi32, #tpu.memory_space<hbm>>
    %dma_start3A_187 = tpu.memref_squeeze %dma_start3A_186 : memref<1x40xi32, #tpu.memory_space<hbm>> -> memref<40xi32, #tpu.memory_space<hbm>>
    %dma_start3A_188 = arith.constant 0 : i32
    %dma_start3A_189 = tpu.memref_slice %arg7[%dma_start3A_177, %dma_start3A_188] : memref<16x40xi32, #tpu.memory_space<vmem>> -> memref<1x40xi32, #tpu.memory_space<vmem>>
    %dma_start3A_190 = tpu.memref_squeeze %dma_start3A_189 : memref<1x40xi32, #tpu.memory_space<vmem>> -> memref<40xi32, #tpu.memory_space<vmem>>
    %dma_start3A_191 = arith.constant 0 : i32
    %dma_start3A_192 = arith.constant 0 : i32
    %dma_start3A_193 = tpu.memref_slice %arg2[%add3A, %dma_start3A_191, %dma_start3A_192] : memref<32x250x40xi32, #tpu.memory_space<hbm>> -> memref<1x250x40xi32, #tpu.memory_space<hbm>>
    %dma_start3A_194 = tpu.memref_squeeze %dma_start3A_193 : memref<1x250x40xi32, #tpu.memory_space<hbm>> -> memref<250x40xi32, #tpu.memory_space<hbm>>
    %dma_start3A_195 = arith.constant 0 : i32
    %dma_start3A_196 = tpu.memref_slice %dma_start3A_194[%dma_start3A_176, %dma_start3A_195] : memref<250x40xi32, #tpu.memory_space<hbm>> -> memref<1x40xi32, #tpu.memory_space<hbm>>
    %dma_start3A_197 = tpu.memref_squeeze %dma_start3A_196 : memref<1x40xi32, #tpu.memory_space<hbm>> -> memref<40xi32, #tpu.memory_space<hbm>>
    tpu.enqueue_dma source(%dma_start3A_197 : memref<40xi32, #tpu.memory_space<hbm>>) target(%dma_start3A_190 : memref<40xi32, #tpu.memory_space<vmem>>) target_semaphore(%arg13 : memref<!tpu.dma_semaphore, #tpu.memory_space<semaphore_mem>>)
    %dma_start3A_198 = arith.constant 4 : i32
    %dma_start3A_199 = arith.constant 4 : i32
    %dma_start3A_200 = arith.constant 0 : i32
    %dma_start3A_201 = tpu.memref_slice %arg8[%dma_start3A_199, %dma_start3A_200] : memref<16x40xi32, #tpu.memory_space<vmem>> -> memref<1x40xi32, #tpu.memory_space<vmem>>
    %dma_start3A_202 = tpu.memref_squeeze %dma_start3A_201 : memref<1x40xi32, #tpu.memory_space<vmem>> -> memref<40xi32, #tpu.memory_space<vmem>>
    %dma_start3A_203 = arith.constant 0 : i32
    %dma_start3A_204 = arith.constant 0 : i32
    %dma_start3A_205 = tpu.memref_slice %arg3[%add3A, %dma_start3A_203, %dma_start3A_204] : memref<32x250x40xi32, #tpu.memory_space<hbm>> -> memref<1x250x40xi32, #tpu.memory_space<hbm>>
    %dma_start3A_206 = tpu.memref_squeeze %dma_start3A_205 : memref<1x250x40xi32, #tpu.memory_space<hbm>> -> memref<250x40xi32, #tpu.memory_space<hbm>>
    %dma_start3A_207 = arith.constant 0 : i32
    %dma_start3A_208 = tpu.memref_slice %dma_start3A_206[%dma_start3A_198, %dma_start3A_207] : memref<250x40xi32, #tpu.memory_space<hbm>> -> memref<1x40xi32, #tpu.memory_space<hbm>>
    %dma_start3A_209 = tpu.memref_squeeze %dma_start3A_208 : memref<1x40xi32, #tpu.memory_space<hbm>> -> memref<40xi32, #tpu.memory_space<hbm>>
    %dma_start3A_210 = arith.constant 0 : i32
    %dma_start3A_211 = tpu.memref_slice %arg8[%dma_start3A_199, %dma_start3A_210] : memref<16x40xi32, #tpu.memory_space<vmem>> -> memref<1x40xi32, #tpu.memory_space<vmem>>
    %dma_start3A_212 = tpu.memref_squeeze %dma_start3A_211 : memref<1x40xi32, #tpu.memory_space<vmem>> -> memref<40xi32, #tpu.memory_space<vmem>>
    %dma_start3A_213 = arith.constant 0 : i32
    %dma_start3A_214 = arith.constant 0 : i32
    %dma_start3A_215 = tpu.memref_slice %arg3[%add3A, %dma_start3A_213, %dma_start3A_214] : memref<32x250x40xi32, #tpu.memory_space<hbm>> -> memref<1x250x40xi32, #tpu.memory_space<hbm>>
    %dma_start3A_216 = tpu.memref_squeeze %dma_start3A_215 : memref<1x250x40xi32, #tpu.memory_space<hbm>> -> memref<250x40xi32, #tpu.memory_space<hbm>>
    %dma_start3A_217 = arith.constant 0 : i32
    %dma_start3A_218 = tpu.memref_slice %dma_start3A_216[%dma_start3A_198, %dma_start3A_217] : memref<250x40xi32, #tpu.memory_space<hbm>> -> memref<1x40xi32, #tpu.memory_space<hbm>>
    %dma_start3A_219 = tpu.memref_squeeze %dma_start3A_218 : memref<1x40xi32, #tpu.memory_space<hbm>> -> memref<40xi32, #tpu.memory_space<hbm>>
    tpu.enqueue_dma source(%dma_start3A_219 : memref<40xi32, #tpu.memory_space<hbm>>) target(%dma_start3A_212 : memref<40xi32, #tpu.memory_space<vmem>>) target_semaphore(%arg13 : memref<!tpu.dma_semaphore, #tpu.memory_space<semaphore_mem>>)
    %dma_start3A_220 = arith.constant 5 : i32
    %dma_start3A_221 = arith.constant 5 : i32
    %dma_start3A_222 = arith.constant 0 : i32
    %dma_start3A_223 = tpu.memref_slice %arg7[%dma_start3A_221, %dma_start3A_222] : memref<16x40xi32, #tpu.memory_space<vmem>> -> memref<1x40xi32, #tpu.memory_space<vmem>>
    %dma_start3A_224 = tpu.memref_squeeze %dma_start3A_223 : memref<1x40xi32, #tpu.memory_space<vmem>> -> memref<40xi32, #tpu.memory_space<vmem>>
    %dma_start3A_225 = arith.constant 0 : i32
    %dma_start3A_226 = arith.constant 0 : i32
    %dma_start3A_227 = tpu.memref_slice %arg2[%add3A, %dma_start3A_225, %dma_start3A_226] : memref<32x250x40xi32, #tpu.memory_space<hbm>> -> memref<1x250x40xi32, #tpu.memory_space<hbm>>
    %dma_start3A_228 = tpu.memref_squeeze %dma_start3A_227 : memref<1x250x40xi32, #tpu.memory_space<hbm>> -> memref<250x40xi32, #tpu.memory_space<hbm>>
    %dma_start3A_229 = arith.constant 0 : i32
    %dma_start3A_230 = tpu.memref_slice %dma_start3A_228[%dma_start3A_220, %dma_start3A_229] : memref<250x40xi32, #tpu.memory_space<hbm>> -> memref<1x40xi32, #tpu.memory_space<hbm>>
    %dma_start3A_231 = tpu.memref_squeeze %dma_start3A_230 : memref<1x40xi32, #tpu.memory_space<hbm>> -> memref<40xi32, #tpu.memory_space<hbm>>
    %dma_start3A_232 = arith.constant 0 : i32
    %dma_start3A_233 = tpu.memref_slice %arg7[%dma_start3A_221, %dma_start3A_232] : memref<16x40xi32, #tpu.memory_space<vmem>> -> memref<1x40xi32, #tpu.memory_space<vmem>>
    %dma_start3A_234 = tpu.memref_squeeze %dma_start3A_233 : memref<1x40xi32, #tpu.memory_space<vmem>> -> memref<40xi32, #tpu.memory_space<vmem>>
    %dma_start3A_235 = arith.constant 0 : i32
    %dma_start3A_236 = arith.constant 0 : i32
    %dma_start3A_237 = tpu.memref_slice %arg2[%add3A, %dma_start3A_235, %dma_start3A_236] : memref<32x250x40xi32, #tpu.memory_space<hbm>> -> memref<1x250x40xi32, #tpu.memory_space<hbm>>
    %dma_start3A_238 = tpu.memref_squeeze %dma_start3A_237 : memref<1x250x40xi32, #tpu.memory_space<hbm>> -> memref<250x40xi32, #tpu.memory_space<hbm>>
    %dma_start3A_239 = arith.constant 0 : i32
    %dma_start3A_240 = tpu.memref_slice %dma_start3A_238[%dma_start3A_220, %dma_start3A_239] : memref<250x40xi32, #tpu.memory_space<hbm>> -> memref<1x40xi32, #tpu.memory_space<hbm>>
    %dma_start3A_241 = tpu.memref_squeeze %dma_start3A_240 : memref<1x40xi32, #tpu.memory_space<hbm>> -> memref<40xi32, #tpu.memory_space<hbm>>
    tpu.enqueue_dma source(%dma_start3A_241 : memref<40xi32, #tpu.memory_space<hbm>>) target(%dma_start3A_234 : memref<40xi32, #tpu.memory_space<vmem>>) target_semaphore(%arg13 : memref<!tpu.dma_semaphore, #tpu.memory_space<semaphore_mem>>)
    %dma_start3A_242 = arith.constant 5 : i32
    %dma_start3A_243 = arith.constant 5 : i32
    %dma_start3A_244 = arith.constant 0 : i32
    %dma_start3A_245 = tpu.memref_slice %arg8[%dma_start3A_243, %dma_start3A_244] : memref<16x40xi32, #tpu.memory_space<vmem>> -> memref<1x40xi32, #tpu.memory_space<vmem>>
    %dma_start3A_246 = tpu.memref_squeeze %dma_start3A_245 : memref<1x40xi32, #tpu.memory_space<vmem>> -> memref<40xi32, #tpu.memory_space<vmem>>
    %dma_start3A_247 = arith.constant 0 : i32
    %dma_start3A_248 = arith.constant 0 : i32
    %dma_start3A_249 = tpu.memref_slice %arg3[%add3A, %dma_start3A_247, %dma_start3A_248] : memref<32x250x40xi32, #tpu.memory_space<hbm>> -> memref<1x250x40xi32, #tpu.memory_space<hbm>>
    %dma_start3A_250 = tpu.memref_squeeze %dma_start3A_249 : memref<1x250x40xi32, #tpu.memory_space<hbm>> -> memref<250x40xi32, #tpu.memory_space<hbm>>
    %dma_start3A_251 = arith.constant 0 : i32
    %dma_start3A_252 = tpu.memref_slice %dma_start3A_250[%dma_start3A_242, %dma_start3A_251] : memref<250x40xi32, #tpu.memory_space<hbm>> -> memref<1x40xi32, #tpu.memory_space<hbm>>
    %dma_start3A_253 = tpu.memref_squeeze %dma_start3A_252 : memref<1x40xi32, #tpu.memory_space<hbm>> -> memref<40xi32, #tpu.memory_space<hbm>>
    %dma_start3A_254 = arith.constant 0 : i32
    %dma_start3A_255 = tpu.memref_slice %arg8[%dma_start3A_243, %dma_start3A_254] : memref<16x40xi32, #tpu.memory_space<vmem>> -> memref<1x40xi32, #tpu.memory_space<vmem>>
    %dma_start3A_256 = tpu.memref_squeeze %dma_start3A_255 : memref<1x40xi32, #tpu.memory_space<vmem>> -> memref<40xi32, #tpu.memory_space<vmem>>
    %dma_start3A_257 = arith.constant 0 : i32
    %dma_start3A_258 = arith.constant 0 : i32
    %dma_start3A_259 = tpu.memref_slice %arg3[%add3A, %dma_start3A_257, %dma_start3A_258] : memref<32x250x40xi32, #tpu.memory_space<hbm>> -> memref<1x250x40xi32, #tpu.memory_space<hbm>>
    %dma_start3A_260 = tpu.memref_squeeze %dma_start3A_259 : memref<1x250x40xi32, #tpu.memory_space<hbm>> -> memref<250x40xi32, #tpu.memory_space<hbm>>
    %dma_start3A_261 = arith.constant 0 : i32
    %dma_start3A_262 = tpu.memref_slice %dma_start3A_260[%dma_start3A_242, %dma_start3A_261] : memref<250x40xi32, #tpu.memory_space<hbm>> -> memref<1x40xi32, #tpu.memory_space<hbm>>
    %dma_start3A_263 = tpu.memref_squeeze %dma_start3A_262 : memref<1x40xi32, #tpu.memory_space<hbm>> -> memref<40xi32, #tpu.memory_space<hbm>>
    tpu.enqueue_dma source(%dma_start3A_263 : memref<40xi32, #tpu.memory_space<hbm>>) target(%dma_start3A_256 : memref<40xi32, #tpu.memory_space<vmem>>) target_semaphore(%arg13 : memref<!tpu.dma_semaphore, #tpu.memory_space<semaphore_mem>>)
    %dma_start3A_264 = arith.constant 6 : i32
    %dma_start3A_265 = arith.constant 6 : i32
    %dma_start3A_266 = arith.constant 0 : i32
    %dma_start3A_267 = tpu.memref_slice %arg7[%dma_start3A_265, %dma_start3A_266] : memref<16x40xi32, #tpu.memory_space<vmem>> -> memref<1x40xi32, #tpu.memory_space<vmem>>
    %dma_start3A_268 = tpu.memref_squeeze %dma_start3A_267 : memref<1x40xi32, #tpu.memory_space<vmem>> -> memref<40xi32, #tpu.memory_space<vmem>>
    %dma_start3A_269 = arith.constant 0 : i32
    %dma_start3A_270 = arith.constant 0 : i32
    %dma_start3A_271 = tpu.memref_slice %arg2[%add3A, %dma_start3A_269, %dma_start3A_270] : memref<32x250x40xi32, #tpu.memory_space<hbm>> -> memref<1x250x40xi32, #tpu.memory_space<hbm>>
    %dma_start3A_272 = tpu.memref_squeeze %dma_start3A_271 : memref<1x250x40xi32, #tpu.memory_space<hbm>> -> memref<250x40xi32, #tpu.memory_space<hbm>>
    %dma_start3A_273 = arith.constant 0 : i32
    %dma_start3A_274 = tpu.memref_slice %dma_start3A_272[%dma_start3A_264, %dma_start3A_273] : memref<250x40xi32, #tpu.memory_space<hbm>> -> memref<1x40xi32, #tpu.memory_space<hbm>>
    %dma_start3A_275 = tpu.memref_squeeze %dma_start3A_274 : memref<1x40xi32, #tpu.memory_space<hbm>> -> memref<40xi32, #tpu.memory_space<hbm>>
    %dma_start3A_276 = arith.constant 0 : i32
    %dma_start3A_277 = tpu.memref_slice %arg7[%dma_start3A_265, %dma_start3A_276] : memref<16x40xi32, #tpu.memory_space<vmem>> -> memref<1x40xi32, #tpu.memory_space<vmem>>
    %dma_start3A_278 = tpu.memref_squeeze %dma_start3A_277 : memref<1x40xi32, #tpu.memory_space<vmem>> -> memref<40xi32, #tpu.memory_space<vmem>>
    %dma_start3A_279 = arith.constant 0 : i32
    %dma_start3A_280 = arith.constant 0 : i32
    %dma_start3A_281 = tpu.memref_slice %arg2[%add3A, %dma_start3A_279, %dma_start3A_280] : memref<32x250x40xi32, #tpu.memory_space<hbm>> -> memref<1x250x40xi32, #tpu.memory_space<hbm>>
    %dma_start3A_282 = tpu.memref_squeeze %dma_start3A_281 : memref<1x250x40xi32, #tpu.memory_space<hbm>> -> memref<250x40xi32, #tpu.memory_space<hbm>>
    %dma_start3A_283 = arith.constant 0 : i32
    %dma_start3A_284 = tpu.memref_slice %dma_start3A_282[%dma_start3A_264, %dma_start3A_283] : memref<250x40xi32, #tpu.memory_space<hbm>> -> memref<1x40xi32, #tpu.memory_space<hbm>>
    %dma_start3A_285 = tpu.memref_squeeze %dma_start3A_284 : memref<1x40xi32, #tpu.memory_space<hbm>> -> memref<40xi32, #tpu.memory_space<hbm>>
    tpu.enqueue_dma source(%dma_start3A_285 : memref<40xi32, #tpu.memory_space<hbm>>) target(%dma_start3A_278 : memref<40xi32, #tpu.memory_space<vmem>>) target_semaphore(%arg13 : memref<!tpu.dma_semaphore, #tpu.memory_space<semaphore_mem>>)
    %dma_start3A_286 = arith.constant 6 : i32
    %dma_start3A_287 = arith.constant 6 : i32
    %dma_start3A_288 = arith.constant 0 : i32
    %dma_start3A_289 = tpu.memref_slice %arg8[%dma_start3A_287, %dma_start3A_288] : memref<16x40xi32, #tpu.memory_space<vmem>> -> memref<1x40xi32, #tpu.memory_space<vmem>>
    %dma_start3A_290 = tpu.memref_squeeze %dma_start3A_289 : memref<1x40xi32, #tpu.memory_space<vmem>> -> memref<40xi32, #tpu.memory_space<vmem>>
    %dma_start3A_291 = arith.constant 0 : i32
    %dma_start3A_292 = arith.constant 0 : i32
    %dma_start3A_293 = tpu.memref_slice %arg3[%add3A, %dma_start3A_291, %dma_start3A_292] : memref<32x250x40xi32, #tpu.memory_space<hbm>> -> memref<1x250x40xi32, #tpu.memory_space<hbm>>
    %dma_start3A_294 = tpu.memref_squeeze %dma_start3A_293 : memref<1x250x40xi32, #tpu.memory_space<hbm>> -> memref<250x40xi32, #tpu.memory_space<hbm>>
    %dma_start3A_295 = arith.constant 0 : i32
    %dma_start3A_296 = tpu.memref_slice %dma_start3A_294[%dma_start3A_286, %dma_start3A_295] : memref<250x40xi32, #tpu.memory_space<hbm>> -> memref<1x40xi32, #tpu.memory_space<hbm>>
    %dma_start3A_297 = tpu.memref_squeeze %dma_start3A_296 : memref<1x40xi32, #tpu.memory_space<hbm>> -> memref<40xi32, #tpu.memory_space<hbm>>
    %dma_start3A_298 = arith.constant 0 : i32
    %dma_start3A_299 = tpu.memref_slice %arg8[%dma_start3A_287, %dma_start3A_298] : memref<16x40xi32, #tpu.memory_space<vmem>> -> memref<1x40xi32, #tpu.memory_space<vmem>>
    %dma_start3A_300 = tpu.memref_squeeze %dma_start3A_299 : memref<1x40xi32, #tpu.memory_space<vmem>> -> memref<40xi32, #tpu.memory_space<vmem>>
    %dma_start3A_301 = arith.constant 0 : i32
    %dma_start3A_302 = arith.constant 0 : i32
    %dma_start3A_303 = tpu.memref_slice %arg3[%add3A, %dma_start3A_301, %dma_start3A_302] : memref<32x250x40xi32, #tpu.memory_space<hbm>> -> memref<1x250x40xi32, #tpu.memory_space<hbm>>
    %dma_start3A_304 = tpu.memref_squeeze %dma_start3A_303 : memref<1x250x40xi32, #tpu.memory_space<hbm>> -> memref<250x40xi32, #tpu.memory_space<hbm>>
    %dma_start3A_305 = arith.constant 0 : i32
    %dma_start3A_306 = tpu.memref_slice %dma_start3A_304[%dma_start3A_286, %dma_start3A_305] : memref<250x40xi32, #tpu.memory_space<hbm>> -> memref<1x40xi32, #tpu.memory_space<hbm>>
    %dma_start3A_307 = tpu.memref_squeeze %dma_start3A_306 : memref<1x40xi32, #tpu.memory_space<hbm>> -> memref<40xi32, #tpu.memory_space<hbm>>
    tpu.enqueue_dma source(%dma_start3A_307 : memref<40xi32, #tpu.memory_space<hbm>>) target(%dma_start3A_300 : memref<40xi32, #tpu.memory_space<vmem>>) target_semaphore(%arg13 : memref<!tpu.dma_semaphore, #tpu.memory_space<semaphore_mem>>)
    %dma_start3A_308 = arith.constant 7 : i32
    %dma_start3A_309 = arith.constant 7 : i32
    %dma_start3A_310 = arith.constant 0 : i32
    %dma_start3A_311 = tpu.memref_slice %arg7[%dma_start3A_309, %dma_start3A_310] : memref<16x40xi32, #tpu.memory_space<vmem>> -> memref<1x40xi32, #tpu.memory_space<vmem>>
    %dma_start3A_312 = tpu.memref_squeeze %dma_start3A_311 : memref<1x40xi32, #tpu.memory_space<vmem>> -> memref<40xi32, #tpu.memory_space<vmem>>
    %dma_start3A_313 = arith.constant 0 : i32
    %dma_start3A_314 = arith.constant 0 : i32
    %dma_start3A_315 = tpu.memref_slice %arg2[%add3A, %dma_start3A_313, %dma_start3A_314] : memref<32x250x40xi32, #tpu.memory_space<hbm>> -> memref<1x250x40xi32, #tpu.memory_space<hbm>>
    %dma_start3A_316 = tpu.memref_squeeze %dma_start3A_315 : memref<1x250x40xi32, #tpu.memory_space<hbm>> -> memref<250x40xi32, #tpu.memory_space<hbm>>
    %dma_start3A_317 = arith.constant 0 : i32
    %dma_start3A_318 = tpu.memref_slice %dma_start3A_316[%dma_start3A_308, %dma_start3A_317] : memref<250x40xi32, #tpu.memory_space<hbm>> -> memref<1x40xi32, #tpu.memory_space<hbm>>
    %dma_start3A_319 = tpu.memref_squeeze %dma_start3A_318 : memref<1x40xi32, #tpu.memory_space<hbm>> -> memref<40xi32, #tpu.memory_space<hbm>>
    %dma_start3A_320 = arith.constant 0 : i32
    %dma_start3A_321 = tpu.memref_slice %arg7[%dma_start3A_309, %dma_start3A_320] : memref<16x40xi32, #tpu.memory_space<vmem>> -> memref<1x40xi32, #tpu.memory_space<vmem>>
    %dma_start3A_322 = tpu.memref_squeeze %dma_start3A_321 : memref<1x40xi32, #tpu.memory_space<vmem>> -> memref<40xi32, #tpu.memory_space<vmem>>
    %dma_start3A_323 = arith.constant 0 : i32
    %dma_start3A_324 = arith.constant 0 : i32
    %dma_start3A_325 = tpu.memref_slice %arg2[%add3A, %dma_start3A_323, %dma_start3A_324] : memref<32x250x40xi32, #tpu.memory_space<hbm>> -> memref<1x250x40xi32, #tpu.memory_space<hbm>>
    %dma_start3A_326 = tpu.memref_squeeze %dma_start3A_325 : memref<1x250x40xi32, #tpu.memory_space<hbm>> -> memref<250x40xi32, #tpu.memory_space<hbm>>
    %dma_start3A_327 = arith.constant 0 : i32
    %dma_start3A_328 = tpu.memref_slice %dma_start3A_326[%dma_start3A_308, %dma_start3A_327] : memref<250x40xi32, #tpu.memory_space<hbm>> -> memref<1x40xi32, #tpu.memory_space<hbm>>
    %dma_start3A_329 = tpu.memref_squeeze %dma_start3A_328 : memref<1x40xi32, #tpu.memory_space<hbm>> -> memref<40xi32, #tpu.memory_space<hbm>>
    tpu.enqueue_dma source(%dma_start3A_329 : memref<40xi32, #tpu.memory_space<hbm>>) target(%dma_start3A_322 : memref<40xi32, #tpu.memory_space<vmem>>) target_semaphore(%arg13 : memref<!tpu.dma_semaphore, #tpu.memory_space<semaphore_mem>>)
    %dma_start3A_330 = arith.constant 7 : i32
    %dma_start3A_331 = arith.constant 7 : i32
    %dma_start3A_332 = arith.constant 0 : i32
    %dma_start3A_333 = tpu.memref_slice %arg8[%dma_start3A_331, %dma_start3A_332] : memref<16x40xi32, #tpu.memory_space<vmem>> -> memref<1x40xi32, #tpu.memory_space<vmem>>
    %dma_start3A_334 = tpu.memref_squeeze %dma_start3A_333 : memref<1x40xi32, #tpu.memory_space<vmem>> -> memref<40xi32, #tpu.memory_space<vmem>>
    %dma_start3A_335 = arith.constant 0 : i32
    %dma_start3A_336 = arith.constant 0 : i32
    %dma_start3A_337 = tpu.memref_slice %arg3[%add3A, %dma_start3A_335, %dma_start3A_336] : memref<32x250x40xi32, #tpu.memory_space<hbm>> -> memref<1x250x40xi32, #tpu.memory_space<hbm>>
    %dma_start3A_338 = tpu.memref_squeeze %dma_start3A_337 : memref<1x250x40xi32, #tpu.memory_space<hbm>> -> memref<250x40xi32, #tpu.memory_space<hbm>>
    %dma_start3A_339 = arith.constant 0 : i32
    %dma_start3A_340 = tpu.memref_slice %dma_start3A_338[%dma_start3A_330, %dma_start3A_339] : memref<250x40xi32, #tpu.memory_space<hbm>> -> memref<1x40xi32, #tpu.memory_space<hbm>>
    %dma_start3A_341 = tpu.memref_squeeze %dma_start3A_340 : memref<1x40xi32, #tpu.memory_space<hbm>> -> memref<40xi32, #tpu.memory_space<hbm>>
    %dma_start3A_342 = arith.constant 0 : i32
    %dma_start3A_343 = tpu.memref_slice %arg8[%dma_start3A_331, %dma_start3A_342] : memref<16x40xi32, #tpu.memory_space<vmem>> -> memref<1x40xi32, #tpu.memory_space<vmem>>
    %dma_start3A_344 = tpu.memref_squeeze %dma_start3A_343 : memref<1x40xi32, #tpu.memory_space<vmem>> -> memref<40xi32, #tpu.memory_space<vmem>>
    %dma_start3A_345 = arith.constant 0 : i32
    %dma_start3A_346 = arith.constant 0 : i32
    %dma_start3A_347 = tpu.memref_slice %arg3[%add3A, %dma_start3A_345, %dma_start3A_346] : memref<32x250x40xi32, #tpu.memory_space<hbm>> -> memref<1x250x40xi32, #tpu.memory_space<hbm>>
    %dma_start3A_348 = tpu.memref_squeeze %dma_start3A_347 : memref<1x250x40xi32, #tpu.memory_space<hbm>> -> memref<250x40xi32, #tpu.memory_space<hbm>>
    %dma_start3A_349 = arith.constant 0 : i32
    %dma_start3A_350 = tpu.memref_slice %dma_start3A_348[%dma_start3A_330, %dma_start3A_349] : memref<250x40xi32, #tpu.memory_space<hbm>> -> memref<1x40xi32, #tpu.memory_space<hbm>>
    %dma_start3A_351 = tpu.memref_squeeze %dma_start3A_350 : memref<1x40xi32, #tpu.memory_space<hbm>> -> memref<40xi32, #tpu.memory_space<hbm>>
    tpu.enqueue_dma source(%dma_start3A_351 : memref<40xi32, #tpu.memory_space<hbm>>) target(%dma_start3A_344 : memref<40xi32, #tpu.memory_space<vmem>>) target_semaphore(%arg13 : memref<!tpu.dma_semaphore, #tpu.memory_space<semaphore_mem>>)
    %dma_start3A_352 = arith.constant 8 : i32
    %dma_start3A_353 = arith.constant 8 : i32
    %dma_start3A_354 = arith.constant 0 : i32
    %dma_start3A_355 = tpu.memref_slice %arg7[%dma_start3A_353, %dma_start3A_354] : memref<16x40xi32, #tpu.memory_space<vmem>> -> memref<1x40xi32, #tpu.memory_space<vmem>>
    %dma_start3A_356 = tpu.memref_squeeze %dma_start3A_355 : memref<1x40xi32, #tpu.memory_space<vmem>> -> memref<40xi32, #tpu.memory_space<vmem>>
    %dma_start3A_357 = arith.constant 0 : i32
    %dma_start3A_358 = arith.constant 0 : i32
    %dma_start3A_359 = tpu.memref_slice %arg2[%add3A, %dma_start3A_357, %dma_start3A_358] : memref<32x250x40xi32, #tpu.memory_space<hbm>> -> memref<1x250x40xi32, #tpu.memory_space<hbm>>
    %dma_start3A_360 = tpu.memref_squeeze %dma_start3A_359 : memref<1x250x40xi32, #tpu.memory_space<hbm>> -> memref<250x40xi32, #tpu.memory_space<hbm>>
    %dma_start3A_361 = arith.constant 0 : i32
    %dma_start3A_362 = tpu.memref_slice %dma_start3A_360[%dma_start3A_352, %dma_start3A_361] : memref<250x40xi32, #tpu.memory_space<hbm>> -> memref<1x40xi32, #tpu.memory_space<hbm>>
    %dma_start3A_363 = tpu.memref_squeeze %dma_start3A_362 : memref<1x40xi32, #tpu.memory_space<hbm>> -> memref<40xi32, #tpu.memory_space<hbm>>
    %dma_start3A_364 = arith.constant 0 : i32
    %dma_start3A_365 = tpu.memref_slice %arg7[%dma_start3A_353, %dma_start3A_364] : memref<16x40xi32, #tpu.memory_space<vmem>> -> memref<1x40xi32, #tpu.memory_space<vmem>>
    %dma_start3A_366 = tpu.memref_squeeze %dma_start3A_365 : memref<1x40xi32, #tpu.memory_space<vmem>> -> memref<40xi32, #tpu.memory_space<vmem>>
    %dma_start3A_367 = arith.constant 0 : i32
    %dma_start3A_368 = arith.constant 0 : i32
    %dma_start3A_369 = tpu.memref_slice %arg2[%add3A, %dma_start3A_367, %dma_start3A_368] : memref<32x250x40xi32, #tpu.memory_space<hbm>> -> memref<1x250x40xi32, #tpu.memory_space<hbm>>
    %dma_start3A_370 = tpu.memref_squeeze %dma_start3A_369 : memref<1x250x40xi32, #tpu.memory_space<hbm>> -> memref<250x40xi32, #tpu.memory_space<hbm>>
    %dma_start3A_371 = arith.constant 0 : i32
    %dma_start3A_372 = tpu.memref_slice %dma_start3A_370[%dma_start3A_352, %dma_start3A_371] : memref<250x40xi32, #tpu.memory_space<hbm>> -> memref<1x40xi32, #tpu.memory_space<hbm>>
    %dma_start3A_373 = tpu.memref_squeeze %dma_start3A_372 : memref<1x40xi32, #tpu.memory_space<hbm>> -> memref<40xi32, #tpu.memory_space<hbm>>
    tpu.enqueue_dma source(%dma_start3A_373 : memref<40xi32, #tpu.memory_space<hbm>>) target(%dma_start3A_366 : memref<40xi32, #tpu.memory_space<vmem>>) target_semaphore(%arg13 : memref<!tpu.dma_semaphore, #tpu.memory_space<semaphore_mem>>)
    %dma_start3A_374 = arith.constant 8 : i32
    %dma_start3A_375 = arith.constant 8 : i32
    %dma_start3A_376 = arith.constant 0 : i32
    %dma_start3A_377 = tpu.memref_slice %arg8[%dma_start3A_375, %dma_start3A_376] : memref<16x40xi32, #tpu.memory_space<vmem>> -> memref<1x40xi32, #tpu.memory_space<vmem>>
    %dma_start3A_378 = tpu.memref_squeeze %dma_start3A_377 : memref<1x40xi32, #tpu.memory_space<vmem>> -> memref<40xi32, #tpu.memory_space<vmem>>
    %dma_start3A_379 = arith.constant 0 : i32
    %dma_start3A_380 = arith.constant 0 : i32
    %dma_start3A_381 = tpu.memref_slice %arg3[%add3A, %dma_start3A_379, %dma_start3A_380] : memref<32x250x40xi32, #tpu.memory_space<hbm>> -> memref<1x250x40xi32, #tpu.memory_space<hbm>>
    %dma_start3A_382 = tpu.memref_squeeze %dma_start3A_381 : memref<1x250x40xi32, #tpu.memory_space<hbm>> -> memref<250x40xi32, #tpu.memory_space<hbm>>
    %dma_start3A_383 = arith.constant 0 : i32
    %dma_start3A_384 = tpu.memref_slice %dma_start3A_382[%dma_start3A_374, %dma_start3A_383] : memref<250x40xi32, #tpu.memory_space<hbm>> -> memref<1x40xi32, #tpu.memory_space<hbm>>
    %dma_start3A_385 = tpu.memref_squeeze %dma_start3A_384 : memref<1x40xi32, #tpu.memory_space<hbm>> -> memref<40xi32, #tpu.memory_space<hbm>>
    %dma_start3A_386 = arith.constant 0 : i32
    %dma_start3A_387 = tpu.memref_slice %arg8[%dma_start3A_375, %dma_start3A_386] : memref<16x40xi32, #tpu.memory_space<vmem>> -> memref<1x40xi32, #tpu.memory_space<vmem>>
    %dma_start3A_388 = tpu.memref_squeeze %dma_start3A_387 : memref<1x40xi32, #tpu.memory_space<vmem>> -> memref<40xi32, #tpu.memory_space<vmem>>
    %dma_start3A_389 = arith.constant 0 : i32
    %dma_start3A_390 = arith.constant 0 : i32
    %dma_start3A_391 = tpu.memref_slice %arg3[%add3A, %dma_start3A_389, %dma_start3A_390] : memref<32x250x40xi32, #tpu.memory_space<hbm>> -> memref<1x250x40xi32, #tpu.memory_space<hbm>>
    %dma_start3A_392 = tpu.memref_squeeze %dma_start3A_391 : memref<1x250x40xi32, #tpu.memory_space<hbm>> -> memref<250x40xi32, #tpu.memory_space<hbm>>
    %dma_start3A_393 = arith.constant 0 : i32
    %dma_start3A_394 = tpu.memref_slice %dma_start3A_392[%dma_start3A_374, %dma_start3A_393] : memref<250x40xi32, #tpu.memory_space<hbm>> -> memref<1x40xi32, #tpu.memory_space<hbm>>
    %dma_start3A_395 = tpu.memref_squeeze %dma_start3A_394 : memref<1x40xi32, #tpu.memory_space<hbm>> -> memref<40xi32, #tpu.memory_space<hbm>>
    tpu.enqueue_dma source(%dma_start3A_395 : memref<40xi32, #tpu.memory_space<hbm>>) target(%dma_start3A_388 : memref<40xi32, #tpu.memory_space<vmem>>) target_semaphore(%arg13 : memref<!tpu.dma_semaphore, #tpu.memory_space<semaphore_mem>>)
    %dma_start3A_396 = arith.constant 9 : i32
    %dma_start3A_397 = arith.constant 9 : i32
    %dma_start3A_398 = arith.constant 0 : i32
    %dma_start3A_399 = tpu.memref_slice %arg7[%dma_start3A_397, %dma_start3A_398] : memref<16x40xi32, #tpu.memory_space<vmem>> -> memref<1x40xi32, #tpu.memory_space<vmem>>
    %dma_start3A_400 = tpu.memref_squeeze %dma_start3A_399 : memref<1x40xi32, #tpu.memory_space<vmem>> -> memref<40xi32, #tpu.memory_space<vmem>>
    %dma_start3A_401 = arith.constant 0 : i32
    %dma_start3A_402 = arith.constant 0 : i32
    %dma_start3A_403 = tpu.memref_slice %arg2[%add3A, %dma_start3A_401, %dma_start3A_402] : memref<32x250x40xi32, #tpu.memory_space<hbm>> -> memref<1x250x40xi32, #tpu.memory_space<hbm>>
    %dma_start3A_404 = tpu.memref_squeeze %dma_start3A_403 : memref<1x250x40xi32, #tpu.memory_space<hbm>> -> memref<250x40xi32, #tpu.memory_space<hbm>>
    %dma_start3A_405 = arith.constant 0 : i32
    %dma_start3A_406 = tpu.memref_slice %dma_start3A_404[%dma_start3A_396, %dma_start3A_405] : memref<250x40xi32, #tpu.memory_space<hbm>> -> memref<1x40xi32, #tpu.memory_space<hbm>>
    %dma_start3A_407 = tpu.memref_squeeze %dma_start3A_406 : memref<1x40xi32, #tpu.memory_space<hbm>> -> memref<40xi32, #tpu.memory_space<hbm>>
    %dma_start3A_408 = arith.constant 0 : i32
    %dma_start3A_409 = tpu.memref_slice %arg7[%dma_start3A_397, %dma_start3A_408] : memref<16x40xi32, #tpu.memory_space<vmem>> -> memref<1x40xi32, #tpu.memory_space<vmem>>
    %dma_start3A_410 = tpu.memref_squeeze %dma_start3A_409 : memref<1x40xi32, #tpu.memory_space<vmem>> -> memref<40xi32, #tpu.memory_space<vmem>>
    %dma_start3A_411 = arith.constant 0 : i32
    %dma_start3A_412 = arith.constant 0 : i32
    %dma_start3A_413 = tpu.memref_slice %arg2[%add3A, %dma_start3A_411, %dma_start3A_412] : memref<32x250x40xi32, #tpu.memory_space<hbm>> -> memref<1x250x40xi32, #tpu.memory_space<hbm>>
    %dma_start3A_414 = tpu.memref_squeeze %dma_start3A_413 : memref<1x250x40xi32, #tpu.memory_space<hbm>> -> memref<250x40xi32, #tpu.memory_space<hbm>>
    %dma_start3A_415 = arith.constant 0 : i32
    %dma_start3A_416 = tpu.memref_slice %dma_start3A_414[%dma_start3A_396, %dma_start3A_415] : memref<250x40xi32, #tpu.memory_space<hbm>> -> memref<1x40xi32, #tpu.memory_space<hbm>>
    %dma_start3A_417 = tpu.memref_squeeze %dma_start3A_416 : memref<1x40xi32, #tpu.memory_space<hbm>> -> memref<40xi32, #tpu.memory_space<hbm>>
    tpu.enqueue_dma source(%dma_start3A_417 : memref<40xi32, #tpu.memory_space<hbm>>) target(%dma_start3A_410 : memref<40xi32, #tpu.memory_space<vmem>>) target_semaphore(%arg13 : memref<!tpu.dma_semaphore, #tpu.memory_space<semaphore_mem>>)
    %dma_start3A_418 = arith.constant 9 : i32
    %dma_start3A_419 = arith.constant 9 : i32
    %dma_start3A_420 = arith.constant 0 : i32
    %dma_start3A_421 = tpu.memref_slice %arg8[%dma_start3A_419, %dma_start3A_420] : memref<16x40xi32, #tpu.memory_space<vmem>> -> memref<1x40xi32, #tpu.memory_space<vmem>>
    %dma_start3A_422 = tpu.memref_squeeze %dma_start3A_421 : memref<1x40xi32, #tpu.memory_space<vmem>> -> memref<40xi32, #tpu.memory_space<vmem>>
    %dma_start3A_423 = arith.constant 0 : i32
    %dma_start3A_424 = arith.constant 0 : i32
    %dma_start3A_425 = tpu.memref_slice %arg3[%add3A, %dma_start3A_423, %dma_start3A_424] : memref<32x250x40xi32, #tpu.memory_space<hbm>> -> memref<1x250x40xi32, #tpu.memory_space<hbm>>
    %dma_start3A_426 = tpu.memref_squeeze %dma_start3A_425 : memref<1x250x40xi32, #tpu.memory_space<hbm>> -> memref<250x40xi32, #tpu.memory_space<hbm>>
    %dma_start3A_427 = arith.constant 0 : i32
    %dma_start3A_428 = tpu.memref_slice %dma_start3A_426[%dma_start3A_418, %dma_start3A_427] : memref<250x40xi32, #tpu.memory_space<hbm>> -> memref<1x40xi32, #tpu.memory_space<hbm>>
    %dma_start3A_429 = tpu.memref_squeeze %dma_start3A_428 : memref<1x40xi32, #tpu.memory_space<hbm>> -> memref<40xi32, #tpu.memory_space<hbm>>
    %dma_start3A_430 = arith.constant 0 : i32
    %dma_start3A_431 = tpu.memref_slice %arg8[%dma_start3A_419, %dma_start3A_430] : memref<16x40xi32, #tpu.memory_space<vmem>> -> memref<1x40xi32, #tpu.memory_space<vmem>>
    %dma_start3A_432 = tpu.memref_squeeze %dma_start3A_431 : memref<1x40xi32, #tpu.memory_space<vmem>> -> memref<40xi32, #tpu.memory_space<vmem>>
    %dma_start3A_433 = arith.constant 0 : i32
    %dma_start3A_434 = arith.constant 0 : i32
    %dma_start3A_435 = tpu.memref_slice %arg3[%add3A, %dma_start3A_433, %dma_start3A_434] : memref<32x250x40xi32, #tpu.memory_space<hbm>> -> memref<1x250x40xi32, #tpu.memory_space<hbm>>
    %dma_start3A_436 = tpu.memref_squeeze %dma_start3A_435 : memref<1x250x40xi32, #tpu.memory_space<hbm>> -> memref<250x40xi32, #tpu.memory_space<hbm>>
    %dma_start3A_437 = arith.constant 0 : i32
    %dma_start3A_438 = tpu.memref_slice %dma_start3A_436[%dma_start3A_418, %dma_start3A_437] : memref<250x40xi32, #tpu.memory_space<hbm>> -> memref<1x40xi32, #tpu.memory_space<hbm>>
    %dma_start3A_439 = tpu.memref_squeeze %dma_start3A_438 : memref<1x40xi32, #tpu.memory_space<hbm>> -> memref<40xi32, #tpu.memory_space<hbm>>
    tpu.enqueue_dma source(%dma_start3A_439 : memref<40xi32, #tpu.memory_space<hbm>>) target(%dma_start3A_432 : memref<40xi32, #tpu.memory_space<vmem>>) target_semaphore(%arg13 : memref<!tpu.dma_semaphore, #tpu.memory_space<semaphore_mem>>)
    %dma_wait3A = arith.constant 0 : i32
    %dma_wait3A_440 = arith.constant 0 : i32
    %dma_wait3A_441 = arith.constant 0 : i32
    %dma_wait3A_442 = tpu.memref_slice %arg7[%dma_wait3A_440, %dma_wait3A_441] : memref<16x40xi32, #tpu.memory_space<vmem>> -> memref<1x40xi32, #tpu.memory_space<vmem>>
    %dma_wait3A_443 = tpu.memref_squeeze %dma_wait3A_442 : memref<1x40xi32, #tpu.memory_space<vmem>> -> memref<40xi32, #tpu.memory_space<vmem>>
    %dma_wait3A_444 = arith.constant 0 : i32
    %dma_wait3A_445 = arith.constant 0 : i32
    %dma_wait3A_446 = tpu.memref_slice %arg2[%add3A, %dma_wait3A_444, %dma_wait3A_445] : memref<32x250x40xi32, #tpu.memory_space<hbm>> -> memref<1x250x40xi32, #tpu.memory_space<hbm>>
    %dma_wait3A_447 = tpu.memref_squeeze %dma_wait3A_446 : memref<1x250x40xi32, #tpu.memory_space<hbm>> -> memref<250x40xi32, #tpu.memory_space<hbm>>
    %dma_wait3A_448 = arith.constant 0 : i32
    %dma_wait3A_449 = tpu.memref_slice %dma_wait3A_447[%dma_wait3A, %dma_wait3A_448] : memref<250x40xi32, #tpu.memory_space<hbm>> -> memref<1x40xi32, #tpu.memory_space<hbm>>
    %dma_wait3A_450 = tpu.memref_squeeze %dma_wait3A_449 : memref<1x40xi32, #tpu.memory_space<hbm>> -> memref<40xi32, #tpu.memory_space<hbm>>
    %dma_wait3A_451 = arith.constant 0 : i32
    %dma_wait3A_452 = tpu.memref_slice %arg7[%dma_wait3A_440, %dma_wait3A_451] : memref<16x40xi32, #tpu.memory_space<vmem>> -> memref<1x40xi32, #tpu.memory_space<vmem>>
    %dma_wait3A_453 = tpu.memref_squeeze %dma_wait3A_452 : memref<1x40xi32, #tpu.memory_space<vmem>> -> memref<40xi32, #tpu.memory_space<vmem>>
    %dma_wait3A_454 = arith.constant 0 : i32
    %dma_wait3A_455 = arith.constant 0 : i32
    %dma_wait3A_456 = tpu.memref_slice %arg2[%add3A, %dma_wait3A_454, %dma_wait3A_455] : memref<32x250x40xi32, #tpu.memory_space<hbm>> -> memref<1x250x40xi32, #tpu.memory_space<hbm>>
    %dma_wait3A_457 = tpu.memref_squeeze %dma_wait3A_456 : memref<1x250x40xi32, #tpu.memory_space<hbm>> -> memref<250x40xi32, #tpu.memory_space<hbm>>
    %dma_wait3A_458 = arith.constant 0 : i32
    %dma_wait3A_459 = tpu.memref_slice %dma_wait3A_457[%dma_wait3A, %dma_wait3A_458] : memref<250x40xi32, #tpu.memory_space<hbm>> -> memref<1x40xi32, #tpu.memory_space<hbm>>
    %dma_wait3A_460 = tpu.memref_squeeze %dma_wait3A_459 : memref<1x40xi32, #tpu.memory_space<hbm>> -> memref<40xi32, #tpu.memory_space<hbm>>
    tpu.wait_dma2 semaphore(%arg13 : memref<!tpu.dma_semaphore, #tpu.memory_space<semaphore_mem>>) src(%dma_wait3A_460 : memref<40xi32, #tpu.memory_space<hbm>>) dst(%dma_wait3A_453 : memref<40xi32, #tpu.memory_space<vmem>>)
    %dma_wait3A_461 = arith.constant 0 : i32
    %dma_wait3A_462 = arith.constant 0 : i32
    %dma_wait3A_463 = arith.constant 0 : i32
    %dma_wait3A_464 = tpu.memref_slice %arg8[%dma_wait3A_462, %dma_wait3A_463] : memref<16x40xi32, #tpu.memory_space<vmem>> -> memref<1x40xi32, #tpu.memory_space<vmem>>
    %dma_wait3A_465 = tpu.memref_squeeze %dma_wait3A_464 : memref<1x40xi32, #tpu.memory_space<vmem>> -> memref<40xi32, #tpu.memory_space<vmem>>
    %dma_wait3A_466 = arith.constant 0 : i32
    %dma_wait3A_467 = arith.constant 0 : i32
    %dma_wait3A_468 = tpu.memref_slice %arg3[%add3A, %dma_wait3A_466, %dma_wait3A_467] : memref<32x250x40xi32, #tpu.memory_space<hbm>> -> memref<1x250x40xi32, #tpu.memory_space<hbm>>
    %dma_wait3A_469 = tpu.memref_squeeze %dma_wait3A_468 : memref<1x250x40xi32, #tpu.memory_space<hbm>> -> memref<250x40xi32, #tpu.memory_space<hbm>>
    %dma_wait3A_470 = arith.constant 0 : i32
    %dma_wait3A_471 = tpu.memref_slice %dma_wait3A_469[%dma_wait3A_461, %dma_wait3A_470] : memref<250x40xi32, #tpu.memory_space<hbm>> -> memref<1x40xi32, #tpu.memory_space<hbm>>
    %dma_wait3A_472 = tpu.memref_squeeze %dma_wait3A_471 : memref<1x40xi32, #tpu.memory_space<hbm>> -> memref<40xi32, #tpu.memory_space<hbm>>
    %dma_wait3A_473 = arith.constant 0 : i32
    %dma_wait3A_474 = tpu.memref_slice %arg8[%dma_wait3A_462, %dma_wait3A_473] : memref<16x40xi32, #tpu.memory_space<vmem>> -> memref<1x40xi32, #tpu.memory_space<vmem>>
    %dma_wait3A_475 = tpu.memref_squeeze %dma_wait3A_474 : memref<1x40xi32, #tpu.memory_space<vmem>> -> memref<40xi32, #tpu.memory_space<vmem>>
    %dma_wait3A_476 = arith.constant 0 : i32
    %dma_wait3A_477 = arith.constant 0 : i32
    %dma_wait3A_478 = tpu.memref_slice %arg3[%add3A, %dma_wait3A_476, %dma_wait3A_477] : memref<32x250x40xi32, #tpu.memory_space<hbm>> -> memref<1x250x40xi32, #tpu.memory_space<hbm>>
    %dma_wait3A_479 = tpu.memref_squeeze %dma_wait3A_478 : memref<1x250x40xi32, #tpu.memory_space<hbm>> -> memref<250x40xi32, #tpu.memory_space<hbm>>
    %dma_wait3A_480 = arith.constant 0 : i32
    %dma_wait3A_481 = tpu.memref_slice %dma_wait3A_479[%dma_wait3A_461, %dma_wait3A_480] : memref<250x40xi32, #tpu.memory_space<hbm>> -> memref<1x40xi32, #tpu.memory_space<hbm>>
    %dma_wait3A_482 = tpu.memref_squeeze %dma_wait3A_481 : memref<1x40xi32, #tpu.memory_space<hbm>> -> memref<40xi32, #tpu.memory_space<hbm>>
    tpu.wait_dma2 semaphore(%arg13 : memref<!tpu.dma_semaphore, #tpu.memory_space<semaphore_mem>>) src(%dma_wait3A_482 : memref<40xi32, #tpu.memory_space<hbm>>) dst(%dma_wait3A_475 : memref<40xi32, #tpu.memory_space<vmem>>)
    %dma_start3A_483 = arith.constant 0 : i32
    %dma_start3A_484 = arith.constant 0 : i32
    %dma_start3A_485 = arith.constant 0 : i32
    %dma_start3A_486 = arith.constant 0 : i32
    %dma_start3A_487 = tpu.memref_slice %arg9[%dma_start3A_484, %dma_start3A_485, %dma_start3A_486] : memref<8x40x128xf32, #tpu.memory_space<vmem>> -> memref<1x40x128xf32, #tpu.memory_space<vmem>>
    %dma_start3A_488 = tpu.memref_squeeze %dma_start3A_487 : memref<1x40x128xf32, #tpu.memory_space<vmem>> -> memref<40x128xf32, #tpu.memory_space<vmem>>
    %dma_start3A_489 = arith.constant 0 : i32
    %dma_start3A_490 = tpu.memref_slice %arg7[%dma_start3A_483, %dma_start3A_489] : memref<16x40xi32, #tpu.memory_space<vmem>> -> memref<1x40xi32, #tpu.memory_space<vmem>>
    %dma_start3A_491 = tpu.memref_squeeze %dma_start3A_490 : memref<1x40xi32, #tpu.memory_space<vmem>> -> memref<40xi32, #tpu.memory_space<vmem>>
    %dma_start3A_492 = arith.constant 0 : i32
    %dma_start3A_493 = arith.constant 0 : i32
    %dma_start3A_494 = tpu.memref_slice %arg4[%dma_start3A_492, %dma_start3A_493] : memref<10000x128xf32, #tpu.memory_space<hbm>> -> memref<10000x128xf32, #tpu.memory_space<hbm>>
    tpu.enqueue_indirect_dma source(%dma_start3A_494 : memref<10000x128xf32, #tpu.memory_space<hbm>>) target(%dma_start3A_488 : memref<40x128xf32, #tpu.memory_space<vmem>>) offsets(%dma_start3A_491 : memref<40xi32, #tpu.memory_space<vmem>>) semaphore(%arg11 : memref<!tpu.dma_semaphore, #tpu.memory_space<semaphore_mem>>)
    %dma_wait3A_495 = arith.constant 1 : i32
    %dma_wait3A_496 = arith.constant 1 : i32
    %dma_wait3A_497 = arith.constant 0 : i32
    %dma_wait3A_498 = tpu.memref_slice %arg7[%dma_wait3A_496, %dma_wait3A_497] : memref<16x40xi32, #tpu.memory_space<vmem>> -> memref<1x40xi32, #tpu.memory_space<vmem>>
    %dma_wait3A_499 = tpu.memref_squeeze %dma_wait3A_498 : memref<1x40xi32, #tpu.memory_space<vmem>> -> memref<40xi32, #tpu.memory_space<vmem>>
    %dma_wait3A_500 = arith.constant 0 : i32
    %dma_wait3A_501 = arith.constant 0 : i32
    %dma_wait3A_502 = tpu.memref_slice %arg2[%add3A, %dma_wait3A_500, %dma_wait3A_501] : memref<32x250x40xi32, #tpu.memory_space<hbm>> -> memref<1x250x40xi32, #tpu.memory_space<hbm>>
    %dma_wait3A_503 = tpu.memref_squeeze %dma_wait3A_502 : memref<1x250x40xi32, #tpu.memory_space<hbm>> -> memref<250x40xi32, #tpu.memory_space<hbm>>
    %dma_wait3A_504 = arith.constant 0 : i32
    %dma_wait3A_505 = tpu.memref_slice %dma_wait3A_503[%dma_wait3A_495, %dma_wait3A_504] : memref<250x40xi32, #tpu.memory_space<hbm>> -> memref<1x40xi32, #tpu.memory_space<hbm>>
    %dma_wait3A_506 = tpu.memref_squeeze %dma_wait3A_505 : memref<1x40xi32, #tpu.memory_space<hbm>> -> memref<40xi32, #tpu.memory_space<hbm>>
    %dma_wait3A_507 = arith.constant 0 : i32
    %dma_wait3A_508 = tpu.memref_slice %arg7[%dma_wait3A_496, %dma_wait3A_507] : memref<16x40xi32, #tpu.memory_space<vmem>> -> memref<1x40xi32, #tpu.memory_space<vmem>>
    %dma_wait3A_509 = tpu.memref_squeeze %dma_wait3A_508 : memref<1x40xi32, #tpu.memory_space<vmem>> -> memref<40xi32, #tpu.memory_space<vmem>>
    %dma_wait3A_510 = arith.constant 0 : i32
    %dma_wait3A_511 = arith.constant 0 : i32
    %dma_wait3A_512 = tpu.memref_slice %arg2[%add3A, %dma_wait3A_510, %dma_wait3A_511] : memref<32x250x40xi32, #tpu.memory_space<hbm>> -> memref<1x250x40xi32, #tpu.memory_space<hbm>>
    %dma_wait3A_513 = tpu.memref_squeeze %dma_wait3A_512 : memref<1x250x40xi32, #tpu.memory_space<hbm>> -> memref<250x40xi32, #tpu.memory_space<hbm>>
    %dma_wait3A_514 = arith.constant 0 : i32
    %dma_wait3A_515 = tpu.memref_slice %dma_wait3A_513[%dma_wait3A_495, %dma_wait3A_514] : memref<250x40xi32, #tpu.memory_space<hbm>> -> memref<1x40xi32, #tpu.memory_space<hbm>>
    %dma_wait3A_516 = tpu.memref_squeeze %dma_wait3A_515 : memref<1x40xi32, #tpu.memory_space<hbm>> -> memref<40xi32, #tpu.memory_space<hbm>>
    tpu.wait_dma2 semaphore(%arg13 : memref<!tpu.dma_semaphore, #tpu.memory_space<semaphore_mem>>) src(%dma_wait3A_516 : memref<40xi32, #tpu.memory_space<hbm>>) dst(%dma_wait3A_509 : memref<40xi32, #tpu.memory_space<vmem>>)
    %dma_wait3A_517 = arith.constant 1 : i32
    %dma_wait3A_518 = arith.constant 1 : i32
    %dma_wait3A_519 = arith.constant 0 : i32
    %dma_wait3A_520 = tpu.memref_slice %arg8[%dma_wait3A_518, %dma_wait3A_519] : memref<16x40xi32, #tpu.memory_space<vmem>> -> memref<1x40xi32, #tpu.memory_space<vmem>>
    %dma_wait3A_521 = tpu.memref_squeeze %dma_wait3A_520 : memref<1x40xi32, #tpu.memory_space<vmem>> -> memref<40xi32, #tpu.memory_space<vmem>>
    %dma_wait3A_522 = arith.constant 0 : i32
    %dma_wait3A_523 = arith.constant 0 : i32
    %dma_wait3A_524 = tpu.memref_slice %arg3[%add3A, %dma_wait3A_522, %dma_wait3A_523] : memref<32x250x40xi32, #tpu.memory_space<hbm>> -> memref<1x250x40xi32, #tpu.memory_space<hbm>>
    %dma_wait3A_525 = tpu.memref_squeeze %dma_wait3A_524 : memref<1x250x40xi32, #tpu.memory_space<hbm>> -> memref<250x40xi32, #tpu.memory_space<hbm>>
    %dma_wait3A_526 = arith.constant 0 : i32
    %dma_wait3A_527 = tpu.memref_slice %dma_wait3A_525[%dma_wait3A_517, %dma_wait3A_526] : memref<250x40xi32, #tpu.memory_space<hbm>> -> memref<1x40xi32, #tpu.memory_space<hbm>>
    %dma_wait3A_528 = tpu.memref_squeeze %dma_wait3A_527 : memref<1x40xi32, #tpu.memory_space<hbm>> -> memref<40xi32, #tpu.memory_space<hbm>>
    %dma_wait3A_529 = arith.constant 0 : i32
    %dma_wait3A_530 = tpu.memref_slice %arg8[%dma_wait3A_518, %dma_wait3A_529] : memref<16x40xi32, #tpu.memory_space<vmem>> -> memref<1x40xi32, #tpu.memory_space<vmem>>
    %dma_wait3A_531 = tpu.memref_squeeze %dma_wait3A_530 : memref<1x40xi32, #tpu.memory_space<vmem>> -> memref<40xi32, #tpu.memory_space<vmem>>
    %dma_wait3A_532 = arith.constant 0 : i32
    %dma_wait3A_533 = arith.constant 0 : i32
    %dma_wait3A_534 = tpu.memref_slice %arg3[%add3A, %dma_wait3A_532, %dma_wait3A_533] : memref<32x250x40xi32, #tpu.memory_space<hbm>> -> memref<1x250x40xi32, #tpu.memory_space<hbm>>
    %dma_wait3A_535 = tpu.memref_squeeze %dma_wait3A_534 : memref<1x250x40xi32, #tpu.memory_space<hbm>> -> memref<250x40xi32, #tpu.memory_space<hbm>>
    %dma_wait3A_536 = arith.constant 0 : i32
    %dma_wait3A_537 = tpu.memref_slice %dma_wait3A_535[%dma_wait3A_517, %dma_wait3A_536] : memref<250x40xi32, #tpu.memory_space<hbm>> -> memref<1x40xi32, #tpu.memory_space<hbm>>
    %dma_wait3A_538 = tpu.memref_squeeze %dma_wait3A_537 : memref<1x40xi32, #tpu.memory_space<hbm>> -> memref<40xi32, #tpu.memory_space<hbm>>
    tpu.wait_dma2 semaphore(%arg13 : memref<!tpu.dma_semaphore, #tpu.memory_space<semaphore_mem>>) src(%dma_wait3A_538 : memref<40xi32, #tpu.memory_space<hbm>>) dst(%dma_wait3A_531 : memref<40xi32, #tpu.memory_space<vmem>>)
    %dma_start3A_539 = arith.constant 1 : i32
    %dma_start3A_540 = arith.constant 1 : i32
    %dma_start3A_541 = arith.constant 0 : i32
    %dma_start3A_542 = arith.constant 0 : i32
    %dma_start3A_543 = tpu.memref_slice %arg9[%dma_start3A_540, %dma_start3A_541, %dma_start3A_542] : memref<8x40x128xf32, #tpu.memory_space<vmem>> -> memref<1x40x128xf32, #tpu.memory_space<vmem>>
    %dma_start3A_544 = tpu.memref_squeeze %dma_start3A_543 : memref<1x40x128xf32, #tpu.memory_space<vmem>> -> memref<40x128xf32, #tpu.memory_space<vmem>>
    %dma_start3A_545 = arith.constant 0 : i32
    %dma_start3A_546 = tpu.memref_slice %arg7[%dma_start3A_539, %dma_start3A_545] : memref<16x40xi32, #tpu.memory_space<vmem>> -> memref<1x40xi32, #tpu.memory_space<vmem>>
    %dma_start3A_547 = tpu.memref_squeeze %dma_start3A_546 : memref<1x40xi32, #tpu.memory_space<vmem>> -> memref<40xi32, #tpu.memory_space<vmem>>
    %dma_start3A_548 = arith.constant 0 : i32
    %dma_start3A_549 = arith.constant 0 : i32
    %dma_start3A_550 = tpu.memref_slice %arg4[%dma_start3A_548, %dma_start3A_549] : memref<10000x128xf32, #tpu.memory_space<hbm>> -> memref<10000x128xf32, #tpu.memory_space<hbm>>
    tpu.enqueue_indirect_dma source(%dma_start3A_550 : memref<10000x128xf32, #tpu.memory_space<hbm>>) target(%dma_start3A_544 : memref<40x128xf32, #tpu.memory_space<vmem>>) offsets(%dma_start3A_547 : memref<40xi32, #tpu.memory_space<vmem>>) semaphore(%arg11 : memref<!tpu.dma_semaphore, #tpu.memory_space<semaphore_mem>>)
    %dma_wait3A_551 = arith.constant 2 : i32
    %dma_wait3A_552 = arith.constant 2 : i32
    %dma_wait3A_553 = arith.constant 0 : i32
    %dma_wait3A_554 = tpu.memref_slice %arg7[%dma_wait3A_552, %dma_wait3A_553] : memref<16x40xi32, #tpu.memory_space<vmem>> -> memref<1x40xi32, #tpu.memory_space<vmem>>
    %dma_wait3A_555 = tpu.memref_squeeze %dma_wait3A_554 : memref<1x40xi32, #tpu.memory_space<vmem>> -> memref<40xi32, #tpu.memory_space<vmem>>
    %dma_wait3A_556 = arith.constant 0 : i32
    %dma_wait3A_557 = arith.constant 0 : i32
    %dma_wait3A_558 = tpu.memref_slice %arg2[%add3A, %dma_wait3A_556, %dma_wait3A_557] : memref<32x250x40xi32, #tpu.memory_space<hbm>> -> memref<1x250x40xi32, #tpu.memory_space<hbm>>
    %dma_wait3A_559 = tpu.memref_squeeze %dma_wait3A_558 : memref<1x250x40xi32, #tpu.memory_space<hbm>> -> memref<250x40xi32, #tpu.memory_space<hbm>>
    %dma_wait3A_560 = arith.constant 0 : i32
    %dma_wait3A_561 = tpu.memref_slice %dma_wait3A_559[%dma_wait3A_551, %dma_wait3A_560] : memref<250x40xi32, #tpu.memory_space<hbm>> -> memref<1x40xi32, #tpu.memory_space<hbm>>
    %dma_wait3A_562 = tpu.memref_squeeze %dma_wait3A_561 : memref<1x40xi32, #tpu.memory_space<hbm>> -> memref<40xi32, #tpu.memory_space<hbm>>
    %dma_wait3A_563 = arith.constant 0 : i32
    %dma_wait3A_564 = tpu.memref_slice %arg7[%dma_wait3A_552, %dma_wait3A_563] : memref<16x40xi32, #tpu.memory_space<vmem>> -> memref<1x40xi32, #tpu.memory_space<vmem>>
    %dma_wait3A_565 = tpu.memref_squeeze %dma_wait3A_564 : memref<1x40xi32, #tpu.memory_space<vmem>> -> memref<40xi32, #tpu.memory_space<vmem>>
    %dma_wait3A_566 = arith.constant 0 : i32
    %dma_wait3A_567 = arith.constant 0 : i32
    %dma_wait3A_568 = tpu.memref_slice %arg2[%add3A, %dma_wait3A_566, %dma_wait3A_567] : memref<32x250x40xi32, #tpu.memory_space<hbm>> -> memref<1x250x40xi32, #tpu.memory_space<hbm>>
    %dma_wait3A_569 = tpu.memref_squeeze %dma_wait3A_568 : memref<1x250x40xi32, #tpu.memory_space<hbm>> -> memref<250x40xi32, #tpu.memory_space<hbm>>
    %dma_wait3A_570 = arith.constant 0 : i32
    %dma_wait3A_571 = tpu.memref_slice %dma_wait3A_569[%dma_wait3A_551, %dma_wait3A_570] : memref<250x40xi32, #tpu.memory_space<hbm>> -> memref<1x40xi32, #tpu.memory_space<hbm>>
    %dma_wait3A_572 = tpu.memref_squeeze %dma_wait3A_571 : memref<1x40xi32, #tpu.memory_space<hbm>> -> memref<40xi32, #tpu.memory_space<hbm>>
    tpu.wait_dma2 semaphore(%arg13 : memref<!tpu.dma_semaphore, #tpu.memory_space<semaphore_mem>>) src(%dma_wait3A_572 : memref<40xi32, #tpu.memory_space<hbm>>) dst(%dma_wait3A_565 : memref<40xi32, #tpu.memory_space<vmem>>)
    %dma_wait3A_573 = arith.constant 2 : i32
    %dma_wait3A_574 = arith.constant 2 : i32
    %dma_wait3A_575 = arith.constant 0 : i32
    %dma_wait3A_576 = tpu.memref_slice %arg8[%dma_wait3A_574, %dma_wait3A_575] : memref<16x40xi32, #tpu.memory_space<vmem>> -> memref<1x40xi32, #tpu.memory_space<vmem>>
    %dma_wait3A_577 = tpu.memref_squeeze %dma_wait3A_576 : memref<1x40xi32, #tpu.memory_space<vmem>> -> memref<40xi32, #tpu.memory_space<vmem>>
    %dma_wait3A_578 = arith.constant 0 : i32
    %dma_wait3A_579 = arith.constant 0 : i32
    %dma_wait3A_580 = tpu.memref_slice %arg3[%add3A, %dma_wait3A_578, %dma_wait3A_579] : memref<32x250x40xi32, #tpu.memory_space<hbm>> -> memref<1x250x40xi32, #tpu.memory_space<hbm>>
    %dma_wait3A_581 = tpu.memref_squeeze %dma_wait3A_580 : memref<1x250x40xi32, #tpu.memory_space<hbm>> -> memref<250x40xi32, #tpu.memory_space<hbm>>
    %dma_wait3A_582 = arith.constant 0 : i32
    %dma_wait3A_583 = tpu.memref_slice %dma_wait3A_581[%dma_wait3A_573, %dma_wait3A_582] : memref<250x40xi32, #tpu.memory_space<hbm>> -> memref<1x40xi32, #tpu.memory_space<hbm>>
    %dma_wait3A_584 = tpu.memref_squeeze %dma_wait3A_583 : memref<1x40xi32, #tpu.memory_space<hbm>> -> memref<40xi32, #tpu.memory_space<hbm>>
    %dma_wait3A_585 = arith.constant 0 : i32
    %dma_wait3A_586 = tpu.memref_slice %arg8[%dma_wait3A_574, %dma_wait3A_585] : memref<16x40xi32, #tpu.memory_space<vmem>> -> memref<1x40xi32, #tpu.memory_space<vmem>>
    %dma_wait3A_587 = tpu.memref_squeeze %dma_wait3A_586 : memref<1x40xi32, #tpu.memory_space<vmem>> -> memref<40xi32, #tpu.memory_space<vmem>>
    %dma_wait3A_588 = arith.constant 0 : i32
    %dma_wait3A_589 = arith.constant 0 : i32
    %dma_wait3A_590 = tpu.memref_slice %arg3[%add3A, %dma_wait3A_588, %dma_wait3A_589] : memref<32x250x40xi32, #tpu.memory_space<hbm>> -> memref<1x250x40xi32, #tpu.memory_space<hbm>>
    %dma_wait3A_591 = tpu.memref_squeeze %dma_wait3A_590 : memref<1x250x40xi32, #tpu.memory_space<hbm>> -> memref<250x40xi32, #tpu.memory_space<hbm>>
    %dma_wait3A_592 = arith.constant 0 : i32
    %dma_wait3A_593 = tpu.memref_slice %dma_wait3A_591[%dma_wait3A_573, %dma_wait3A_592] : memref<250x40xi32, #tpu.memory_space<hbm>> -> memref<1x40xi32, #tpu.memory_space<hbm>>
    %dma_wait3A_594 = tpu.memref_squeeze %dma_wait3A_593 : memref<1x40xi32, #tpu.memory_space<hbm>> -> memref<40xi32, #tpu.memory_space<hbm>>
    tpu.wait_dma2 semaphore(%arg13 : memref<!tpu.dma_semaphore, #tpu.memory_space<semaphore_mem>>) src(%dma_wait3A_594 : memref<40xi32, #tpu.memory_space<hbm>>) dst(%dma_wait3A_587 : memref<40xi32, #tpu.memory_space<vmem>>)
    %dma_start3A_595 = arith.constant 2 : i32
    %dma_start3A_596 = arith.constant 2 : i32
    %dma_start3A_597 = arith.constant 0 : i32
    %dma_start3A_598 = arith.constant 0 : i32
    %dma_start3A_599 = tpu.memref_slice %arg9[%dma_start3A_596, %dma_start3A_597, %dma_start3A_598] : memref<8x40x128xf32, #tpu.memory_space<vmem>> -> memref<1x40x128xf32, #tpu.memory_space<vmem>>
    %dma_start3A_600 = tpu.memref_squeeze %dma_start3A_599 : memref<1x40x128xf32, #tpu.memory_space<vmem>> -> memref<40x128xf32, #tpu.memory_space<vmem>>
    %dma_start3A_601 = arith.constant 0 : i32
    %dma_start3A_602 = tpu.memref_slice %arg7[%dma_start3A_595, %dma_start3A_601] : memref<16x40xi32, #tpu.memory_space<vmem>> -> memref<1x40xi32, #tpu.memory_space<vmem>>
    %dma_start3A_603 = tpu.memref_squeeze %dma_start3A_602 : memref<1x40xi32, #tpu.memory_space<vmem>> -> memref<40xi32, #tpu.memory_space<vmem>>
    %dma_start3A_604 = arith.constant 0 : i32
    %dma_start3A_605 = arith.constant 0 : i32
    %dma_start3A_606 = tpu.memref_slice %arg4[%dma_start3A_604, %dma_start3A_605] : memref<10000x128xf32, #tpu.memory_space<hbm>> -> memref<10000x128xf32, #tpu.memory_space<hbm>>
    tpu.enqueue_indirect_dma source(%dma_start3A_606 : memref<10000x128xf32, #tpu.memory_space<hbm>>) target(%dma_start3A_600 : memref<40x128xf32, #tpu.memory_space<vmem>>) offsets(%dma_start3A_603 : memref<40xi32, #tpu.memory_space<vmem>>) semaphore(%arg11 : memref<!tpu.dma_semaphore, #tpu.memory_space<semaphore_mem>>)
    %dma_wait3A_607 = arith.constant 3 : i32
    %dma_wait3A_608 = arith.constant 3 : i32
    %dma_wait3A_609 = arith.constant 0 : i32
    %dma_wait3A_610 = tpu.memref_slice %arg7[%dma_wait3A_608, %dma_wait3A_609] : memref<16x40xi32, #tpu.memory_space<vmem>> -> memref<1x40xi32, #tpu.memory_space<vmem>>
    %dma_wait3A_611 = tpu.memref_squeeze %dma_wait3A_610 : memref<1x40xi32, #tpu.memory_space<vmem>> -> memref<40xi32, #tpu.memory_space<vmem>>
    %dma_wait3A_612 = arith.constant 0 : i32
    %dma_wait3A_613 = arith.constant 0 : i32
    %dma_wait3A_614 = tpu.memref_slice %arg2[%add3A, %dma_wait3A_612, %dma_wait3A_613] : memref<32x250x40xi32, #tpu.memory_space<hbm>> -> memref<1x250x40xi32, #tpu.memory_space<hbm>>
    %dma_wait3A_615 = tpu.memref_squeeze %dma_wait3A_614 : memref<1x250x40xi32, #tpu.memory_space<hbm>> -> memref<250x40xi32, #tpu.memory_space<hbm>>
    %dma_wait3A_616 = arith.constant 0 : i32
    %dma_wait3A_617 = tpu.memref_slice %dma_wait3A_615[%dma_wait3A_607, %dma_wait3A_616] : memref<250x40xi32, #tpu.memory_space<hbm>> -> memref<1x40xi32, #tpu.memory_space<hbm>>
    %dma_wait3A_618 = tpu.memref_squeeze %dma_wait3A_617 : memref<1x40xi32, #tpu.memory_space<hbm>> -> memref<40xi32, #tpu.memory_space<hbm>>
    %dma_wait3A_619 = arith.constant 0 : i32
    %dma_wait3A_620 = tpu.memref_slice %arg7[%dma_wait3A_608, %dma_wait3A_619] : memref<16x40xi32, #tpu.memory_space<vmem>> -> memref<1x40xi32, #tpu.memory_space<vmem>>
    %dma_wait3A_621 = tpu.memref_squeeze %dma_wait3A_620 : memref<1x40xi32, #tpu.memory_space<vmem>> -> memref<40xi32, #tpu.memory_space<vmem>>
    %dma_wait3A_622 = arith.constant 0 : i32
    %dma_wait3A_623 = arith.constant 0 : i32
    %dma_wait3A_624 = tpu.memref_slice %arg2[%add3A, %dma_wait3A_622, %dma_wait3A_623] : memref<32x250x40xi32, #tpu.memory_space<hbm>> -> memref<1x250x40xi32, #tpu.memory_space<hbm>>
    %dma_wait3A_625 = tpu.memref_squeeze %dma_wait3A_624 : memref<1x250x40xi32, #tpu.memory_space<hbm>> -> memref<250x40xi32, #tpu.memory_space<hbm>>
    %dma_wait3A_626 = arith.constant 0 : i32
    %dma_wait3A_627 = tpu.memref_slice %dma_wait3A_625[%dma_wait3A_607, %dma_wait3A_626] : memref<250x40xi32, #tpu.memory_space<hbm>> -> memref<1x40xi32, #tpu.memory_space<hbm>>
    %dma_wait3A_628 = tpu.memref_squeeze %dma_wait3A_627 : memref<1x40xi32, #tpu.memory_space<hbm>> -> memref<40xi32, #tpu.memory_space<hbm>>
    tpu.wait_dma2 semaphore(%arg13 : memref<!tpu.dma_semaphore, #tpu.memory_space<semaphore_mem>>) src(%dma_wait3A_628 : memref<40xi32, #tpu.memory_space<hbm>>) dst(%dma_wait3A_621 : memref<40xi32, #tpu.memory_space<vmem>>)
    %dma_wait3A_629 = arith.constant 3 : i32
    %dma_wait3A_630 = arith.constant 3 : i32
    %dma_wait3A_631 = arith.constant 0 : i32
    %dma_wait3A_632 = tpu.memref_slice %arg8[%dma_wait3A_630, %dma_wait3A_631] : memref<16x40xi32, #tpu.memory_space<vmem>> -> memref<1x40xi32, #tpu.memory_space<vmem>>
    %dma_wait3A_633 = tpu.memref_squeeze %dma_wait3A_632 : memref<1x40xi32, #tpu.memory_space<vmem>> -> memref<40xi32, #tpu.memory_space<vmem>>
    %dma_wait3A_634 = arith.constant 0 : i32
    %dma_wait3A_635 = arith.constant 0 : i32
    %dma_wait3A_636 = tpu.memref_slice %arg3[%add3A, %dma_wait3A_634, %dma_wait3A_635] : memref<32x250x40xi32, #tpu.memory_space<hbm>> -> memref<1x250x40xi32, #tpu.memory_space<hbm>>
    %dma_wait3A_637 = tpu.memref_squeeze %dma_wait3A_636 : memref<1x250x40xi32, #tpu.memory_space<hbm>> -> memref<250x40xi32, #tpu.memory_space<hbm>>
    %dma_wait3A_638 = arith.constant 0 : i32
    %dma_wait3A_639 = tpu.memref_slice %dma_wait3A_637[%dma_wait3A_629, %dma_wait3A_638] : memref<250x40xi32, #tpu.memory_space<hbm>> -> memref<1x40xi32, #tpu.memory_space<hbm>>
    %dma_wait3A_640 = tpu.memref_squeeze %dma_wait3A_639 : memref<1x40xi32, #tpu.memory_space<hbm>> -> memref<40xi32, #tpu.memory_space<hbm>>
    %dma_wait3A_641 = arith.constant 0 : i32
    %dma_wait3A_642 = tpu.memref_slice %arg8[%dma_wait3A_630, %dma_wait3A_641] : memref<16x40xi32, #tpu.memory_space<vmem>> -> memref<1x40xi32, #tpu.memory_space<vmem>>
    %dma_wait3A_643 = tpu.memref_squeeze %dma_wait3A_642 : memref<1x40xi32, #tpu.memory_space<vmem>> -> memref<40xi32, #tpu.memory_space<vmem>>
    %dma_wait3A_644 = arith.constant 0 : i32
    %dma_wait3A_645 = arith.constant 0 : i32
    %dma_wait3A_646 = tpu.memref_slice %arg3[%add3A, %dma_wait3A_644, %dma_wait3A_645] : memref<32x250x40xi32, #tpu.memory_space<hbm>> -> memref<1x250x40xi32, #tpu.memory_space<hbm>>
    %dma_wait3A_647 = tpu.memref_squeeze %dma_wait3A_646 : memref<1x250x40xi32, #tpu.memory_space<hbm>> -> memref<250x40xi32, #tpu.memory_space<hbm>>
    %dma_wait3A_648 = arith.constant 0 : i32
    %dma_wait3A_649 = tpu.memref_slice %dma_wait3A_647[%dma_wait3A_629, %dma_wait3A_648] : memref<250x40xi32, #tpu.memory_space<hbm>> -> memref<1x40xi32, #tpu.memory_space<hbm>>
    %dma_wait3A_650 = tpu.memref_squeeze %dma_wait3A_649 : memref<1x40xi32, #tpu.memory_space<hbm>> -> memref<40xi32, #tpu.memory_space<hbm>>
    tpu.wait_dma2 semaphore(%arg13 : memref<!tpu.dma_semaphore, #tpu.memory_space<semaphore_mem>>) src(%dma_wait3A_650 : memref<40xi32, #tpu.memory_space<hbm>>) dst(%dma_wait3A_643 : memref<40xi32, #tpu.memory_space<vmem>>)
    %dma_start3A_651 = arith.constant 3 : i32
    %dma_start3A_652 = arith.constant 3 : i32
    %dma_start3A_653 = arith.constant 0 : i32
    %dma_start3A_654 = arith.constant 0 : i32
    %dma_start3A_655 = tpu.memref_slice %arg9[%dma_start3A_652, %dma_start3A_653, %dma_start3A_654] : memref<8x40x128xf32, #tpu.memory_space<vmem>> -> memref<1x40x128xf32, #tpu.memory_space<vmem>>
    %dma_start3A_656 = tpu.memref_squeeze %dma_start3A_655 : memref<1x40x128xf32, #tpu.memory_space<vmem>> -> memref<40x128xf32, #tpu.memory_space<vmem>>
    %dma_start3A_657 = arith.constant 0 : i32
    %dma_start3A_658 = tpu.memref_slice %arg7[%dma_start3A_651, %dma_start3A_657] : memref<16x40xi32, #tpu.memory_space<vmem>> -> memref<1x40xi32, #tpu.memory_space<vmem>>
    %dma_start3A_659 = tpu.memref_squeeze %dma_start3A_658 : memref<1x40xi32, #tpu.memory_space<vmem>> -> memref<40xi32, #tpu.memory_space<vmem>>
    %dma_start3A_660 = arith.constant 0 : i32
    %dma_start3A_661 = arith.constant 0 : i32
    %dma_start3A_662 = tpu.memref_slice %arg4[%dma_start3A_660, %dma_start3A_661] : memref<10000x128xf32, #tpu.memory_space<hbm>> -> memref<10000x128xf32, #tpu.memory_space<hbm>>
    tpu.enqueue_indirect_dma source(%dma_start3A_662 : memref<10000x128xf32, #tpu.memory_space<hbm>>) target(%dma_start3A_656 : memref<40x128xf32, #tpu.memory_space<vmem>>) offsets(%dma_start3A_659 : memref<40xi32, #tpu.memory_space<vmem>>) semaphore(%arg11 : memref<!tpu.dma_semaphore, #tpu.memory_space<semaphore_mem>>)
    %mul3A_663 = arith.constant 640 : i32
    %mul3A_664 = arith.muli %arg1, %mul3A_663 : i32
    %mul3A_665 = arith.constant 640 : i32
    %mul3A_666 = arith.muli %arg1, %mul3A_665 : i32
    "tpu.region"() ({
      %run_scoped3A = tpu.sem_alloc : memref<!tpu.dma_semaphore, #tpu.memory_space<semaphore_mem>>
      %dma_start3A_728 = arith.constant 0 : i32
      %dma_start3A_729 = tpu.memref_slice %arg10[%mul3A_666, %dma_start3A_728] : memref<10240x128xf32, #tpu.memory_space<vmem_shared>> -> memref<640x128xf32, #tpu.memory_space<vmem_shared>>
      %dma_start3A_730 = arith.constant 0 : i32
      %dma_start3A_731 = tpu.memref_slice %arg5[%mul3A_664, %dma_start3A_730] : memref<10240x128xf32, #tpu.memory_space<hbm>> -> memref<640x128xf32, #tpu.memory_space<hbm>>
      tpu.enqueue_dma source(%dma_start3A_731 : memref<640x128xf32, #tpu.memory_space<hbm>>) target(%dma_start3A_729 : memref<640x128xf32, #tpu.memory_space<vmem_shared>>) target_semaphore(%run_scoped3A : memref<!tpu.dma_semaphore, #tpu.memory_space<semaphore_mem>>)
      %dma_wait3A_732 = arith.constant 0 : i32
      %dma_wait3A_733 = tpu.memref_slice %arg10[%mul3A_666, %dma_wait3A_732] : memref<10240x128xf32, #tpu.memory_space<vmem_shared>> -> memref<640x128xf32, #tpu.memory_space<vmem_shared>>
      %dma_wait3A_734 = arith.constant 0 : i32
      %dma_wait3A_735 = tpu.memref_slice %arg5[%mul3A_664, %dma_wait3A_734] : memref<10240x128xf32, #tpu.memory_space<hbm>> -> memref<640x128xf32, #tpu.memory_space<hbm>>
      tpu.wait_dma2 semaphore(%run_scoped3A : memref<!tpu.dma_semaphore, #tpu.memory_space<semaphore_mem>>) src(%dma_wait3A_735 : memref<640x128xf32, #tpu.memory_space<hbm>>) dst(%dma_wait3A_733 : memref<640x128xf32, #tpu.memory_space<vmem_shared>>)
      tpu.yield
    }) : () -> ()
    %barrier3A = arith.constant 0 : index
    tpu.barrier barrier_id(%barrier3A)
    %scan3A = arith.constant 0 : i32
    %scan3A_667 = arith.constant 0 : i32
    %scan3A_668 = arith.constant 250 : i32
    %scan3A_669 = arith.addi %scan3A_667, %scan3A_668 : i32
    %scan3A_670 = arith.constant 1 : i32
    scf.for %scan3A_728 = %scan3A_667 to %scan3A_669 step %scan3A_670  : i32 {
      %rem3A = arith.constant 8 : i32
      %rem3A_729 = arith.remsi %scan3A_728, %rem3A : i32
      %rem3A_730 = arith.constant 16 : i32
      %rem3A_731 = arith.remsi %scan3A_728, %rem3A_730 : i32
      %dma_wait3A_732 = arith.constant 0 : i32
      %dma_wait3A_733 = arith.constant 0 : i32
      %dma_wait3A_734 = tpu.memref_slice %arg9[%rem3A_729, %dma_wait3A_732, %dma_wait3A_733] : memref<8x40x128xf32, #tpu.memory_space<vmem>> -> memref<1x40x128xf32, #tpu.memory_space<vmem>>
      %dma_wait3A_735 = tpu.memref_squeeze %dma_wait3A_734 : memref<1x40x128xf32, #tpu.memory_space<vmem>> -> memref<40x128xf32, #tpu.memory_space<vmem>>
      %dma_wait3A_736 = arith.constant 0 : i32
      %dma_wait3A_737 = tpu.memref_slice %arg7[%rem3A_731, %dma_wait3A_736] : memref<16x40xi32, #tpu.memory_space<vmem>> -> memref<1x40xi32, #tpu.memory_space<vmem>>
      %dma_wait3A_738 = tpu.memref_squeeze %dma_wait3A_737 : memref<1x40xi32, #tpu.memory_space<vmem>> -> memref<40xi32, #tpu.memory_space<vmem>>
      %dma_wait3A_739 = arith.constant 0 : i32
      %dma_wait3A_740 = arith.constant 0 : i32
      %dma_wait3A_741 = tpu.memref_slice %arg4[%dma_wait3A_739, %dma_wait3A_740] : memref<10000x128xf32, #tpu.memory_space<hbm>> -> memref<10000x128xf32, #tpu.memory_space<hbm>>
      tpu.wait_indirect_dma semaphore(%arg11 : memref<!tpu.dma_semaphore, #tpu.memory_space<semaphore_mem>>) src(%dma_wait3A_741 : memref<10000x128xf32, #tpu.memory_space<hbm>>) dst(%dma_wait3A_735 : memref<40x128xf32, #tpu.memory_space<vmem>>)
      %rem3A_742 = arith.constant 16 : i32
      %rem3A_743 = arith.remsi %scan3A_728, %rem3A_742 : i32
      %dma_start3A_744 = arith.constant 0 : i32
      %dma_start3A_745 = arith.constant 0 : i32
      %dma_start3A_746 = tpu.memref_slice %arg9[%rem3A_729, %dma_start3A_744, %dma_start3A_745] : memref<8x40x128xf32, #tpu.memory_space<vmem>> -> memref<1x40x128xf32, #tpu.memory_space<vmem>>
      %dma_start3A_747 = tpu.memref_squeeze %dma_start3A_746 : memref<1x40x128xf32, #tpu.memory_space<vmem>> -> memref<40x128xf32, #tpu.memory_space<vmem>>
      %dma_start3A_748 = arith.constant 0 : i32
      %dma_start3A_749 = tpu.memref_slice %arg8[%rem3A_743, %dma_start3A_748] : memref<16x40xi32, #tpu.memory_space<vmem>> -> memref<1x40xi32, #tpu.memory_space<vmem>>
      %dma_start3A_750 = tpu.memref_squeeze %dma_start3A_749 : memref<1x40xi32, #tpu.memory_space<vmem>> -> memref<40xi32, #tpu.memory_space<vmem>>
      %dma_start3A_751 = arith.constant 0 : i32
      %dma_start3A_752 = arith.constant 0 : i32
      %dma_start3A_753 = tpu.memref_slice %arg10[%dma_start3A_751, %dma_start3A_752] : memref<10240x128xf32, #tpu.memory_space<vmem_shared>> -> memref<10240x128xf32, #tpu.memory_space<vmem_shared>>
      tpu.enqueue_indirect_dma source(%dma_start3A_747 : memref<40x128xf32, #tpu.memory_space<vmem>>) target(%dma_start3A_753 : memref<10240x128xf32, #tpu.memory_space<vmem_shared>>) offsets(%dma_start3A_750 : memref<40xi32, #tpu.memory_space<vmem>>) semaphore(%arg12 : memref<!tpu.dma_semaphore, #tpu.memory_space<semaphore_mem>>) {add = true}
      %ge3A = arith.constant 4 : i32
      %ge3A_754 = arith.cmpi sge, %scan3A_728, %ge3A : i32
      %convert_element_type3A = arith.extui %ge3A_754 : i1 to i32
      %cond3A = arith.constant 0 : i32
      %cond3A_755 = arith.cmpi ne, %convert_element_type3A, %cond3A : i32
      scf.if %cond3A_755 {
        %sub3A = arith.constant 4 : i32
        %sub3A_765 = arith.subi %scan3A_728, %sub3A : i32
        %rem3A_766 = arith.constant 8 : i32
        %rem3A_767 = arith.remsi %sub3A_765, %rem3A_766 : i32
        %rem3A_768 = arith.constant 16 : i32
        %rem3A_769 = arith.remsi %sub3A_765, %rem3A_768 : i32
        %dma_wait3A_770 = arith.constant 0 : i32
        %dma_wait3A_771 = arith.constant 0 : i32
        %dma_wait3A_772 = tpu.memref_slice %arg9[%rem3A_767, %dma_wait3A_770, %dma_wait3A_771] : memref<8x40x128xf32, #tpu.memory_space<vmem>> -> memref<1x40x128xf32, #tpu.memory_space<vmem>>
        %dma_wait3A_773 = tpu.memref_squeeze %dma_wait3A_772 : memref<1x40x128xf32, #tpu.memory_space<vmem>> -> memref<40x128xf32, #tpu.memory_space<vmem>>
        %dma_wait3A_774 = arith.constant 0 : i32
        %dma_wait3A_775 = tpu.memref_slice %arg8[%rem3A_769, %dma_wait3A_774] : memref<16x40xi32, #tpu.memory_space<vmem>> -> memref<1x40xi32, #tpu.memory_space<vmem>>
        %dma_wait3A_776 = tpu.memref_squeeze %dma_wait3A_775 : memref<1x40xi32, #tpu.memory_space<vmem>> -> memref<40xi32, #tpu.memory_space<vmem>>
        %dma_wait3A_777 = arith.constant 0 : i32
        %dma_wait3A_778 = arith.constant 0 : i32
        %dma_wait3A_779 = tpu.memref_slice %arg10[%dma_wait3A_777, %dma_wait3A_778] : memref<10240x128xf32, #tpu.memory_space<vmem_shared>> -> memref<10240x128xf32, #tpu.memory_space<vmem_shared>>
        tpu.wait_indirect_dma semaphore(%arg12 : memref<!tpu.dma_semaphore, #tpu.memory_space<semaphore_mem>>) src(%dma_wait3A_773 : memref<40x128xf32, #tpu.memory_space<vmem>>) dst(%dma_wait3A_779 : memref<10240x128xf32, #tpu.memory_space<vmem_shared>>)
      } else {
      }
      %lt3A = arith.constant 240 : i32
      %lt3A_756 = arith.cmpi slt, %scan3A_728, %lt3A : i32
      %convert_element_type3A_757 = arith.extui %lt3A_756 : i1 to i32
      %cond3A_758 = arith.constant 0 : i32
      %cond3A_759 = arith.cmpi ne, %convert_element_type3A_757, %cond3A_758 : i32
      scf.if %cond3A_759 {
        %add3A_765 = arith.constant 10 : i32
        %add3A_766 = arith.addi %scan3A_728, %add3A_765 : i32
        %rem3A_767 = arith.constant 16 : i32
        %rem3A_768 = arith.remsi %add3A_766, %rem3A_767 : i32
        %dma_start3A_769 = arith.constant 0 : i32
        %dma_start3A_770 = tpu.memref_slice %arg7[%rem3A_768, %dma_start3A_769] : memref<16x40xi32, #tpu.memory_space<vmem>> -> memref<1x40xi32, #tpu.memory_space<vmem>>
        %dma_start3A_771 = tpu.memref_squeeze %dma_start3A_770 : memref<1x40xi32, #tpu.memory_space<vmem>> -> memref<40xi32, #tpu.memory_space<vmem>>
        %dma_start3A_772 = arith.constant 0 : i32
        %dma_start3A_773 = arith.constant 0 : i32
        %dma_start3A_774 = tpu.memref_slice %arg2[%add3A, %dma_start3A_772, %dma_start3A_773] : memref<32x250x40xi32, #tpu.memory_space<hbm>> -> memref<1x250x40xi32, #tpu.memory_space<hbm>>
        %dma_start3A_775 = tpu.memref_squeeze %dma_start3A_774 : memref<1x250x40xi32, #tpu.memory_space<hbm>> -> memref<250x40xi32, #tpu.memory_space<hbm>>
        %dma_start3A_776 = arith.constant 0 : i32
        %dma_start3A_777 = tpu.memref_slice %dma_start3A_775[%add3A_766, %dma_start3A_776] : memref<250x40xi32, #tpu.memory_space<hbm>> -> memref<1x40xi32, #tpu.memory_space<hbm>>
        %dma_start3A_778 = tpu.memref_squeeze %dma_start3A_777 : memref<1x40xi32, #tpu.memory_space<hbm>> -> memref<40xi32, #tpu.memory_space<hbm>>
        %dma_start3A_779 = arith.constant 0 : i32
        %dma_start3A_780 = tpu.memref_slice %arg7[%rem3A_768, %dma_start3A_779] : memref<16x40xi32, #tpu.memory_space<vmem>> -> memref<1x40xi32, #tpu.memory_space<vmem>>
        %dma_start3A_781 = tpu.memref_squeeze %dma_start3A_780 : memref<1x40xi32, #tpu.memory_space<vmem>> -> memref<40xi32, #tpu.memory_space<vmem>>
        %dma_start3A_782 = arith.constant 0 : i32
        %dma_start3A_783 = arith.constant 0 : i32
        %dma_start3A_784 = tpu.memref_slice %arg2[%add3A, %dma_start3A_782, %dma_start3A_783] : memref<32x250x40xi32, #tpu.memory_space<hbm>> -> memref<1x250x40xi32, #tpu.memory_space<hbm>>
        %dma_start3A_785 = tpu.memref_squeeze %dma_start3A_784 : memref<1x250x40xi32, #tpu.memory_space<hbm>> -> memref<250x40xi32, #tpu.memory_space<hbm>>
        %dma_start3A_786 = arith.constant 0 : i32
        %dma_start3A_787 = tpu.memref_slice %dma_start3A_785[%add3A_766, %dma_start3A_786] : memref<250x40xi32, #tpu.memory_space<hbm>> -> memref<1x40xi32, #tpu.memory_space<hbm>>
        %dma_start3A_788 = tpu.memref_squeeze %dma_start3A_787 : memref<1x40xi32, #tpu.memory_space<hbm>> -> memref<40xi32, #tpu.memory_space<hbm>>
        tpu.enqueue_dma source(%dma_start3A_788 : memref<40xi32, #tpu.memory_space<hbm>>) target(%dma_start3A_781 : memref<40xi32, #tpu.memory_space<vmem>>) target_semaphore(%arg13 : memref<!tpu.dma_semaphore, #tpu.memory_space<semaphore_mem>>)
        %dma_start3A_789 = arith.constant 0 : i32
        %dma_start3A_790 = tpu.memref_slice %arg8[%rem3A_768, %dma_start3A_789] : memref<16x40xi32, #tpu.memory_space<vmem>> -> memref<1x40xi32, #tpu.memory_space<vmem>>
        %dma_start3A_791 = tpu.memref_squeeze %dma_start3A_790 : memref<1x40xi32, #tpu.memory_space<vmem>> -> memref<40xi32, #tpu.memory_space<vmem>>
        %dma_start3A_792 = arith.constant 0 : i32
        %dma_start3A_793 = arith.constant 0 : i32
        %dma_start3A_794 = tpu.memref_slice %arg3[%add3A, %dma_start3A_792, %dma_start3A_793] : memref<32x250x40xi32, #tpu.memory_space<hbm>> -> memref<1x250x40xi32, #tpu.memory_space<hbm>>
        %dma_start3A_795 = tpu.memref_squeeze %dma_start3A_794 : memref<1x250x40xi32, #tpu.memory_space<hbm>> -> memref<250x40xi32, #tpu.memory_space<hbm>>
        %dma_start3A_796 = arith.constant 0 : i32
        %dma_start3A_797 = tpu.memref_slice %dma_start3A_795[%add3A_766, %dma_start3A_796] : memref<250x40xi32, #tpu.memory_space<hbm>> -> memref<1x40xi32, #tpu.memory_space<hbm>>
        %dma_start3A_798 = tpu.memref_squeeze %dma_start3A_797 : memref<1x40xi32, #tpu.memory_space<hbm>> -> memref<40xi32, #tpu.memory_space<hbm>>
        %dma_start3A_799 = arith.constant 0 : i32
        %dma_start3A_800 = tpu.memref_slice %arg8[%rem3A_768, %dma_start3A_799] : memref<16x40xi32, #tpu.memory_space<vmem>> -> memref<1x40xi32, #tpu.memory_space<vmem>>
        %dma_start3A_801 = tpu.memref_squeeze %dma_start3A_800 : memref<1x40xi32, #tpu.memory_space<vmem>> -> memref<40xi32, #tpu.memory_space<vmem>>
        %dma_start3A_802 = arith.constant 0 : i32
        %dma_start3A_803 = arith.constant 0 : i32
        %dma_start3A_804 = tpu.memref_slice %arg3[%add3A, %dma_start3A_802, %dma_start3A_803] : memref<32x250x40xi32, #tpu.memory_space<hbm>> -> memref<1x250x40xi32, #tpu.memory_space<hbm>>
        %dma_start3A_805 = tpu.memref_squeeze %dma_start3A_804 : memref<1x250x40xi32, #tpu.memory_space<hbm>> -> memref<250x40xi32, #tpu.memory_space<hbm>>
        %dma_start3A_806 = arith.constant 0 : i32
        %dma_start3A_807 = tpu.memref_slice %dma_start3A_805[%add3A_766, %dma_start3A_806] : memref<250x40xi32, #tpu.memory_space<hbm>> -> memref<1x40xi32, #tpu.memory_space<hbm>>
        %dma_start3A_808 = tpu.memref_squeeze %dma_start3A_807 : memref<1x40xi32, #tpu.memory_space<hbm>> -> memref<40xi32, #tpu.memory_space<hbm>>
        tpu.enqueue_dma source(%dma_start3A_808 : memref<40xi32, #tpu.memory_space<hbm>>) target(%dma_start3A_801 : memref<40xi32, #tpu.memory_space<vmem>>) target_semaphore(%arg13 : memref<!tpu.dma_semaphore, #tpu.memory_space<semaphore_mem>>)
      } else {
      }
      %lt3A_760 = arith.constant 246 : i32
      %lt3A_761 = arith.cmpi slt, %scan3A_728, %lt3A_760 : i32
      %convert_element_type3A_762 = arith.extui %lt3A_761 : i1 to i32
      %cond3A_763 = arith.constant 0 : i32
      %cond3A_764 = arith.cmpi ne, %convert_element_type3A_762, %cond3A_763 : i32
      scf.if %cond3A_764 {
        %add3A_765 = arith.constant 4 : i32
        %add3A_766 = arith.addi %scan3A_728, %add3A_765 : i32
        %rem3A_767 = arith.constant 16 : i32
        %rem3A_768 = arith.remsi %add3A_766, %rem3A_767 : i32
        %dma_wait3A_769 = arith.constant 0 : i32
        %dma_wait3A_770 = tpu.memref_slice %arg7[%rem3A_768, %dma_wait3A_769] : memref<16x40xi32, #tpu.memory_space<vmem>> -> memref<1x40xi32, #tpu.memory_space<vmem>>
        %dma_wait3A_771 = tpu.memref_squeeze %dma_wait3A_770 : memref<1x40xi32, #tpu.memory_space<vmem>> -> memref<40xi32, #tpu.memory_space<vmem>>
        %dma_wait3A_772 = arith.constant 0 : i32
        %dma_wait3A_773 = arith.constant 0 : i32
        %dma_wait3A_774 = tpu.memref_slice %arg2[%add3A, %dma_wait3A_772, %dma_wait3A_773] : memref<32x250x40xi32, #tpu.memory_space<hbm>> -> memref<1x250x40xi32, #tpu.memory_space<hbm>>
        %dma_wait3A_775 = tpu.memref_squeeze %dma_wait3A_774 : memref<1x250x40xi32, #tpu.memory_space<hbm>> -> memref<250x40xi32, #tpu.memory_space<hbm>>
        %dma_wait3A_776 = arith.constant 0 : i32
        %dma_wait3A_777 = tpu.memref_slice %dma_wait3A_775[%add3A_766, %dma_wait3A_776] : memref<250x40xi32, #tpu.memory_space<hbm>> -> memref<1x40xi32, #tpu.memory_space<hbm>>
        %dma_wait3A_778 = tpu.memref_squeeze %dma_wait3A_777 : memref<1x40xi32, #tpu.memory_space<hbm>> -> memref<40xi32, #tpu.memory_space<hbm>>
        %dma_wait3A_779 = arith.constant 0 : i32
        %dma_wait3A_780 = tpu.memref_slice %arg7[%rem3A_768, %dma_wait3A_779] : memref<16x40xi32, #tpu.memory_space<vmem>> -> memref<1x40xi32, #tpu.memory_space<vmem>>
        %dma_wait3A_781 = tpu.memref_squeeze %dma_wait3A_780 : memref<1x40xi32, #tpu.memory_space<vmem>> -> memref<40xi32, #tpu.memory_space<vmem>>
        %dma_wait3A_782 = arith.constant 0 : i32
        %dma_wait3A_783 = arith.constant 0 : i32
        %dma_wait3A_784 = tpu.memref_slice %arg2[%add3A, %dma_wait3A_782, %dma_wait3A_783] : memref<32x250x40xi32, #tpu.memory_space<hbm>> -> memref<1x250x40xi32, #tpu.memory_space<hbm>>
        %dma_wait3A_785 = tpu.memref_squeeze %dma_wait3A_784 : memref<1x250x40xi32, #tpu.memory_space<hbm>> -> memref<250x40xi32, #tpu.memory_space<hbm>>
        %dma_wait3A_786 = arith.constant 0 : i32
        %dma_wait3A_787 = tpu.memref_slice %dma_wait3A_785[%add3A_766, %dma_wait3A_786] : memref<250x40xi32, #tpu.memory_space<hbm>> -> memref<1x40xi32, #tpu.memory_space<hbm>>
        %dma_wait3A_788 = tpu.memref_squeeze %dma_wait3A_787 : memref<1x40xi32, #tpu.memory_space<hbm>> -> memref<40xi32, #tpu.memory_space<hbm>>
        tpu.wait_dma2 semaphore(%arg13 : memref<!tpu.dma_semaphore, #tpu.memory_space<semaphore_mem>>) src(%dma_wait3A_788 : memref<40xi32, #tpu.memory_space<hbm>>) dst(%dma_wait3A_781 : memref<40xi32, #tpu.memory_space<vmem>>)
        %dma_wait3A_789 = arith.constant 0 : i32
        %dma_wait3A_790 = tpu.memref_slice %arg8[%rem3A_768, %dma_wait3A_789] : memref<16x40xi32, #tpu.memory_space<vmem>> -> memref<1x40xi32, #tpu.memory_space<vmem>>
        %dma_wait3A_791 = tpu.memref_squeeze %dma_wait3A_790 : memref<1x40xi32, #tpu.memory_space<vmem>> -> memref<40xi32, #tpu.memory_space<vmem>>
        %dma_wait3A_792 = arith.constant 0 : i32
        %dma_wait3A_793 = arith.constant 0 : i32
        %dma_wait3A_794 = tpu.memref_slice %arg3[%add3A, %dma_wait3A_792, %dma_wait3A_793] : memref<32x250x40xi32, #tpu.memory_space<hbm>> -> memref<1x250x40xi32, #tpu.memory_space<hbm>>
        %dma_wait3A_795 = tpu.memref_squeeze %dma_wait3A_794 : memref<1x250x40xi32, #tpu.memory_space<hbm>> -> memref<250x40xi32, #tpu.memory_space<hbm>>
        %dma_wait3A_796 = arith.constant 0 : i32
        %dma_wait3A_797 = tpu.memref_slice %dma_wait3A_795[%add3A_766, %dma_wait3A_796] : memref<250x40xi32, #tpu.memory_space<hbm>> -> memref<1x40xi32, #tpu.memory_space<hbm>>
        %dma_wait3A_798 = tpu.memref_squeeze %dma_wait3A_797 : memref<1x40xi32, #tpu.memory_space<hbm>> -> memref<40xi32, #tpu.memory_space<hbm>>
        %dma_wait3A_799 = arith.constant 0 : i32
        %dma_wait3A_800 = tpu.memref_slice %arg8[%rem3A_768, %dma_wait3A_799] : memref<16x40xi32, #tpu.memory_space<vmem>> -> memref<1x40xi32, #tpu.memory_space<vmem>>
        %dma_wait3A_801 = tpu.memref_squeeze %dma_wait3A_800 : memref<1x40xi32, #tpu.memory_space<vmem>> -> memref<40xi32, #tpu.memory_space<vmem>>
        %dma_wait3A_802 = arith.constant 0 : i32
        %dma_wait3A_803 = arith.constant 0 : i32
        %dma_wait3A_804 = tpu.memref_slice %arg3[%add3A, %dma_wait3A_802, %dma_wait3A_803] : memref<32x250x40xi32, #tpu.memory_space<hbm>> -> memref<1x250x40xi32, #tpu.memory_space<hbm>>
        %dma_wait3A_805 = tpu.memref_squeeze %dma_wait3A_804 : memref<1x250x40xi32, #tpu.memory_space<hbm>> -> memref<250x40xi32, #tpu.memory_space<hbm>>
        %dma_wait3A_806 = arith.constant 0 : i32
        %dma_wait3A_807 = tpu.memref_slice %dma_wait3A_805[%add3A_766, %dma_wait3A_806] : memref<250x40xi32, #tpu.memory_space<hbm>> -> memref<1x40xi32, #tpu.memory_space<hbm>>
        %dma_wait3A_808 = tpu.memref_squeeze %dma_wait3A_807 : memref<1x40xi32, #tpu.memory_space<hbm>> -> memref<40xi32, #tpu.memory_space<hbm>>
        tpu.wait_dma2 semaphore(%arg13 : memref<!tpu.dma_semaphore, #tpu.memory_space<semaphore_mem>>) src(%dma_wait3A_808 : memref<40xi32, #tpu.memory_space<hbm>>) dst(%dma_wait3A_801 : memref<40xi32, #tpu.memory_space<vmem>>)
        %rem3A_809 = arith.constant 8 : i32
        %rem3A_810 = arith.remsi %add3A_766, %rem3A_809 : i32
        %rem3A_811 = arith.constant 16 : i32
        %rem3A_812 = arith.remsi %add3A_766, %rem3A_811 : i32
        %dma_start3A_813 = arith.constant 0 : i32
        %dma_start3A_814 = arith.constant 0 : i32
        %dma_start3A_815 = tpu.memref_slice %arg9[%rem3A_810, %dma_start3A_813, %dma_start3A_814] : memref<8x40x128xf32, #tpu.memory_space<vmem>> -> memref<1x40x128xf32, #tpu.memory_space<vmem>>
        %dma_start3A_816 = tpu.memref_squeeze %dma_start3A_815 : memref<1x40x128xf32, #tpu.memory_space<vmem>> -> memref<40x128xf32, #tpu.memory_space<vmem>>
        %dma_start3A_817 = arith.constant 0 : i32
        %dma_start3A_818 = tpu.memref_slice %arg7[%rem3A_812, %dma_start3A_817] : memref<16x40xi32, #tpu.memory_space<vmem>> -> memref<1x40xi32, #tpu.memory_space<vmem>>
        %dma_start3A_819 = tpu.memref_squeeze %dma_start3A_818 : memref<1x40xi32, #tpu.memory_space<vmem>> -> memref<40xi32, #tpu.memory_space<vmem>>
        %dma_start3A_820 = arith.constant 0 : i32
        %dma_start3A_821 = arith.constant 0 : i32
        %dma_start3A_822 = tpu.memref_slice %arg4[%dma_start3A_820, %dma_start3A_821] : memref<10000x128xf32, #tpu.memory_space<hbm>> -> memref<10000x128xf32, #tpu.memory_space<hbm>>
        tpu.enqueue_indirect_dma source(%dma_start3A_822 : memref<10000x128xf32, #tpu.memory_space<hbm>>) target(%dma_start3A_816 : memref<40x128xf32, #tpu.memory_space<vmem>>) offsets(%dma_start3A_819 : memref<40xi32, #tpu.memory_space<vmem>>) semaphore(%arg11 : memref<!tpu.dma_semaphore, #tpu.memory_space<semaphore_mem>>)
      } else {
      }
    }
    %scan3A_671 = arith.constant 250 : i32
    %dma_wait3A_672 = arith.constant 6 : i32
    %dma_wait3A_673 = arith.constant 6 : i32
    %dma_wait3A_674 = arith.constant 0 : i32
    %dma_wait3A_675 = arith.constant 0 : i32
    %dma_wait3A_676 = tpu.memref_slice %arg9[%dma_wait3A_672, %dma_wait3A_674, %dma_wait3A_675] : memref<8x40x128xf32, #tpu.memory_space<vmem>> -> memref<1x40x128xf32, #tpu.memory_space<vmem>>
    %dma_wait3A_677 = tpu.memref_squeeze %dma_wait3A_676 : memref<1x40x128xf32, #tpu.memory_space<vmem>> -> memref<40x128xf32, #tpu.memory_space<vmem>>
    %dma_wait3A_678 = arith.constant 0 : i32
    %dma_wait3A_679 = tpu.memref_slice %arg8[%dma_wait3A_673, %dma_wait3A_678] : memref<16x40xi32, #tpu.memory_space<vmem>> -> memref<1x40xi32, #tpu.memory_space<vmem>>
    %dma_wait3A_680 = tpu.memref_squeeze %dma_wait3A_679 : memref<1x40xi32, #tpu.memory_space<vmem>> -> memref<40xi32, #tpu.memory_space<vmem>>
    %dma_wait3A_681 = arith.constant 0 : i32
    %dma_wait3A_682 = arith.constant 0 : i32
    %dma_wait3A_683 = tpu.memref_slice %arg10[%dma_wait3A_681, %dma_wait3A_682] : memref<10240x128xf32, #tpu.memory_space<vmem_shared>> -> memref<10240x128xf32, #tpu.memory_space<vmem_shared>>
    tpu.wait_indirect_dma semaphore(%arg12 : memref<!tpu.dma_semaphore, #tpu.memory_space<semaphore_mem>>) src(%dma_wait3A_677 : memref<40x128xf32, #tpu.memory_space<vmem>>) dst(%dma_wait3A_683 : memref<10240x128xf32, #tpu.memory_space<vmem_shared>>)
    %dma_wait3A_684 = arith.constant 7 : i32
    %dma_wait3A_685 = arith.constant 7 : i32
    %dma_wait3A_686 = arith.constant 0 : i32
    %dma_wait3A_687 = arith.constant 0 : i32
    %dma_wait3A_688 = tpu.memref_slice %arg9[%dma_wait3A_684, %dma_wait3A_686, %dma_wait3A_687] : memref<8x40x128xf32, #tpu.memory_space<vmem>> -> memref<1x40x128xf32, #tpu.memory_space<vmem>>
    %dma_wait3A_689 = tpu.memref_squeeze %dma_wait3A_688 : memref<1x40x128xf32, #tpu.memory_space<vmem>> -> memref<40x128xf32, #tpu.memory_space<vmem>>
    %dma_wait3A_690 = arith.constant 0 : i32
    %dma_wait3A_691 = tpu.memref_slice %arg8[%dma_wait3A_685, %dma_wait3A_690] : memref<16x40xi32, #tpu.memory_space<vmem>> -> memref<1x40xi32, #tpu.memory_space<vmem>>
    %dma_wait3A_692 = tpu.memref_squeeze %dma_wait3A_691 : memref<1x40xi32, #tpu.memory_space<vmem>> -> memref<40xi32, #tpu.memory_space<vmem>>
    %dma_wait3A_693 = arith.constant 0 : i32
    %dma_wait3A_694 = arith.constant 0 : i32
    %dma_wait3A_695 = tpu.memref_slice %arg10[%dma_wait3A_693, %dma_wait3A_694] : memref<10240x128xf32, #tpu.memory_space<vmem_shared>> -> memref<10240x128xf32, #tpu.memory_space<vmem_shared>>
    tpu.wait_indirect_dma semaphore(%arg12 : memref<!tpu.dma_semaphore, #tpu.memory_space<semaphore_mem>>) src(%dma_wait3A_689 : memref<40x128xf32, #tpu.memory_space<vmem>>) dst(%dma_wait3A_695 : memref<10240x128xf32, #tpu.memory_space<vmem_shared>>)
    %dma_wait3A_696 = arith.constant 0 : i32
    %dma_wait3A_697 = arith.constant 8 : i32
    %dma_wait3A_698 = arith.constant 0 : i32
    %dma_wait3A_699 = arith.constant 0 : i32
    %dma_wait3A_700 = tpu.memref_slice %arg9[%dma_wait3A_696, %dma_wait3A_698, %dma_wait3A_699] : memref<8x40x128xf32, #tpu.memory_space<vmem>> -> memref<1x40x128xf32, #tpu.memory_space<vmem>>
    %dma_wait3A_701 = tpu.memref_squeeze %dma_wait3A_700 : memref<1x40x128xf32, #tpu.memory_space<vmem>> -> memref<40x128xf32, #tpu.memory_space<vmem>>
    %dma_wait3A_702 = arith.constant 0 : i32
    %dma_wait3A_703 = tpu.memref_slice %arg8[%dma_wait3A_697, %dma_wait3A_702] : memref<16x40xi32, #tpu.memory_space<vmem>> -> memref<1x40xi32, #tpu.memory_space<vmem>>
    %dma_wait3A_704 = tpu.memref_squeeze %dma_wait3A_703 : memref<1x40xi32, #tpu.memory_space<vmem>> -> memref<40xi32, #tpu.memory_space<vmem>>
    %dma_wait3A_705 = arith.constant 0 : i32
    %dma_wait3A_706 = arith.constant 0 : i32
    %dma_wait3A_707 = tpu.memref_slice %arg10[%dma_wait3A_705, %dma_wait3A_706] : memref<10240x128xf32, #tpu.memory_space<vmem_shared>> -> memref<10240x128xf32, #tpu.memory_space<vmem_shared>>
    tpu.wait_indirect_dma semaphore(%arg12 : memref<!tpu.dma_semaphore, #tpu.memory_space<semaphore_mem>>) src(%dma_wait3A_701 : memref<40x128xf32, #tpu.memory_space<vmem>>) dst(%dma_wait3A_707 : memref<10240x128xf32, #tpu.memory_space<vmem_shared>>)
    %dma_wait3A_708 = arith.constant 1 : i32
    %dma_wait3A_709 = arith.constant 9 : i32
    %dma_wait3A_710 = arith.constant 0 : i32
    %dma_wait3A_711 = arith.constant 0 : i32
    %dma_wait3A_712 = tpu.memref_slice %arg9[%dma_wait3A_708, %dma_wait3A_710, %dma_wait3A_711] : memref<8x40x128xf32, #tpu.memory_space<vmem>> -> memref<1x40x128xf32, #tpu.memory_space<vmem>>
    %dma_wait3A_713 = tpu.memref_squeeze %dma_wait3A_712 : memref<1x40x128xf32, #tpu.memory_space<vmem>> -> memref<40x128xf32, #tpu.memory_space<vmem>>
    %dma_wait3A_714 = arith.constant 0 : i32
    %dma_wait3A_715 = tpu.memref_slice %arg8[%dma_wait3A_709, %dma_wait3A_714] : memref<16x40xi32, #tpu.memory_space<vmem>> -> memref<1x40xi32, #tpu.memory_space<vmem>>
    %dma_wait3A_716 = tpu.memref_squeeze %dma_wait3A_715 : memref<1x40xi32, #tpu.memory_space<vmem>> -> memref<40xi32, #tpu.memory_space<vmem>>
    %dma_wait3A_717 = arith.constant 0 : i32
    %dma_wait3A_718 = arith.constant 0 : i32
    %dma_wait3A_719 = tpu.memref_slice %arg10[%dma_wait3A_717, %dma_wait3A_718] : memref<10240x128xf32, #tpu.memory_space<vmem_shared>> -> memref<10240x128xf32, #tpu.memory_space<vmem_shared>>
    tpu.wait_indirect_dma semaphore(%arg12 : memref<!tpu.dma_semaphore, #tpu.memory_space<semaphore_mem>>) src(%dma_wait3A_713 : memref<40x128xf32, #tpu.memory_space<vmem>>) dst(%dma_wait3A_719 : memref<10240x128xf32, #tpu.memory_space<vmem_shared>>)
    %barrier3A_720 = arith.constant 0 : index
    tpu.barrier barrier_id(%barrier3A_720)
    %mul3A_721 = arith.constant 640 : i32
    %mul3A_722 = arith.muli %arg1, %mul3A_721 : i32
    %mul3A_723 = arith.constant 10240 : i32
    %mul3A_724 = arith.muli %arg0, %mul3A_723 : i32
    %mul3A_725 = arith.constant 640 : i32
    %mul3A_726 = arith.muli %arg1, %mul3A_725 : i32
    %add3A_727 = arith.addi %mul3A_724, %mul3A_726 : i32
    "tpu.region"() ({
      %run_scoped3A = tpu.sem_alloc : memref<!tpu.dma_semaphore, #tpu.memory_space<semaphore_mem>>
      %dma_start3A_728 = arith.constant 0 : i32
      %dma_start3A_729 = tpu.memref_slice %arg6[%add3A_727, %dma_start3A_728] : memref<20480x128xf32, #tpu.memory_space<hbm>> -> memref<640x128xf32, #tpu.memory_space<hbm>>
      %dma_start3A_730 = arith.constant 0 : i32
      %dma_start3A_731 = tpu.memref_slice %arg10[%mul3A_722, %dma_start3A_730] : memref<10240x128xf32, #tpu.memory_space<vmem_shared>> -> memref<640x128xf32, #tpu.memory_space<vmem_shared>>
      tpu.enqueue_dma source(%dma_start3A_731 : memref<640x128xf32, #tpu.memory_space<vmem_shared>>) target(%dma_start3A_729 : memref<640x128xf32, #tpu.memory_space<hbm>>) target_semaphore(%run_scoped3A : memref<!tpu.dma_semaphore, #tpu.memory_space<semaphore_mem>>)
      %dma_wait3A_732 = arith.constant 0 : i32
      %dma_wait3A_733 = tpu.memref_slice %arg6[%add3A_727, %dma_wait3A_732] : memref<20480x128xf32, #tpu.memory_space<hbm>> -> memref<640x128xf32, #tpu.memory_space<hbm>>
      %dma_wait3A_734 = arith.constant 0 : i32
      %dma_wait3A_735 = tpu.memref_slice %arg10[%mul3A_722, %dma_wait3A_734] : memref<10240x128xf32, #tpu.memory_space<vmem_shared>> -> memref<640x128xf32, #tpu.memory_space<vmem_shared>>
      tpu.wait_dma2 semaphore(%run_scoped3A : memref<!tpu.dma_semaphore, #tpu.memory_space<semaphore_mem>>) src(%dma_wait3A_735 : memref<640x128xf32, #tpu.memory_space<vmem_shared>>) dst(%dma_wait3A_733 : memref<640x128xf32, #tpu.memory_space<hbm>>)
      tpu.yield
    }) : () -> ()
    return
  }
}

#map = affine_map<(d0, d1) -> (0, 0, 0)>
#map1 = affine_map<(d0, d1) -> (0, 0)>
module attributes {stable_mosaic.version = 14 : i64} {
  func.func @_edge_sum_kernel(%arg0: i32, %arg1: i32, %arg2: memref<32x250x40xi32, #tpu.memory_space<hbm>>, %arg3: memref<32x250x40xi32, #tpu.memory_space<hbm>>, %arg4: memref<10000x128xf32, #tpu.memory_space<hbm>>, %arg5: memref<10240x128xf32, #tpu.memory_space<hbm>>, %arg6: memref<20480x128xf32, #tpu.memory_space<hbm>>, %arg7: memref<16x40xi32, #tpu.memory_space<vmem>>, %arg8: memref<16x40xi32, #tpu.memory_space<vmem>>, %arg9: memref<8x40x128xf32, #tpu.memory_space<vmem>>, %arg10: memref<10240x128xf32, #tpu.memory_space<vmem_shared>>, %arg11: memref<!tpu.dma_semaphore, #tpu.memory_space<semaphore_mem>>, %arg12: memref<!tpu.dma_semaphore, #tpu.memory_space<semaphore_mem>>, %arg13: memref<!tpu.dma_semaphore, #tpu.memory_space<semaphore_mem>>) attributes {dimension_semantics = [#tpu.dimension_semantics<core_parallel>, #tpu.dimension_semantics<subcore_parallel>], iteration_bounds = array<i64: 2, 16>, scalar_prefetch = 0 : i64, scratch_operands = 7 : i64, tpu.core_type = #tpu.core_type<sc_vector_subcore>, window_params = [{transform_indices = #map}, {transform_indices = #map}, {transform_indices = #map1}, {transform_indices = #map1}, {transform_indices = #map1}]} {
    %mul3A = arith.constant 16 : i32
    %mul3A_0 = arith.muli %arg0, %mul3A : i32
    %add3A = arith.addi %mul3A_0, %arg1 : i32
    %dma_start3A = arith.constant 0 : i32
    %dma_start3A_1 = arith.constant 0 : i32
    %dma_start3A_2 = arith.constant 0 : i32
    %dma_start3A_3 = tpu.memref_slice %arg7[%dma_start3A_1, %dma_start3A_2] : memref<16x40xi32, #tpu.memory_space<vmem>> -> memref<1x40xi32, #tpu.memory_space<vmem>>
    %dma_start3A_4 = tpu.memref_squeeze %dma_start3A_3 : memref<1x40xi32, #tpu.memory_space<vmem>> -> memref<40xi32, #tpu.memory_space<vmem>>
    %dma_start3A_5 = arith.constant 0 : i32
    %dma_start3A_6 = arith.constant 0 : i32
    %dma_start3A_7 = tpu.memref_slice %arg2[%add3A, %dma_start3A_5, %dma_start3A_6] : memref<32x250x40xi32, #tpu.memory_space<hbm>> -> memref<1x250x40xi32, #tpu.memory_space<hbm>>
    %dma_start3A_8 = tpu.memref_squeeze %dma_start3A_7 : memref<1x250x40xi32, #tpu.memory_space<hbm>> -> memref<250x40xi32, #tpu.memory_space<hbm>>
    %dma_start3A_9 = arith.constant 0 : i32
    %dma_start3A_10 = tpu.memref_slice %dma_start3A_8[%dma_start3A, %dma_start3A_9] : memref<250x40xi32, #tpu.memory_space<hbm>> -> memref<1x40xi32, #tpu.memory_space<hbm>>
    %dma_start3A_11 = tpu.memref_squeeze %dma_start3A_10 : memref<1x40xi32, #tpu.memory_space<hbm>> -> memref<40xi32, #tpu.memory_space<hbm>>
    %dma_start3A_12 = arith.constant 0 : i32
    %dma_start3A_13 = tpu.memref_slice %arg7[%dma_start3A_1, %dma_start3A_12] : memref<16x40xi32, #tpu.memory_space<vmem>> -> memref<1x40xi32, #tpu.memory_space<vmem>>
    %dma_start3A_14 = tpu.memref_squeeze %dma_start3A_13 : memref<1x40xi32, #tpu.memory_space<vmem>> -> memref<40xi32, #tpu.memory_space<vmem>>
    %dma_start3A_15 = arith.constant 0 : i32
    %dma_start3A_16 = arith.constant 0 : i32
    %dma_start3A_17 = tpu.memref_slice %arg2[%add3A, %dma_start3A_15, %dma_start3A_16] : memref<32x250x40xi32, #tpu.memory_space<hbm>> -> memref<1x250x40xi32, #tpu.memory_space<hbm>>
    %dma_start3A_18 = tpu.memref_squeeze %dma_start3A_17 : memref<1x250x40xi32, #tpu.memory_space<hbm>> -> memref<250x40xi32, #tpu.memory_space<hbm>>
    %dma_start3A_19 = arith.constant 0 : i32
    %dma_start3A_20 = tpu.memref_slice %dma_start3A_18[%dma_start3A, %dma_start3A_19] : memref<250x40xi32, #tpu.memory_space<hbm>> -> memref<1x40xi32, #tpu.memory_space<hbm>>
    %dma_start3A_21 = tpu.memref_squeeze %dma_start3A_20 : memref<1x40xi32, #tpu.memory_space<hbm>> -> memref<40xi32, #tpu.memory_space<hbm>>
    tpu.enqueue_dma source(%dma_start3A_21 : memref<40xi32, #tpu.memory_space<hbm>>) target(%dma_start3A_14 : memref<40xi32, #tpu.memory_space<vmem>>) target_semaphore(%arg13 : memref<!tpu.dma_semaphore, #tpu.memory_space<semaphore_mem>>)
    %dma_start3A_22 = arith.constant 0 : i32
    %dma_start3A_23 = arith.constant 0 : i32
    %dma_start3A_24 = arith.constant 0 : i32
    %dma_start3A_25 = tpu.memref_slice %arg8[%dma_start3A_23, %dma_start3A_24] : memref<16x40xi32, #tpu.memory_space<vmem>> -> memref<1x40xi32, #tpu.memory_space<vmem>>
    %dma_start3A_26 = tpu.memref_squeeze %dma_start3A_25 : memref<1x40xi32, #tpu.memory_space<vmem>> -> memref<40xi32, #tpu.memory_space<vmem>>
    %dma_start3A_27 = arith.constant 0 : i32
    %dma_start3A_28 = arith.constant 0 : i32
    %dma_start3A_29 = tpu.memref_slice %arg3[%add3A, %dma_start3A_27, %dma_start3A_28] : memref<32x250x40xi32, #tpu.memory_space<hbm>> -> memref<1x250x40xi32, #tpu.memory_space<hbm>>
    %dma_start3A_30 = tpu.memref_squeeze %dma_start3A_29 : memref<1x250x40xi32, #tpu.memory_space<hbm>> -> memref<250x40xi32, #tpu.memory_space<hbm>>
    %dma_start3A_31 = arith.constant 0 : i32
    %dma_start3A_32 = tpu.memref_slice %dma_start3A_30[%dma_start3A_22, %dma_start3A_31] : memref<250x40xi32, #tpu.memory_space<hbm>> -> memref<1x40xi32, #tpu.memory_space<hbm>>
    %dma_start3A_33 = tpu.memref_squeeze %dma_start3A_32 : memref<1x40xi32, #tpu.memory_space<hbm>> -> memref<40xi32, #tpu.memory_space<hbm>>
    %dma_start3A_34 = arith.constant 0 : i32
    %dma_start3A_35 = tpu.memref_slice %arg8[%dma_start3A_23, %dma_start3A_34] : memref<16x40xi32, #tpu.memory_space<vmem>> -> memref<1x40xi32, #tpu.memory_space<vmem>>
    %dma_start3A_36 = tpu.memref_squeeze %dma_start3A_35 : memref<1x40xi32, #tpu.memory_space<vmem>> -> memref<40xi32, #tpu.memory_space<vmem>>
    %dma_start3A_37 = arith.constant 0 : i32
    %dma_start3A_38 = arith.constant 0 : i32
    %dma_start3A_39 = tpu.memref_slice %arg3[%add3A, %dma_start3A_37, %dma_start3A_38] : memref<32x250x40xi32, #tpu.memory_space<hbm>> -> memref<1x250x40xi32, #tpu.memory_space<hbm>>
    %dma_start3A_40 = tpu.memref_squeeze %dma_start3A_39 : memref<1x250x40xi32, #tpu.memory_space<hbm>> -> memref<250x40xi32, #tpu.memory_space<hbm>>
    %dma_start3A_41 = arith.constant 0 : i32
    %dma_start3A_42 = tpu.memref_slice %dma_start3A_40[%dma_start3A_22, %dma_start3A_41] : memref<250x40xi32, #tpu.memory_space<hbm>> -> memref<1x40xi32, #tpu.memory_space<hbm>>
    %dma_start3A_43 = tpu.memref_squeeze %dma_start3A_42 : memref<1x40xi32, #tpu.memory_space<hbm>> -> memref<40xi32, #tpu.memory_space<hbm>>
    tpu.enqueue_dma source(%dma_start3A_43 : memref<40xi32, #tpu.memory_space<hbm>>) target(%dma_start3A_36 : memref<40xi32, #tpu.memory_space<vmem>>) target_semaphore(%arg13 : memref<!tpu.dma_semaphore, #tpu.memory_space<semaphore_mem>>)
    %dma_start3A_44 = arith.constant 1 : i32
    %dma_start3A_45 = arith.constant 1 : i32
    %dma_start3A_46 = arith.constant 0 : i32
    %dma_start3A_47 = tpu.memref_slice %arg7[%dma_start3A_45, %dma_start3A_46] : memref<16x40xi32, #tpu.memory_space<vmem>> -> memref<1x40xi32, #tpu.memory_space<vmem>>
    %dma_start3A_48 = tpu.memref_squeeze %dma_start3A_47 : memref<1x40xi32, #tpu.memory_space<vmem>> -> memref<40xi32, #tpu.memory_space<vmem>>
    %dma_start3A_49 = arith.constant 0 : i32
    %dma_start3A_50 = arith.constant 0 : i32
    %dma_start3A_51 = tpu.memref_slice %arg2[%add3A, %dma_start3A_49, %dma_start3A_50] : memref<32x250x40xi32, #tpu.memory_space<hbm>> -> memref<1x250x40xi32, #tpu.memory_space<hbm>>
    %dma_start3A_52 = tpu.memref_squeeze %dma_start3A_51 : memref<1x250x40xi32, #tpu.memory_space<hbm>> -> memref<250x40xi32, #tpu.memory_space<hbm>>
    %dma_start3A_53 = arith.constant 0 : i32
    %dma_start3A_54 = tpu.memref_slice %dma_start3A_52[%dma_start3A_44, %dma_start3A_53] : memref<250x40xi32, #tpu.memory_space<hbm>> -> memref<1x40xi32, #tpu.memory_space<hbm>>
    %dma_start3A_55 = tpu.memref_squeeze %dma_start3A_54 : memref<1x40xi32, #tpu.memory_space<hbm>> -> memref<40xi32, #tpu.memory_space<hbm>>
    %dma_start3A_56 = arith.constant 0 : i32
    %dma_start3A_57 = tpu.memref_slice %arg7[%dma_start3A_45, %dma_start3A_56] : memref<16x40xi32, #tpu.memory_space<vmem>> -> memref<1x40xi32, #tpu.memory_space<vmem>>
    %dma_start3A_58 = tpu.memref_squeeze %dma_start3A_57 : memref<1x40xi32, #tpu.memory_space<vmem>> -> memref<40xi32, #tpu.memory_space<vmem>>
    %dma_start3A_59 = arith.constant 0 : i32
    %dma_start3A_60 = arith.constant 0 : i32
    %dma_start3A_61 = tpu.memref_slice %arg2[%add3A, %dma_start3A_59, %dma_start3A_60] : memref<32x250x40xi32, #tpu.memory_space<hbm>> -> memref<1x250x40xi32, #tpu.memory_space<hbm>>
    %dma_start3A_62 = tpu.memref_squeeze %dma_start3A_61 : memref<1x250x40xi32, #tpu.memory_space<hbm>> -> memref<250x40xi32, #tpu.memory_space<hbm>>
    %dma_start3A_63 = arith.constant 0 : i32
    %dma_start3A_64 = tpu.memref_slice %dma_start3A_62[%dma_start3A_44, %dma_start3A_63] : memref<250x40xi32, #tpu.memory_space<hbm>> -> memref<1x40xi32, #tpu.memory_space<hbm>>
    %dma_start3A_65 = tpu.memref_squeeze %dma_start3A_64 : memref<1x40xi32, #tpu.memory_space<hbm>> -> memref<40xi32, #tpu.memory_space<hbm>>
    tpu.enqueue_dma source(%dma_start3A_65 : memref<40xi32, #tpu.memory_space<hbm>>) target(%dma_start3A_58 : memref<40xi32, #tpu.memory_space<vmem>>) target_semaphore(%arg13 : memref<!tpu.dma_semaphore, #tpu.memory_space<semaphore_mem>>)
    %dma_start3A_66 = arith.constant 1 : i32
    %dma_start3A_67 = arith.constant 1 : i32
    %dma_start3A_68 = arith.constant 0 : i32
    %dma_start3A_69 = tpu.memref_slice %arg8[%dma_start3A_67, %dma_start3A_68] : memref<16x40xi32, #tpu.memory_space<vmem>> -> memref<1x40xi32, #tpu.memory_space<vmem>>
    %dma_start3A_70 = tpu.memref_squeeze %dma_start3A_69 : memref<1x40xi32, #tpu.memory_space<vmem>> -> memref<40xi32, #tpu.memory_space<vmem>>
    %dma_start3A_71 = arith.constant 0 : i32
    %dma_start3A_72 = arith.constant 0 : i32
    %dma_start3A_73 = tpu.memref_slice %arg3[%add3A, %dma_start3A_71, %dma_start3A_72] : memref<32x250x40xi32, #tpu.memory_space<hbm>> -> memref<1x250x40xi32, #tpu.memory_space<hbm>>
    %dma_start3A_74 = tpu.memref_squeeze %dma_start3A_73 : memref<1x250x40xi32, #tpu.memory_space<hbm>> -> memref<250x40xi32, #tpu.memory_space<hbm>>
    %dma_start3A_75 = arith.constant 0 : i32
    %dma_start3A_76 = tpu.memref_slice %dma_start3A_74[%dma_start3A_66, %dma_start3A_75] : memref<250x40xi32, #tpu.memory_space<hbm>> -> memref<1x40xi32, #tpu.memory_space<hbm>>
    %dma_start3A_77 = tpu.memref_squeeze %dma_start3A_76 : memref<1x40xi32, #tpu.memory_space<hbm>> -> memref<40xi32, #tpu.memory_space<hbm>>
    %dma_start3A_78 = arith.constant 0 : i32
    %dma_start3A_79 = tpu.memref_slice %arg8[%dma_start3A_67, %dma_start3A_78] : memref<16x40xi32, #tpu.memory_space<vmem>> -> memref<1x40xi32, #tpu.memory_space<vmem>>
    %dma_start3A_80 = tpu.memref_squeeze %dma_start3A_79 : memref<1x40xi32, #tpu.memory_space<vmem>> -> memref<40xi32, #tpu.memory_space<vmem>>
    %dma_start3A_81 = arith.constant 0 : i32
    %dma_start3A_82 = arith.constant 0 : i32
    %dma_start3A_83 = tpu.memref_slice %arg3[%add3A, %dma_start3A_81, %dma_start3A_82] : memref<32x250x40xi32, #tpu.memory_space<hbm>> -> memref<1x250x40xi32, #tpu.memory_space<hbm>>
    %dma_start3A_84 = tpu.memref_squeeze %dma_start3A_83 : memref<1x250x40xi32, #tpu.memory_space<hbm>> -> memref<250x40xi32, #tpu.memory_space<hbm>>
    %dma_start3A_85 = arith.constant 0 : i32
    %dma_start3A_86 = tpu.memref_slice %dma_start3A_84[%dma_start3A_66, %dma_start3A_85] : memref<250x40xi32, #tpu.memory_space<hbm>> -> memref<1x40xi32, #tpu.memory_space<hbm>>
    %dma_start3A_87 = tpu.memref_squeeze %dma_start3A_86 : memref<1x40xi32, #tpu.memory_space<hbm>> -> memref<40xi32, #tpu.memory_space<hbm>>
    tpu.enqueue_dma source(%dma_start3A_87 : memref<40xi32, #tpu.memory_space<hbm>>) target(%dma_start3A_80 : memref<40xi32, #tpu.memory_space<vmem>>) target_semaphore(%arg13 : memref<!tpu.dma_semaphore, #tpu.memory_space<semaphore_mem>>)
    %dma_start3A_88 = arith.constant 2 : i32
    %dma_start3A_89 = arith.constant 2 : i32
    %dma_start3A_90 = arith.constant 0 : i32
    %dma_start3A_91 = tpu.memref_slice %arg7[%dma_start3A_89, %dma_start3A_90] : memref<16x40xi32, #tpu.memory_space<vmem>> -> memref<1x40xi32, #tpu.memory_space<vmem>>
    %dma_start3A_92 = tpu.memref_squeeze %dma_start3A_91 : memref<1x40xi32, #tpu.memory_space<vmem>> -> memref<40xi32, #tpu.memory_space<vmem>>
    %dma_start3A_93 = arith.constant 0 : i32
    %dma_start3A_94 = arith.constant 0 : i32
    %dma_start3A_95 = tpu.memref_slice %arg2[%add3A, %dma_start3A_93, %dma_start3A_94] : memref<32x250x40xi32, #tpu.memory_space<hbm>> -> memref<1x250x40xi32, #tpu.memory_space<hbm>>
    %dma_start3A_96 = tpu.memref_squeeze %dma_start3A_95 : memref<1x250x40xi32, #tpu.memory_space<hbm>> -> memref<250x40xi32, #tpu.memory_space<hbm>>
    %dma_start3A_97 = arith.constant 0 : i32
    %dma_start3A_98 = tpu.memref_slice %dma_start3A_96[%dma_start3A_88, %dma_start3A_97] : memref<250x40xi32, #tpu.memory_space<hbm>> -> memref<1x40xi32, #tpu.memory_space<hbm>>
    %dma_start3A_99 = tpu.memref_squeeze %dma_start3A_98 : memref<1x40xi32, #tpu.memory_space<hbm>> -> memref<40xi32, #tpu.memory_space<hbm>>
    %dma_start3A_100 = arith.constant 0 : i32
    %dma_start3A_101 = tpu.memref_slice %arg7[%dma_start3A_89, %dma_start3A_100] : memref<16x40xi32, #tpu.memory_space<vmem>> -> memref<1x40xi32, #tpu.memory_space<vmem>>
    %dma_start3A_102 = tpu.memref_squeeze %dma_start3A_101 : memref<1x40xi32, #tpu.memory_space<vmem>> -> memref<40xi32, #tpu.memory_space<vmem>>
    %dma_start3A_103 = arith.constant 0 : i32
    %dma_start3A_104 = arith.constant 0 : i32
    %dma_start3A_105 = tpu.memref_slice %arg2[%add3A, %dma_start3A_103, %dma_start3A_104] : memref<32x250x40xi32, #tpu.memory_space<hbm>> -> memref<1x250x40xi32, #tpu.memory_space<hbm>>
    %dma_start3A_106 = tpu.memref_squeeze %dma_start3A_105 : memref<1x250x40xi32, #tpu.memory_space<hbm>> -> memref<250x40xi32, #tpu.memory_space<hbm>>
    %dma_start3A_107 = arith.constant 0 : i32
    %dma_start3A_108 = tpu.memref_slice %dma_start3A_106[%dma_start3A_88, %dma_start3A_107] : memref<250x40xi32, #tpu.memory_space<hbm>> -> memref<1x40xi32, #tpu.memory_space<hbm>>
    %dma_start3A_109 = tpu.memref_squeeze %dma_start3A_108 : memref<1x40xi32, #tpu.memory_space<hbm>> -> memref<40xi32, #tpu.memory_space<hbm>>
    tpu.enqueue_dma source(%dma_start3A_109 : memref<40xi32, #tpu.memory_space<hbm>>) target(%dma_start3A_102 : memref<40xi32, #tpu.memory_space<vmem>>) target_semaphore(%arg13 : memref<!tpu.dma_semaphore, #tpu.memory_space<semaphore_mem>>)
    %dma_start3A_110 = arith.constant 2 : i32
    %dma_start3A_111 = arith.constant 2 : i32
    %dma_start3A_112 = arith.constant 0 : i32
    %dma_start3A_113 = tpu.memref_slice %arg8[%dma_start3A_111, %dma_start3A_112] : memref<16x40xi32, #tpu.memory_space<vmem>> -> memref<1x40xi32, #tpu.memory_space<vmem>>
    %dma_start3A_114 = tpu.memref_squeeze %dma_start3A_113 : memref<1x40xi32, #tpu.memory_space<vmem>> -> memref<40xi32, #tpu.memory_space<vmem>>
    %dma_start3A_115 = arith.constant 0 : i32
    %dma_start3A_116 = arith.constant 0 : i32
    %dma_start3A_117 = tpu.memref_slice %arg3[%add3A, %dma_start3A_115, %dma_start3A_116] : memref<32x250x40xi32, #tpu.memory_space<hbm>> -> memref<1x250x40xi32, #tpu.memory_space<hbm>>
    %dma_start3A_118 = tpu.memref_squeeze %dma_start3A_117 : memref<1x250x40xi32, #tpu.memory_space<hbm>> -> memref<250x40xi32, #tpu.memory_space<hbm>>
    %dma_start3A_119 = arith.constant 0 : i32
    %dma_start3A_120 = tpu.memref_slice %dma_start3A_118[%dma_start3A_110, %dma_start3A_119] : memref<250x40xi32, #tpu.memory_space<hbm>> -> memref<1x40xi32, #tpu.memory_space<hbm>>
    %dma_start3A_121 = tpu.memref_squeeze %dma_start3A_120 : memref<1x40xi32, #tpu.memory_space<hbm>> -> memref<40xi32, #tpu.memory_space<hbm>>
    %dma_start3A_122 = arith.constant 0 : i32
    %dma_start3A_123 = tpu.memref_slice %arg8[%dma_start3A_111, %dma_start3A_122] : memref<16x40xi32, #tpu.memory_space<vmem>> -> memref<1x40xi32, #tpu.memory_space<vmem>>
    %dma_start3A_124 = tpu.memref_squeeze %dma_start3A_123 : memref<1x40xi32, #tpu.memory_space<vmem>> -> memref<40xi32, #tpu.memory_space<vmem>>
    %dma_start3A_125 = arith.constant 0 : i32
    %dma_start3A_126 = arith.constant 0 : i32
    %dma_start3A_127 = tpu.memref_slice %arg3[%add3A, %dma_start3A_125, %dma_start3A_126] : memref<32x250x40xi32, #tpu.memory_space<hbm>> -> memref<1x250x40xi32, #tpu.memory_space<hbm>>
    %dma_start3A_128 = tpu.memref_squeeze %dma_start3A_127 : memref<1x250x40xi32, #tpu.memory_space<hbm>> -> memref<250x40xi32, #tpu.memory_space<hbm>>
    %dma_start3A_129 = arith.constant 0 : i32
    %dma_start3A_130 = tpu.memref_slice %dma_start3A_128[%dma_start3A_110, %dma_start3A_129] : memref<250x40xi32, #tpu.memory_space<hbm>> -> memref<1x40xi32, #tpu.memory_space<hbm>>
    %dma_start3A_131 = tpu.memref_squeeze %dma_start3A_130 : memref<1x40xi32, #tpu.memory_space<hbm>> -> memref<40xi32, #tpu.memory_space<hbm>>
    tpu.enqueue_dma source(%dma_start3A_131 : memref<40xi32, #tpu.memory_space<hbm>>) target(%dma_start3A_124 : memref<40xi32, #tpu.memory_space<vmem>>) target_semaphore(%arg13 : memref<!tpu.dma_semaphore, #tpu.memory_space<semaphore_mem>>)
    %dma_start3A_132 = arith.constant 3 : i32
    %dma_start3A_133 = arith.constant 3 : i32
    %dma_start3A_134 = arith.constant 0 : i32
    %dma_start3A_135 = tpu.memref_slice %arg7[%dma_start3A_133, %dma_start3A_134] : memref<16x40xi32, #tpu.memory_space<vmem>> -> memref<1x40xi32, #tpu.memory_space<vmem>>
    %dma_start3A_136 = tpu.memref_squeeze %dma_start3A_135 : memref<1x40xi32, #tpu.memory_space<vmem>> -> memref<40xi32, #tpu.memory_space<vmem>>
    %dma_start3A_137 = arith.constant 0 : i32
    %dma_start3A_138 = arith.constant 0 : i32
    %dma_start3A_139 = tpu.memref_slice %arg2[%add3A, %dma_start3A_137, %dma_start3A_138] : memref<32x250x40xi32, #tpu.memory_space<hbm>> -> memref<1x250x40xi32, #tpu.memory_space<hbm>>
    %dma_start3A_140 = tpu.memref_squeeze %dma_start3A_139 : memref<1x250x40xi32, #tpu.memory_space<hbm>> -> memref<250x40xi32, #tpu.memory_space<hbm>>
    %dma_start3A_141 = arith.constant 0 : i32
    %dma_start3A_142 = tpu.memref_slice %dma_start3A_140[%dma_start3A_132, %dma_start3A_141] : memref<250x40xi32, #tpu.memory_space<hbm>> -> memref<1x40xi32, #tpu.memory_space<hbm>>
    %dma_start3A_143 = tpu.memref_squeeze %dma_start3A_142 : memref<1x40xi32, #tpu.memory_space<hbm>> -> memref<40xi32, #tpu.memory_space<hbm>>
    %dma_start3A_144 = arith.constant 0 : i32
    %dma_start3A_145 = tpu.memref_slice %arg7[%dma_start3A_133, %dma_start3A_144] : memref<16x40xi32, #tpu.memory_space<vmem>> -> memref<1x40xi32, #tpu.memory_space<vmem>>
    %dma_start3A_146 = tpu.memref_squeeze %dma_start3A_145 : memref<1x40xi32, #tpu.memory_space<vmem>> -> memref<40xi32, #tpu.memory_space<vmem>>
    %dma_start3A_147 = arith.constant 0 : i32
    %dma_start3A_148 = arith.constant 0 : i32
    %dma_start3A_149 = tpu.memref_slice %arg2[%add3A, %dma_start3A_147, %dma_start3A_148] : memref<32x250x40xi32, #tpu.memory_space<hbm>> -> memref<1x250x40xi32, #tpu.memory_space<hbm>>
    %dma_start3A_150 = tpu.memref_squeeze %dma_start3A_149 : memref<1x250x40xi32, #tpu.memory_space<hbm>> -> memref<250x40xi32, #tpu.memory_space<hbm>>
    %dma_start3A_151 = arith.constant 0 : i32
    %dma_start3A_152 = tpu.memref_slice %dma_start3A_150[%dma_start3A_132, %dma_start3A_151] : memref<250x40xi32, #tpu.memory_space<hbm>> -> memref<1x40xi32, #tpu.memory_space<hbm>>
    %dma_start3A_153 = tpu.memref_squeeze %dma_start3A_152 : memref<1x40xi32, #tpu.memory_space<hbm>> -> memref<40xi32, #tpu.memory_space<hbm>>
    tpu.enqueue_dma source(%dma_start3A_153 : memref<40xi32, #tpu.memory_space<hbm>>) target(%dma_start3A_146 : memref<40xi32, #tpu.memory_space<vmem>>) target_semaphore(%arg13 : memref<!tpu.dma_semaphore, #tpu.memory_space<semaphore_mem>>)
    %dma_start3A_154 = arith.constant 3 : i32
    %dma_start3A_155 = arith.constant 3 : i32
    %dma_start3A_156 = arith.constant 0 : i32
    %dma_start3A_157 = tpu.memref_slice %arg8[%dma_start3A_155, %dma_start3A_156] : memref<16x40xi32, #tpu.memory_space<vmem>> -> memref<1x40xi32, #tpu.memory_space<vmem>>
    %dma_start3A_158 = tpu.memref_squeeze %dma_start3A_157 : memref<1x40xi32, #tpu.memory_space<vmem>> -> memref<40xi32, #tpu.memory_space<vmem>>
    %dma_start3A_159 = arith.constant 0 : i32
    %dma_start3A_160 = arith.constant 0 : i32
    %dma_start3A_161 = tpu.memref_slice %arg3[%add3A, %dma_start3A_159, %dma_start3A_160] : memref<32x250x40xi32, #tpu.memory_space<hbm>> -> memref<1x250x40xi32, #tpu.memory_space<hbm>>
    %dma_start3A_162 = tpu.memref_squeeze %dma_start3A_161 : memref<1x250x40xi32, #tpu.memory_space<hbm>> -> memref<250x40xi32, #tpu.memory_space<hbm>>
    %dma_start3A_163 = arith.constant 0 : i32
    %dma_start3A_164 = tpu.memref_slice %dma_start3A_162[%dma_start3A_154, %dma_start3A_163] : memref<250x40xi32, #tpu.memory_space<hbm>> -> memref<1x40xi32, #tpu.memory_space<hbm>>
    %dma_start3A_165 = tpu.memref_squeeze %dma_start3A_164 : memref<1x40xi32, #tpu.memory_space<hbm>> -> memref<40xi32, #tpu.memory_space<hbm>>
    %dma_start3A_166 = arith.constant 0 : i32
    %dma_start3A_167 = tpu.memref_slice %arg8[%dma_start3A_155, %dma_start3A_166] : memref<16x40xi32, #tpu.memory_space<vmem>> -> memref<1x40xi32, #tpu.memory_space<vmem>>
    %dma_start3A_168 = tpu.memref_squeeze %dma_start3A_167 : memref<1x40xi32, #tpu.memory_space<vmem>> -> memref<40xi32, #tpu.memory_space<vmem>>
    %dma_start3A_169 = arith.constant 0 : i32
    %dma_start3A_170 = arith.constant 0 : i32
    %dma_start3A_171 = tpu.memref_slice %arg3[%add3A, %dma_start3A_169, %dma_start3A_170] : memref<32x250x40xi32, #tpu.memory_space<hbm>> -> memref<1x250x40xi32, #tpu.memory_space<hbm>>
    %dma_start3A_172 = tpu.memref_squeeze %dma_start3A_171 : memref<1x250x40xi32, #tpu.memory_space<hbm>> -> memref<250x40xi32, #tpu.memory_space<hbm>>
    %dma_start3A_173 = arith.constant 0 : i32
    %dma_start3A_174 = tpu.memref_slice %dma_start3A_172[%dma_start3A_154, %dma_start3A_173] : memref<250x40xi32, #tpu.memory_space<hbm>> -> memref<1x40xi32, #tpu.memory_space<hbm>>
    %dma_start3A_175 = tpu.memref_squeeze %dma_start3A_174 : memref<1x40xi32, #tpu.memory_space<hbm>> -> memref<40xi32, #tpu.memory_space<hbm>>
    tpu.enqueue_dma source(%dma_start3A_175 : memref<40xi32, #tpu.memory_space<hbm>>) target(%dma_start3A_168 : memref<40xi32, #tpu.memory_space<vmem>>) target_semaphore(%arg13 : memref<!tpu.dma_semaphore, #tpu.memory_space<semaphore_mem>>)
    %dma_start3A_176 = arith.constant 4 : i32
    %dma_start3A_177 = arith.constant 4 : i32
    %dma_start3A_178 = arith.constant 0 : i32
    %dma_start3A_179 = tpu.memref_slice %arg7[%dma_start3A_177, %dma_start3A_178] : memref<16x40xi32, #tpu.memory_space<vmem>> -> memref<1x40xi32, #tpu.memory_space<vmem>>
    %dma_start3A_180 = tpu.memref_squeeze %dma_start3A_179 : memref<1x40xi32, #tpu.memory_space<vmem>> -> memref<40xi32, #tpu.memory_space<vmem>>
    %dma_start3A_181 = arith.constant 0 : i32
    %dma_start3A_182 = arith.constant 0 : i32
    %dma_start3A_183 = tpu.memref_slice %arg2[%add3A, %dma_start3A_181, %dma_start3A_182] : memref<32x250x40xi32, #tpu.memory_space<hbm>> -> memref<1x250x40xi32, #tpu.memory_space<hbm>>
    %dma_start3A_184 = tpu.memref_squeeze %dma_start3A_183 : memref<1x250x40xi32, #tpu.memory_space<hbm>> -> memref<250x40xi32, #tpu.memory_space<hbm>>
    %dma_start3A_185 = arith.constant 0 : i32
    %dma_start3A_186 = tpu.memref_slice %dma_start3A_184[%dma_start3A_176, %dma_start3A_185] : memref<250x40xi32, #tpu.memory_space<hbm>> -> memref<1x40xi32, #tpu.memory_space<hbm>>
    %dma_start3A_187 = tpu.memref_squeeze %dma_start3A_186 : memref<1x40xi32, #tpu.memory_space<hbm>> -> memref<40xi32, #tpu.memory_space<hbm>>
    %dma_start3A_188 = arith.constant 0 : i32
    %dma_start3A_189 = tpu.memref_slice %arg7[%dma_start3A_177, %dma_start3A_188] : memref<16x40xi32, #tpu.memory_space<vmem>> -> memref<1x40xi32, #tpu.memory_space<vmem>>
    %dma_start3A_190 = tpu.memref_squeeze %dma_start3A_189 : memref<1x40xi32, #tpu.memory_space<vmem>> -> memref<40xi32, #tpu.memory_space<vmem>>
    %dma_start3A_191 = arith.constant 0 : i32
    %dma_start3A_192 = arith.constant 0 : i32
    %dma_start3A_193 = tpu.memref_slice %arg2[%add3A, %dma_start3A_191, %dma_start3A_192] : memref<32x250x40xi32, #tpu.memory_space<hbm>> -> memref<1x250x40xi32, #tpu.memory_space<hbm>>
    %dma_start3A_194 = tpu.memref_squeeze %dma_start3A_193 : memref<1x250x40xi32, #tpu.memory_space<hbm>> -> memref<250x40xi32, #tpu.memory_space<hbm>>
    %dma_start3A_195 = arith.constant 0 : i32
    %dma_start3A_196 = tpu.memref_slice %dma_start3A_194[%dma_start3A_176, %dma_start3A_195] : memref<250x40xi32, #tpu.memory_space<hbm>> -> memref<1x40xi32, #tpu.memory_space<hbm>>
    %dma_start3A_197 = tpu.memref_squeeze %dma_start3A_196 : memref<1x40xi32, #tpu.memory_space<hbm>> -> memref<40xi32, #tpu.memory_space<hbm>>
    tpu.enqueue_dma source(%dma_start3A_197 : memref<40xi32, #tpu.memory_space<hbm>>) target(%dma_start3A_190 : memref<40xi32, #tpu.memory_space<vmem>>) target_semaphore(%arg13 : memref<!tpu.dma_semaphore, #tpu.memory_space<semaphore_mem>>)
    %dma_start3A_198 = arith.constant 4 : i32
    %dma_start3A_199 = arith.constant 4 : i32
    %dma_start3A_200 = arith.constant 0 : i32
    %dma_start3A_201 = tpu.memref_slice %arg8[%dma_start3A_199, %dma_start3A_200] : memref<16x40xi32, #tpu.memory_space<vmem>> -> memref<1x40xi32, #tpu.memory_space<vmem>>
    %dma_start3A_202 = tpu.memref_squeeze %dma_start3A_201 : memref<1x40xi32, #tpu.memory_space<vmem>> -> memref<40xi32, #tpu.memory_space<vmem>>
    %dma_start3A_203 = arith.constant 0 : i32
    %dma_start3A_204 = arith.constant 0 : i32
    %dma_start3A_205 = tpu.memref_slice %arg3[%add3A, %dma_start3A_203, %dma_start3A_204] : memref<32x250x40xi32, #tpu.memory_space<hbm>> -> memref<1x250x40xi32, #tpu.memory_space<hbm>>
    %dma_start3A_206 = tpu.memref_squeeze %dma_start3A_205 : memref<1x250x40xi32, #tpu.memory_space<hbm>> -> memref<250x40xi32, #tpu.memory_space<hbm>>
    %dma_start3A_207 = arith.constant 0 : i32
    %dma_start3A_208 = tpu.memref_slice %dma_start3A_206[%dma_start3A_198, %dma_start3A_207] : memref<250x40xi32, #tpu.memory_space<hbm>> -> memref<1x40xi32, #tpu.memory_space<hbm>>
    %dma_start3A_209 = tpu.memref_squeeze %dma_start3A_208 : memref<1x40xi32, #tpu.memory_space<hbm>> -> memref<40xi32, #tpu.memory_space<hbm>>
    %dma_start3A_210 = arith.constant 0 : i32
    %dma_start3A_211 = tpu.memref_slice %arg8[%dma_start3A_199, %dma_start3A_210] : memref<16x40xi32, #tpu.memory_space<vmem>> -> memref<1x40xi32, #tpu.memory_space<vmem>>
    %dma_start3A_212 = tpu.memref_squeeze %dma_start3A_211 : memref<1x40xi32, #tpu.memory_space<vmem>> -> memref<40xi32, #tpu.memory_space<vmem>>
    %dma_start3A_213 = arith.constant 0 : i32
    %dma_start3A_214 = arith.constant 0 : i32
    %dma_start3A_215 = tpu.memref_slice %arg3[%add3A, %dma_start3A_213, %dma_start3A_214] : memref<32x250x40xi32, #tpu.memory_space<hbm>> -> memref<1x250x40xi32, #tpu.memory_space<hbm>>
    %dma_start3A_216 = tpu.memref_squeeze %dma_start3A_215 : memref<1x250x40xi32, #tpu.memory_space<hbm>> -> memref<250x40xi32, #tpu.memory_space<hbm>>
    %dma_start3A_217 = arith.constant 0 : i32
    %dma_start3A_218 = tpu.memref_slice %dma_start3A_216[%dma_start3A_198, %dma_start3A_217] : memref<250x40xi32, #tpu.memory_space<hbm>> -> memref<1x40xi32, #tpu.memory_space<hbm>>
    %dma_start3A_219 = tpu.memref_squeeze %dma_start3A_218 : memref<1x40xi32, #tpu.memory_space<hbm>> -> memref<40xi32, #tpu.memory_space<hbm>>
    tpu.enqueue_dma source(%dma_start3A_219 : memref<40xi32, #tpu.memory_space<hbm>>) target(%dma_start3A_212 : memref<40xi32, #tpu.memory_space<vmem>>) target_semaphore(%arg13 : memref<!tpu.dma_semaphore, #tpu.memory_space<semaphore_mem>>)
    %dma_start3A_220 = arith.constant 5 : i32
    %dma_start3A_221 = arith.constant 5 : i32
    %dma_start3A_222 = arith.constant 0 : i32
    %dma_start3A_223 = tpu.memref_slice %arg7[%dma_start3A_221, %dma_start3A_222] : memref<16x40xi32, #tpu.memory_space<vmem>> -> memref<1x40xi32, #tpu.memory_space<vmem>>
    %dma_start3A_224 = tpu.memref_squeeze %dma_start3A_223 : memref<1x40xi32, #tpu.memory_space<vmem>> -> memref<40xi32, #tpu.memory_space<vmem>>
    %dma_start3A_225 = arith.constant 0 : i32
    %dma_start3A_226 = arith.constant 0 : i32
    %dma_start3A_227 = tpu.memref_slice %arg2[%add3A, %dma_start3A_225, %dma_start3A_226] : memref<32x250x40xi32, #tpu.memory_space<hbm>> -> memref<1x250x40xi32, #tpu.memory_space<hbm>>
    %dma_start3A_228 = tpu.memref_squeeze %dma_start3A_227 : memref<1x250x40xi32, #tpu.memory_space<hbm>> -> memref<250x40xi32, #tpu.memory_space<hbm>>
    %dma_start3A_229 = arith.constant 0 : i32
    %dma_start3A_230 = tpu.memref_slice %dma_start3A_228[%dma_start3A_220, %dma_start3A_229] : memref<250x40xi32, #tpu.memory_space<hbm>> -> memref<1x40xi32, #tpu.memory_space<hbm>>
    %dma_start3A_231 = tpu.memref_squeeze %dma_start3A_230 : memref<1x40xi32, #tpu.memory_space<hbm>> -> memref<40xi32, #tpu.memory_space<hbm>>
    %dma_start3A_232 = arith.constant 0 : i32
    %dma_start3A_233 = tpu.memref_slice %arg7[%dma_start3A_221, %dma_start3A_232] : memref<16x40xi32, #tpu.memory_space<vmem>> -> memref<1x40xi32, #tpu.memory_space<vmem>>
    %dma_start3A_234 = tpu.memref_squeeze %dma_start3A_233 : memref<1x40xi32, #tpu.memory_space<vmem>> -> memref<40xi32, #tpu.memory_space<vmem>>
    %dma_start3A_235 = arith.constant 0 : i32
    %dma_start3A_236 = arith.constant 0 : i32
    %dma_start3A_237 = tpu.memref_slice %arg2[%add3A, %dma_start3A_235, %dma_start3A_236] : memref<32x250x40xi32, #tpu.memory_space<hbm>> -> memref<1x250x40xi32, #tpu.memory_space<hbm>>
    %dma_start3A_238 = tpu.memref_squeeze %dma_start3A_237 : memref<1x250x40xi32, #tpu.memory_space<hbm>> -> memref<250x40xi32, #tpu.memory_space<hbm>>
    %dma_start3A_239 = arith.constant 0 : i32
    %dma_start3A_240 = tpu.memref_slice %dma_start3A_238[%dma_start3A_220, %dma_start3A_239] : memref<250x40xi32, #tpu.memory_space<hbm>> -> memref<1x40xi32, #tpu.memory_space<hbm>>
    %dma_start3A_241 = tpu.memref_squeeze %dma_start3A_240 : memref<1x40xi32, #tpu.memory_space<hbm>> -> memref<40xi32, #tpu.memory_space<hbm>>
    tpu.enqueue_dma source(%dma_start3A_241 : memref<40xi32, #tpu.memory_space<hbm>>) target(%dma_start3A_234 : memref<40xi32, #tpu.memory_space<vmem>>) target_semaphore(%arg13 : memref<!tpu.dma_semaphore, #tpu.memory_space<semaphore_mem>>)
    %dma_start3A_242 = arith.constant 5 : i32
    %dma_start3A_243 = arith.constant 5 : i32
    %dma_start3A_244 = arith.constant 0 : i32
    %dma_start3A_245 = tpu.memref_slice %arg8[%dma_start3A_243, %dma_start3A_244] : memref<16x40xi32, #tpu.memory_space<vmem>> -> memref<1x40xi32, #tpu.memory_space<vmem>>
    %dma_start3A_246 = tpu.memref_squeeze %dma_start3A_245 : memref<1x40xi32, #tpu.memory_space<vmem>> -> memref<40xi32, #tpu.memory_space<vmem>>
    %dma_start3A_247 = arith.constant 0 : i32
    %dma_start3A_248 = arith.constant 0 : i32
    %dma_start3A_249 = tpu.memref_slice %arg3[%add3A, %dma_start3A_247, %dma_start3A_248] : memref<32x250x40xi32, #tpu.memory_space<hbm>> -> memref<1x250x40xi32, #tpu.memory_space<hbm>>
    %dma_start3A_250 = tpu.memref_squeeze %dma_start3A_249 : memref<1x250x40xi32, #tpu.memory_space<hbm>> -> memref<250x40xi32, #tpu.memory_space<hbm>>
    %dma_start3A_251 = arith.constant 0 : i32
    %dma_start3A_252 = tpu.memref_slice %dma_start3A_250[%dma_start3A_242, %dma_start3A_251] : memref<250x40xi32, #tpu.memory_space<hbm>> -> memref<1x40xi32, #tpu.memory_space<hbm>>
    %dma_start3A_253 = tpu.memref_squeeze %dma_start3A_252 : memref<1x40xi32, #tpu.memory_space<hbm>> -> memref<40xi32, #tpu.memory_space<hbm>>
    %dma_start3A_254 = arith.constant 0 : i32
    %dma_start3A_255 = tpu.memref_slice %arg8[%dma_start3A_243, %dma_start3A_254] : memref<16x40xi32, #tpu.memory_space<vmem>> -> memref<1x40xi32, #tpu.memory_space<vmem>>
    %dma_start3A_256 = tpu.memref_squeeze %dma_start3A_255 : memref<1x40xi32, #tpu.memory_space<vmem>> -> memref<40xi32, #tpu.memory_space<vmem>>
    %dma_start3A_257 = arith.constant 0 : i32
    %dma_start3A_258 = arith.constant 0 : i32
    %dma_start3A_259 = tpu.memref_slice %arg3[%add3A, %dma_start3A_257, %dma_start3A_258] : memref<32x250x40xi32, #tpu.memory_space<hbm>> -> memref<1x250x40xi32, #tpu.memory_space<hbm>>
    %dma_start3A_260 = tpu.memref_squeeze %dma_start3A_259 : memref<1x250x40xi32, #tpu.memory_space<hbm>> -> memref<250x40xi32, #tpu.memory_space<hbm>>
    %dma_start3A_261 = arith.constant 0 : i32
    %dma_start3A_262 = tpu.memref_slice %dma_start3A_260[%dma_start3A_242, %dma_start3A_261] : memref<250x40xi32, #tpu.memory_space<hbm>> -> memref<1x40xi32, #tpu.memory_space<hbm>>
    %dma_start3A_263 = tpu.memref_squeeze %dma_start3A_262 : memref<1x40xi32, #tpu.memory_space<hbm>> -> memref<40xi32, #tpu.memory_space<hbm>>
    tpu.enqueue_dma source(%dma_start3A_263 : memref<40xi32, #tpu.memory_space<hbm>>) target(%dma_start3A_256 : memref<40xi32, #tpu.memory_space<vmem>>) target_semaphore(%arg13 : memref<!tpu.dma_semaphore, #tpu.memory_space<semaphore_mem>>)
    %dma_start3A_264 = arith.constant 6 : i32
    %dma_start3A_265 = arith.constant 6 : i32
    %dma_start3A_266 = arith.constant 0 : i32
    %dma_start3A_267 = tpu.memref_slice %arg7[%dma_start3A_265, %dma_start3A_266] : memref<16x40xi32, #tpu.memory_space<vmem>> -> memref<1x40xi32, #tpu.memory_space<vmem>>
    %dma_start3A_268 = tpu.memref_squeeze %dma_start3A_267 : memref<1x40xi32, #tpu.memory_space<vmem>> -> memref<40xi32, #tpu.memory_space<vmem>>
    %dma_start3A_269 = arith.constant 0 : i32
    %dma_start3A_270 = arith.constant 0 : i32
    %dma_start3A_271 = tpu.memref_slice %arg2[%add3A, %dma_start3A_269, %dma_start3A_270] : memref<32x250x40xi32, #tpu.memory_space<hbm>> -> memref<1x250x40xi32, #tpu.memory_space<hbm>>
    %dma_start3A_272 = tpu.memref_squeeze %dma_start3A_271 : memref<1x250x40xi32, #tpu.memory_space<hbm>> -> memref<250x40xi32, #tpu.memory_space<hbm>>
    %dma_start3A_273 = arith.constant 0 : i32
    %dma_start3A_274 = tpu.memref_slice %dma_start3A_272[%dma_start3A_264, %dma_start3A_273] : memref<250x40xi32, #tpu.memory_space<hbm>> -> memref<1x40xi32, #tpu.memory_space<hbm>>
    %dma_start3A_275 = tpu.memref_squeeze %dma_start3A_274 : memref<1x40xi32, #tpu.memory_space<hbm>> -> memref<40xi32, #tpu.memory_space<hbm>>
    %dma_start3A_276 = arith.constant 0 : i32
    %dma_start3A_277 = tpu.memref_slice %arg7[%dma_start3A_265, %dma_start3A_276] : memref<16x40xi32, #tpu.memory_space<vmem>> -> memref<1x40xi32, #tpu.memory_space<vmem>>
    %dma_start3A_278 = tpu.memref_squeeze %dma_start3A_277 : memref<1x40xi32, #tpu.memory_space<vmem>> -> memref<40xi32, #tpu.memory_space<vmem>>
    %dma_start3A_279 = arith.constant 0 : i32
    %dma_start3A_280 = arith.constant 0 : i32
    %dma_start3A_281 = tpu.memref_slice %arg2[%add3A, %dma_start3A_279, %dma_start3A_280] : memref<32x250x40xi32, #tpu.memory_space<hbm>> -> memref<1x250x40xi32, #tpu.memory_space<hbm>>
    %dma_start3A_282 = tpu.memref_squeeze %dma_start3A_281 : memref<1x250x40xi32, #tpu.memory_space<hbm>> -> memref<250x40xi32, #tpu.memory_space<hbm>>
    %dma_start3A_283 = arith.constant 0 : i32
    %dma_start3A_284 = tpu.memref_slice %dma_start3A_282[%dma_start3A_264, %dma_start3A_283] : memref<250x40xi32, #tpu.memory_space<hbm>> -> memref<1x40xi32, #tpu.memory_space<hbm>>
    %dma_start3A_285 = tpu.memref_squeeze %dma_start3A_284 : memref<1x40xi32, #tpu.memory_space<hbm>> -> memref<40xi32, #tpu.memory_space<hbm>>
    tpu.enqueue_dma source(%dma_start3A_285 : memref<40xi32, #tpu.memory_space<hbm>>) target(%dma_start3A_278 : memref<40xi32, #tpu.memory_space<vmem>>) target_semaphore(%arg13 : memref<!tpu.dma_semaphore, #tpu.memory_space<semaphore_mem>>)
    %dma_start3A_286 = arith.constant 6 : i32
    %dma_start3A_287 = arith.constant 6 : i32
    %dma_start3A_288 = arith.constant 0 : i32
    %dma_start3A_289 = tpu.memref_slice %arg8[%dma_start3A_287, %dma_start3A_288] : memref<16x40xi32, #tpu.memory_space<vmem>> -> memref<1x40xi32, #tpu.memory_space<vmem>>
    %dma_start3A_290 = tpu.memref_squeeze %dma_start3A_289 : memref<1x40xi32, #tpu.memory_space<vmem>> -> memref<40xi32, #tpu.memory_space<vmem>>
    %dma_start3A_291 = arith.constant 0 : i32
    %dma_start3A_292 = arith.constant 0 : i32
    %dma_start3A_293 = tpu.memref_slice %arg3[%add3A, %dma_start3A_291, %dma_start3A_292] : memref<32x250x40xi32, #tpu.memory_space<hbm>> -> memref<1x250x40xi32, #tpu.memory_space<hbm>>
    %dma_start3A_294 = tpu.memref_squeeze %dma_start3A_293 : memref<1x250x40xi32, #tpu.memory_space<hbm>> -> memref<250x40xi32, #tpu.memory_space<hbm>>
    %dma_start3A_295 = arith.constant 0 : i32
    %dma_start3A_296 = tpu.memref_slice %dma_start3A_294[%dma_start3A_286, %dma_start3A_295] : memref<250x40xi32, #tpu.memory_space<hbm>> -> memref<1x40xi32, #tpu.memory_space<hbm>>
    %dma_start3A_297 = tpu.memref_squeeze %dma_start3A_296 : memref<1x40xi32, #tpu.memory_space<hbm>> -> memref<40xi32, #tpu.memory_space<hbm>>
    %dma_start3A_298 = arith.constant 0 : i32
    %dma_start3A_299 = tpu.memref_slice %arg8[%dma_start3A_287, %dma_start3A_298] : memref<16x40xi32, #tpu.memory_space<vmem>> -> memref<1x40xi32, #tpu.memory_space<vmem>>
    %dma_start3A_300 = tpu.memref_squeeze %dma_start3A_299 : memref<1x40xi32, #tpu.memory_space<vmem>> -> memref<40xi32, #tpu.memory_space<vmem>>
    %dma_start3A_301 = arith.constant 0 : i32
    %dma_start3A_302 = arith.constant 0 : i32
    %dma_start3A_303 = tpu.memref_slice %arg3[%add3A, %dma_start3A_301, %dma_start3A_302] : memref<32x250x40xi32, #tpu.memory_space<hbm>> -> memref<1x250x40xi32, #tpu.memory_space<hbm>>
    %dma_start3A_304 = tpu.memref_squeeze %dma_start3A_303 : memref<1x250x40xi32, #tpu.memory_space<hbm>> -> memref<250x40xi32, #tpu.memory_space<hbm>>
    %dma_start3A_305 = arith.constant 0 : i32
    %dma_start3A_306 = tpu.memref_slice %dma_start3A_304[%dma_start3A_286, %dma_start3A_305] : memref<250x40xi32, #tpu.memory_space<hbm>> -> memref<1x40xi32, #tpu.memory_space<hbm>>
    %dma_start3A_307 = tpu.memref_squeeze %dma_start3A_306 : memref<1x40xi32, #tpu.memory_space<hbm>> -> memref<40xi32, #tpu.memory_space<hbm>>
    tpu.enqueue_dma source(%dma_start3A_307 : memref<40xi32, #tpu.memory_space<hbm>>) target(%dma_start3A_300 : memref<40xi32, #tpu.memory_space<vmem>>) target_semaphore(%arg13 : memref<!tpu.dma_semaphore, #tpu.memory_space<semaphore_mem>>)
    %dma_start3A_308 = arith.constant 7 : i32
    %dma_start3A_309 = arith.constant 7 : i32
    %dma_start3A_310 = arith.constant 0 : i32
    %dma_start3A_311 = tpu.memref_slice %arg7[%dma_start3A_309, %dma_start3A_310] : memref<16x40xi32, #tpu.memory_space<vmem>> -> memref<1x40xi32, #tpu.memory_space<vmem>>
    %dma_start3A_312 = tpu.memref_squeeze %dma_start3A_311 : memref<1x40xi32, #tpu.memory_space<vmem>> -> memref<40xi32, #tpu.memory_space<vmem>>
    %dma_start3A_313 = arith.constant 0 : i32
    %dma_start3A_314 = arith.constant 0 : i32
    %dma_start3A_315 = tpu.memref_slice %arg2[%add3A, %dma_start3A_313, %dma_start3A_314] : memref<32x250x40xi32, #tpu.memory_space<hbm>> -> memref<1x250x40xi32, #tpu.memory_space<hbm>>
    %dma_start3A_316 = tpu.memref_squeeze %dma_start3A_315 : memref<1x250x40xi32, #tpu.memory_space<hbm>> -> memref<250x40xi32, #tpu.memory_space<hbm>>
    %dma_start3A_317 = arith.constant 0 : i32
    %dma_start3A_318 = tpu.memref_slice %dma_start3A_316[%dma_start3A_308, %dma_start3A_317] : memref<250x40xi32, #tpu.memory_space<hbm>> -> memref<1x40xi32, #tpu.memory_space<hbm>>
    %dma_start3A_319 = tpu.memref_squeeze %dma_start3A_318 : memref<1x40xi32, #tpu.memory_space<hbm>> -> memref<40xi32, #tpu.memory_space<hbm>>
    %dma_start3A_320 = arith.constant 0 : i32
    %dma_start3A_321 = tpu.memref_slice %arg7[%dma_start3A_309, %dma_start3A_320] : memref<16x40xi32, #tpu.memory_space<vmem>> -> memref<1x40xi32, #tpu.memory_space<vmem>>
    %dma_start3A_322 = tpu.memref_squeeze %dma_start3A_321 : memref<1x40xi32, #tpu.memory_space<vmem>> -> memref<40xi32, #tpu.memory_space<vmem>>
    %dma_start3A_323 = arith.constant 0 : i32
    %dma_start3A_324 = arith.constant 0 : i32
    %dma_start3A_325 = tpu.memref_slice %arg2[%add3A, %dma_start3A_323, %dma_start3A_324] : memref<32x250x40xi32, #tpu.memory_space<hbm>> -> memref<1x250x40xi32, #tpu.memory_space<hbm>>
    %dma_start3A_326 = tpu.memref_squeeze %dma_start3A_325 : memref<1x250x40xi32, #tpu.memory_space<hbm>> -> memref<250x40xi32, #tpu.memory_space<hbm>>
    %dma_start3A_327 = arith.constant 0 : i32
    %dma_start3A_328 = tpu.memref_slice %dma_start3A_326[%dma_start3A_308, %dma_start3A_327] : memref<250x40xi32, #tpu.memory_space<hbm>> -> memref<1x40xi32, #tpu.memory_space<hbm>>
    %dma_start3A_329 = tpu.memref_squeeze %dma_start3A_328 : memref<1x40xi32, #tpu.memory_space<hbm>> -> memref<40xi32, #tpu.memory_space<hbm>>
    tpu.enqueue_dma source(%dma_start3A_329 : memref<40xi32, #tpu.memory_space<hbm>>) target(%dma_start3A_322 : memref<40xi32, #tpu.memory_space<vmem>>) target_semaphore(%arg13 : memref<!tpu.dma_semaphore, #tpu.memory_space<semaphore_mem>>)
    %dma_start3A_330 = arith.constant 7 : i32
    %dma_start3A_331 = arith.constant 7 : i32
    %dma_start3A_332 = arith.constant 0 : i32
    %dma_start3A_333 = tpu.memref_slice %arg8[%dma_start3A_331, %dma_start3A_332] : memref<16x40xi32, #tpu.memory_space<vmem>> -> memref<1x40xi32, #tpu.memory_space<vmem>>
    %dma_start3A_334 = tpu.memref_squeeze %dma_start3A_333 : memref<1x40xi32, #tpu.memory_space<vmem>> -> memref<40xi32, #tpu.memory_space<vmem>>
    %dma_start3A_335 = arith.constant 0 : i32
    %dma_start3A_336 = arith.constant 0 : i32
    %dma_start3A_337 = tpu.memref_slice %arg3[%add3A, %dma_start3A_335, %dma_start3A_336] : memref<32x250x40xi32, #tpu.memory_space<hbm>> -> memref<1x250x40xi32, #tpu.memory_space<hbm>>
    %dma_start3A_338 = tpu.memref_squeeze %dma_start3A_337 : memref<1x250x40xi32, #tpu.memory_space<hbm>> -> memref<250x40xi32, #tpu.memory_space<hbm>>
    %dma_start3A_339 = arith.constant 0 : i32
    %dma_start3A_340 = tpu.memref_slice %dma_start3A_338[%dma_start3A_330, %dma_start3A_339] : memref<250x40xi32, #tpu.memory_space<hbm>> -> memref<1x40xi32, #tpu.memory_space<hbm>>
    %dma_start3A_341 = tpu.memref_squeeze %dma_start3A_340 : memref<1x40xi32, #tpu.memory_space<hbm>> -> memref<40xi32, #tpu.memory_space<hbm>>
    %dma_start3A_342 = arith.constant 0 : i32
    %dma_start3A_343 = tpu.memref_slice %arg8[%dma_start3A_331, %dma_start3A_342] : memref<16x40xi32, #tpu.memory_space<vmem>> -> memref<1x40xi32, #tpu.memory_space<vmem>>
    %dma_start3A_344 = tpu.memref_squeeze %dma_start3A_343 : memref<1x40xi32, #tpu.memory_space<vmem>> -> memref<40xi32, #tpu.memory_space<vmem>>
    %dma_start3A_345 = arith.constant 0 : i32
    %dma_start3A_346 = arith.constant 0 : i32
    %dma_start3A_347 = tpu.memref_slice %arg3[%add3A, %dma_start3A_345, %dma_start3A_346] : memref<32x250x40xi32, #tpu.memory_space<hbm>> -> memref<1x250x40xi32, #tpu.memory_space<hbm>>
    %dma_start3A_348 = tpu.memref_squeeze %dma_start3A_347 : memref<1x250x40xi32, #tpu.memory_space<hbm>> -> memref<250x40xi32, #tpu.memory_space<hbm>>
    %dma_start3A_349 = arith.constant 0 : i32
    %dma_start3A_350 = tpu.memref_slice %dma_start3A_348[%dma_start3A_330, %dma_start3A_349] : memref<250x40xi32, #tpu.memory_space<hbm>> -> memref<1x40xi32, #tpu.memory_space<hbm>>
    %dma_start3A_351 = tpu.memref_squeeze %dma_start3A_350 : memref<1x40xi32, #tpu.memory_space<hbm>> -> memref<40xi32, #tpu.memory_space<hbm>>
    tpu.enqueue_dma source(%dma_start3A_351 : memref<40xi32, #tpu.memory_space<hbm>>) target(%dma_start3A_344 : memref<40xi32, #tpu.memory_space<vmem>>) target_semaphore(%arg13 : memref<!tpu.dma_semaphore, #tpu.memory_space<semaphore_mem>>)
    %dma_start3A_352 = arith.constant 8 : i32
    %dma_start3A_353 = arith.constant 8 : i32
    %dma_start3A_354 = arith.constant 0 : i32
    %dma_start3A_355 = tpu.memref_slice %arg7[%dma_start3A_353, %dma_start3A_354] : memref<16x40xi32, #tpu.memory_space<vmem>> -> memref<1x40xi32, #tpu.memory_space<vmem>>
    %dma_start3A_356 = tpu.memref_squeeze %dma_start3A_355 : memref<1x40xi32, #tpu.memory_space<vmem>> -> memref<40xi32, #tpu.memory_space<vmem>>
    %dma_start3A_357 = arith.constant 0 : i32
    %dma_start3A_358 = arith.constant 0 : i32
    %dma_start3A_359 = tpu.memref_slice %arg2[%add3A, %dma_start3A_357, %dma_start3A_358] : memref<32x250x40xi32, #tpu.memory_space<hbm>> -> memref<1x250x40xi32, #tpu.memory_space<hbm>>
    %dma_start3A_360 = tpu.memref_squeeze %dma_start3A_359 : memref<1x250x40xi32, #tpu.memory_space<hbm>> -> memref<250x40xi32, #tpu.memory_space<hbm>>
    %dma_start3A_361 = arith.constant 0 : i32
    %dma_start3A_362 = tpu.memref_slice %dma_start3A_360[%dma_start3A_352, %dma_start3A_361] : memref<250x40xi32, #tpu.memory_space<hbm>> -> memref<1x40xi32, #tpu.memory_space<hbm>>
    %dma_start3A_363 = tpu.memref_squeeze %dma_start3A_362 : memref<1x40xi32, #tpu.memory_space<hbm>> -> memref<40xi32, #tpu.memory_space<hbm>>
    %dma_start3A_364 = arith.constant 0 : i32
    %dma_start3A_365 = tpu.memref_slice %arg7[%dma_start3A_353, %dma_start3A_364] : memref<16x40xi32, #tpu.memory_space<vmem>> -> memref<1x40xi32, #tpu.memory_space<vmem>>
    %dma_start3A_366 = tpu.memref_squeeze %dma_start3A_365 : memref<1x40xi32, #tpu.memory_space<vmem>> -> memref<40xi32, #tpu.memory_space<vmem>>
    %dma_start3A_367 = arith.constant 0 : i32
    %dma_start3A_368 = arith.constant 0 : i32
    %dma_start3A_369 = tpu.memref_slice %arg2[%add3A, %dma_start3A_367, %dma_start3A_368] : memref<32x250x40xi32, #tpu.memory_space<hbm>> -> memref<1x250x40xi32, #tpu.memory_space<hbm>>
    %dma_start3A_370 = tpu.memref_squeeze %dma_start3A_369 : memref<1x250x40xi32, #tpu.memory_space<hbm>> -> memref<250x40xi32, #tpu.memory_space<hbm>>
    %dma_start3A_371 = arith.constant 0 : i32
    %dma_start3A_372 = tpu.memref_slice %dma_start3A_370[%dma_start3A_352, %dma_start3A_371] : memref<250x40xi32, #tpu.memory_space<hbm>> -> memref<1x40xi32, #tpu.memory_space<hbm>>
    %dma_start3A_373 = tpu.memref_squeeze %dma_start3A_372 : memref<1x40xi32, #tpu.memory_space<hbm>> -> memref<40xi32, #tpu.memory_space<hbm>>
    tpu.enqueue_dma source(%dma_start3A_373 : memref<40xi32, #tpu.memory_space<hbm>>) target(%dma_start3A_366 : memref<40xi32, #tpu.memory_space<vmem>>) target_semaphore(%arg13 : memref<!tpu.dma_semaphore, #tpu.memory_space<semaphore_mem>>)
    %dma_start3A_374 = arith.constant 8 : i32
    %dma_start3A_375 = arith.constant 8 : i32
    %dma_start3A_376 = arith.constant 0 : i32
    %dma_start3A_377 = tpu.memref_slice %arg8[%dma_start3A_375, %dma_start3A_376] : memref<16x40xi32, #tpu.memory_space<vmem>> -> memref<1x40xi32, #tpu.memory_space<vmem>>
    %dma_start3A_378 = tpu.memref_squeeze %dma_start3A_377 : memref<1x40xi32, #tpu.memory_space<vmem>> -> memref<40xi32, #tpu.memory_space<vmem>>
    %dma_start3A_379 = arith.constant 0 : i32
    %dma_start3A_380 = arith.constant 0 : i32
    %dma_start3A_381 = tpu.memref_slice %arg3[%add3A, %dma_start3A_379, %dma_start3A_380] : memref<32x250x40xi32, #tpu.memory_space<hbm>> -> memref<1x250x40xi32, #tpu.memory_space<hbm>>
    %dma_start3A_382 = tpu.memref_squeeze %dma_start3A_381 : memref<1x250x40xi32, #tpu.memory_space<hbm>> -> memref<250x40xi32, #tpu.memory_space<hbm>>
    %dma_start3A_383 = arith.constant 0 : i32
    %dma_start3A_384 = tpu.memref_slice %dma_start3A_382[%dma_start3A_374, %dma_start3A_383] : memref<250x40xi32, #tpu.memory_space<hbm>> -> memref<1x40xi32, #tpu.memory_space<hbm>>
    %dma_start3A_385 = tpu.memref_squeeze %dma_start3A_384 : memref<1x40xi32, #tpu.memory_space<hbm>> -> memref<40xi32, #tpu.memory_space<hbm>>
    %dma_start3A_386 = arith.constant 0 : i32
    %dma_start3A_387 = tpu.memref_slice %arg8[%dma_start3A_375, %dma_start3A_386] : memref<16x40xi32, #tpu.memory_space<vmem>> -> memref<1x40xi32, #tpu.memory_space<vmem>>
    %dma_start3A_388 = tpu.memref_squeeze %dma_start3A_387 : memref<1x40xi32, #tpu.memory_space<vmem>> -> memref<40xi32, #tpu.memory_space<vmem>>
    %dma_start3A_389 = arith.constant 0 : i32
    %dma_start3A_390 = arith.constant 0 : i32
    %dma_start3A_391 = tpu.memref_slice %arg3[%add3A, %dma_start3A_389, %dma_start3A_390] : memref<32x250x40xi32, #tpu.memory_space<hbm>> -> memref<1x250x40xi32, #tpu.memory_space<hbm>>
    %dma_start3A_392 = tpu.memref_squeeze %dma_start3A_391 : memref<1x250x40xi32, #tpu.memory_space<hbm>> -> memref<250x40xi32, #tpu.memory_space<hbm>>
    %dma_start3A_393 = arith.constant 0 : i32
    %dma_start3A_394 = tpu.memref_slice %dma_start3A_392[%dma_start3A_374, %dma_start3A_393] : memref<250x40xi32, #tpu.memory_space<hbm>> -> memref<1x40xi32, #tpu.memory_space<hbm>>
    %dma_start3A_395 = tpu.memref_squeeze %dma_start3A_394 : memref<1x40xi32, #tpu.memory_space<hbm>> -> memref<40xi32, #tpu.memory_space<hbm>>
    tpu.enqueue_dma source(%dma_start3A_395 : memref<40xi32, #tpu.memory_space<hbm>>) target(%dma_start3A_388 : memref<40xi32, #tpu.memory_space<vmem>>) target_semaphore(%arg13 : memref<!tpu.dma_semaphore, #tpu.memory_space<semaphore_mem>>)
    %dma_start3A_396 = arith.constant 9 : i32
    %dma_start3A_397 = arith.constant 9 : i32
    %dma_start3A_398 = arith.constant 0 : i32
    %dma_start3A_399 = tpu.memref_slice %arg7[%dma_start3A_397, %dma_start3A_398] : memref<16x40xi32, #tpu.memory_space<vmem>> -> memref<1x40xi32, #tpu.memory_space<vmem>>
    %dma_start3A_400 = tpu.memref_squeeze %dma_start3A_399 : memref<1x40xi32, #tpu.memory_space<vmem>> -> memref<40xi32, #tpu.memory_space<vmem>>
    %dma_start3A_401 = arith.constant 0 : i32
    %dma_start3A_402 = arith.constant 0 : i32
    %dma_start3A_403 = tpu.memref_slice %arg2[%add3A, %dma_start3A_401, %dma_start3A_402] : memref<32x250x40xi32, #tpu.memory_space<hbm>> -> memref<1x250x40xi32, #tpu.memory_space<hbm>>
    %dma_start3A_404 = tpu.memref_squeeze %dma_start3A_403 : memref<1x250x40xi32, #tpu.memory_space<hbm>> -> memref<250x40xi32, #tpu.memory_space<hbm>>
    %dma_start3A_405 = arith.constant 0 : i32
    %dma_start3A_406 = tpu.memref_slice %dma_start3A_404[%dma_start3A_396, %dma_start3A_405] : memref<250x40xi32, #tpu.memory_space<hbm>> -> memref<1x40xi32, #tpu.memory_space<hbm>>
    %dma_start3A_407 = tpu.memref_squeeze %dma_start3A_406 : memref<1x40xi32, #tpu.memory_space<hbm>> -> memref<40xi32, #tpu.memory_space<hbm>>
    %dma_start3A_408 = arith.constant 0 : i32
    %dma_start3A_409 = tpu.memref_slice %arg7[%dma_start3A_397, %dma_start3A_408] : memref<16x40xi32, #tpu.memory_space<vmem>> -> memref<1x40xi32, #tpu.memory_space<vmem>>
    %dma_start3A_410 = tpu.memref_squeeze %dma_start3A_409 : memref<1x40xi32, #tpu.memory_space<vmem>> -> memref<40xi32, #tpu.memory_space<vmem>>
    %dma_start3A_411 = arith.constant 0 : i32
    %dma_start3A_412 = arith.constant 0 : i32
    %dma_start3A_413 = tpu.memref_slice %arg2[%add3A, %dma_start3A_411, %dma_start3A_412] : memref<32x250x40xi32, #tpu.memory_space<hbm>> -> memref<1x250x40xi32, #tpu.memory_space<hbm>>
    %dma_start3A_414 = tpu.memref_squeeze %dma_start3A_413 : memref<1x250x40xi32, #tpu.memory_space<hbm>> -> memref<250x40xi32, #tpu.memory_space<hbm>>
    %dma_start3A_415 = arith.constant 0 : i32
    %dma_start3A_416 = tpu.memref_slice %dma_start3A_414[%dma_start3A_396, %dma_start3A_415] : memref<250x40xi32, #tpu.memory_space<hbm>> -> memref<1x40xi32, #tpu.memory_space<hbm>>
    %dma_start3A_417 = tpu.memref_squeeze %dma_start3A_416 : memref<1x40xi32, #tpu.memory_space<hbm>> -> memref<40xi32, #tpu.memory_space<hbm>>
    tpu.enqueue_dma source(%dma_start3A_417 : memref<40xi32, #tpu.memory_space<hbm>>) target(%dma_start3A_410 : memref<40xi32, #tpu.memory_space<vmem>>) target_semaphore(%arg13 : memref<!tpu.dma_semaphore, #tpu.memory_space<semaphore_mem>>)
    %dma_start3A_418 = arith.constant 9 : i32
    %dma_start3A_419 = arith.constant 9 : i32
    %dma_start3A_420 = arith.constant 0 : i32
    %dma_start3A_421 = tpu.memref_slice %arg8[%dma_start3A_419, %dma_start3A_420] : memref<16x40xi32, #tpu.memory_space<vmem>> -> memref<1x40xi32, #tpu.memory_space<vmem>>
    %dma_start3A_422 = tpu.memref_squeeze %dma_start3A_421 : memref<1x40xi32, #tpu.memory_space<vmem>> -> memref<40xi32, #tpu.memory_space<vmem>>
    %dma_start3A_423 = arith.constant 0 : i32
    %dma_start3A_424 = arith.constant 0 : i32
    %dma_start3A_425 = tpu.memref_slice %arg3[%add3A, %dma_start3A_423, %dma_start3A_424] : memref<32x250x40xi32, #tpu.memory_space<hbm>> -> memref<1x250x40xi32, #tpu.memory_space<hbm>>
    %dma_start3A_426 = tpu.memref_squeeze %dma_start3A_425 : memref<1x250x40xi32, #tpu.memory_space<hbm>> -> memref<250x40xi32, #tpu.memory_space<hbm>>
    %dma_start3A_427 = arith.constant 0 : i32
    %dma_start3A_428 = tpu.memref_slice %dma_start3A_426[%dma_start3A_418, %dma_start3A_427] : memref<250x40xi32, #tpu.memory_space<hbm>> -> memref<1x40xi32, #tpu.memory_space<hbm>>
    %dma_start3A_429 = tpu.memref_squeeze %dma_start3A_428 : memref<1x40xi32, #tpu.memory_space<hbm>> -> memref<40xi32, #tpu.memory_space<hbm>>
    %dma_start3A_430 = arith.constant 0 : i32
    %dma_start3A_431 = tpu.memref_slice %arg8[%dma_start3A_419, %dma_start3A_430] : memref<16x40xi32, #tpu.memory_space<vmem>> -> memref<1x40xi32, #tpu.memory_space<vmem>>
    %dma_start3A_432 = tpu.memref_squeeze %dma_start3A_431 : memref<1x40xi32, #tpu.memory_space<vmem>> -> memref<40xi32, #tpu.memory_space<vmem>>
    %dma_start3A_433 = arith.constant 0 : i32
    %dma_start3A_434 = arith.constant 0 : i32
    %dma_start3A_435 = tpu.memref_slice %arg3[%add3A, %dma_start3A_433, %dma_start3A_434] : memref<32x250x40xi32, #tpu.memory_space<hbm>> -> memref<1x250x40xi32, #tpu.memory_space<hbm>>
    %dma_start3A_436 = tpu.memref_squeeze %dma_start3A_435 : memref<1x250x40xi32, #tpu.memory_space<hbm>> -> memref<250x40xi32, #tpu.memory_space<hbm>>
    %dma_start3A_437 = arith.constant 0 : i32
    %dma_start3A_438 = tpu.memref_slice %dma_start3A_436[%dma_start3A_418, %dma_start3A_437] : memref<250x40xi32, #tpu.memory_space<hbm>> -> memref<1x40xi32, #tpu.memory_space<hbm>>
    %dma_start3A_439 = tpu.memref_squeeze %dma_start3A_438 : memref<1x40xi32, #tpu.memory_space<hbm>> -> memref<40xi32, #tpu.memory_space<hbm>>
    tpu.enqueue_dma source(%dma_start3A_439 : memref<40xi32, #tpu.memory_space<hbm>>) target(%dma_start3A_432 : memref<40xi32, #tpu.memory_space<vmem>>) target_semaphore(%arg13 : memref<!tpu.dma_semaphore, #tpu.memory_space<semaphore_mem>>)
    %dma_wait3A = arith.constant 0 : i32
    %dma_wait3A_440 = arith.constant 0 : i32
    %dma_wait3A_441 = arith.constant 0 : i32
    %dma_wait3A_442 = tpu.memref_slice %arg7[%dma_wait3A_440, %dma_wait3A_441] : memref<16x40xi32, #tpu.memory_space<vmem>> -> memref<1x40xi32, #tpu.memory_space<vmem>>
    %dma_wait3A_443 = tpu.memref_squeeze %dma_wait3A_442 : memref<1x40xi32, #tpu.memory_space<vmem>> -> memref<40xi32, #tpu.memory_space<vmem>>
    %dma_wait3A_444 = arith.constant 0 : i32
    %dma_wait3A_445 = arith.constant 0 : i32
    %dma_wait3A_446 = tpu.memref_slice %arg2[%add3A, %dma_wait3A_444, %dma_wait3A_445] : memref<32x250x40xi32, #tpu.memory_space<hbm>> -> memref<1x250x40xi32, #tpu.memory_space<hbm>>
    %dma_wait3A_447 = tpu.memref_squeeze %dma_wait3A_446 : memref<1x250x40xi32, #tpu.memory_space<hbm>> -> memref<250x40xi32, #tpu.memory_space<hbm>>
    %dma_wait3A_448 = arith.constant 0 : i32
    %dma_wait3A_449 = tpu.memref_slice %dma_wait3A_447[%dma_wait3A, %dma_wait3A_448] : memref<250x40xi32, #tpu.memory_space<hbm>> -> memref<1x40xi32, #tpu.memory_space<hbm>>
    %dma_wait3A_450 = tpu.memref_squeeze %dma_wait3A_449 : memref<1x40xi32, #tpu.memory_space<hbm>> -> memref<40xi32, #tpu.memory_space<hbm>>
    %dma_wait3A_451 = arith.constant 0 : i32
    %dma_wait3A_452 = tpu.memref_slice %arg7[%dma_wait3A_440, %dma_wait3A_451] : memref<16x40xi32, #tpu.memory_space<vmem>> -> memref<1x40xi32, #tpu.memory_space<vmem>>
    %dma_wait3A_453 = tpu.memref_squeeze %dma_wait3A_452 : memref<1x40xi32, #tpu.memory_space<vmem>> -> memref<40xi32, #tpu.memory_space<vmem>>
    %dma_wait3A_454 = arith.constant 0 : i32
    %dma_wait3A_455 = arith.constant 0 : i32
    %dma_wait3A_456 = tpu.memref_slice %arg2[%add3A, %dma_wait3A_454, %dma_wait3A_455] : memref<32x250x40xi32, #tpu.memory_space<hbm>> -> memref<1x250x40xi32, #tpu.memory_space<hbm>>
    %dma_wait3A_457 = tpu.memref_squeeze %dma_wait3A_456 : memref<1x250x40xi32, #tpu.memory_space<hbm>> -> memref<250x40xi32, #tpu.memory_space<hbm>>
    %dma_wait3A_458 = arith.constant 0 : i32
    %dma_wait3A_459 = tpu.memref_slice %dma_wait3A_457[%dma_wait3A, %dma_wait3A_458] : memref<250x40xi32, #tpu.memory_space<hbm>> -> memref<1x40xi32, #tpu.memory_space<hbm>>
    %dma_wait3A_460 = tpu.memref_squeeze %dma_wait3A_459 : memref<1x40xi32, #tpu.memory_space<hbm>> -> memref<40xi32, #tpu.memory_space<hbm>>
    tpu.wait_dma2 semaphore(%arg13 : memref<!tpu.dma_semaphore, #tpu.memory_space<semaphore_mem>>) src(%dma_wait3A_460 : memref<40xi32, #tpu.memory_space<hbm>>) dst(%dma_wait3A_453 : memref<40xi32, #tpu.memory_space<vmem>>)
    %dma_wait3A_461 = arith.constant 0 : i32
    %dma_wait3A_462 = arith.constant 0 : i32
    %dma_wait3A_463 = arith.constant 0 : i32
    %dma_wait3A_464 = tpu.memref_slice %arg8[%dma_wait3A_462, %dma_wait3A_463] : memref<16x40xi32, #tpu.memory_space<vmem>> -> memref<1x40xi32, #tpu.memory_space<vmem>>
    %dma_wait3A_465 = tpu.memref_squeeze %dma_wait3A_464 : memref<1x40xi32, #tpu.memory_space<vmem>> -> memref<40xi32, #tpu.memory_space<vmem>>
    %dma_wait3A_466 = arith.constant 0 : i32
    %dma_wait3A_467 = arith.constant 0 : i32
    %dma_wait3A_468 = tpu.memref_slice %arg3[%add3A, %dma_wait3A_466, %dma_wait3A_467] : memref<32x250x40xi32, #tpu.memory_space<hbm>> -> memref<1x250x40xi32, #tpu.memory_space<hbm>>
    %dma_wait3A_469 = tpu.memref_squeeze %dma_wait3A_468 : memref<1x250x40xi32, #tpu.memory_space<hbm>> -> memref<250x40xi32, #tpu.memory_space<hbm>>
    %dma_wait3A_470 = arith.constant 0 : i32
    %dma_wait3A_471 = tpu.memref_slice %dma_wait3A_469[%dma_wait3A_461, %dma_wait3A_470] : memref<250x40xi32, #tpu.memory_space<hbm>> -> memref<1x40xi32, #tpu.memory_space<hbm>>
    %dma_wait3A_472 = tpu.memref_squeeze %dma_wait3A_471 : memref<1x40xi32, #tpu.memory_space<hbm>> -> memref<40xi32, #tpu.memory_space<hbm>>
    %dma_wait3A_473 = arith.constant 0 : i32
    %dma_wait3A_474 = tpu.memref_slice %arg8[%dma_wait3A_462, %dma_wait3A_473] : memref<16x40xi32, #tpu.memory_space<vmem>> -> memref<1x40xi32, #tpu.memory_space<vmem>>
    %dma_wait3A_475 = tpu.memref_squeeze %dma_wait3A_474 : memref<1x40xi32, #tpu.memory_space<vmem>> -> memref<40xi32, #tpu.memory_space<vmem>>
    %dma_wait3A_476 = arith.constant 0 : i32
    %dma_wait3A_477 = arith.constant 0 : i32
    %dma_wait3A_478 = tpu.memref_slice %arg3[%add3A, %dma_wait3A_476, %dma_wait3A_477] : memref<32x250x40xi32, #tpu.memory_space<hbm>> -> memref<1x250x40xi32, #tpu.memory_space<hbm>>
    %dma_wait3A_479 = tpu.memref_squeeze %dma_wait3A_478 : memref<1x250x40xi32, #tpu.memory_space<hbm>> -> memref<250x40xi32, #tpu.memory_space<hbm>>
    %dma_wait3A_480 = arith.constant 0 : i32
    %dma_wait3A_481 = tpu.memref_slice %dma_wait3A_479[%dma_wait3A_461, %dma_wait3A_480] : memref<250x40xi32, #tpu.memory_space<hbm>> -> memref<1x40xi32, #tpu.memory_space<hbm>>
    %dma_wait3A_482 = tpu.memref_squeeze %dma_wait3A_481 : memref<1x40xi32, #tpu.memory_space<hbm>> -> memref<40xi32, #tpu.memory_space<hbm>>
    tpu.wait_dma2 semaphore(%arg13 : memref<!tpu.dma_semaphore, #tpu.memory_space<semaphore_mem>>) src(%dma_wait3A_482 : memref<40xi32, #tpu.memory_space<hbm>>) dst(%dma_wait3A_475 : memref<40xi32, #tpu.memory_space<vmem>>)
    %dma_start3A_483 = arith.constant 0 : i32
    %dma_start3A_484 = arith.constant 0 : i32
    %dma_start3A_485 = arith.constant 0 : i32
    %dma_start3A_486 = arith.constant 0 : i32
    %dma_start3A_487 = tpu.memref_slice %arg9[%dma_start3A_484, %dma_start3A_485, %dma_start3A_486] : memref<8x40x128xf32, #tpu.memory_space<vmem>> -> memref<1x40x128xf32, #tpu.memory_space<vmem>>
    %dma_start3A_488 = tpu.memref_squeeze %dma_start3A_487 : memref<1x40x128xf32, #tpu.memory_space<vmem>> -> memref<40x128xf32, #tpu.memory_space<vmem>>
    %dma_start3A_489 = arith.constant 0 : i32
    %dma_start3A_490 = tpu.memref_slice %arg7[%dma_start3A_483, %dma_start3A_489] : memref<16x40xi32, #tpu.memory_space<vmem>> -> memref<1x40xi32, #tpu.memory_space<vmem>>
    %dma_start3A_491 = tpu.memref_squeeze %dma_start3A_490 : memref<1x40xi32, #tpu.memory_space<vmem>> -> memref<40xi32, #tpu.memory_space<vmem>>
    %dma_start3A_492 = arith.constant 0 : i32
    %dma_start3A_493 = arith.constant 0 : i32
    %dma_start3A_494 = tpu.memref_slice %arg4[%dma_start3A_492, %dma_start3A_493] : memref<10000x128xf32, #tpu.memory_space<hbm>> -> memref<10000x128xf32, #tpu.memory_space<hbm>>
    tpu.enqueue_indirect_dma source(%dma_start3A_494 : memref<10000x128xf32, #tpu.memory_space<hbm>>) target(%dma_start3A_488 : memref<40x128xf32, #tpu.memory_space<vmem>>) offsets(%dma_start3A_491 : memref<40xi32, #tpu.memory_space<vmem>>) semaphore(%arg11 : memref<!tpu.dma_semaphore, #tpu.memory_space<semaphore_mem>>)
    %dma_wait3A_495 = arith.constant 1 : i32
    %dma_wait3A_496 = arith.constant 1 : i32
    %dma_wait3A_497 = arith.constant 0 : i32
    %dma_wait3A_498 = tpu.memref_slice %arg7[%dma_wait3A_496, %dma_wait3A_497] : memref<16x40xi32, #tpu.memory_space<vmem>> -> memref<1x40xi32, #tpu.memory_space<vmem>>
    %dma_wait3A_499 = tpu.memref_squeeze %dma_wait3A_498 : memref<1x40xi32, #tpu.memory_space<vmem>> -> memref<40xi32, #tpu.memory_space<vmem>>
    %dma_wait3A_500 = arith.constant 0 : i32
    %dma_wait3A_501 = arith.constant 0 : i32
    %dma_wait3A_502 = tpu.memref_slice %arg2[%add3A, %dma_wait3A_500, %dma_wait3A_501] : memref<32x250x40xi32, #tpu.memory_space<hbm>> -> memref<1x250x40xi32, #tpu.memory_space<hbm>>
    %dma_wait3A_503 = tpu.memref_squeeze %dma_wait3A_502 : memref<1x250x40xi32, #tpu.memory_space<hbm>> -> memref<250x40xi32, #tpu.memory_space<hbm>>
    %dma_wait3A_504 = arith.constant 0 : i32
    %dma_wait3A_505 = tpu.memref_slice %dma_wait3A_503[%dma_wait3A_495, %dma_wait3A_504] : memref<250x40xi32, #tpu.memory_space<hbm>> -> memref<1x40xi32, #tpu.memory_space<hbm>>
    %dma_wait3A_506 = tpu.memref_squeeze %dma_wait3A_505 : memref<1x40xi32, #tpu.memory_space<hbm>> -> memref<40xi32, #tpu.memory_space<hbm>>
    %dma_wait3A_507 = arith.constant 0 : i32
    %dma_wait3A_508 = tpu.memref_slice %arg7[%dma_wait3A_496, %dma_wait3A_507] : memref<16x40xi32, #tpu.memory_space<vmem>> -> memref<1x40xi32, #tpu.memory_space<vmem>>
    %dma_wait3A_509 = tpu.memref_squeeze %dma_wait3A_508 : memref<1x40xi32, #tpu.memory_space<vmem>> -> memref<40xi32, #tpu.memory_space<vmem>>
    %dma_wait3A_510 = arith.constant 0 : i32
    %dma_wait3A_511 = arith.constant 0 : i32
    %dma_wait3A_512 = tpu.memref_slice %arg2[%add3A, %dma_wait3A_510, %dma_wait3A_511] : memref<32x250x40xi32, #tpu.memory_space<hbm>> -> memref<1x250x40xi32, #tpu.memory_space<hbm>>
    %dma_wait3A_513 = tpu.memref_squeeze %dma_wait3A_512 : memref<1x250x40xi32, #tpu.memory_space<hbm>> -> memref<250x40xi32, #tpu.memory_space<hbm>>
    %dma_wait3A_514 = arith.constant 0 : i32
    %dma_wait3A_515 = tpu.memref_slice %dma_wait3A_513[%dma_wait3A_495, %dma_wait3A_514] : memref<250x40xi32, #tpu.memory_space<hbm>> -> memref<1x40xi32, #tpu.memory_space<hbm>>
    %dma_wait3A_516 = tpu.memref_squeeze %dma_wait3A_515 : memref<1x40xi32, #tpu.memory_space<hbm>> -> memref<40xi32, #tpu.memory_space<hbm>>
    tpu.wait_dma2 semaphore(%arg13 : memref<!tpu.dma_semaphore, #tpu.memory_space<semaphore_mem>>) src(%dma_wait3A_516 : memref<40xi32, #tpu.memory_space<hbm>>) dst(%dma_wait3A_509 : memref<40xi32, #tpu.memory_space<vmem>>)
    %dma_wait3A_517 = arith.constant 1 : i32
    %dma_wait3A_518 = arith.constant 1 : i32
    %dma_wait3A_519 = arith.constant 0 : i32
    %dma_wait3A_520 = tpu.memref_slice %arg8[%dma_wait3A_518, %dma_wait3A_519] : memref<16x40xi32, #tpu.memory_space<vmem>> -> memref<1x40xi32, #tpu.memory_space<vmem>>
    %dma_wait3A_521 = tpu.memref_squeeze %dma_wait3A_520 : memref<1x40xi32, #tpu.memory_space<vmem>> -> memref<40xi32, #tpu.memory_space<vmem>>
    %dma_wait3A_522 = arith.constant 0 : i32
    %dma_wait3A_523 = arith.constant 0 : i32
    %dma_wait3A_524 = tpu.memref_slice %arg3[%add3A, %dma_wait3A_522, %dma_wait3A_523] : memref<32x250x40xi32, #tpu.memory_space<hbm>> -> memref<1x250x40xi32, #tpu.memory_space<hbm>>
    %dma_wait3A_525 = tpu.memref_squeeze %dma_wait3A_524 : memref<1x250x40xi32, #tpu.memory_space<hbm>> -> memref<250x40xi32, #tpu.memory_space<hbm>>
    %dma_wait3A_526 = arith.constant 0 : i32
    %dma_wait3A_527 = tpu.memref_slice %dma_wait3A_525[%dma_wait3A_517, %dma_wait3A_526] : memref<250x40xi32, #tpu.memory_space<hbm>> -> memref<1x40xi32, #tpu.memory_space<hbm>>
    %dma_wait3A_528 = tpu.memref_squeeze %dma_wait3A_527 : memref<1x40xi32, #tpu.memory_space<hbm>> -> memref<40xi32, #tpu.memory_space<hbm>>
    %dma_wait3A_529 = arith.constant 0 : i32
    %dma_wait3A_530 = tpu.memref_slice %arg8[%dma_wait3A_518, %dma_wait3A_529] : memref<16x40xi32, #tpu.memory_space<vmem>> -> memref<1x40xi32, #tpu.memory_space<vmem>>
    %dma_wait3A_531 = tpu.memref_squeeze %dma_wait3A_530 : memref<1x40xi32, #tpu.memory_space<vmem>> -> memref<40xi32, #tpu.memory_space<vmem>>
    %dma_wait3A_532 = arith.constant 0 : i32
    %dma_wait3A_533 = arith.constant 0 : i32
    %dma_wait3A_534 = tpu.memref_slice %arg3[%add3A, %dma_wait3A_532, %dma_wait3A_533] : memref<32x250x40xi32, #tpu.memory_space<hbm>> -> memref<1x250x40xi32, #tpu.memory_space<hbm>>
    %dma_wait3A_535 = tpu.memref_squeeze %dma_wait3A_534 : memref<1x250x40xi32, #tpu.memory_space<hbm>> -> memref<250x40xi32, #tpu.memory_space<hbm>>
    %dma_wait3A_536 = arith.constant 0 : i32
    %dma_wait3A_537 = tpu.memref_slice %dma_wait3A_535[%dma_wait3A_517, %dma_wait3A_536] : memref<250x40xi32, #tpu.memory_space<hbm>> -> memref<1x40xi32, #tpu.memory_space<hbm>>
    %dma_wait3A_538 = tpu.memref_squeeze %dma_wait3A_537 : memref<1x40xi32, #tpu.memory_space<hbm>> -> memref<40xi32, #tpu.memory_space<hbm>>
    tpu.wait_dma2 semaphore(%arg13 : memref<!tpu.dma_semaphore, #tpu.memory_space<semaphore_mem>>) src(%dma_wait3A_538 : memref<40xi32, #tpu.memory_space<hbm>>) dst(%dma_wait3A_531 : memref<40xi32, #tpu.memory_space<vmem>>)
    %dma_start3A_539 = arith.constant 1 : i32
    %dma_start3A_540 = arith.constant 1 : i32
    %dma_start3A_541 = arith.constant 0 : i32
    %dma_start3A_542 = arith.constant 0 : i32
    %dma_start3A_543 = tpu.memref_slice %arg9[%dma_start3A_540, %dma_start3A_541, %dma_start3A_542] : memref<8x40x128xf32, #tpu.memory_space<vmem>> -> memref<1x40x128xf32, #tpu.memory_space<vmem>>
    %dma_start3A_544 = tpu.memref_squeeze %dma_start3A_543 : memref<1x40x128xf32, #tpu.memory_space<vmem>> -> memref<40x128xf32, #tpu.memory_space<vmem>>
    %dma_start3A_545 = arith.constant 0 : i32
    %dma_start3A_546 = tpu.memref_slice %arg7[%dma_start3A_539, %dma_start3A_545] : memref<16x40xi32, #tpu.memory_space<vmem>> -> memref<1x40xi32, #tpu.memory_space<vmem>>
    %dma_start3A_547 = tpu.memref_squeeze %dma_start3A_546 : memref<1x40xi32, #tpu.memory_space<vmem>> -> memref<40xi32, #tpu.memory_space<vmem>>
    %dma_start3A_548 = arith.constant 0 : i32
    %dma_start3A_549 = arith.constant 0 : i32
    %dma_start3A_550 = tpu.memref_slice %arg4[%dma_start3A_548, %dma_start3A_549] : memref<10000x128xf32, #tpu.memory_space<hbm>> -> memref<10000x128xf32, #tpu.memory_space<hbm>>
    tpu.enqueue_indirect_dma source(%dma_start3A_550 : memref<10000x128xf32, #tpu.memory_space<hbm>>) target(%dma_start3A_544 : memref<40x128xf32, #tpu.memory_space<vmem>>) offsets(%dma_start3A_547 : memref<40xi32, #tpu.memory_space<vmem>>) semaphore(%arg11 : memref<!tpu.dma_semaphore, #tpu.memory_space<semaphore_mem>>)
    %dma_wait3A_551 = arith.constant 2 : i32
    %dma_wait3A_552 = arith.constant 2 : i32
    %dma_wait3A_553 = arith.constant 0 : i32
    %dma_wait3A_554 = tpu.memref_slice %arg7[%dma_wait3A_552, %dma_wait3A_553] : memref<16x40xi32, #tpu.memory_space<vmem>> -> memref<1x40xi32, #tpu.memory_space<vmem>>
    %dma_wait3A_555 = tpu.memref_squeeze %dma_wait3A_554 : memref<1x40xi32, #tpu.memory_space<vmem>> -> memref<40xi32, #tpu.memory_space<vmem>>
    %dma_wait3A_556 = arith.constant 0 : i32
    %dma_wait3A_557 = arith.constant 0 : i32
    %dma_wait3A_558 = tpu.memref_slice %arg2[%add3A, %dma_wait3A_556, %dma_wait3A_557] : memref<32x250x40xi32, #tpu.memory_space<hbm>> -> memref<1x250x40xi32, #tpu.memory_space<hbm>>
    %dma_wait3A_559 = tpu.memref_squeeze %dma_wait3A_558 : memref<1x250x40xi32, #tpu.memory_space<hbm>> -> memref<250x40xi32, #tpu.memory_space<hbm>>
    %dma_wait3A_560 = arith.constant 0 : i32
    %dma_wait3A_561 = tpu.memref_slice %dma_wait3A_559[%dma_wait3A_551, %dma_wait3A_560] : memref<250x40xi32, #tpu.memory_space<hbm>> -> memref<1x40xi32, #tpu.memory_space<hbm>>
    %dma_wait3A_562 = tpu.memref_squeeze %dma_wait3A_561 : memref<1x40xi32, #tpu.memory_space<hbm>> -> memref<40xi32, #tpu.memory_space<hbm>>
    %dma_wait3A_563 = arith.constant 0 : i32
    %dma_wait3A_564 = tpu.memref_slice %arg7[%dma_wait3A_552, %dma_wait3A_563] : memref<16x40xi32, #tpu.memory_space<vmem>> -> memref<1x40xi32, #tpu.memory_space<vmem>>
    %dma_wait3A_565 = tpu.memref_squeeze %dma_wait3A_564 : memref<1x40xi32, #tpu.memory_space<vmem>> -> memref<40xi32, #tpu.memory_space<vmem>>
    %dma_wait3A_566 = arith.constant 0 : i32
    %dma_wait3A_567 = arith.constant 0 : i32
    %dma_wait3A_568 = tpu.memref_slice %arg2[%add3A, %dma_wait3A_566, %dma_wait3A_567] : memref<32x250x40xi32, #tpu.memory_space<hbm>> -> memref<1x250x40xi32, #tpu.memory_space<hbm>>
    %dma_wait3A_569 = tpu.memref_squeeze %dma_wait3A_568 : memref<1x250x40xi32, #tpu.memory_space<hbm>> -> memref<250x40xi32, #tpu.memory_space<hbm>>
    %dma_wait3A_570 = arith.constant 0 : i32
    %dma_wait3A_571 = tpu.memref_slice %dma_wait3A_569[%dma_wait3A_551, %dma_wait3A_570] : memref<250x40xi32, #tpu.memory_space<hbm>> -> memref<1x40xi32, #tpu.memory_space<hbm>>
    %dma_wait3A_572 = tpu.memref_squeeze %dma_wait3A_571 : memref<1x40xi32, #tpu.memory_space<hbm>> -> memref<40xi32, #tpu.memory_space<hbm>>
    tpu.wait_dma2 semaphore(%arg13 : memref<!tpu.dma_semaphore, #tpu.memory_space<semaphore_mem>>) src(%dma_wait3A_572 : memref<40xi32, #tpu.memory_space<hbm>>) dst(%dma_wait3A_565 : memref<40xi32, #tpu.memory_space<vmem>>)
    %dma_wait3A_573 = arith.constant 2 : i32
    %dma_wait3A_574 = arith.constant 2 : i32
    %dma_wait3A_575 = arith.constant 0 : i32
    %dma_wait3A_576 = tpu.memref_slice %arg8[%dma_wait3A_574, %dma_wait3A_575] : memref<16x40xi32, #tpu.memory_space<vmem>> -> memref<1x40xi32, #tpu.memory_space<vmem>>
    %dma_wait3A_577 = tpu.memref_squeeze %dma_wait3A_576 : memref<1x40xi32, #tpu.memory_space<vmem>> -> memref<40xi32, #tpu.memory_space<vmem>>
    %dma_wait3A_578 = arith.constant 0 : i32
    %dma_wait3A_579 = arith.constant 0 : i32
    %dma_wait3A_580 = tpu.memref_slice %arg3[%add3A, %dma_wait3A_578, %dma_wait3A_579] : memref<32x250x40xi32, #tpu.memory_space<hbm>> -> memref<1x250x40xi32, #tpu.memory_space<hbm>>
    %dma_wait3A_581 = tpu.memref_squeeze %dma_wait3A_580 : memref<1x250x40xi32, #tpu.memory_space<hbm>> -> memref<250x40xi32, #tpu.memory_space<hbm>>
    %dma_wait3A_582 = arith.constant 0 : i32
    %dma_wait3A_583 = tpu.memref_slice %dma_wait3A_581[%dma_wait3A_573, %dma_wait3A_582] : memref<250x40xi32, #tpu.memory_space<hbm>> -> memref<1x40xi32, #tpu.memory_space<hbm>>
    %dma_wait3A_584 = tpu.memref_squeeze %dma_wait3A_583 : memref<1x40xi32, #tpu.memory_space<hbm>> -> memref<40xi32, #tpu.memory_space<hbm>>
    %dma_wait3A_585 = arith.constant 0 : i32
    %dma_wait3A_586 = tpu.memref_slice %arg8[%dma_wait3A_574, %dma_wait3A_585] : memref<16x40xi32, #tpu.memory_space<vmem>> -> memref<1x40xi32, #tpu.memory_space<vmem>>
    %dma_wait3A_587 = tpu.memref_squeeze %dma_wait3A_586 : memref<1x40xi32, #tpu.memory_space<vmem>> -> memref<40xi32, #tpu.memory_space<vmem>>
    %dma_wait3A_588 = arith.constant 0 : i32
    %dma_wait3A_589 = arith.constant 0 : i32
    %dma_wait3A_590 = tpu.memref_slice %arg3[%add3A, %dma_wait3A_588, %dma_wait3A_589] : memref<32x250x40xi32, #tpu.memory_space<hbm>> -> memref<1x250x40xi32, #tpu.memory_space<hbm>>
    %dma_wait3A_591 = tpu.memref_squeeze %dma_wait3A_590 : memref<1x250x40xi32, #tpu.memory_space<hbm>> -> memref<250x40xi32, #tpu.memory_space<hbm>>
    %dma_wait3A_592 = arith.constant 0 : i32
    %dma_wait3A_593 = tpu.memref_slice %dma_wait3A_591[%dma_wait3A_573, %dma_wait3A_592] : memref<250x40xi32, #tpu.memory_space<hbm>> -> memref<1x40xi32, #tpu.memory_space<hbm>>
    %dma_wait3A_594 = tpu.memref_squeeze %dma_wait3A_593 : memref<1x40xi32, #tpu.memory_space<hbm>> -> memref<40xi32, #tpu.memory_space<hbm>>
    tpu.wait_dma2 semaphore(%arg13 : memref<!tpu.dma_semaphore, #tpu.memory_space<semaphore_mem>>) src(%dma_wait3A_594 : memref<40xi32, #tpu.memory_space<hbm>>) dst(%dma_wait3A_587 : memref<40xi32, #tpu.memory_space<vmem>>)
    %dma_start3A_595 = arith.constant 2 : i32
    %dma_start3A_596 = arith.constant 2 : i32
    %dma_start3A_597 = arith.constant 0 : i32
    %dma_start3A_598 = arith.constant 0 : i32
    %dma_start3A_599 = tpu.memref_slice %arg9[%dma_start3A_596, %dma_start3A_597, %dma_start3A_598] : memref<8x40x128xf32, #tpu.memory_space<vmem>> -> memref<1x40x128xf32, #tpu.memory_space<vmem>>
    %dma_start3A_600 = tpu.memref_squeeze %dma_start3A_599 : memref<1x40x128xf32, #tpu.memory_space<vmem>> -> memref<40x128xf32, #tpu.memory_space<vmem>>
    %dma_start3A_601 = arith.constant 0 : i32
    %dma_start3A_602 = tpu.memref_slice %arg7[%dma_start3A_595, %dma_start3A_601] : memref<16x40xi32, #tpu.memory_space<vmem>> -> memref<1x40xi32, #tpu.memory_space<vmem>>
    %dma_start3A_603 = tpu.memref_squeeze %dma_start3A_602 : memref<1x40xi32, #tpu.memory_space<vmem>> -> memref<40xi32, #tpu.memory_space<vmem>>
    %dma_start3A_604 = arith.constant 0 : i32
    %dma_start3A_605 = arith.constant 0 : i32
    %dma_start3A_606 = tpu.memref_slice %arg4[%dma_start3A_604, %dma_start3A_605] : memref<10000x128xf32, #tpu.memory_space<hbm>> -> memref<10000x128xf32, #tpu.memory_space<hbm>>
    tpu.enqueue_indirect_dma source(%dma_start3A_606 : memref<10000x128xf32, #tpu.memory_space<hbm>>) target(%dma_start3A_600 : memref<40x128xf32, #tpu.memory_space<vmem>>) offsets(%dma_start3A_603 : memref<40xi32, #tpu.memory_space<vmem>>) semaphore(%arg11 : memref<!tpu.dma_semaphore, #tpu.memory_space<semaphore_mem>>)
    %dma_wait3A_607 = arith.constant 3 : i32
    %dma_wait3A_608 = arith.constant 3 : i32
    %dma_wait3A_609 = arith.constant 0 : i32
    %dma_wait3A_610 = tpu.memref_slice %arg7[%dma_wait3A_608, %dma_wait3A_609] : memref<16x40xi32, #tpu.memory_space<vmem>> -> memref<1x40xi32, #tpu.memory_space<vmem>>
    %dma_wait3A_611 = tpu.memref_squeeze %dma_wait3A_610 : memref<1x40xi32, #tpu.memory_space<vmem>> -> memref<40xi32, #tpu.memory_space<vmem>>
    %dma_wait3A_612 = arith.constant 0 : i32
    %dma_wait3A_613 = arith.constant 0 : i32
    %dma_wait3A_614 = tpu.memref_slice %arg2[%add3A, %dma_wait3A_612, %dma_wait3A_613] : memref<32x250x40xi32, #tpu.memory_space<hbm>> -> memref<1x250x40xi32, #tpu.memory_space<hbm>>
    %dma_wait3A_615 = tpu.memref_squeeze %dma_wait3A_614 : memref<1x250x40xi32, #tpu.memory_space<hbm>> -> memref<250x40xi32, #tpu.memory_space<hbm>>
    %dma_wait3A_616 = arith.constant 0 : i32
    %dma_wait3A_617 = tpu.memref_slice %dma_wait3A_615[%dma_wait3A_607, %dma_wait3A_616] : memref<250x40xi32, #tpu.memory_space<hbm>> -> memref<1x40xi32, #tpu.memory_space<hbm>>
    %dma_wait3A_618 = tpu.memref_squeeze %dma_wait3A_617 : memref<1x40xi32, #tpu.memory_space<hbm>> -> memref<40xi32, #tpu.memory_space<hbm>>
    %dma_wait3A_619 = arith.constant 0 : i32
    %dma_wait3A_620 = tpu.memref_slice %arg7[%dma_wait3A_608, %dma_wait3A_619] : memref<16x40xi32, #tpu.memory_space<vmem>> -> memref<1x40xi32, #tpu.memory_space<vmem>>
    %dma_wait3A_621 = tpu.memref_squeeze %dma_wait3A_620 : memref<1x40xi32, #tpu.memory_space<vmem>> -> memref<40xi32, #tpu.memory_space<vmem>>
    %dma_wait3A_622 = arith.constant 0 : i32
    %dma_wait3A_623 = arith.constant 0 : i32
    %dma_wait3A_624 = tpu.memref_slice %arg2[%add3A, %dma_wait3A_622, %dma_wait3A_623] : memref<32x250x40xi32, #tpu.memory_space<hbm>> -> memref<1x250x40xi32, #tpu.memory_space<hbm>>
    %dma_wait3A_625 = tpu.memref_squeeze %dma_wait3A_624 : memref<1x250x40xi32, #tpu.memory_space<hbm>> -> memref<250x40xi32, #tpu.memory_space<hbm>>
    %dma_wait3A_626 = arith.constant 0 : i32
    %dma_wait3A_627 = tpu.memref_slice %dma_wait3A_625[%dma_wait3A_607, %dma_wait3A_626] : memref<250x40xi32, #tpu.memory_space<hbm>> -> memref<1x40xi32, #tpu.memory_space<hbm>>
    %dma_wait3A_628 = tpu.memref_squeeze %dma_wait3A_627 : memref<1x40xi32, #tpu.memory_space<hbm>> -> memref<40xi32, #tpu.memory_space<hbm>>
    tpu.wait_dma2 semaphore(%arg13 : memref<!tpu.dma_semaphore, #tpu.memory_space<semaphore_mem>>) src(%dma_wait3A_628 : memref<40xi32, #tpu.memory_space<hbm>>) dst(%dma_wait3A_621 : memref<40xi32, #tpu.memory_space<vmem>>)
    %dma_wait3A_629 = arith.constant 3 : i32
    %dma_wait3A_630 = arith.constant 3 : i32
    %dma_wait3A_631 = arith.constant 0 : i32
    %dma_wait3A_632 = tpu.memref_slice %arg8[%dma_wait3A_630, %dma_wait3A_631] : memref<16x40xi32, #tpu.memory_space<vmem>> -> memref<1x40xi32, #tpu.memory_space<vmem>>
    %dma_wait3A_633 = tpu.memref_squeeze %dma_wait3A_632 : memref<1x40xi32, #tpu.memory_space<vmem>> -> memref<40xi32, #tpu.memory_space<vmem>>
    %dma_wait3A_634 = arith.constant 0 : i32
    %dma_wait3A_635 = arith.constant 0 : i32
    %dma_wait3A_636 = tpu.memref_slice %arg3[%add3A, %dma_wait3A_634, %dma_wait3A_635] : memref<32x250x40xi32, #tpu.memory_space<hbm>> -> memref<1x250x40xi32, #tpu.memory_space<hbm>>
    %dma_wait3A_637 = tpu.memref_squeeze %dma_wait3A_636 : memref<1x250x40xi32, #tpu.memory_space<hbm>> -> memref<250x40xi32, #tpu.memory_space<hbm>>
    %dma_wait3A_638 = arith.constant 0 : i32
    %dma_wait3A_639 = tpu.memref_slice %dma_wait3A_637[%dma_wait3A_629, %dma_wait3A_638] : memref<250x40xi32, #tpu.memory_space<hbm>> -> memref<1x40xi32, #tpu.memory_space<hbm>>
    %dma_wait3A_640 = tpu.memref_squeeze %dma_wait3A_639 : memref<1x40xi32, #tpu.memory_space<hbm>> -> memref<40xi32, #tpu.memory_space<hbm>>
    %dma_wait3A_641 = arith.constant 0 : i32
    %dma_wait3A_642 = tpu.memref_slice %arg8[%dma_wait3A_630, %dma_wait3A_641] : memref<16x40xi32, #tpu.memory_space<vmem>> -> memref<1x40xi32, #tpu.memory_space<vmem>>
    %dma_wait3A_643 = tpu.memref_squeeze %dma_wait3A_642 : memref<1x40xi32, #tpu.memory_space<vmem>> -> memref<40xi32, #tpu.memory_space<vmem>>
    %dma_wait3A_644 = arith.constant 0 : i32
    %dma_wait3A_645 = arith.constant 0 : i32
    %dma_wait3A_646 = tpu.memref_slice %arg3[%add3A, %dma_wait3A_644, %dma_wait3A_645] : memref<32x250x40xi32, #tpu.memory_space<hbm>> -> memref<1x250x40xi32, #tpu.memory_space<hbm>>
    %dma_wait3A_647 = tpu.memref_squeeze %dma_wait3A_646 : memref<1x250x40xi32, #tpu.memory_space<hbm>> -> memref<250x40xi32, #tpu.memory_space<hbm>>
    %dma_wait3A_648 = arith.constant 0 : i32
    %dma_wait3A_649 = tpu.memref_slice %dma_wait3A_647[%dma_wait3A_629, %dma_wait3A_648] : memref<250x40xi32, #tpu.memory_space<hbm>> -> memref<1x40xi32, #tpu.memory_space<hbm>>
    %dma_wait3A_650 = tpu.memref_squeeze %dma_wait3A_649 : memref<1x40xi32, #tpu.memory_space<hbm>> -> memref<40xi32, #tpu.memory_space<hbm>>
    tpu.wait_dma2 semaphore(%arg13 : memref<!tpu.dma_semaphore, #tpu.memory_space<semaphore_mem>>) src(%dma_wait3A_650 : memref<40xi32, #tpu.memory_space<hbm>>) dst(%dma_wait3A_643 : memref<40xi32, #tpu.memory_space<vmem>>)
    %dma_start3A_651 = arith.constant 3 : i32
    %dma_start3A_652 = arith.constant 3 : i32
    %dma_start3A_653 = arith.constant 0 : i32
    %dma_start3A_654 = arith.constant 0 : i32
    %dma_start3A_655 = tpu.memref_slice %arg9[%dma_start3A_652, %dma_start3A_653, %dma_start3A_654] : memref<8x40x128xf32, #tpu.memory_space<vmem>> -> memref<1x40x128xf32, #tpu.memory_space<vmem>>
    %dma_start3A_656 = tpu.memref_squeeze %dma_start3A_655 : memref<1x40x128xf32, #tpu.memory_space<vmem>> -> memref<40x128xf32, #tpu.memory_space<vmem>>
    %dma_start3A_657 = arith.constant 0 : i32
    %dma_start3A_658 = tpu.memref_slice %arg7[%dma_start3A_651, %dma_start3A_657] : memref<16x40xi32, #tpu.memory_space<vmem>> -> memref<1x40xi32, #tpu.memory_space<vmem>>
    %dma_start3A_659 = tpu.memref_squeeze %dma_start3A_658 : memref<1x40xi32, #tpu.memory_space<vmem>> -> memref<40xi32, #tpu.memory_space<vmem>>
    %dma_start3A_660 = arith.constant 0 : i32
    %dma_start3A_661 = arith.constant 0 : i32
    %dma_start3A_662 = tpu.memref_slice %arg4[%dma_start3A_660, %dma_start3A_661] : memref<10000x128xf32, #tpu.memory_space<hbm>> -> memref<10000x128xf32, #tpu.memory_space<hbm>>
    tpu.enqueue_indirect_dma source(%dma_start3A_662 : memref<10000x128xf32, #tpu.memory_space<hbm>>) target(%dma_start3A_656 : memref<40x128xf32, #tpu.memory_space<vmem>>) offsets(%dma_start3A_659 : memref<40xi32, #tpu.memory_space<vmem>>) semaphore(%arg11 : memref<!tpu.dma_semaphore, #tpu.memory_space<semaphore_mem>>)
    %mul3A_663 = arith.constant 640 : i32
    %mul3A_664 = arith.muli %arg1, %mul3A_663 : i32
    %mul3A_665 = arith.constant 640 : i32
    %mul3A_666 = arith.muli %arg1, %mul3A_665 : i32
    "tpu.region"() ({
      %run_scoped3A = tpu.sem_alloc : memref<!tpu.dma_semaphore, #tpu.memory_space<semaphore_mem>>
      %dma_start3A_728 = arith.constant 0 : i32
      %dma_start3A_729 = tpu.memref_slice %arg10[%mul3A_666, %dma_start3A_728] : memref<10240x128xf32, #tpu.memory_space<vmem_shared>> -> memref<640x128xf32, #tpu.memory_space<vmem_shared>>
      %dma_start3A_730 = arith.constant 0 : i32
      %dma_start3A_731 = tpu.memref_slice %arg5[%mul3A_664, %dma_start3A_730] : memref<10240x128xf32, #tpu.memory_space<hbm>> -> memref<640x128xf32, #tpu.memory_space<hbm>>
      tpu.enqueue_dma source(%dma_start3A_731 : memref<640x128xf32, #tpu.memory_space<hbm>>) target(%dma_start3A_729 : memref<640x128xf32, #tpu.memory_space<vmem_shared>>) target_semaphore(%run_scoped3A : memref<!tpu.dma_semaphore, #tpu.memory_space<semaphore_mem>>)
      %dma_wait3A_732 = arith.constant 0 : i32
      %dma_wait3A_733 = tpu.memref_slice %arg10[%mul3A_666, %dma_wait3A_732] : memref<10240x128xf32, #tpu.memory_space<vmem_shared>> -> memref<640x128xf32, #tpu.memory_space<vmem_shared>>
      %dma_wait3A_734 = arith.constant 0 : i32
      %dma_wait3A_735 = tpu.memref_slice %arg5[%mul3A_664, %dma_wait3A_734] : memref<10240x128xf32, #tpu.memory_space<hbm>> -> memref<640x128xf32, #tpu.memory_space<hbm>>
      tpu.wait_dma2 semaphore(%run_scoped3A : memref<!tpu.dma_semaphore, #tpu.memory_space<semaphore_mem>>) src(%dma_wait3A_735 : memref<640x128xf32, #tpu.memory_space<hbm>>) dst(%dma_wait3A_733 : memref<640x128xf32, #tpu.memory_space<vmem_shared>>)
      tpu.yield
    }) : () -> ()
    %barrier3A = arith.constant 0 : index
    tpu.barrier barrier_id(%barrier3A)
    %scan3A = arith.constant 0 : i32
    %scan3A_667 = arith.constant 0 : i32
    %scan3A_668 = arith.constant 250 : i32
    %scan3A_669 = arith.addi %scan3A_667, %scan3A_668 : i32
    %scan3A_670 = arith.constant 1 : i32
    scf.for %scan3A_728 = %scan3A_667 to %scan3A_669 step %scan3A_670  : i32 {
      %rem3A = arith.constant 8 : i32
      %rem3A_729 = arith.remsi %scan3A_728, %rem3A : i32
      %rem3A_730 = arith.constant 16 : i32
      %rem3A_731 = arith.remsi %scan3A_728, %rem3A_730 : i32
      %dma_wait3A_732 = arith.constant 0 : i32
      %dma_wait3A_733 = arith.constant 0 : i32
      %dma_wait3A_734 = tpu.memref_slice %arg9[%rem3A_729, %dma_wait3A_732, %dma_wait3A_733] : memref<8x40x128xf32, #tpu.memory_space<vmem>> -> memref<1x40x128xf32, #tpu.memory_space<vmem>>
      %dma_wait3A_735 = tpu.memref_squeeze %dma_wait3A_734 : memref<1x40x128xf32, #tpu.memory_space<vmem>> -> memref<40x128xf32, #tpu.memory_space<vmem>>
      %dma_wait3A_736 = arith.constant 0 : i32
      %dma_wait3A_737 = tpu.memref_slice %arg7[%rem3A_731, %dma_wait3A_736] : memref<16x40xi32, #tpu.memory_space<vmem>> -> memref<1x40xi32, #tpu.memory_space<vmem>>
      %dma_wait3A_738 = tpu.memref_squeeze %dma_wait3A_737 : memref<1x40xi32, #tpu.memory_space<vmem>> -> memref<40xi32, #tpu.memory_space<vmem>>
      %dma_wait3A_739 = arith.constant 0 : i32
      %dma_wait3A_740 = arith.constant 0 : i32
      %dma_wait3A_741 = tpu.memref_slice %arg4[%dma_wait3A_739, %dma_wait3A_740] : memref<10000x128xf32, #tpu.memory_space<hbm>> -> memref<10000x128xf32, #tpu.memory_space<hbm>>
      tpu.wait_indirect_dma semaphore(%arg11 : memref<!tpu.dma_semaphore, #tpu.memory_space<semaphore_mem>>) src(%dma_wait3A_741 : memref<10000x128xf32, #tpu.memory_space<hbm>>) dst(%dma_wait3A_735 : memref<40x128xf32, #tpu.memory_space<vmem>>)
      %rem3A_742 = arith.constant 16 : i32
      %rem3A_743 = arith.remsi %scan3A_728, %rem3A_742 : i32
      %dma_start3A_744 = arith.constant 0 : i32
      %dma_start3A_745 = arith.constant 0 : i32
      %dma_start3A_746 = tpu.memref_slice %arg9[%rem3A_729, %dma_start3A_744, %dma_start3A_745] : memref<8x40x128xf32, #tpu.memory_space<vmem>> -> memref<1x40x128xf32, #tpu.memory_space<vmem>>
      %dma_start3A_747 = tpu.memref_squeeze %dma_start3A_746 : memref<1x40x128xf32, #tpu.memory_space<vmem>> -> memref<40x128xf32, #tpu.memory_space<vmem>>
      %dma_start3A_748 = arith.constant 0 : i32
      %dma_start3A_749 = tpu.memref_slice %arg8[%rem3A_743, %dma_start3A_748] : memref<16x40xi32, #tpu.memory_space<vmem>> -> memref<1x40xi32, #tpu.memory_space<vmem>>
      %dma_start3A_750 = tpu.memref_squeeze %dma_start3A_749 : memref<1x40xi32, #tpu.memory_space<vmem>> -> memref<40xi32, #tpu.memory_space<vmem>>
      %dma_start3A_751 = arith.constant 0 : i32
      %dma_start3A_752 = arith.constant 0 : i32
      %dma_start3A_753 = tpu.memref_slice %arg10[%dma_start3A_751, %dma_start3A_752] : memref<10240x128xf32, #tpu.memory_space<vmem_shared>> -> memref<10240x128xf32, #tpu.memory_space<vmem_shared>>
      tpu.enqueue_indirect_dma source(%dma_start3A_747 : memref<40x128xf32, #tpu.memory_space<vmem>>) target(%dma_start3A_753 : memref<10240x128xf32, #tpu.memory_space<vmem_shared>>) offsets(%dma_start3A_750 : memref<40xi32, #tpu.memory_space<vmem>>) semaphore(%arg12 : memref<!tpu.dma_semaphore, #tpu.memory_space<semaphore_mem>>) {add = true}
      %ge3A = arith.constant 4 : i32
      %ge3A_754 = arith.cmpi sge, %scan3A_728, %ge3A : i32
      %convert_element_type3A = arith.extui %ge3A_754 : i1 to i32
      %cond3A = arith.constant 0 : i32
      %cond3A_755 = arith.cmpi ne, %convert_element_type3A, %cond3A : i32
      scf.if %cond3A_755 {
        %sub3A = arith.constant 4 : i32
        %sub3A_765 = arith.subi %scan3A_728, %sub3A : i32
        %rem3A_766 = arith.constant 8 : i32
        %rem3A_767 = arith.remsi %sub3A_765, %rem3A_766 : i32
        %rem3A_768 = arith.constant 16 : i32
        %rem3A_769 = arith.remsi %sub3A_765, %rem3A_768 : i32
        %dma_wait3A_770 = arith.constant 0 : i32
        %dma_wait3A_771 = arith.constant 0 : i32
        %dma_wait3A_772 = tpu.memref_slice %arg9[%rem3A_767, %dma_wait3A_770, %dma_wait3A_771] : memref<8x40x128xf32, #tpu.memory_space<vmem>> -> memref<1x40x128xf32, #tpu.memory_space<vmem>>
        %dma_wait3A_773 = tpu.memref_squeeze %dma_wait3A_772 : memref<1x40x128xf32, #tpu.memory_space<vmem>> -> memref<40x128xf32, #tpu.memory_space<vmem>>
        %dma_wait3A_774 = arith.constant 0 : i32
        %dma_wait3A_775 = tpu.memref_slice %arg8[%rem3A_769, %dma_wait3A_774] : memref<16x40xi32, #tpu.memory_space<vmem>> -> memref<1x40xi32, #tpu.memory_space<vmem>>
        %dma_wait3A_776 = tpu.memref_squeeze %dma_wait3A_775 : memref<1x40xi32, #tpu.memory_space<vmem>> -> memref<40xi32, #tpu.memory_space<vmem>>
        %dma_wait3A_777 = arith.constant 0 : i32
        %dma_wait3A_778 = arith.constant 0 : i32
        %dma_wait3A_779 = tpu.memref_slice %arg10[%dma_wait3A_777, %dma_wait3A_778] : memref<10240x128xf32, #tpu.memory_space<vmem_shared>> -> memref<10240x128xf32, #tpu.memory_space<vmem_shared>>
        tpu.wait_indirect_dma semaphore(%arg12 : memref<!tpu.dma_semaphore, #tpu.memory_space<semaphore_mem>>) src(%dma_wait3A_773 : memref<40x128xf32, #tpu.memory_space<vmem>>) dst(%dma_wait3A_779 : memref<10240x128xf32, #tpu.memory_space<vmem_shared>>)
      } else {
      }
      %lt3A = arith.constant 240 : i32
      %lt3A_756 = arith.cmpi slt, %scan3A_728, %lt3A : i32
      %convert_element_type3A_757 = arith.extui %lt3A_756 : i1 to i32
      %cond3A_758 = arith.constant 0 : i32
      %cond3A_759 = arith.cmpi ne, %convert_element_type3A_757, %cond3A_758 : i32
      scf.if %cond3A_759 {
        %add3A_765 = arith.constant 10 : i32
        %add3A_766 = arith.addi %scan3A_728, %add3A_765 : i32
        %rem3A_767 = arith.constant 16 : i32
        %rem3A_768 = arith.remsi %add3A_766, %rem3A_767 : i32
        %dma_start3A_769 = arith.constant 0 : i32
        %dma_start3A_770 = tpu.memref_slice %arg7[%rem3A_768, %dma_start3A_769] : memref<16x40xi32, #tpu.memory_space<vmem>> -> memref<1x40xi32, #tpu.memory_space<vmem>>
        %dma_start3A_771 = tpu.memref_squeeze %dma_start3A_770 : memref<1x40xi32, #tpu.memory_space<vmem>> -> memref<40xi32, #tpu.memory_space<vmem>>
        %dma_start3A_772 = arith.constant 0 : i32
        %dma_start3A_773 = arith.constant 0 : i32
        %dma_start3A_774 = tpu.memref_slice %arg2[%add3A, %dma_start3A_772, %dma_start3A_773] : memref<32x250x40xi32, #tpu.memory_space<hbm>> -> memref<1x250x40xi32, #tpu.memory_space<hbm>>
        %dma_start3A_775 = tpu.memref_squeeze %dma_start3A_774 : memref<1x250x40xi32, #tpu.memory_space<hbm>> -> memref<250x40xi32, #tpu.memory_space<hbm>>
        %dma_start3A_776 = arith.constant 0 : i32
        %dma_start3A_777 = tpu.memref_slice %dma_start3A_775[%add3A_766, %dma_start3A_776] : memref<250x40xi32, #tpu.memory_space<hbm>> -> memref<1x40xi32, #tpu.memory_space<hbm>>
        %dma_start3A_778 = tpu.memref_squeeze %dma_start3A_777 : memref<1x40xi32, #tpu.memory_space<hbm>> -> memref<40xi32, #tpu.memory_space<hbm>>
        %dma_start3A_779 = arith.constant 0 : i32
        %dma_start3A_780 = tpu.memref_slice %arg7[%rem3A_768, %dma_start3A_779] : memref<16x40xi32, #tpu.memory_space<vmem>> -> memref<1x40xi32, #tpu.memory_space<vmem>>
        %dma_start3A_781 = tpu.memref_squeeze %dma_start3A_780 : memref<1x40xi32, #tpu.memory_space<vmem>> -> memref<40xi32, #tpu.memory_space<vmem>>
        %dma_start3A_782 = arith.constant 0 : i32
        %dma_start3A_783 = arith.constant 0 : i32
        %dma_start3A_784 = tpu.memref_slice %arg2[%add3A, %dma_start3A_782, %dma_start3A_783] : memref<32x250x40xi32, #tpu.memory_space<hbm>> -> memref<1x250x40xi32, #tpu.memory_space<hbm>>
        %dma_start3A_785 = tpu.memref_squeeze %dma_start3A_784 : memref<1x250x40xi32, #tpu.memory_space<hbm>> -> memref<250x40xi32, #tpu.memory_space<hbm>>
        %dma_start3A_786 = arith.constant 0 : i32
        %dma_start3A_787 = tpu.memref_slice %dma_start3A_785[%add3A_766, %dma_start3A_786] : memref<250x40xi32, #tpu.memory_space<hbm>> -> memref<1x40xi32, #tpu.memory_space<hbm>>
        %dma_start3A_788 = tpu.memref_squeeze %dma_start3A_787 : memref<1x40xi32, #tpu.memory_space<hbm>> -> memref<40xi32, #tpu.memory_space<hbm>>
        tpu.enqueue_dma source(%dma_start3A_788 : memref<40xi32, #tpu.memory_space<hbm>>) target(%dma_start3A_781 : memref<40xi32, #tpu.memory_space<vmem>>) target_semaphore(%arg13 : memref<!tpu.dma_semaphore, #tpu.memory_space<semaphore_mem>>)
        %dma_start3A_789 = arith.constant 0 : i32
        %dma_start3A_790 = tpu.memref_slice %arg8[%rem3A_768, %dma_start3A_789] : memref<16x40xi32, #tpu.memory_space<vmem>> -> memref<1x40xi32, #tpu.memory_space<vmem>>
        %dma_start3A_791 = tpu.memref_squeeze %dma_start3A_790 : memref<1x40xi32, #tpu.memory_space<vmem>> -> memref<40xi32, #tpu.memory_space<vmem>>
        %dma_start3A_792 = arith.constant 0 : i32
        %dma_start3A_793 = arith.constant 0 : i32
        %dma_start3A_794 = tpu.memref_slice %arg3[%add3A, %dma_start3A_792, %dma_start3A_793] : memref<32x250x40xi32, #tpu.memory_space<hbm>> -> memref<1x250x40xi32, #tpu.memory_space<hbm>>
        %dma_start3A_795 = tpu.memref_squeeze %dma_start3A_794 : memref<1x250x40xi32, #tpu.memory_space<hbm>> -> memref<250x40xi32, #tpu.memory_space<hbm>>
        %dma_start3A_796 = arith.constant 0 : i32
        %dma_start3A_797 = tpu.memref_slice %dma_start3A_795[%add3A_766, %dma_start3A_796] : memref<250x40xi32, #tpu.memory_space<hbm>> -> memref<1x40xi32, #tpu.memory_space<hbm>>
        %dma_start3A_798 = tpu.memref_squeeze %dma_start3A_797 : memref<1x40xi32, #tpu.memory_space<hbm>> -> memref<40xi32, #tpu.memory_space<hbm>>
        %dma_start3A_799 = arith.constant 0 : i32
        %dma_start3A_800 = tpu.memref_slice %arg8[%rem3A_768, %dma_start3A_799] : memref<16x40xi32, #tpu.memory_space<vmem>> -> memref<1x40xi32, #tpu.memory_space<vmem>>
        %dma_start3A_801 = tpu.memref_squeeze %dma_start3A_800 : memref<1x40xi32, #tpu.memory_space<vmem>> -> memref<40xi32, #tpu.memory_space<vmem>>
        %dma_start3A_802 = arith.constant 0 : i32
        %dma_start3A_803 = arith.constant 0 : i32
        %dma_start3A_804 = tpu.memref_slice %arg3[%add3A, %dma_start3A_802, %dma_start3A_803] : memref<32x250x40xi32, #tpu.memory_space<hbm>> -> memref<1x250x40xi32, #tpu.memory_space<hbm>>
        %dma_start3A_805 = tpu.memref_squeeze %dma_start3A_804 : memref<1x250x40xi32, #tpu.memory_space<hbm>> -> memref<250x40xi32, #tpu.memory_space<hbm>>
        %dma_start3A_806 = arith.constant 0 : i32
        %dma_start3A_807 = tpu.memref_slice %dma_start3A_805[%add3A_766, %dma_start3A_806] : memref<250x40xi32, #tpu.memory_space<hbm>> -> memref<1x40xi32, #tpu.memory_space<hbm>>
        %dma_start3A_808 = tpu.memref_squeeze %dma_start3A_807 : memref<1x40xi32, #tpu.memory_space<hbm>> -> memref<40xi32, #tpu.memory_space<hbm>>
        tpu.enqueue_dma source(%dma_start3A_808 : memref<40xi32, #tpu.memory_space<hbm>>) target(%dma_start3A_801 : memref<40xi32, #tpu.memory_space<vmem>>) target_semaphore(%arg13 : memref<!tpu.dma_semaphore, #tpu.memory_space<semaphore_mem>>)
      } else {
      }
      %lt3A_760 = arith.constant 246 : i32
      %lt3A_761 = arith.cmpi slt, %scan3A_728, %lt3A_760 : i32
      %convert_element_type3A_762 = arith.extui %lt3A_761 : i1 to i32
      %cond3A_763 = arith.constant 0 : i32
      %cond3A_764 = arith.cmpi ne, %convert_element_type3A_762, %cond3A_763 : i32
      scf.if %cond3A_764 {
        %add3A_765 = arith.constant 4 : i32
        %add3A_766 = arith.addi %scan3A_728, %add3A_765 : i32
        %rem3A_767 = arith.constant 16 : i32
        %rem3A_768 = arith.remsi %add3A_766, %rem3A_767 : i32
        %dma_wait3A_769 = arith.constant 0 : i32
        %dma_wait3A_770 = tpu.memref_slice %arg7[%rem3A_768, %dma_wait3A_769] : memref<16x40xi32, #tpu.memory_space<vmem>> -> memref<1x40xi32, #tpu.memory_space<vmem>>
        %dma_wait3A_771 = tpu.memref_squeeze %dma_wait3A_770 : memref<1x40xi32, #tpu.memory_space<vmem>> -> memref<40xi32, #tpu.memory_space<vmem>>
        %dma_wait3A_772 = arith.constant 0 : i32
        %dma_wait3A_773 = arith.constant 0 : i32
        %dma_wait3A_774 = tpu.memref_slice %arg2[%add3A, %dma_wait3A_772, %dma_wait3A_773] : memref<32x250x40xi32, #tpu.memory_space<hbm>> -> memref<1x250x40xi32, #tpu.memory_space<hbm>>
        %dma_wait3A_775 = tpu.memref_squeeze %dma_wait3A_774 : memref<1x250x40xi32, #tpu.memory_space<hbm>> -> memref<250x40xi32, #tpu.memory_space<hbm>>
        %dma_wait3A_776 = arith.constant 0 : i32
        %dma_wait3A_777 = tpu.memref_slice %dma_wait3A_775[%add3A_766, %dma_wait3A_776] : memref<250x40xi32, #tpu.memory_space<hbm>> -> memref<1x40xi32, #tpu.memory_space<hbm>>
        %dma_wait3A_778 = tpu.memref_squeeze %dma_wait3A_777 : memref<1x40xi32, #tpu.memory_space<hbm>> -> memref<40xi32, #tpu.memory_space<hbm>>
        %dma_wait3A_779 = arith.constant 0 : i32
        %dma_wait3A_780 = tpu.memref_slice %arg7[%rem3A_768, %dma_wait3A_779] : memref<16x40xi32, #tpu.memory_space<vmem>> -> memref<1x40xi32, #tpu.memory_space<vmem>>
        %dma_wait3A_781 = tpu.memref_squeeze %dma_wait3A_780 : memref<1x40xi32, #tpu.memory_space<vmem>> -> memref<40xi32, #tpu.memory_space<vmem>>
        %dma_wait3A_782 = arith.constant 0 : i32
        %dma_wait3A_783 = arith.constant 0 : i32
        %dma_wait3A_784 = tpu.memref_slice %arg2[%add3A, %dma_wait3A_782, %dma_wait3A_783] : memref<32x250x40xi32, #tpu.memory_space<hbm>> -> memref<1x250x40xi32, #tpu.memory_space<hbm>>
        %dma_wait3A_785 = tpu.memref_squeeze %dma_wait3A_784 : memref<1x250x40xi32, #tpu.memory_space<hbm>> -> memref<250x40xi32, #tpu.memory_space<hbm>>
        %dma_wait3A_786 = arith.constant 0 : i32
        %dma_wait3A_787 = tpu.memref_slice %dma_wait3A_785[%add3A_766, %dma_wait3A_786] : memref<250x40xi32, #tpu.memory_space<hbm>> -> memref<1x40xi32, #tpu.memory_space<hbm>>
        %dma_wait3A_788 = tpu.memref_squeeze %dma_wait3A_787 : memref<1x40xi32, #tpu.memory_space<hbm>> -> memref<40xi32, #tpu.memory_space<hbm>>
        tpu.wait_dma2 semaphore(%arg13 : memref<!tpu.dma_semaphore, #tpu.memory_space<semaphore_mem>>) src(%dma_wait3A_788 : memref<40xi32, #tpu.memory_space<hbm>>) dst(%dma_wait3A_781 : memref<40xi32, #tpu.memory_space<vmem>>)
        %dma_wait3A_789 = arith.constant 0 : i32
        %dma_wait3A_790 = tpu.memref_slice %arg8[%rem3A_768, %dma_wait3A_789] : memref<16x40xi32, #tpu.memory_space<vmem>> -> memref<1x40xi32, #tpu.memory_space<vmem>>
        %dma_wait3A_791 = tpu.memref_squeeze %dma_wait3A_790 : memref<1x40xi32, #tpu.memory_space<vmem>> -> memref<40xi32, #tpu.memory_space<vmem>>
        %dma_wait3A_792 = arith.constant 0 : i32
        %dma_wait3A_793 = arith.constant 0 : i32
        %dma_wait3A_794 = tpu.memref_slice %arg3[%add3A, %dma_wait3A_792, %dma_wait3A_793] : memref<32x250x40xi32, #tpu.memory_space<hbm>> -> memref<1x250x40xi32, #tpu.memory_space<hbm>>
        %dma_wait3A_795 = tpu.memref_squeeze %dma_wait3A_794 : memref<1x250x40xi32, #tpu.memory_space<hbm>> -> memref<250x40xi32, #tpu.memory_space<hbm>>
        %dma_wait3A_796 = arith.constant 0 : i32
        %dma_wait3A_797 = tpu.memref_slice %dma_wait3A_795[%add3A_766, %dma_wait3A_796] : memref<250x40xi32, #tpu.memory_space<hbm>> -> memref<1x40xi32, #tpu.memory_space<hbm>>
        %dma_wait3A_798 = tpu.memref_squeeze %dma_wait3A_797 : memref<1x40xi32, #tpu.memory_space<hbm>> -> memref<40xi32, #tpu.memory_space<hbm>>
        %dma_wait3A_799 = arith.constant 0 : i32
        %dma_wait3A_800 = tpu.memref_slice %arg8[%rem3A_768, %dma_wait3A_799] : memref<16x40xi32, #tpu.memory_space<vmem>> -> memref<1x40xi32, #tpu.memory_space<vmem>>
        %dma_wait3A_801 = tpu.memref_squeeze %dma_wait3A_800 : memref<1x40xi32, #tpu.memory_space<vmem>> -> memref<40xi32, #tpu.memory_space<vmem>>
        %dma_wait3A_802 = arith.constant 0 : i32
        %dma_wait3A_803 = arith.constant 0 : i32
        %dma_wait3A_804 = tpu.memref_slice %arg3[%add3A, %dma_wait3A_802, %dma_wait3A_803] : memref<32x250x40xi32, #tpu.memory_space<hbm>> -> memref<1x250x40xi32, #tpu.memory_space<hbm>>
        %dma_wait3A_805 = tpu.memref_squeeze %dma_wait3A_804 : memref<1x250x40xi32, #tpu.memory_space<hbm>> -> memref<250x40xi32, #tpu.memory_space<hbm>>
        %dma_wait3A_806 = arith.constant 0 : i32
        %dma_wait3A_807 = tpu.memref_slice %dma_wait3A_805[%add3A_766, %dma_wait3A_806] : memref<250x40xi32, #tpu.memory_space<hbm>> -> memref<1x40xi32, #tpu.memory_space<hbm>>
        %dma_wait3A_808 = tpu.memref_squeeze %dma_wait3A_807 : memref<1x40xi32, #tpu.memory_space<hbm>> -> memref<40xi32, #tpu.memory_space<hbm>>
        tpu.wait_dma2 semaphore(%arg13 : memref<!tpu.dma_semaphore, #tpu.memory_space<semaphore_mem>>) src(%dma_wait3A_808 : memref<40xi32, #tpu.memory_space<hbm>>) dst(%dma_wait3A_801 : memref<40xi32, #tpu.memory_space<vmem>>)
        %rem3A_809 = arith.constant 8 : i32
        %rem3A_810 = arith.remsi %add3A_766, %rem3A_809 : i32
        %rem3A_811 = arith.constant 16 : i32
        %rem3A_812 = arith.remsi %add3A_766, %rem3A_811 : i32
        %dma_start3A_813 = arith.constant 0 : i32
        %dma_start3A_814 = arith.constant 0 : i32
        %dma_start3A_815 = tpu.memref_slice %arg9[%rem3A_810, %dma_start3A_813, %dma_start3A_814] : memref<8x40x128xf32, #tpu.memory_space<vmem>> -> memref<1x40x128xf32, #tpu.memory_space<vmem>>
        %dma_start3A_816 = tpu.memref_squeeze %dma_start3A_815 : memref<1x40x128xf32, #tpu.memory_space<vmem>> -> memref<40x128xf32, #tpu.memory_space<vmem>>
        %dma_start3A_817 = arith.constant 0 : i32
        %dma_start3A_818 = tpu.memref_slice %arg7[%rem3A_812, %dma_start3A_817] : memref<16x40xi32, #tpu.memory_space<vmem>> -> memref<1x40xi32, #tpu.memory_space<vmem>>
        %dma_start3A_819 = tpu.memref_squeeze %dma_start3A_818 : memref<1x40xi32, #tpu.memory_space<vmem>> -> memref<40xi32, #tpu.memory_space<vmem>>
        %dma_start3A_820 = arith.constant 0 : i32
        %dma_start3A_821 = arith.constant 0 : i32
        %dma_start3A_822 = tpu.memref_slice %arg4[%dma_start3A_820, %dma_start3A_821] : memref<10000x128xf32, #tpu.memory_space<hbm>> -> memref<10000x128xf32, #tpu.memory_space<hbm>>
        tpu.enqueue_indirect_dma source(%dma_start3A_822 : memref<10000x128xf32, #tpu.memory_space<hbm>>) target(%dma_start3A_816 : memref<40x128xf32, #tpu.memory_space<vmem>>) offsets(%dma_start3A_819 : memref<40xi32, #tpu.memory_space<vmem>>) semaphore(%arg11 : memref<!tpu.dma_semaphore, #tpu.memory_space<semaphore_mem>>)
      } else {
      }
    }
    %scan3A_671 = arith.constant 250 : i32
    %dma_wait3A_672 = arith.constant 6 : i32
    %dma_wait3A_673 = arith.constant 6 : i32
    %dma_wait3A_674 = arith.constant 0 : i32
    %dma_wait3A_675 = arith.constant 0 : i32
    %dma_wait3A_676 = tpu.memref_slice %arg9[%dma_wait3A_672, %dma_wait3A_674, %dma_wait3A_675] : memref<8x40x128xf32, #tpu.memory_space<vmem>> -> memref<1x40x128xf32, #tpu.memory_space<vmem>>
    %dma_wait3A_677 = tpu.memref_squeeze %dma_wait3A_676 : memref<1x40x128xf32, #tpu.memory_space<vmem>> -> memref<40x128xf32, #tpu.memory_space<vmem>>
    %dma_wait3A_678 = arith.constant 0 : i32
    %dma_wait3A_679 = tpu.memref_slice %arg8[%dma_wait3A_673, %dma_wait3A_678] : memref<16x40xi32, #tpu.memory_space<vmem>> -> memref<1x40xi32, #tpu.memory_space<vmem>>
    %dma_wait3A_680 = tpu.memref_squeeze %dma_wait3A_679 : memref<1x40xi32, #tpu.memory_space<vmem>> -> memref<40xi32, #tpu.memory_space<vmem>>
    %dma_wait3A_681 = arith.constant 0 : i32
    %dma_wait3A_682 = arith.constant 0 : i32
    %dma_wait3A_683 = tpu.memref_slice %arg10[%dma_wait3A_681, %dma_wait3A_682] : memref<10240x128xf32, #tpu.memory_space<vmem_shared>> -> memref<10240x128xf32, #tpu.memory_space<vmem_shared>>
    tpu.wait_indirect_dma semaphore(%arg12 : memref<!tpu.dma_semaphore, #tpu.memory_space<semaphore_mem>>) src(%dma_wait3A_677 : memref<40x128xf32, #tpu.memory_space<vmem>>) dst(%dma_wait3A_683 : memref<10240x128xf32, #tpu.memory_space<vmem_shared>>)
    %dma_wait3A_684 = arith.constant 7 : i32
    %dma_wait3A_685 = arith.constant 7 : i32
    %dma_wait3A_686 = arith.constant 0 : i32
    %dma_wait3A_687 = arith.constant 0 : i32
    %dma_wait3A_688 = tpu.memref_slice %arg9[%dma_wait3A_684, %dma_wait3A_686, %dma_wait3A_687] : memref<8x40x128xf32, #tpu.memory_space<vmem>> -> memref<1x40x128xf32, #tpu.memory_space<vmem>>
    %dma_wait3A_689 = tpu.memref_squeeze %dma_wait3A_688 : memref<1x40x128xf32, #tpu.memory_space<vmem>> -> memref<40x128xf32, #tpu.memory_space<vmem>>
    %dma_wait3A_690 = arith.constant 0 : i32
    %dma_wait3A_691 = tpu.memref_slice %arg8[%dma_wait3A_685, %dma_wait3A_690] : memref<16x40xi32, #tpu.memory_space<vmem>> -> memref<1x40xi32, #tpu.memory_space<vmem>>
    %dma_wait3A_692 = tpu.memref_squeeze %dma_wait3A_691 : memref<1x40xi32, #tpu.memory_space<vmem>> -> memref<40xi32, #tpu.memory_space<vmem>>
    %dma_wait3A_693 = arith.constant 0 : i32
    %dma_wait3A_694 = arith.constant 0 : i32
    %dma_wait3A_695 = tpu.memref_slice %arg10[%dma_wait3A_693, %dma_wait3A_694] : memref<10240x128xf32, #tpu.memory_space<vmem_shared>> -> memref<10240x128xf32, #tpu.memory_space<vmem_shared>>
    tpu.wait_indirect_dma semaphore(%arg12 : memref<!tpu.dma_semaphore, #tpu.memory_space<semaphore_mem>>) src(%dma_wait3A_689 : memref<40x128xf32, #tpu.memory_space<vmem>>) dst(%dma_wait3A_695 : memref<10240x128xf32, #tpu.memory_space<vmem_shared>>)
    %dma_wait3A_696 = arith.constant 0 : i32
    %dma_wait3A_697 = arith.constant 8 : i32
    %dma_wait3A_698 = arith.constant 0 : i32
    %dma_wait3A_699 = arith.constant 0 : i32
    %dma_wait3A_700 = tpu.memref_slice %arg9[%dma_wait3A_696, %dma_wait3A_698, %dma_wait3A_699] : memref<8x40x128xf32, #tpu.memory_space<vmem>> -> memref<1x40x128xf32, #tpu.memory_space<vmem>>
    %dma_wait3A_701 = tpu.memref_squeeze %dma_wait3A_700 : memref<1x40x128xf32, #tpu.memory_space<vmem>> -> memref<40x128xf32, #tpu.memory_space<vmem>>
    %dma_wait3A_702 = arith.constant 0 : i32
    %dma_wait3A_703 = tpu.memref_slice %arg8[%dma_wait3A_697, %dma_wait3A_702] : memref<16x40xi32, #tpu.memory_space<vmem>> -> memref<1x40xi32, #tpu.memory_space<vmem>>
    %dma_wait3A_704 = tpu.memref_squeeze %dma_wait3A_703 : memref<1x40xi32, #tpu.memory_space<vmem>> -> memref<40xi32, #tpu.memory_space<vmem>>
    %dma_wait3A_705 = arith.constant 0 : i32
    %dma_wait3A_706 = arith.constant 0 : i32
    %dma_wait3A_707 = tpu.memref_slice %arg10[%dma_wait3A_705, %dma_wait3A_706] : memref<10240x128xf32, #tpu.memory_space<vmem_shared>> -> memref<10240x128xf32, #tpu.memory_space<vmem_shared>>
    tpu.wait_indirect_dma semaphore(%arg12 : memref<!tpu.dma_semaphore, #tpu.memory_space<semaphore_mem>>) src(%dma_wait3A_701 : memref<40x128xf32, #tpu.memory_space<vmem>>) dst(%dma_wait3A_707 : memref<10240x128xf32, #tpu.memory_space<vmem_shared>>)
    %dma_wait3A_708 = arith.constant 1 : i32
    %dma_wait3A_709 = arith.constant 9 : i32
    %dma_wait3A_710 = arith.constant 0 : i32
    %dma_wait3A_711 = arith.constant 0 : i32
    %dma_wait3A_712 = tpu.memref_slice %arg9[%dma_wait3A_708, %dma_wait3A_710, %dma_wait3A_711] : memref<8x40x128xf32, #tpu.memory_space<vmem>> -> memref<1x40x128xf32, #tpu.memory_space<vmem>>
    %dma_wait3A_713 = tpu.memref_squeeze %dma_wait3A_712 : memref<1x40x128xf32, #tpu.memory_space<vmem>> -> memref<40x128xf32, #tpu.memory_space<vmem>>
    %dma_wait3A_714 = arith.constant 0 : i32
    %dma_wait3A_715 = tpu.memref_slice %arg8[%dma_wait3A_709, %dma_wait3A_714] : memref<16x40xi32, #tpu.memory_space<vmem>> -> memref<1x40xi32, #tpu.memory_space<vmem>>
    %dma_wait3A_716 = tpu.memref_squeeze %dma_wait3A_715 : memref<1x40xi32, #tpu.memory_space<vmem>> -> memref<40xi32, #tpu.memory_space<vmem>>
    %dma_wait3A_717 = arith.constant 0 : i32
    %dma_wait3A_718 = arith.constant 0 : i32
    %dma_wait3A_719 = tpu.memref_slice %arg10[%dma_wait3A_717, %dma_wait3A_718] : memref<10240x128xf32, #tpu.memory_space<vmem_shared>> -> memref<10240x128xf32, #tpu.memory_space<vmem_shared>>
    tpu.wait_indirect_dma semaphore(%arg12 : memref<!tpu.dma_semaphore, #tpu.memory_space<semaphore_mem>>) src(%dma_wait3A_713 : memref<40x128xf32, #tpu.memory_space<vmem>>) dst(%dma_wait3A_719 : memref<10240x128xf32, #tpu.memory_space<vmem_shared>>)
    %barrier3A_720 = arith.constant 0 : index
    tpu.barrier barrier_id(%barrier3A_720)
    %mul3A_721 = arith.constant 640 : i32
    %mul3A_722 = arith.muli %arg1, %mul3A_721 : i32
    %mul3A_723 = arith.constant 10240 : i32
    %mul3A_724 = arith.muli %arg0, %mul3A_723 : i32
    %mul3A_725 = arith.constant 640 : i32
    %mul3A_726 = arith.muli %arg1, %mul3A_725 : i32
    %add3A_727 = arith.addi %mul3A_724, %mul3A_726 : i32
    "tpu.region"() ({
      %run_scoped3A = tpu.sem_alloc : memref<!tpu.dma_semaphore, #tpu.memory_space<semaphore_mem>>
      %dma_start3A_728 = arith.constant 0 : i32
      %dma_start3A_729 = tpu.memref_slice %arg6[%add3A_727, %dma_start3A_728] : memref<20480x128xf32, #tpu.memory_space<hbm>> -> memref<640x128xf32, #tpu.memory_space<hbm>>
      %dma_start3A_730 = arith.constant 0 : i32
      %dma_start3A_731 = tpu.memref_slice %arg10[%mul3A_722, %dma_start3A_730] : memref<10240x128xf32, #tpu.memory_space<vmem_shared>> -> memref<640x128xf32, #tpu.memory_space<vmem_shared>>
      tpu.enqueue_dma source(%dma_start3A_731 : memref<640x128xf32, #tpu.memory_space<vmem_shared>>) target(%dma_start3A_729 : memref<640x128xf32, #tpu.memory_space<hbm>>) target_semaphore(%run_scoped3A : memref<!tpu.dma_semaphore, #tpu.memory_space<semaphore_mem>>)
      %dma_wait3A_732 = arith.constant 0 : i32
      %dma_wait3A_733 = tpu.memref_slice %arg6[%add3A_727, %dma_wait3A_732] : memref<20480x128xf32, #tpu.memory_space<hbm>> -> memref<640x128xf32, #tpu.memory_space<hbm>>
      %dma_wait3A_734 = arith.constant 0 : i32
      %dma_wait3A_735 = tpu.memref_slice %arg10[%mul3A_722, %dma_wait3A_734] : memref<10240x128xf32, #tpu.memory_space<vmem_shared>> -> memref<640x128xf32, #tpu.memory_space<vmem_shared>>
      tpu.wait_dma2 semaphore(%run_scoped3A : memref<!tpu.dma_semaphore, #tpu.memory_space<semaphore_mem>>) src(%dma_wait3A_735 : memref<640x128xf32, #tpu.memory_space<vmem_shared>>) dst(%dma_wait3A_733 : memref<640x128xf32, #tpu.memory_space<hbm>>)
      tpu.yield
    }) : () -> ()
    return
  }
}

module attributes {stable_mosaic.version = 14 : i64} {
  func.func @_tc_h0_body(%arg0: i32, %arg1: memref<640x128xf32, #tpu.memory_space<vmem>>, %arg2: memref<128x128xf32, #tpu.memory_space<vmem>>, %arg3: memref<1x128xf32, #tpu.memory_space<vmem>>, %arg4: memref<640x128xf32, #tpu.memory_space<vmem>>) attributes {dimension_semantics = [#tpu.dimension_semantics<arbitrary>], iteration_bounds = array<i64: 16>, scalar_prefetch = 0 : i64, scratch_operands = 0 : i64, tpu.core_type = #tpu.core_type<tc>, window_params = [{transform_indices = @transform_0, window_bounds = array<i64: 640, 128>}, {pipeline_mode = #tpu.pipeline_mode<synchronous>, transform_indices = @transform_1, window_bounds = array<i64: 128, 128>}, {pipeline_mode = #tpu.pipeline_mode<synchronous>, transform_indices = @transform_2, window_bounds = array<i64: 1, 128>}, {transform_indices = @transform_3, window_bounds = array<i64: 640, 128>}]} {
    %get3A = arith.constant 0 : index
    %get3A_0 = arith.constant 0 : index
    %get3A_1 = vector.load %arg1[%get3A, %get3A_0] : memref<640x128xf32, #tpu.memory_space<vmem>>, vector<640x128xf32>
    %get3A_2 = arith.constant 0 : index
    %get3A_3 = arith.constant 0 : index
    %get3A_4 = vector.load %arg2[%get3A_2, %get3A_3] : memref<128x128xf32, #tpu.memory_space<vmem>>, vector<128x128xf32>
    %dot_general3A = arith.constant dense<0.000000e+00> : vector<640x128xf32>
    %dot_general3A_5 = tpu.matmul %get3A_1, %get3A_4, %dot_general3A {dimension_numbers = #tpu.dot_dimension_numbers<[1], [0], [0], [1], [0, 0, 1, 1], [], []>, transpose_lhs_hint = false} : vector<640x128xf32>, vector<128x128xf32>, vector<640x128xf32> -> vector<640x128xf32>
    %get3A_6 = arith.constant 0 : index
    %get3A_7 = arith.constant 0 : index
    %get3A_8 = vector.load %arg3[%get3A_6, %get3A_7] : memref<1x128xf32, #tpu.memory_space<vmem>>, vector<1x128xf32>
    %add3A = vector.broadcast %get3A_8 : vector<1x128xf32> to vector<640x128xf32>
    %add3A_9 = arith.addf %dot_general3A_5, %add3A : vector<640x128xf32>
    %swap3A = arith.constant 0 : index
    %swap3A_10 = arith.constant 0 : index
    %swap3A_11 = vector.load %arg4[%swap3A, %swap3A_10] : memref<640x128xf32, #tpu.memory_space<vmem>>, vector<640x128xf32>
    tpu.vector_store %arg4[%swap3A, %swap3A_10], %add3A_9 {strides = array<i32>} : memref<640x128xf32, #tpu.memory_space<vmem>>, vector<640x128xf32>,
    return
  }
  func.func @transform_0(%arg0: i32) -> (i32, i32) {
    %c0_i32 = arith.constant 0 : i32
    %c0_i32_0 = arith.constant 0 : i32
    return %arg0, %c0_i32 : i32, i32
  }
  func.func @transform_1(%arg0: i32) -> (i32, i32) {
    %c0_i32 = arith.constant 0 : i32
    %c0_i32_0 = arith.constant 0 : i32
    %c0_i32_1 = arith.constant 0 : i32
    return %c0_i32, %c0_i32_0 : i32, i32
  }
  func.func @transform_2(%arg0: i32) -> (i32, i32) {
    %c0_i32 = arith.constant 0 : i32
    %c0_i32_0 = arith.constant 0 : i32
    %c0_i32_1 = arith.constant 0 : i32
    return %c0_i32, %c0_i32_0 : i32, i32
  }
  func.func @transform_3(%arg0: i32) -> (i32, i32) {
    %c0_i32 = arith.constant 0 : i32
    %c0_i32_0 = arith.constant 0 : i32
    return %arg0, %c0_i32 : i32, i32
  }
}

module attributes {stable_mosaic.version = 14 : i64} {
  func.func @_tc0_body(%arg0: i32, %arg1: memref<640x2xf32, #tpu.memory_space<vmem>>, %arg2: memref<640x128xf32, #tpu.memory_space<vmem>>, %arg3: memref<128x128xf32, #tpu.memory_space<vmem>>, %arg4: memref<640x128xf32, #tpu.memory_space<vmem>>, %arg5: memref<640x1xf32, #tpu.memory_space<vmem>>) attributes {dimension_semantics = [#tpu.dimension_semantics<arbitrary>], iteration_bounds = array<i64: 16>, scalar_prefetch = 0 : i64, scratch_operands = 0 : i64, tpu.core_type = #tpu.core_type<tc>, window_params = [{transform_indices = @transform_0, window_bounds = array<i64: 640, 2>}, {transform_indices = @transform_1, window_bounds = array<i64: 640, 128>}, {pipeline_mode = #tpu.pipeline_mode<synchronous>, transform_indices = @transform_2, window_bounds = array<i64: 128, 128>}, {transform_indices = @transform_3, window_bounds = array<i64: 640, 128>}, {transform_indices = @transform_4, window_bounds = array<i64: 640, 1>}]} {
    %get3A = arith.constant 0 : index
    %get3A_0 = arith.constant 0 : index
    %get3A_1 = vector.load %arg1[%get3A, %get3A_0] : memref<640x2xf32, #tpu.memory_space<vmem>>, vector<640x1xf32>
    %get3A_2 = arith.constant 0 : index
    %get3A_3 = arith.constant 1 : index
    %get3A_4 = vector.load %arg1[%get3A_2, %get3A_3] : memref<640x2xf32, #tpu.memory_space<vmem>>, vector<640x1xf32>
    %add3A = arith.addf %get3A_1, %get3A_4 : vector<640x1xf32>
    %add3A_5 = arith.constant 1.000000e+00 : f32
    %add3A_6 = vector.broadcast %add3A_5 : f32 to vector<640x1xf32>
    %add3A_7 = arith.addf %add3A, %add3A_6 : vector<640x1xf32>
    %rsqrt3A = math.rsqrt %add3A_7 : vector<640x1xf32>
    %get3A_8 = arith.constant 0 : index
    %get3A_9 = arith.constant 0 : index
    %get3A_10 = vector.load %arg2[%get3A_8, %get3A_9] : memref<640x128xf32, #tpu.memory_space<vmem>>, vector<640x128xf32>
    %get3A_11 = arith.constant 0 : index
    %get3A_12 = arith.constant 0 : index
    %get3A_13 = vector.load %arg3[%get3A_11, %get3A_12] : memref<128x128xf32, #tpu.memory_space<vmem>>, vector<128x128xf32>
    %dot_general3A = arith.constant dense<0.000000e+00> : vector<640x128xf32>
    %dot_general3A_14 = tpu.matmul %get3A_10, %get3A_13, %dot_general3A {dimension_numbers = #tpu.dot_dimension_numbers<[1], [0], [0], [1], [0, 0, 1, 1], [], []>, transpose_lhs_hint = false} : vector<640x128xf32>, vector<128x128xf32>, vector<640x128xf32> -> vector<640x128xf32>
    %mul3A = vector.broadcast %rsqrt3A : vector<640x1xf32> to vector<640x128xf32>
    %mul3A_15 = arith.mulf %mul3A, %dot_general3A_14 : vector<640x128xf32>
    %swap3A = arith.constant 0 : index
    %swap3A_16 = arith.constant 0 : index
    %swap3A_17 = vector.load %arg4[%swap3A, %swap3A_16] : memref<640x128xf32, #tpu.memory_space<vmem>>, vector<640x128xf32>
    tpu.vector_store %arg4[%swap3A, %swap3A_16], %mul3A_15 {strides = array<i32>} : memref<640x128xf32, #tpu.memory_space<vmem>>, vector<640x128xf32>,
    %swap3A_18 = arith.constant 0 : index
    %swap3A_19 = arith.constant 0 : index
    %swap3A_20 = vector.load %arg5[%swap3A_18, %swap3A_19] : memref<640x1xf32, #tpu.memory_space<vmem>>, vector<640x1xf32>
    tpu.vector_store %arg5[%swap3A_18, %swap3A_19], %rsqrt3A {strides = array<i32>} : memref<640x1xf32, #tpu.memory_space<vmem>>, vector<640x1xf32>,
    return
  }
  func.func @transform_0(%arg0: i32) -> (i32, i32) {
    %c0_i32 = arith.constant 0 : i32
    %c0_i32_0 = arith.constant 0 : i32
    return %arg0, %c0_i32 : i32, i32
  }
  func.func @transform_1(%arg0: i32) -> (i32, i32) {
    %c0_i32 = arith.constant 0 : i32
    %c0_i32_0 = arith.constant 0 : i32
    return %arg0, %c0_i32 : i32, i32
  }
  func.func @transform_2(%arg0: i32) -> (i32, i32) {
    %c0_i32 = arith.constant 0 : i32
    %c0_i32_0 = arith.constant 0 : i32
    %c0_i32_1 = arith.constant 0 : i32
    return %c0_i32, %c0_i32_0 : i32, i32
  }
  func.func @transform_3(%arg0: i32) -> (i32, i32) {
    %c0_i32 = arith.constant 0 : i32
    %c0_i32_0 = arith.constant 0 : i32
    return %arg0, %c0_i32 : i32, i32
  }
  func.func @transform_4(%arg0: i32) -> (i32, i32) {
    %c0_i32 = arith.constant 0 : i32
    %c0_i32_0 = arith.constant 0 : i32
    return %arg0, %c0_i32 : i32, i32
  }
}

module attributes {stable_mosaic.version = 14 : i64} {
  func.func @_mid_body(%arg0: i32, %arg1: memref<640x128xf32, #tpu.memory_space<vmem>>, %arg2: memref<640x128xf32, #tpu.memory_space<vmem>>, %arg3: memref<640x128xf32, #tpu.memory_space<vmem>>, %arg4: memref<640x128xf32, #tpu.memory_space<vmem>>, %arg5: memref<640x1xf32, #tpu.memory_space<vmem>>, %arg6: memref<1x128xf32, #tpu.memory_space<vmem>>, %arg7: memref<1x128xf32, #tpu.memory_space<vmem>>, %arg8: memref<1x128xf32, #tpu.memory_space<vmem>>, %arg9: memref<128x128xf32, #tpu.memory_space<vmem>>, %arg10: memref<640x128xf32, #tpu.memory_space<vmem>>, %arg11: memref<640x128xf32, #tpu.memory_space<vmem>>) attributes {dimension_semantics = [#tpu.dimension_semantics<arbitrary>], iteration_bounds = array<i64: 16>, scalar_prefetch = 0 : i64, scratch_operands = 0 : i64, tpu.core_type = #tpu.core_type<tc>, window_params = [{transform_indices = @transform_0, window_bounds = array<i64: 640, 128>}, {transform_indices = @transform_1, window_bounds = array<i64: 640, 128>}, {transform_indices = @transform_2, window_bounds = array<i64: 640, 128>}, {transform_indices = @transform_3, window_bounds = array<i64: 640, 128>}, {transform_indices = @transform_4, window_bounds = array<i64: 640, 1>}, {pipeline_mode = #tpu.pipeline_mode<synchronous>, transform_indices = @transform_5, window_bounds = array<i64: 1, 128>}, {pipeline_mode = #tpu.pipeline_mode<synchronous>, transform_indices = @transform_6, window_bounds = array<i64: 1, 128>}, {pipeline_mode = #tpu.pipeline_mode<synchronous>, transform_indices = @transform_7, window_bounds = array<i64: 1, 128>}, {pipeline_mode = #tpu.pipeline_mode<synchronous>, transform_indices = @transform_8, window_bounds = array<i64: 128, 128>}, {transform_indices = @transform_9, window_bounds = array<i64: 640, 128>}, {transform_indices = @transform_10, window_bounds = array<i64: 640, 128>}]} {
    %get3A = arith.constant 0 : index
    %get3A_0 = arith.constant 0 : index
    %get3A_1 = vector.load %arg5[%get3A, %get3A_0] : memref<640x1xf32, #tpu.memory_space<vmem>>, vector<640x1xf32>
    %get3A_2 = arith.constant 0 : index
    %get3A_3 = arith.constant 0 : index
    %get3A_4 = vector.load %arg1[%get3A_2, %get3A_3] : memref<640x128xf32, #tpu.memory_space<vmem>>, vector<640x128xf32>
    %get3A_5 = arith.constant 0 : index
    %get3A_6 = arith.constant 0 : index
    %get3A_7 = vector.load %arg2[%get3A_5, %get3A_6] : memref<640x128xf32, #tpu.memory_space<vmem>>, vector<640x128xf32>
    %get3A_8 = arith.constant 0 : index
    %get3A_9 = arith.constant 0 : index
    %get3A_10 = vector.load %arg3[%get3A_8, %get3A_9] : memref<640x128xf32, #tpu.memory_space<vmem>>, vector<640x128xf32>
    %get3A_11 = arith.constant 0 : index
    %get3A_12 = arith.constant 0 : index
    %get3A_13 = vector.load %arg4[%get3A_11, %get3A_12] : memref<640x128xf32, #tpu.memory_space<vmem>>, vector<640x128xf32>
    %get3A_14 = arith.constant 0 : index
    %get3A_15 = arith.constant 0 : index
    %get3A_16 = vector.load %arg6[%get3A_14, %get3A_15] : memref<1x128xf32, #tpu.memory_space<vmem>>, vector<1x128xf32>
    %get3A_17 = arith.constant 0 : index
    %get3A_18 = arith.constant 0 : index
    %get3A_19 = vector.load %arg7[%get3A_17, %get3A_18] : memref<1x128xf32, #tpu.memory_space<vmem>>, vector<1x128xf32>
    %get3A_20 = arith.constant 0 : index
    %get3A_21 = arith.constant 0 : index
    %get3A_22 = vector.load %arg8[%get3A_20, %get3A_21] : memref<1x128xf32, #tpu.memory_space<vmem>>, vector<1x128xf32>
    %add3A = arith.addf %get3A_4, %get3A_7 : vector<640x128xf32>
    %add3A_23 = arith.addf %add3A, %get3A_10 : vector<640x128xf32>
    %mul3A = vector.broadcast %get3A_1 : vector<640x1xf32> to vector<640x128xf32>
    %mul3A_24 = arith.mulf %mul3A, %add3A_23 : vector<640x128xf32>
    %add3A_25 = vector.broadcast %get3A_16 : vector<1x128xf32> to vector<640x128xf32>
    %add3A_26 = arith.addf %mul3A_24, %add3A_25 : vector<640x128xf32>
    %reduce_sum3A = arith.constant dense<0.000000e+00> : vector<640xf32>
    %reduce_sum3A_27 = vector.multi_reduction <add>, %add3A_26, %reduce_sum3A [1] : vector<640x128xf32> to vector<640xf32>
    %broadcast_in_dim3A = vector.shape_cast %reduce_sum3A_27 : vector<640xf32> to vector<640x1xf32>
    %div3A = arith.constant 1.280000e+02 : f32
    %div3A_28 = vector.broadcast %div3A : f32 to vector<640x1xf32>
    %div3A_29 = arith.divf %broadcast_in_dim3A, %div3A_28 : vector<640x1xf32>
    %sub3A = vector.broadcast %div3A_29 : vector<640x1xf32> to vector<640x128xf32>
    %sub3A_30 = arith.subf %add3A_26, %sub3A : vector<640x128xf32>
    %mul3A_31 = arith.mulf %sub3A_30, %sub3A_30 : vector<640x128xf32>
    %reduce_sum3A_32 = arith.constant dense<0.000000e+00> : vector<640xf32>
    %reduce_sum3A_33 = vector.multi_reduction <add>, %mul3A_31, %reduce_sum3A_32 [1] : vector<640x128xf32> to vector<640xf32>
    %broadcast_in_dim3A_34 = vector.shape_cast %reduce_sum3A_33 : vector<640xf32> to vector<640x1xf32>
    %div3A_35 = arith.constant 1.280000e+02 : f32
    %div3A_36 = vector.broadcast %div3A_35 : f32 to vector<640x1xf32>
    %div3A_37 = arith.divf %broadcast_in_dim3A_34, %div3A_36 : vector<640x1xf32>
    %add3A_38 = arith.constant 9.99999974E-6 : f32
    %add3A_39 = vector.broadcast %add3A_38 : f32 to vector<640x1xf32>
    %add3A_40 = arith.addf %div3A_37, %add3A_39 : vector<640x1xf32>
    %rsqrt3A = math.rsqrt %add3A_40 : vector<640x1xf32>
    %mul3A_41 = vector.broadcast %rsqrt3A : vector<640x1xf32> to vector<640x128xf32>
    %mul3A_42 = arith.mulf %sub3A_30, %mul3A_41 : vector<640x128xf32>
    %mul3A_43 = vector.broadcast %get3A_19 : vector<1x128xf32> to vector<640x128xf32>
    %mul3A_44 = arith.mulf %mul3A_42, %mul3A_43 : vector<640x128xf32>
    %add3A_45 = vector.broadcast %get3A_22 : vector<1x128xf32> to vector<640x128xf32>
    %add3A_46 = arith.addf %mul3A_44, %add3A_45 : vector<640x128xf32>
    %max3A = arith.constant 0.000000e+00 : f32
    %max3A_47 = vector.broadcast %max3A : f32 to vector<640x128xf32>
    %max3A_48 = arith.maximumf %add3A_46, %max3A_47 : vector<640x128xf32>
    %add3A_49 = arith.addf %max3A_48, %get3A_13 : vector<640x128xf32>
    %swap3A = arith.constant 0 : index
    %swap3A_50 = arith.constant 0 : index
    %swap3A_51 = vector.load %arg10[%swap3A, %swap3A_50] : memref<640x128xf32, #tpu.memory_space<vmem>>, vector<640x128xf32>
    tpu.vector_store %arg10[%swap3A, %swap3A_50], %add3A_49 {strides = array<i32>} : memref<640x128xf32, #tpu.memory_space<vmem>>, vector<640x128xf32>,
    %get3A_52 = arith.constant 0 : index
    %get3A_53 = arith.constant 0 : index
    %get3A_54 = vector.load %arg9[%get3A_52, %get3A_53] : memref<128x128xf32, #tpu.memory_space<vmem>>, vector<128x128xf32>
    %dot_general3A = arith.constant dense<0.000000e+00> : vector<640x128xf32>
    %dot_general3A_55 = tpu.matmul %add3A_49, %get3A_54, %dot_general3A {dimension_numbers = #tpu.dot_dimension_numbers<[1], [0], [0], [1], [0, 0, 1, 1], [], []>, transpose_lhs_hint = false} : vector<640x128xf32>, vector<128x128xf32>, vector<640x128xf32> -> vector<640x128xf32>
    %mul3A_56 = vector.broadcast %get3A_1 : vector<640x1xf32> to vector<640x128xf32>
    %mul3A_57 = arith.mulf %mul3A_56, %dot_general3A_55 : vector<640x128xf32>
    %swap3A_58 = arith.constant 0 : index
    %swap3A_59 = arith.constant 0 : index
    %swap3A_60 = vector.load %arg11[%swap3A_58, %swap3A_59] : memref<640x128xf32, #tpu.memory_space<vmem>>, vector<640x128xf32>
    tpu.vector_store %arg11[%swap3A_58, %swap3A_59], %mul3A_57 {strides = array<i32>} : memref<640x128xf32, #tpu.memory_space<vmem>>, vector<640x128xf32>,
    return
  }
  func.func @transform_0(%arg0: i32) -> (i32, i32) {
    %c0_i32 = arith.constant 0 : i32
    %c0_i32_0 = arith.constant 0 : i32
    return %arg0, %c0_i32 : i32, i32
  }
  func.func @transform_1(%arg0: i32) -> (i32, i32) {
    %add3A = arith.constant 16 : i32
    %add3A_0 = arith.addi %add3A, %arg0 : i32
    %c0_i32 = arith.constant 0 : i32
    %c0_i32_1 = arith.constant 0 : i32
    return %add3A_0, %c0_i32 : i32, i32
  }
  func.func @transform_2(%arg0: i32) -> (i32, i32) {
    %c0_i32 = arith.constant 0 : i32
    %c0_i32_0 = arith.constant 0 : i32
    return %arg0, %c0_i32 : i32, i32
  }
  func.func @transform_3(%arg0: i32) -> (i32, i32) {
    %c0_i32 = arith.constant 0 : i32
    %c0_i32_0 = arith.constant 0 : i32
    return %arg0, %c0_i32 : i32, i32
  }
  func.func @transform_4(%arg0: i32) -> (i32, i32) {
    %c0_i32 = arith.constant 0 : i32
    %c0_i32_0 = arith.constant 0 : i32
    return %arg0, %c0_i32 : i32, i32
  }
  func.func @transform_5(%arg0: i32) -> (i32, i32) {
    %c0_i32 = arith.constant 0 : i32
    %c0_i32_0 = arith.constant 0 : i32
    %c0_i32_1 = arith.constant 0 : i32
    return %c0_i32, %c0_i32_0 : i32, i32
  }
  func.func @transform_6(%arg0: i32) -> (i32, i32) {
    %c0_i32 = arith.constant 0 : i32
    %c0_i32_0 = arith.constant 0 : i32
    %c0_i32_1 = arith.constant 0 : i32
    return %c0_i32, %c0_i32_0 : i32, i32
  }
  func.func @transform_7(%arg0: i32) -> (i32, i32) {
    %c0_i32 = arith.constant 0 : i32
    %c0_i32_0 = arith.constant 0 : i32
    %c0_i32_1 = arith.constant 0 : i32
    return %c0_i32, %c0_i32_0 : i32, i32
  }
  func.func @transform_8(%arg0: i32) -> (i32, i32) {
    %c0_i32 = arith.constant 0 : i32
    %c0_i32_0 = arith.constant 0 : i32
    %c0_i32_1 = arith.constant 0 : i32
    return %c0_i32, %c0_i32_0 : i32, i32
  }
  func.func @transform_9(%arg0: i32) -> (i32, i32) {
    %c0_i32 = arith.constant 0 : i32
    %c0_i32_0 = arith.constant 0 : i32
    return %arg0, %c0_i32 : i32, i32
  }
  func.func @transform_10(%arg0: i32) -> (i32, i32) {
    %c0_i32 = arith.constant 0 : i32
    %c0_i32_0 = arith.constant 0 : i32
    return %arg0, %c0_i32 : i32, i32
  }
}

module attributes {stable_mosaic.version = 14 : i64} {
  func.func @_fin_body(%arg0: i32, %arg1: memref<640x128xf32, #tpu.memory_space<vmem>>, %arg2: memref<640x128xf32, #tpu.memory_space<vmem>>, %arg3: memref<640x128xf32, #tpu.memory_space<vmem>>, %arg4: memref<640x128xf32, #tpu.memory_space<vmem>>, %arg5: memref<640x1xf32, #tpu.memory_space<vmem>>, %arg6: memref<1x128xf32, #tpu.memory_space<vmem>>, %arg7: memref<1x128xf32, #tpu.memory_space<vmem>>, %arg8: memref<1x128xf32, #tpu.memory_space<vmem>>, %arg9: memref<640x128xf32, #tpu.memory_space<vmem>>) attributes {dimension_semantics = [#tpu.dimension_semantics<arbitrary>], iteration_bounds = array<i64: 16>, scalar_prefetch = 0 : i64, scratch_operands = 0 : i64, tpu.core_type = #tpu.core_type<tc>, window_params = [{transform_indices = @transform_0, window_bounds = array<i64: 640, 128>}, {transform_indices = @transform_1, window_bounds = array<i64: 640, 128>}, {transform_indices = @transform_2, window_bounds = array<i64: 640, 128>}, {transform_indices = @transform_3, window_bounds = array<i64: 640, 128>}, {transform_indices = @transform_4, window_bounds = array<i64: 640, 1>}, {pipeline_mode = #tpu.pipeline_mode<synchronous>, transform_indices = @transform_5, window_bounds = array<i64: 1, 128>}, {pipeline_mode = #tpu.pipeline_mode<synchronous>, transform_indices = @transform_6, window_bounds = array<i64: 1, 128>}, {pipeline_mode = #tpu.pipeline_mode<synchronous>, transform_indices = @transform_7, window_bounds = array<i64: 1, 128>}, {transform_indices = @transform_8, window_bounds = array<i64: 640, 128>}]} {
    %get3A = arith.constant 0 : index
    %get3A_0 = arith.constant 0 : index
    %get3A_1 = vector.load %arg1[%get3A, %get3A_0] : memref<640x128xf32, #tpu.memory_space<vmem>>, vector<640x128xf32>
    %get3A_2 = arith.constant 0 : index
    %get3A_3 = arith.constant 0 : index
    %get3A_4 = vector.load %arg2[%get3A_2, %get3A_3] : memref<640x128xf32, #tpu.memory_space<vmem>>, vector<640x128xf32>
    %get3A_5 = arith.constant 0 : index
    %get3A_6 = arith.constant 0 : index
    %get3A_7 = vector.load %arg3[%get3A_5, %get3A_6] : memref<640x128xf32, #tpu.memory_space<vmem>>, vector<640x128xf32>
    %get3A_8 = arith.constant 0 : index
    %get3A_9 = arith.constant 0 : index
    %get3A_10 = vector.load %arg4[%get3A_8, %get3A_9] : memref<640x128xf32, #tpu.memory_space<vmem>>, vector<640x128xf32>
    %get3A_11 = arith.constant 0 : index
    %get3A_12 = arith.constant 0 : index
    %get3A_13 = vector.load %arg5[%get3A_11, %get3A_12] : memref<640x1xf32, #tpu.memory_space<vmem>>, vector<640x1xf32>
    %get3A_14 = arith.constant 0 : index
    %get3A_15 = arith.constant 0 : index
    %get3A_16 = vector.load %arg6[%get3A_14, %get3A_15] : memref<1x128xf32, #tpu.memory_space<vmem>>, vector<1x128xf32>
    %get3A_17 = arith.constant 0 : index
    %get3A_18 = arith.constant 0 : index
    %get3A_19 = vector.load %arg7[%get3A_17, %get3A_18] : memref<1x128xf32, #tpu.memory_space<vmem>>, vector<1x128xf32>
    %get3A_20 = arith.constant 0 : index
    %get3A_21 = arith.constant 0 : index
    %get3A_22 = vector.load %arg8[%get3A_20, %get3A_21] : memref<1x128xf32, #tpu.memory_space<vmem>>, vector<1x128xf32>
    %add3A = arith.addf %get3A_1, %get3A_4 : vector<640x128xf32>
    %add3A_23 = arith.addf %add3A, %get3A_7 : vector<640x128xf32>
    %mul3A = vector.broadcast %get3A_13 : vector<640x1xf32> to vector<640x128xf32>
    %mul3A_24 = arith.mulf %mul3A, %add3A_23 : vector<640x128xf32>
    %add3A_25 = vector.broadcast %get3A_16 : vector<1x128xf32> to vector<640x128xf32>
    %add3A_26 = arith.addf %mul3A_24, %add3A_25 : vector<640x128xf32>
    %reduce_sum3A = arith.constant dense<0.000000e+00> : vector<640xf32>
    %reduce_sum3A_27 = vector.multi_reduction <add>, %add3A_26, %reduce_sum3A [1] : vector<640x128xf32> to vector<640xf32>
    %broadcast_in_dim3A = vector.shape_cast %reduce_sum3A_27 : vector<640xf32> to vector<640x1xf32>
    %div3A = arith.constant 1.280000e+02 : f32
    %div3A_28 = vector.broadcast %div3A : f32 to vector<640x1xf32>
    %div3A_29 = arith.divf %broadcast_in_dim3A, %div3A_28 : vector<640x1xf32>
    %sub3A = vector.broadcast %div3A_29 : vector<640x1xf32> to vector<640x128xf32>
    %sub3A_30 = arith.subf %add3A_26, %sub3A : vector<640x128xf32>
    %mul3A_31 = arith.mulf %sub3A_30, %sub3A_30 : vector<640x128xf32>
    %reduce_sum3A_32 = arith.constant dense<0.000000e+00> : vector<640xf32>
    %reduce_sum3A_33 = vector.multi_reduction <add>, %mul3A_31, %reduce_sum3A_32 [1] : vector<640x128xf32> to vector<640xf32>
    %broadcast_in_dim3A_34 = vector.shape_cast %reduce_sum3A_33 : vector<640xf32> to vector<640x1xf32>
    %div3A_35 = arith.constant 1.280000e+02 : f32
    %div3A_36 = vector.broadcast %div3A_35 : f32 to vector<640x1xf32>
    %div3A_37 = arith.divf %broadcast_in_dim3A_34, %div3A_36 : vector<640x1xf32>
    %add3A_38 = arith.constant 9.99999974E-6 : f32
    %add3A_39 = vector.broadcast %add3A_38 : f32 to vector<640x1xf32>
    %add3A_40 = arith.addf %div3A_37, %add3A_39 : vector<640x1xf32>
    %rsqrt3A = math.rsqrt %add3A_40 : vector<640x1xf32>
    %mul3A_41 = vector.broadcast %rsqrt3A : vector<640x1xf32> to vector<640x128xf32>
    %mul3A_42 = arith.mulf %sub3A_30, %mul3A_41 : vector<640x128xf32>
    %mul3A_43 = vector.broadcast %get3A_19 : vector<1x128xf32> to vector<640x128xf32>
    %mul3A_44 = arith.mulf %mul3A_42, %mul3A_43 : vector<640x128xf32>
    %add3A_45 = vector.broadcast %get3A_22 : vector<1x128xf32> to vector<640x128xf32>
    %add3A_46 = arith.addf %mul3A_44, %add3A_45 : vector<640x128xf32>
    %max3A = arith.constant 0.000000e+00 : f32
    %max3A_47 = vector.broadcast %max3A : f32 to vector<640x128xf32>
    %max3A_48 = arith.maximumf %add3A_46, %max3A_47 : vector<640x128xf32>
    %add3A_49 = arith.addf %max3A_48, %get3A_10 : vector<640x128xf32>
    %swap3A = arith.constant 0 : index
    %swap3A_50 = arith.constant 0 : index
    %swap3A_51 = vector.load %arg9[%swap3A, %swap3A_50] : memref<640x128xf32, #tpu.memory_space<vmem>>, vector<640x128xf32>
    tpu.vector_store %arg9[%swap3A, %swap3A_50], %add3A_49 {strides = array<i32>} : memref<640x128xf32, #tpu.memory_space<vmem>>, vector<640x128xf32>,
    return
  }
  func.func @transform_0(%arg0: i32) -> (i32, i32) {
    %c0_i32 = arith.constant 0 : i32
    %c0_i32_0 = arith.constant 0 : i32
    return %arg0, %c0_i32 : i32, i32
  }
  func.func @transform_1(%arg0: i32) -> (i32, i32) {
    %add3A = arith.constant 16 : i32
    %add3A_0 = arith.addi %add3A, %arg0 : i32
    %c0_i32 = arith.constant 0 : i32
    %c0_i32_1 = arith.constant 0 : i32
    return %add3A_0, %c0_i32 : i32, i32
  }
  func.func @transform_2(%arg0: i32) -> (i32, i32) {
    %c0_i32 = arith.constant 0 : i32
    %c0_i32_0 = arith.constant 0 : i32
    return %arg0, %c0_i32 : i32, i32
  }
  func.func @transform_3(%arg0: i32) -> (i32, i32) {
    %c0_i32 = arith.constant 0 : i32
    %c0_i32_0 = arith.constant 0 : i32
    return %arg0, %c0_i32 : i32, i32
  }
  func.func @transform_4(%arg0: i32) -> (i32, i32) {
    %c0_i32 = arith.constant 0 : i32
    %c0_i32_0 = arith.constant 0 : i32
    return %arg0, %c0_i32 : i32, i32
  }
  func.func @transform_5(%arg0: i32) -> (i32, i32) {
    %c0_i32 = arith.constant 0 : i32
    %c0_i32_0 = arith.constant 0 : i32
    %c0_i32_1 = arith.constant 0 : i32
    return %c0_i32, %c0_i32_0 : i32, i32
  }
  func.func @transform_6(%arg0: i32) -> (i32, i32) {
    %c0_i32 = arith.constant 0 : i32
    %c0_i32_0 = arith.constant 0 : i32
    %c0_i32_1 = arith.constant 0 : i32
    return %c0_i32, %c0_i32_0 : i32, i32
  }
  func.func @transform_7(%arg0: i32) -> (i32, i32) {
    %c0_i32 = arith.constant 0 : i32
    %c0_i32_0 = arith.constant 0 : i32
    %c0_i32_1 = arith.constant 0 : i32
    return %c0_i32, %c0_i32_0 : i32, i32
  }
  func.func @transform_8(%arg0: i32) -> (i32, i32) {
    %c0_i32 = arith.constant 0 : i32
    %c0_i32_0 = arith.constant 0 : i32
    return %arg0, %c0_i32 : i32, i32
  }
}

</mosaic_0001>

<sc_bundles>
// kernel: kernel.11.cloned.1.call-start
scs
__scs_entry_jumppad:
0x0: {  	(pc) =	sbr.rel $0x88, $3  }
0x1: {  	(tag) =	ssettag $0x0;
	lr =	simm.s32 $0x1  }
0x2: {  	[smem:$0x3F91] =	sst lr;
	_ =	strace $0xD0000000  }
0x3: {  	_ = 	snop  }
0x4: {  	_ = 	snop  }
0x5: {  	_ = 	snop  }
0x6: {  	_ = 	snop  }
0x7: {  	_ = 	snop  }
__scs_overlays_trampoline_lowered:
0x8: {  	[smem:$0x3FA0] =	sst s0  }
0x9: {  	[smem:$0x3FA1] =	sst s1  }
0xa: {  	[smem:$0x3FA2] =	sst s2  }
0xb: {  	[smem:$0x3FA3] =	sst s3  }
0xc: {  	[smem:$0x3FA4] =	sst s4  }
0xd: {  	[smem:$0x3FA5] =	sst s5  }
0xe: {  	[smem:$0x3FA6] =	sst s6  }
0xf: {  	[smem:$0x3FA7] =	sst s7  }
0x10: {  	[smem:$0x3FA8] =	sst s8  }
0x11: {  	[smem:$0x3FA9] =	sst s9;
	s0 =	simm.s32 @!p0 $0x0  }
0x12: {  	s1 =	sld [smem:$0x3F8F];
	s0 =	simm.s32 @p0 $0x1  }
0x13: {  	[smem:$0x3FAA] =	sst s0;
	s0 =	simm.s32 @!p1 $0x0  }
0x14: {  	s2 =	sld [smem:$0x3F8E];
	s0 =	simm.s32 @p1 $0x1  }
0x15: {  	[smem:$0x3FAB] =	sst s0;
	s0 =	simm.s32 @!p2 $0x0  }
0x16: {  	s3 =	sld [smem:$0x3FDB];
	s0 =	simm.s32 @p2 $0x1  }
0x17: {  	s4 =	simm.s32 $0x1BF5;
	[smem:$0x3FAD] =	sst s0  }
0x18: {  	s0 =	sld [smem:$0x3F90];
	_ =	swait.ge [sflag:s4], $0x0  }
0x19: {  	s7 =	sld [smem:$0x3F91]  }
0x1a: {  	s8 =	sadd.s32 $0xFFFFE003, lr  }
0x1b: {  	s9 =	sadd.s32 $0xFFFFFEF7, lr;
	s5 =	simm.s32 $0xFFFFFFFF;
	p2 =	slt.u32 s8, $0xFFFFF086  }
0x1c: {  	p1 =	slt.u32 s9, $0xF7A;
	s5 =	simm.s32 @!p2 $0x0  }
0x1d: {  	s5 =	simm.s32 @p1 $0x1;
	p0 =	seq.s32 s7, s2  }
0x1e: {  	s7 =	smul.u32 @!p0 $0xF7A, s2;
	p2 =	seq.s32 @!p0 s5, $0x0  }
0x1f: {  	s9 =	smul.u32 $0xF7A, s1;
	s8 =	simm.s32 @!p0 $0x1BF5;
	p2 =	por !p2, p0  }
0x20: {  	[sflag:s8] =	ssyncset.s32 @!p0 $0xFFFFF086;
	s6 =	sadd.s32 @!p0 s3, s7;
	s7 =	simm.s32 @!p0 $0x108  }
0x21: {  	s3 =	sadd.s32 s3, s9;
	s6 =	sadd.s32 @!p0 $0x88, s6;
	s7 =	simm.s32 @p2 $0x1082  }
0x22: {  	[simem:s7], [sflag:s8] =	dma.local @!p0 [hbm:s6], $0xF7A  }
0x23: {  	s9 =	sor.u32 $0xD0000000, s2;
	s6 =	simm.s32 $0x108;
	_ =	swait.ge @!p0 [sflag:s8], $0x0  }
0x24: {  	s3 =	sadd.s32 $0x88, s3;
	s6 =	simm.s32 @!p1 $0x1082;
	[sflag:s4] =	ssyncset.s32 $0xFFFFF086  }
0x25: {  	[simem:s6], [sflag:s4] =	dma.local [hbm:s3], $0xF7A  }
0x26: {  	[smem:$0x3F91] =	sst s1;
	(tag) =	ssettag s2;
	_ =	strace s9  }
0x27: {  	s1 =	sld [smem:$0x3FA1]  }
0x28: {  	s2 =	sld [smem:$0x3FA2]  }
0x29: {  	s4 =	sld [smem:$0x3FA4]  }
0x2a: {  	p0 =	seq.s32 s5, $0x0;
	s5 =	sld [smem:$0x3FA5]  }
0x2b: {  	s6 =	sld [smem:$0x3FA6]  }
0x2c: {  	s7 =	sld [smem:$0x3FA7]  }
0x2d: {  	s3 =	simm.s32 $0x108;
	s8 =	sld [smem:$0x3FA8]  }
0x2e: {  	s3 =	simm.s32 @!p0 $0x1082;
	s9 =	sld [smem:$0x3FA9]  }
0x2f: {  	lr =	sadd.s32 s0, s3;
	s0 =	sld [smem:$0x3FA0]  }
0x30: {  	s3 =	sld [smem:$0x3FA3]  }
0x31: {  	[smem:$0x3FAC] =	sst s10  }
0x32: {  	s10 =	sld [smem:$0x3FAA];
	_ =	sdelay $0x3  }
0x33: {  	p0 =	seq.s32 s10, $0x1;
	s10 =	sld [smem:$0x3FAC];
	_ =	sdelay $0x3  }
0x34: {  	[smem:$0x3FAC] =	sst s10  }
0x35: {  	s10 =	sld [smem:$0x3FAB];
	_ =	sdelay $0x3  }
0x36: {  	p1 =	seq.s32 s10, $0x1;
	s10 =	sld [smem:$0x3FAC];
	_ =	sdelay $0x3  }
0x37: {  	[smem:$0x3FAC] =	sst s10  }
0x38: {  	s10 =	sld [smem:$0x3FAD]  }
0x39: {  	_ = 	snop;
	(pc) =	sbr.ind lr, $3  }
0x3a: {  	_ = 	snop  }
0x3b: {  	_ = 	snop  }
0x3c: {  	p2 =	seq.s32 s10, $0x1;
	s10 =	sld [smem:$0x3FAC]  }
0x3d: {  	_ =	shalt  }
0x3e: {  	_ =	shalt  }
0x3f: {  	_ =	shalt  }
0x40: {  	_ =	shalt  }
0x41: {  	_ =	shalt  }
0x42: {  	_ =	shalt  }
0x43: {  	_ =	shalt  }
0x44: {  	_ =	shalt  }
0x45: {  	_ =	shalt  }
0x46: {  	_ =	shalt  }
0x47: {  	_ =	shalt  }
0x48: {  	_ =	shalt  }
0x49: {  	_ =	shalt  }
0x4a: {  	_ =	shalt  }
0x4b: {  	_ =	shalt  }
0x4c: {  	_ =	shalt  }
0x4d: {  	_ =	shalt  }
0x4e: {  	_ =	shalt  }
0x4f: {  	_ =	shalt  }
0x50: {  	_ =	shalt  }
0x51: {  	_ =	shalt  }
0x52: {  	_ =	shalt  }
0x53: {  	_ =	shalt  }
0x54: {  	_ =	shalt  }
0x55: {  	_ =	shalt  }
0x56: {  	_ =	shalt  }
0x57: {  	_ =	shalt  }
0x58: {  	_ =	shalt  }
0x59: {  	_ =	shalt  }
0x5a: {  	_ =	shalt  }
0x5b: {  	_ =	shalt  }
0x5c: {  	_ =	shalt  }
0x5d: {  	_ =	shalt  }
0x5e: {  	_ =	shalt  }
0x5f: {  	_ =	shalt  }
0x60: {  	_ =	shalt  }
0x61: {  	_ =	shalt  }
0x62: {  	_ =	shalt  }
0x63: {  	_ =	shalt  }
0x64: {  	_ =	shalt  }
0x65: {  	_ =	shalt  }
0x66: {  	_ =	shalt  }
0x67: {  	_ =	shalt  }
0x68: {  	_ =	shalt  }
0x69: {  	_ =	shalt  }
0x6a: {  	_ =	shalt  }
0x6b: {  	_ =	shalt  }
0x6c: {  	_ =	shalt  }
0x6d: {  	_ =	shalt  }
0x6e: {  	_ =	shalt  }
0x6f: {  	_ =	shalt  }
0x70: {  	_ =	shalt  }
0x71: {  	_ =	shalt  }
0x72: {  	_ =	shalt  }
0x73: {  	_ =	shalt  }
0x74: {  	_ =	shalt  }
0x75: {  	_ =	shalt  }
0x76: {  	_ =	shalt  }
0x77: {  	_ =	shalt  }
0x78: {  	_ =	shalt  }
0x79: {  	_ =	shalt  }
0x7a: {  	_ =	shalt  }
0x7b: {  	_ =	shalt  }
0x7c: {  	_ =	shalt  }
0x7d: {  	_ =	shalt  }
0x7e: {  	_ =	shalt  }
0x7f: {  	_ =	shalt  }
0x80: {  	_ =	shalt  }
0x81: {  	_ =	shalt  }
0x82: {  	_ =	shalt  }
0x83: {  	_ =	shalt  }
0x84: {  	_ =	shalt  }
0x85: {  	_ =	shalt  }
0x86: {  	_ =	shalt  }
0x87: {  	_ =	shalt  }
.Lfunc_end0:
.L_simem_size_0:
called_computation_lowered:
.L_overlay_start_0:
0x88: {  	s2 =	sld [smem:$0x3FD9]  }
0x89: {  	s3 =	sld [smem:$0x3FFE];
	_ =	sdelay $0x1  }
0x8a: {  	s1 =	srdreg.scid  }
0x8b: {  	s0 =	sand.u32 $0x1, s1  }
0x8c: {  	s17 =	sshll.u32 s0, $0xA;
	s2 =	sadd.s32 s3, s2  }
0x8d: {  	s2 =	sadd.s32 s2, s17  }
0x8e: {  	[smem:$0x3FB8] =	sst s2  }
0x8f: {  	_ = 	snop  }
0x90: {  	s2 =	sld [smem:$0x3FD0];
	(tm) =	ssettm $0x1  }
0x91: {  	s18 =	sld [smem:$0x3FFB];
	_ =	sdelay $0x3  }
0x92: {  	_ =	strace s18  }
0x93: {  	s3 =	sld [smem:$0x3FFC];
	_ =	sdelay $0x3  }
0x94: {  	_ =	strace s3  }
0x95: {  	s3 =	sld [smem:$0x3FFD];
	_ =	sdelay $0x3  }
0x96: {  	_ =	strace s3  }
0x97: {  	_ =	strace $0x8FFFFFFF  }
0x98: {  	s19 =	sld [smem:$0x3FDB];
	_ =	sdelay $0x1  }
0x99: {  	s4 =	simm.s32 $_scs_section_size  }
0x9a: {  	s5 =	simm.s32 $_size__tile_overlayer_lowered;
	s6 =	simm.s32 $_tile_overlayer_lowered  }
0x9b: {  	s22 =	simm.s32 $0x1BFF;
	s21 =	sshll.u32 s6, $0x1;
	s3 =	sadd.s32 s4, s19  }
0x9c: {  	s7 =	simm.s32 $0x0;
	s20 =	sshll.u32 s5, $0x1;
	s5 =	sadd.s32 s21, s3  }
0x9d: {  	[timem:s7], [sflag:s22] =	dma.local [hbm:s5], s20  }
0x9e: {  	_ =	swait.ge [sflag:s22], s20  }
0x9f: {  	s4 =	ssub.s32 $0x0, s20;
	[sflag:s22] =	ssyncset.done $0x0  }
0xa0: {  	[sflag:s22] =	ssyncadd.s32 s4;
	_ =	sdelay $0x1  }
0xa1: {  	s23 =	simm.s32 $0x1B8B  }
0xa2: {  	_ =	swait.ge [sflag:s23], $0x1  }
0xa3: {  	[sflag:s23] =	ssyncset.done $0x0  }
0xa4: {  	s25 =	simm.s32 $0x1B8E;
	s24 =	sld [smem:$0x3FFE];
	[sflag:s23] =	ssyncadd.s32 $0xFFFFFFFF  }
0xa5: {  	s26 =	simm.s32 $execute0_lowered;
	[smem:$0x3FD2] =	sst s25  }
0xa6: {  	s5 =	sshll.u32 s26, $0x1;
	_ =	strace $0x80000046;
	[dreg:$0x1] =	wrdreg $0xFFFFFFFF  }
0xa7: {  	s28 =	simm.s32 $_size_execute0_lowered;
	s3 =	sadd.s32 s3, s5;
	[dreg:$0x0] =	wrdreg $0x0  }
0xa8: {  	s5 =	sshll.u32 s28, $0x1;
	[dreg:$0x2] =	wrdreg s3  }
0xa9: {  	[dreg:$0x3] =	wrdreg s5  }
0xaa: {  	[dreg:$0x4] =	wrdreg $0xC0  }
0xab: {  	_ =	task [dreg:s7], $0x5FFFF  }
0xac: {  	[dreg:$0x1] =	wrdreg $0xFFFFFFFF  }
0xad: {  	[dreg:$0x0] =	wrdreg $0x60  }
0xae: {  	[dreg:$0x2] =	wrdreg s2  }
0xaf: {  	[dreg:$0x3] =	wrdreg s24  }
0xb0: {  	[dreg:$0x4] =	wrdreg $0x40800  }
0xb1: {  	[dreg:$0x5] =	wrdreg $0x9  }
0xb2: {  	_ =	task.clear_ibuf [dreg:s7], $0x6FFFF;
	_ =	strace $0x90000046  }
0xb3: {  	s29 =	simm.s32 $0x9;
	_ =	strace $0x80000048  }
0xb4: {  	_ =	swait.ge [sflag:s29], $0x1  }
0xb5: {  	[sflag:s29] =	ssyncadd.s32 $0xFFFFFFFF  }
0xb6: {  	_ =	strace $0x90000048  }
0xb7: {  	_ =	sfence  }
0xb8: {  	s30 =	sld [smem:$0x0];
	_ =	sdelay $0x2  }
0xb9: {  	s31 =	sshll.u32 s1, $0xD;
	s1 =	sshrl.u32 s1, $0x2  }
0xba: {  	s3 =	sand.u32 $0x4000, s31;
	s1 =	sadd.s32 s1, s30  }
0xbb: {  	s0 =	sor.u32 s3, s0;
	s1 =	sshll.u32 s1, $0x11  }
0xbc: {  	s0 =	sor.u32 s1, s0  }
0xbd: {  	s0 =	sadd.s32 $0x8F2B, s0  }
0xbe: {  	[sflag:s0] =	ssyncadd.remote.s32 $0x1  }
0xbf: {  	_ =	sfence.sel $0xFFFF  }
0xc0: {  	[dreg:$0x0] =	wrdreg $0xFFFFFFFF;
	(pc) =	sbr.abs _section_cstart, $3  }
0xc1: {  	[dreg:$0x1] =	wrdreg $0xFFFFFFFF  }
0xc2: {  	_ =	task.clear_ibuf [dreg:s7], $0x2FFFF;
	_ =	strace $0x9FFFFFFF  }
0xc3: {  	(tm) =	ssettm $0x7FFFFFFF  }
tec
execute0_lowered:
.L_overlay_start_1:
0x0: {  	(tag) =	ssettag $0x1  }
0x1: {  	s4 =	rddreg [dreg:$0x0];
	s0 =	stileid.u32  }
0x2: {  	s1 =	srdreg.scid;
	s5 =	rddreg [dreg:$0x1]  }
0x3: {  	s2 =	rddreg [dreg:$0x2];
	s3 =	simm.s32 $0x0;
	s12 =	simm.s32 $0x4000  }
0x4: {  	s13 =	simm.s32 $0x80;
	s14 =	simm.s32 $0x100;
	s15 =	simm.s32 $0x180  }
0x5: {  	s16 =	simm.s32 $0x200;
	s17 =	simm.s32 $0x1;
	s18 =	simm.s32 $0x0  }
0x6: {  	s6 =	smul.u32 $0x280, s0;
	s7 =	sand.u32 $0x1, s1;
	s1 =	rddreg [dreg:$0x3]  }
0x7: {  	[smem:$0x7FF] =	sst s3;
	s10 =	sshll.u32 s0, $0xB;
	s31 =	sshll.u32 s0, $0x6  }
0x8: {  	s8 =	smul.u32 $0x2800, s7;
	_ =	strace $0x80000047;
	s28 =	ssub.s32 $0x2, s7  }
0x9: {  	s7 =	sshll.u32 s7, $0xF;
	s4 =	sadd.s32 s4, s10;
	s9 =	sshrl.u32 s6, $0x3  }
0xa: {  	s11 =	sshrl.u32 s28, $0x1;
	s4 =	sadd.s32 s7, s4;
	s30 =	sadd.s32 s6, s2  }
0xb: {  	s8 =	sadd.s32 s6, s8;
	s9 =	sadd.s32 s9, s5;
	s29 =	ssub.s32 s28, s11  }
0xc: {  	s10 =	sshrl.u32 s30, $0x3;
	s11 =	simm.s32 $0x50;
	s8 =	sshrl.u32 s8, $0x3  }
0xd: {  	s7 =	smax.u32 s29, $0x1;
	s8 =	sadd.s32 s8, s5;
	s5 =	sadd.s32 $0x4800, s9  }
0xe: {  	v0 =	vimm.f32 $1.000000000e+00;
	s9 =	sor.u32 $0x1C02, s31;
	s6 =	sadd.s32 $0x4E00, s8;
	s8 =	simm.s32 $0x2  }
.LBB2_1:
0xf: {  	[tilespmem:s3], [sflag:$0x2] =	stream.linear.gather [hbm4b:s4+s3], $0x3E80, $0x38;
	[tilespmem:$0x4300] =	vst v63  }
0x10: {  	_ =	swait.ge [sflag:s8], $0x3E80  }
0x11: {  	[sflag:s8] =	ssyncset.done $0x0  }
0x12: {  	[sflag:s8] =	ssyncadd.s32 $0xFFFFC180  }
0x13: {  	[spmem:s10], [sflag:s9] =	dma.local [hbm:s5], $0x50  }
0x14: {  	_ =	swait.ge [sflag:s8], $0x50  }
0x15: {  	[sflag:s8] =	ssyncset.done $0x0  }
0x16: {  	[sflag:s8] =	ssyncadd.s32 $0xFFFFFFB0  }
0x17: {  	[tilespmem:$0x4000] =	vst v0  }
0x18: {  	[tilespmem:$0x4010] =	vst v0  }
0x19: {  	[tilespmem:$0x4020] =	vst v0  }
0x1a: {  	[tilespmem:$0x4030] =	vst v0  }
0x1b: {  	[tilespmem:$0x4040] =	vst v0  }
0x1c: {  	[bflag:$0x0] =	sbarrier.arrive $0xFFFF  }
0x1d: {  	[spmem:s2] =	stream.indirect.scatter.add.f32 [tilespmem:s12], [sflag:$0x1], $0x1, s3, s11, $0xb8;
	[tilespmem:$0x4300] =	vst v63  }
0x1e: {  	_ = 	snop  }
0x1f: {  	[spmem:s2] =	stream.indirect.scatter.add.f32 [tilespmem:s12], [sflag:$0x1], $0x1, s13, s11, $0xb8;
	[tilespmem:$0x4300] =	vst v63  }
0x20: {  	_ = 	snop  }
0x21: {  	[spmem:s2] =	stream.indirect.scatter.add.f32 [tilespmem:s12], [sflag:$0x1], $0x1, s14, s11, $0xb8;
	[tilespmem:$0x4300] =	vst v63  }
0x22: {  	_ = 	snop  }
0x23: {  	[spmem:s2] =	stream.indirect.scatter.add.f32 [tilespmem:s12], [sflag:$0x1], $0x1, s15, s11, $0xb8;
	[tilespmem:$0x4300] =	vst v63  }
0x24: {  	_ = 	snop  }
0x25: {  	[spmem:s2] =	stream.indirect.scatter.add.f32 [tilespmem:s12], [sflag:$0x1], $0x1, s16, s11, $0xb8;
	[tilespmem:$0x4300] =	vst v63  }
0x26: {  	s19 =	simm.s32 $0x280  }
0x27: {  	[spmem:s2] =	stream.indirect.scatter.add.f32 [tilespmem:s12], [sflag:$0x1], $0x1, s19, s11, $0xb8;
	[tilespmem:$0x4300] =	vst v63  }
0x28: {  	_ =	swait.ge [sflag:s17], $0x50  }
0x29: {  	s19 =	simm.s32 $0xC00;
	[sflag:s17] =	ssyncset.done $0x0  }
.LBB2_2:
0x2a: {  	s20 =	sshra.s32 s19, $0x2;
	[sflag:s17] =	ssyncadd.s32 $0xFFFFFFB0;
	p0 =	sne.s32 s19, $0xF800  }
0x2b: {  	[spmem:s2] =	stream.indirect.scatter.add.f32 [tilespmem:s12], [sflag:$0x1], $0x1, s20, s11, $0xb8;
	[tilespmem:$0x4300] =	vst v63  }
.Ltmp0:
0x2c: {  	_ = 	snop;
	(pc) =	sbr.rel @p0 .LBB2_2-.Ltmp0, $4  }
0x2d: {  	_ = 	snop  }
0x2e: {  	s19 =	sadd.s32 $0x200, s19  }
0x2f: {  	_ =	swait.ge [sflag:s17], $0x50  }
0x30: {  	[sflag:s17] =	ssyncset.done $0x0  }
0x31: {  	[sflag:s17] =	ssyncadd.s32 $0xFFFFFFB0  }
0x32: {  	_ =	swait.ge [sflag:s17], $0x50  }
0x33: {  	[sflag:s17] =	ssyncset.done $0x0  }
0x34: {  	[sflag:s17] =	ssyncadd.s32 $0xFFFFFFB0  }
0x35: {  	_ =	swait.ge [sflag:s17], $0x50  }
0x36: {  	[sflag:s17] =	ssyncset.done $0x0  }
0x37: {  	[sflag:s17] =	ssyncadd.s32 $0xFFFFFFB0  }
0x38: {  	_ =	swait.ge [sflag:s17], $0x50  }
0x39: {  	[sflag:s17] =	ssyncset.done $0x0  }
0x3a: {  	[sflag:s17] =	ssyncadd.s32 $0xFFFFFFB0  }
0x3b: {  	_ =	swait.ge [sflag:s17], $0x50  }
0x3c: {  	[sflag:s17] =	ssyncset.done $0x0  }
0x3d: {  	[sflag:s17] =	ssyncadd.s32 $0xFFFFFFB0  }
0x3e: {  	_ =	swait.ge [sflag:s17], $0x50  }
0x3f: {  	s18 =	sadd.s32 $0x1, s18;
	[sflag:s17] =	ssyncset.done $0x0  }
0x40: {  	p0 =	sne.s32 s18, s7;
	[sflag:s17] =	ssyncadd.s32 $0xFFFFFFB0  }
.Ltmp1:
0x41: {  	[bflag:$0x0] =	sbarrier.arrive $0xFFFF;
	(pc) =	sbr.rel @p0 .LBB2_1-.Ltmp1, $4  }
0x42: {  	[hbm:s6], [sflag:s9] =	dma.local [spmem:s10], $0x50  }
0x43: {  	_ =	swait.ge [sflag:s8], $0x50  }
0x44: {  	[sflag:s8] =	ssyncset.done $0x0  }
0x45: {  	[sflag:s8] =	ssyncadd.s32 $0xFFFFFFB0  }
0x46: {  	_ =	sfence.sel $0x180000  }
0x47: {  	[bflag:$0x0] =	sbarrier.arrive $0xFFFF  }
0x48: {  	p0 =	sne.s32 s0, $0x0;
	_ =	strace $0x90000047  }
0x49: {  	s0 =	sadd.s32 @!p0 $0x100000, s1;
	[bflag:$0x2] =	sbarrier.arrive $0xFFFF  }
0x4a: {  	[sflag:s0] =	ssyncadd.tile.s32 @!p0 $0x1;
	_ =	shalt  }
.Lfunc_end2:
_tile_overlayer_lowered:
.L_overlay_start_2:
0x4b: {  	(tag) =	ssettag $0x2  }
0x4c: {  	s0 =	rddreg [dreg:$0x0];
	s2 =	stileid.u32  }
0x4d: {  	s1 =	rddreg [dreg:$0x1];
	p0 =	sne.s32 s2, $0x0  }
0x4e: {  	s3 =	rddreg [dreg:$0x2];
	[bflag:$0x3] =	sbarrier.arrive $0xFFFF;
	s2 =	simm.s32 @!p0 $0x1C02  }
0x4f: {  	[timem:s3], [sflag:s2] =	dma.local @!p0 [hbm:s0], s1  }
0x50: {  	s0 =	simm.s32 @!p0 $0x2  }
0x51: {  	_ =	swait.ge @!p0 [sflag:s0], s1  }
0x52: {  	s1 =	ssub.s32 @!p0 $0x0, s1;
	[sflag:s0] =	ssyncset.done @!p0 $0x0  }
0x53: {  	[sflag:s0] =	ssyncadd.s32 @!p0 s1  }
0x54: {  	[bflag:$0x3] =	sbarrier.arrive $0xFFFF  }
0x55: {  	_ =	shalt  }

// kernel: kernel.14.cloned.1.call-start
scs
__scs_entry_jumppad:
0x0: {  	(pc) =	sbr.rel $0x88, $3  }
0x1: {  	(tag) =	ssettag $0x0;
	lr =	simm.s32 $0x1  }
0x2: {  	[smem:$0x3F91] =	sst lr;
	_ =	strace $0xD0000000  }
0x3: {  	_ = 	snop  }
0x4: {  	_ = 	snop  }
0x5: {  	_ = 	snop  }
0x6: {  	_ = 	snop  }
0x7: {  	_ = 	snop  }
__scs_overlays_trampoline_lowered:
0x8: {  	[smem:$0x3FA0] =	sst s0  }
0x9: {  	[smem:$0x3FA1] =	sst s1  }
0xa: {  	[smem:$0x3FA2] =	sst s2  }
0xb: {  	[smem:$0x3FA3] =	sst s3  }
0xc: {  	[smem:$0x3FA4] =	sst s4  }
0xd: {  	[smem:$0x3FA5] =	sst s5  }
0xe: {  	[smem:$0x3FA6] =	sst s6  }
0xf: {  	[smem:$0x3FA7] =	sst s7  }
0x10: {  	[smem:$0x3FA8] =	sst s8  }
0x11: {  	[smem:$0x3FA9] =	sst s9;
	s0 =	simm.s32 @!p0 $0x0  }
0x12: {  	s1 =	sld [smem:$0x3F8F];
	s0 =	simm.s32 @p0 $0x1  }
0x13: {  	[smem:$0x3FAA] =	sst s0;
	s0 =	simm.s32 @!p1 $0x0  }
0x14: {  	s2 =	sld [smem:$0x3F8E];
	s0 =	simm.s32 @p1 $0x1  }
0x15: {  	[smem:$0x3FAB] =	sst s0;
	s0 =	simm.s32 @!p2 $0x0  }
0x16: {  	s3 =	sld [smem:$0x3FDB];
	s0 =	simm.s32 @p2 $0x1  }
0x17: {  	s4 =	simm.s32 $0x1BF5;
	[smem:$0x3FAD] =	sst s0  }
0x18: {  	s0 =	sld [smem:$0x3F90];
	_ =	swait.ge [sflag:s4], $0x0  }
0x19: {  	s7 =	sld [smem:$0x3F91]  }
0x1a: {  	s8 =	sadd.s32 $0xFFFFE003, lr  }
0x1b: {  	s9 =	sadd.s32 $0xFFFFFEF7, lr;
	s5 =	simm.s32 $0xFFFFFFFF;
	p2 =	slt.u32 s8, $0xFFFFF086  }
0x1c: {  	p1 =	slt.u32 s9, $0xF7A;
	s5 =	simm.s32 @!p2 $0x0  }
0x1d: {  	s5 =	simm.s32 @p1 $0x1;
	p0 =	seq.s32 s7, s2  }
0x1e: {  	s7 =	smul.u32 @!p0 $0xF7A, s2;
	p2 =	seq.s32 @!p0 s5, $0x0  }
0x1f: {  	s9 =	smul.u32 $0xF7A, s1;
	s8 =	simm.s32 @!p0 $0x1BF5;
	p2 =	por !p2, p0  }
0x20: {  	[sflag:s8] =	ssyncset.s32 @!p0 $0xFFFFF086;
	s6 =	sadd.s32 @!p0 s3, s7;
	s7 =	simm.s32 @!p0 $0x108  }
0x21: {  	s3 =	sadd.s32 s3, s9;
	s6 =	sadd.s32 @!p0 $0x88, s6;
	s7 =	simm.s32 @p2 $0x1082  }
0x22: {  	[simem:s7], [sflag:s8] =	dma.local @!p0 [hbm:s6], $0xF7A  }
0x23: {  	s9 =	sor.u32 $0xD0000000, s2;
	s6 =	simm.s32 $0x108;
	_ =	swait.ge @!p0 [sflag:s8], $0x0  }
0x24: {  	s3 =	sadd.s32 $0x88, s3;
	s6 =	simm.s32 @!p1 $0x1082;
	[sflag:s4] =	ssyncset.s32 $0xFFFFF086  }
0x25: {  	[simem:s6], [sflag:s4] =	dma.local [hbm:s3], $0xF7A  }
0x26: {  	[smem:$0x3F91] =	sst s1;
	(tag) =	ssettag s2;
	_ =	strace s9  }
0x27: {  	s1 =	sld [smem:$0x3FA1]  }
0x28: {  	s2 =	sld [smem:$0x3FA2]  }
0x29: {  	s4 =	sld [smem:$0x3FA4]  }
0x2a: {  	p0 =	seq.s32 s5, $0x0;
	s5 =	sld [smem:$0x3FA5]  }
0x2b: {  	s6 =	sld [smem:$0x3FA6]  }
0x2c: {  	s7 =	sld [smem:$0x3FA7]  }
0x2d: {  	s3 =	simm.s32 $0x108;
	s8 =	sld [smem:$0x3FA8]  }
0x2e: {  	s3 =	simm.s32 @!p0 $0x1082;
	s9 =	sld [smem:$0x3FA9]  }
0x2f: {  	lr =	sadd.s32 s0, s3;
	s0 =	sld [smem:$0x3FA0]  }
0x30: {  	s3 =	sld [smem:$0x3FA3]  }
0x31: {  	[smem:$0x3FAC] =	sst s10  }
0x32: {  	s10 =	sld [smem:$0x3FAA];
	_ =	sdelay $0x3  }
0x33: {  	p0 =	seq.s32 s10, $0x1;
	s10 =	sld [smem:$0x3FAC];
	_ =	sdelay $0x3  }
0x34: {  	[smem:$0x3FAC] =	sst s10  }
0x35: {  	s10 =	sld [smem:$0x3FAB];
	_ =	sdelay $0x3  }
0x36: {  	p1 =	seq.s32 s10, $0x1;
	s10 =	sld [smem:$0x3FAC];
	_ =	sdelay $0x3  }
0x37: {  	[smem:$0x3FAC] =	sst s10  }
0x38: {  	s10 =	sld [smem:$0x3FAD]  }
0x39: {  	_ = 	snop;
	(pc) =	sbr.ind lr, $3  }
0x3a: {  	_ = 	snop  }
0x3b: {  	_ = 	snop  }
0x3c: {  	p2 =	seq.s32 s10, $0x1;
	s10 =	sld [smem:$0x3FAC]  }
0x3d: {  	_ =	shalt  }
0x3e: {  	_ =	shalt  }
0x3f: {  	_ =	shalt  }
0x40: {  	_ =	shalt  }
0x41: {  	_ =	shalt  }
0x42: {  	_ =	shalt  }
0x43: {  	_ =	shalt  }
0x44: {  	_ =	shalt  }
0x45: {  	_ =	shalt  }
0x46: {  	_ =	shalt  }
0x47: {  	_ =	shalt  }
0x48: {  	_ =	shalt  }
0x49: {  	_ =	shalt  }
0x4a: {  	_ =	shalt  }
0x4b: {  	_ =	shalt  }
0x4c: {  	_ =	shalt  }
0x4d: {  	_ =	shalt  }
0x4e: {  	_ =	shalt  }
0x4f: {  	_ =	shalt  }
0x50: {  	_ =	shalt  }
0x51: {  	_ =	shalt  }
0x52: {  	_ =	shalt  }
0x53: {  	_ =	shalt  }
0x54: {  	_ =	shalt  }
0x55: {  	_ =	shalt  }
0x56: {  	_ =	shalt  }
0x57: {  	_ =	shalt  }
0x58: {  	_ =	shalt  }
0x59: {  	_ =	shalt  }
0x5a: {  	_ =	shalt  }
0x5b: {  	_ =	shalt  }
0x5c: {  	_ =	shalt  }
0x5d: {  	_ =	shalt  }
0x5e: {  	_ =	shalt  }
0x5f: {  	_ =	shalt  }
0x60: {  	_ =	shalt  }
0x61: {  	_ =	shalt  }
0x62: {  	_ =	shalt  }
0x63: {  	_ =	shalt  }
0x64: {  	_ =	shalt  }
0x65: {  	_ =	shalt  }
0x66: {  	_ =	shalt  }
0x67: {  	_ =	shalt  }
0x68: {  	_ =	shalt  }
0x69: {  	_ =	shalt  }
0x6a: {  	_ =	shalt  }
0x6b: {  	_ =	shalt  }
0x6c: {  	_ =	shalt  }
0x6d: {  	_ =	shalt  }
0x6e: {  	_ =	shalt  }
0x6f: {  	_ =	shalt  }
0x70: {  	_ =	shalt  }
0x71: {  	_ =	shalt  }
0x72: {  	_ =	shalt  }
0x73: {  	_ =	shalt  }
0x74: {  	_ =	shalt  }
0x75: {  	_ =	shalt  }
0x76: {  	_ =	shalt  }
0x77: {  	_ =	shalt  }
0x78: {  	_ =	shalt  }
0x79: {  	_ =	shalt  }
0x7a: {  	_ =	shalt  }
0x7b: {  	_ =	shalt  }
0x7c: {  	_ =	shalt  }
0x7d: {  	_ =	shalt  }
0x7e: {  	_ =	shalt  }
0x7f: {  	_ =	shalt  }
0x80: {  	_ =	shalt  }
0x81: {  	_ =	shalt  }
0x82: {  	_ =	shalt  }
0x83: {  	_ =	shalt  }
0x84: {  	_ =	shalt  }
0x85: {  	_ =	shalt  }
0x86: {  	_ =	shalt  }
0x87: {  	_ =	shalt  }
.Lfunc_end0:
.L_simem_size_0:
called_computation.1_lowered:
.L_overlay_start_0:
0x88: {  	s2 =	sld [smem:$0x3FD9]  }
0x89: {  	s3 =	sld [smem:$0x3FFE];
	_ =	sdelay $0x1  }
0x8a: {  	s1 =	srdreg.scid  }
0x8b: {  	s0 =	sand.u32 $0x1, s1  }
0x8c: {  	s17 =	sshll.u32 s0, $0xA;
	s2 =	sadd.s32 s3, s2  }
0x8d: {  	s2 =	sadd.s32 s2, s17  }
0x8e: {  	[smem:$0x3FB8] =	sst s2  }
0x8f: {  	_ = 	snop  }
0x90: {  	s2 =	sld [smem:$0x3FD0];
	(tm) =	ssettm $0x1  }
0x91: {  	s18 =	sld [smem:$0x3FFB];
	_ =	sdelay $0x3  }
0x92: {  	_ =	strace s18  }
0x93: {  	s3 =	sld [smem:$0x3FFC];
	_ =	sdelay $0x3  }
0x94: {  	_ =	strace s3  }
0x95: {  	s3 =	sld [smem:$0x3FFD];
	_ =	sdelay $0x3  }
0x96: {  	_ =	strace s3  }
0x97: {  	_ =	strace $0x8FFFFFFF  }
0x98: {  	s19 =	sld [smem:$0x3FDB];
	_ =	sdelay $0x1  }
0x99: {  	s4 =	simm.s32 $_scs_section_size  }
0x9a: {  	s5 =	simm.s32 $_size__tile_overlayer_lowered;
	s6 =	simm.s32 $_tile_overlayer_lowered  }
0x9b: {  	s22 =	simm.s32 $0x1BFF;
	s21 =	sshll.u32 s6, $0x1;
	s3 =	sadd.s32 s4, s19  }
0x9c: {  	s7 =	simm.s32 $0x0;
	s20 =	sshll.u32 s5, $0x1;
	s5 =	sadd.s32 s21, s3  }
0x9d: {  	[timem:s7], [sflag:s22] =	dma.local [hbm:s5], s20  }
0x9e: {  	_ =	swait.ge [sflag:s22], s20  }
0x9f: {  	s4 =	ssub.s32 $0x0, s20;
	[sflag:s22] =	ssyncset.done $0x0  }
0xa0: {  	[sflag:s22] =	ssyncadd.s32 s4;
	_ =	sdelay $0x1  }
0xa1: {  	s23 =	simm.s32 $0x1B8B  }
0xa2: {  	_ =	swait.ge [sflag:s23], $0x1  }
0xa3: {  	[sflag:s23] =	ssyncset.done $0x0  }
0xa4: {  	s25 =	simm.s32 $0x1B8E;
	s24 =	sld [smem:$0x3FFE];
	[sflag:s23] =	ssyncadd.s32 $0xFFFFFFFF  }
0xa5: {  	s26 =	simm.s32 $execute0_lowered;
	[smem:$0x3FD2] =	sst s25  }
0xa6: {  	s5 =	sshll.u32 s26, $0x1;
	_ =	strace $0x80000049;
	[dreg:$0x1] =	wrdreg $0xFFFFFFFF  }
0xa7: {  	s28 =	simm.s32 $_size_execute0_lowered;
	s3 =	sadd.s32 s3, s5;
	[dreg:$0x0] =	wrdreg $0x0  }
0xa8: {  	s5 =	sshll.u32 s28, $0x1;
	[dreg:$0x2] =	wrdreg s3  }
0xa9: {  	[dreg:$0x3] =	wrdreg s5  }
0xaa: {  	[dreg:$0x4] =	wrdreg $0xC0  }
0xab: {  	_ =	task [dreg:s7], $0x5FFFF  }
0xac: {  	[dreg:$0x1] =	wrdreg $0xFFFFFFFF  }
0xad: {  	[dreg:$0x0] =	wrdreg $0x60  }
0xae: {  	[dreg:$0x2] =	wrdreg s24  }
0xaf: {  	[dreg:$0x3] =	wrdreg s2  }
0xb0: {  	[dreg:$0x4] =	wrdreg $0xB0000  }
0xb1: {  	[dreg:$0x5] =	wrdreg $0x9  }
0xb2: {  	_ =	task.clear_ibuf [dreg:s7], $0x6FFFF;
	_ =	strace $0x90000049  }
0xb3: {  	s29 =	simm.s32 $0x9;
	_ =	strace $0x8000004B  }
0xb4: {  	_ =	swait.ge [sflag:s29], $0x1  }
0xb5: {  	[sflag:s29] =	ssyncadd.s32 $0xFFFFFFFF  }
0xb6: {  	_ =	strace $0x9000004B  }
0xb7: {  	_ =	sfence  }
0xb8: {  	s30 =	sld [smem:$0x0];
	_ =	sdelay $0x2  }
0xb9: {  	s31 =	sshll.u32 s1, $0xD;
	s1 =	sshrl.u32 s1, $0x2  }
0xba: {  	s3 =	sand.u32 $0x4000, s31;
	s1 =	sadd.s32 s1, s30  }
0xbb: {  	s0 =	sor.u32 s3, s0;
	s1 =	sshll.u32 s1, $0x11  }
0xbc: {  	s0 =	sor.u32 s1, s0  }
0xbd: {  	s0 =	sadd.s32 $0x8F2B, s0  }
0xbe: {  	[sflag:s0] =	ssyncadd.remote.s32 $0x1  }
0xbf: {  	_ =	sfence.sel $0xFFFF  }
0xc0: {  	[dreg:$0x0] =	wrdreg $0xFFFFFFFF;
	(pc) =	sbr.abs _section_cstart, $3  }
0xc1: {  	[dreg:$0x1] =	wrdreg $0xFFFFFFFF  }
0xc2: {  	_ =	task.clear_ibuf [dreg:s7], $0x2FFFF;
	_ =	strace $0x9FFFFFFF  }
0xc3: {  	(tm) =	ssettm $0x7FFFFFFF  }
tec
execute0_lowered:
.L_overlay_start_1:
0x0: {  	(tag) =	ssettag $0x1  }
0x1: {  	s0 =	rddreg [dreg:$0x0]  }
0x2: {  	s1 =	rddreg [dreg:$0x1];
	s2 =	srdreg.scid  }
0x3: {  	s3 =	rddreg [dreg:$0x2];
	s9 =	stileid.u32;
	s2 =	sand.u32 $0x1, s2  }
0x4: {  	s4 =	simm.s32 $0x0;
	s7 =	sshll.u32 s9, $0xC;
	s6 =	sshll.u32 s2, $0x10  }
0x5: {  	[smem:$0x7FF] =	sst s4;
	s5 =	smul.u32 $0x2800, s9;
	s6 =	sor.u32 s7, s6  }
0x6: {  	s22 =	smul.u32 $0x50000, s9;
	s9 =	simm.s32 $0x1;
	s6 =	sadd.s32 s6, s0  }
0x7: {  	s8 =	smul.u32 $0x28000, s2;
	_ =	strace $0x8000004A;
	s12 =	sadd.s32 $0x25800, s6  }
0x8: {  	s2 =	ssub.s32 $0x2, s2;
	s13 =	sadd.s32 $0x5800, s6;
	[dreg:$0x4] =	wrdreg s12  }
0x9: {  	s11 =	sshrl.u32 s2, $0x1;
	s14 =	sadd.s32 $0x25810, s6;
	[dreg:$0x5] =	wrdreg s13  }
0xa: {  	s7 =	sshrl.u32 s22, $0x2;
	s15 =	sadd.s32 $0x5810, s6;
	[dreg:$0x6] =	wrdreg s14  }
0xb: {  	s10 =	sadd.s32 s5, s8;
	s16 =	sadd.s32 $0x25820, s6;
	[dreg:$0x7] =	wrdreg s15  }
0xc: {  	s5 =	sadd.s32 s5, s0;
	s17 =	sadd.s32 $0x5820, s6;
	[dreg:$0x8] =	wrdreg s16  }
0xd: {  	s2 =	ssub.s32 s2, s11;
	s18 =	sadd.s32 $0x25830, s6;
	[dreg:$0x9] =	wrdreg s17  }
0xe: {  	s8 =	simm.s32 $0x4;
	s19 =	sadd.s32 $0x5830, s6;
	[dreg:$0xa] =	wrdreg s18  }
0xf: {  	s11 =	simm.s32 $0x0;
	s20 =	sadd.s32 $0x25840, s6;
	[dreg:$0xb] =	wrdreg s19  }
0x10: {  	s0 =	sadd.s32 s10, s0;
	s21 =	sadd.s32 $0x5840, s6;
	[dreg:$0xc] =	wrdreg s20  }
0x11: {  	s23 =	sadd.s32 $0x25850, s6;
	s24 =	sadd.s32 $0x5850, s6;
	[dreg:$0xd] =	wrdreg s21  }
0x12: {  	s25 =	sadd.s32 $0x25860, s6;
	s26 =	sadd.s32 $0x5860, s6;
	[dreg:$0xe] =	wrdreg s23  }
0x13: {  	s30 =	sadd.s32 $0x25870, s6;
	s31 =	sadd.s32 $0x5870, s6;
	[dreg:$0xf] =	wrdreg s24  }
0x14: {  	s22 =	sadd.s32 $0x6CA00, s5;
	s28 =	sadd.s32 $0x25890, s6;
	[dreg:$0x10] =	wrdreg s25  }
0x15: {  	s29 =	sadd.s32 $0x5890, s6;
	s5 =	simm.s32 $0x180;
	[dreg:$0x11] =	wrdreg s26  }
.Ltmp0:
0x16: {  	s10 =	simm.s32 $0x2;
	[dreg:$0x12] =	wrdreg s30;
	(pc) =	sbr.rel .LBB2_1-.Ltmp0, $4  }
0x17: {  	[dreg:$0x13] =	wrdreg s31;
	s21 =	sadd.s32 s7, s3;
	s23 =	sadd.s32 $0x94A00, s0  }
0x18: {  	s24 =	smax.u32 s2, $0x1;
	s25 =	sadd.s32 $0x25880, s6;
	s26 =	sadd.s32 $0x5880, s6  }
0x19: {  	s17 =	sadd.s32 $0x258A0, s6;
	s16 =	sadd.s32 $0x58A0, s6;
	s0 =	simm.s32 $0x80  }
0x1a: {  	s2 =	simm.s32 $0x100;
	s6 =	simm.s32 $0x3;
	s7 =	simm.s32 $0x28  }
.LBB2_7:
0x1b: {  	_ =	swait.ge [sflag:s10], $0x1400  }
0x1c: {  	[sflag:s10] =	ssyncset.done $0x0  }
0x1d: {  	[sflag:s10] =	ssyncadd.s32 $0xFFFFEC00  }
0x1e: {  	_ =	swait.ge [sflag:s10], $0x1400  }
0x1f: {  	[sflag:s10] =	ssyncset.done $0x0  }
0x20: {  	[sflag:s10] =	ssyncadd.s32 $0xFFFFEC00  }
0x21: {  	_ =	swait.ge [sflag:s10], $0x1400  }
0x22: {  	[sflag:s10] =	ssyncset.done $0x0  }
0x23: {  	[sflag:s10] =	ssyncadd.s32 $0xFFFFEC00  }
0x24: {  	_ =	swait.ge [sflag:s10], $0x1400  }
0x25: {  	s11 =	sadd.s32 $0x1, s11;
	[sflag:s10] =	ssyncset.done $0x0  }
0x26: {  	p0 =	sne.s32 s11, s24;
	[sflag:s10] =	ssyncadd.s32 $0xFFFFEC00  }
.Ltmp1:
0x27: {  	[bflag:$0x0] =	sbarrier.arrive $0xFFFF;
	(pc) =	sbr.rel @!p0 .LBB2_8-.Ltmp1, $4  }
0x28: {  	[hbm:s23], [sflag:s13] =	dma.local [spmem:s14], $0x2800  }
0x29: {  	_ =	swait.ge [sflag:s8], $0x2800  }
0x2a: {  	[sflag:s8] =	ssyncset.done $0x0  }
0x2b: {  	[sflag:s8] =	ssyncadd.s32 $0xFFFFD800  }
.LBB2_1:
0x2c: {  	s12 =	rddreg [dreg:$0x4]  }
0x2d: {  	[tilespmem:s4], [sflag:$0x3] =	stream.linear.gather [hbm4b:s12+s4], $0x80, $0x38;
	[tilespmem:$0x1F000] =	vst v63  }
0x2e: {  	s13 =	rddreg [dreg:$0x5];
	s12 =	simm.s32 $0x800  }
0x2f: {  	[tilespmem:s12], [sflag:$0x3] =	stream.linear.gather [hbm4b:s13+s4], $0x80, $0x38;
	[tilespmem:$0x1F000] =	vst v63  }
0x30: {  	s18 =	rddreg [dreg:$0x6]  }
0x31: {  	[tilespmem:s0], [sflag:$0x3] =	stream.linear.gather [hbm4b:s18+s4], $0x80, $0x38;
	[tilespmem:$0x1F000] =	vst v63  }
0x32: {  	s19 =	rddreg [dreg:$0x7];
	s14 =	simm.s32 $0x880  }
0x33: {  	[tilespmem:s14], [sflag:$0x3] =	stream.linear.gather [hbm4b:s19+s4], $0x80, $0x38;
	[tilespmem:$0x1F000] =	vst v63  }
0x34: {  	s20 =	rddreg [dreg:$0x8]  }
0x35: {  	[tilespmem:s2], [sflag:$0x3] =	stream.linear.gather [hbm4b:s20+s4], $0x80, $0x38;
	[tilespmem:$0x1F000] =	vst v63  }
0x36: {  	s15 =	simm.s32 $0x900;
	s14 =	rddreg [dreg:$0x9]  }
0x37: {  	[tilespmem:s15], [sflag:$0x3] =	stream.linear.gather [hbm4b:s14+s4], $0x80, $0x38;
	[tilespmem:$0x1F000] =	vst v63  }
0x38: {  	s18 =	rddreg [dreg:$0xa]  }
0x39: {  	[tilespmem:s5], [sflag:$0x3] =	stream.linear.gather [hbm4b:s18+s4], $0x80, $0x38;
	[tilespmem:$0x1F000] =	vst v63  }
0x3a: {  	s19 =	rddreg [dreg:$0xb];
	s20 =	simm.s32 $0x980  }
0x3b: {  	[tilespmem:s20], [sflag:$0x3] =	stream.linear.gather [hbm4b:s19+s4], $0x80, $0x38;
	[tilespmem:$0x1F000] =	vst v63  }
0x3c: {  	s15 =	rddreg [dreg:$0xc];
	s18 =	simm.s32 $0x200  }
0x3d: {  	[tilespmem:s18], [sflag:$0x3] =	stream.linear.gather [hbm4b:s15+s4], $0x80, $0x38;
	[tilespmem:$0x1F000] =	vst v63  }
0x3e: {  	s19 =	rddreg [dreg:$0xd];
	s20 =	simm.s32 $0xA00  }
0x3f: {  	[tilespmem:s20], [sflag:$0x3] =	stream.linear.gather [hbm4b:s19+s4], $0x80, $0x38;
	[tilespmem:$0x1F000] =	vst v63  }
0x40: {  	s15 =	rddreg [dreg:$0xe];
	s18 =	simm.s32 $0x280  }
0x41: {  	[tilespmem:s18], [sflag:$0x3] =	stream.linear.gather [hbm4b:s15+s4], $0x80, $0x38;
	[tilespmem:$0x1F000] =	vst v63  }
0x42: {  	s19 =	rddreg [dreg:$0xf];
	s20 =	simm.s32 $0xA80  }
0x43: {  	[tilespmem:s20], [sflag:$0x3] =	stream.linear.gather [hbm4b:s19+s4], $0x80, $0x38;
	[tilespmem:$0x1F000] =	vst v63  }
0x44: {  	s15 =	rddreg [dreg:$0x10];
	s18 =	simm.s32 $0x300  }
0x45: {  	[tilespmem:s18], [sflag:$0x3] =	stream.linear.gather [hbm4b:s15+s4], $0x80, $0x38;
	[tilespmem:$0x1F000] =	vst v63  }
0x46: {  	s19 =	rddreg [dreg:$0x11];
	s20 =	simm.s32 $0xB00  }
0x47: {  	[tilespmem:s20], [sflag:$0x3] =	stream.linear.gather [hbm4b:s19+s4], $0x80, $0x38;
	[tilespmem:$0x1F000] =	vst v63  }
0x48: {  	s15 =	rddreg [dreg:$0x12];
	s18 =	simm.s32 $0x380  }
0x49: {  	[tilespmem:s18], [sflag:$0x3] =	stream.linear.gather [hbm4b:s15+s4], $0x80, $0x38;
	[tilespmem:$0x1F000] =	vst v63  }
0x4a: {  	s19 =	rddreg [dreg:$0x13];
	s20 =	simm.s32 $0xB80  }
0x4b: {  	[tilespmem:s20], [sflag:$0x3] =	stream.linear.gather [hbm4b:s19+s4], $0x80, $0x38;
	[tilespmem:$0x1F000] =	vst v63  }
0x4c: {  	s15 =	simm.s32 $0x400  }
0x4d: {  	[tilespmem:s15], [sflag:$0x3] =	stream.linear.gather [hbm4b:s25+s4], $0x80, $0x38;
	[tilespmem:$0x1F000] =	vst v63  }
0x4e: {  	s18 =	simm.s32 $0xC00  }
0x4f: {  	[tilespmem:s18], [sflag:$0x3] =	stream.linear.gather [hbm4b:s26+s4], $0x80, $0x38;
	[tilespmem:$0x1F000] =	vst v63  }
0x50: {  	s19 =	simm.s32 $0x480  }
0x51: {  	[tilespmem:s19], [sflag:$0x3] =	stream.linear.gather [hbm4b:s28+s4], $0x80, $0x38;
	[tilespmem:$0x1F000] =	vst v63  }
0x52: {  	s20 =	simm.s32 $0xC80  }
0x53: {  	[tilespmem:s20], [sflag:$0x3] =	stream.linear.gather [hbm4b:s29+s4], $0x80, $0x38;
	[tilespmem:$0x1F000] =	vst v63  }
0x54: {  	_ =	swait.ge [sflag:s6], $0x80  }
0x55: {  	[sflag:s6] =	ssyncset.done $0x0  }
0x56: {  	[sflag:s6] =	ssyncadd.s32 $0xFFFFFF80  }
0x57: {  	_ =	swait.ge [sflag:s6], $0x80  }
0x58: {  	[sflag:s6] =	ssyncset.done $0x0  }
0x59: {  	s14 =	simm.s32 $0x1000;
	[sflag:s6] =	ssyncadd.s32 $0xFFFFFF80  }
0x5a: {  	[tilespmem:s14], [sflag:$0x1] =	stream.indirect.gather [hbm4b:s1+s7], $0x80, s4, s7, $0xb8;
	[tilespmem:$0x1F000] =	vst v63  }
0x5b: {  	_ =	swait.ge [sflag:s6], $0x80  }
0x5c: {  	[sflag:s6] =	ssyncset.done $0x0  }
0x5d: {  	[sflag:s6] =	ssyncadd.s32 $0xFFFFFF80  }
0x5e: {  	_ =	swait.ge [sflag:s6], $0x80  }
0x5f: {  	[sflag:s6] =	ssyncset.done $0x0  }
0x60: {  	s15 =	simm.s32 $0x2400;
	[sflag:s6] =	ssyncadd.s32 $0xFFFFFF80  }
0x61: {  	[tilespmem:s15], [sflag:$0x1] =	stream.indirect.gather [hbm4b:s1+s7], $0x80, s0, s7, $0xb8;
	[tilespmem:$0x1F000] =	vst v63  }
0x62: {  	_ =	swait.ge [sflag:s6], $0x80  }
0x63: {  	[sflag:s6] =	ssyncset.done $0x0  }
0x64: {  	[sflag:s6] =	ssyncadd.s32 $0xFFFFFF80  }
0x65: {  	_ =	swait.ge [sflag:s6], $0x80  }
0x66: {  	[sflag:s6] =	ssyncset.done $0x0  }
0x67: {  	s18 =	simm.s32 $0x3800;
	[sflag:s6] =	ssyncadd.s32 $0xFFFFFF80  }
0x68: {  	[tilespmem:s18], [sflag:$0x1] =	stream.indirect.gather [hbm4b:s1+s7], $0x80, s2, s7, $0xb8;
	[tilespmem:$0x1F000] =	vst v63  }
0x69: {  	_ =	swait.ge [sflag:s6], $0x80  }
0x6a: {  	[sflag:s6] =	ssyncset.done $0x0  }
0x6b: {  	[sflag:s6] =	ssyncadd.s32 $0xFFFFFF80  }
0x6c: {  	s20 =	stileid.u32;
	_ =	swait.ge [sflag:s6], $0x80  }
0x6d: {  	s19 =	simm.s32 $0x4C00;
	s13 =	sshll.u32 s20, $0x6;
	[sflag:s6] =	ssyncset.done $0x0  }
0x6e: {  	s13 =	sor.u32 $0x1C04, s13;
	s14 =	sshrl.u32 s21, $0x3;
	[sflag:s6] =	ssyncadd.s32 $0xFFFFFF80  }
0x6f: {  	[tilespmem:s19], [sflag:$0x1] =	stream.indirect.gather [hbm4b:s1+s7], $0x80, s5, s7, $0xb8;
	[tilespmem:$0x1F000] =	vst v63  }
0x70: {  	[spmem:s14], [sflag:s13] =	dma.local [hbm:s22], $0x2800  }
.Ltmp2:
0x71: {  	_ =	swait.ge [sflag:s8], $0x2800;
	(pc) =	sbr.rel .LBB2_2-.Ltmp2, $4  }
0x72: {  	[sflag:s8] =	ssyncset.done $0x0  }
0x73: {  	[sflag:s8] =	ssyncadd.s32 $0xFFFFD800  }
0x74: {  	s31 =	smov.u32 s16;
	[bflag:$0x0] =	sbarrier.arrive $0xFFFF  }
0x75: {  	s30 =	smov.u32 s17;
	s15 =	simm.s32 $0x500;
	s18 =	simm.s32 $0x0  }
.LBB2_3:
0x76: {  	s19 =	sand.u32 $0x780, s15  }
0x77: {  	[tilespmem:s19], [sflag:$0x3] =	stream.linear.gather [hbm4b:s30+s4], $0x80, $0x38;
	[tilespmem:$0x1F000] =	vst v63  }
0x78: {  	s19 =	sor.u32 $0x800, s19  }
0x79: {  	[tilespmem:s19], [sflag:$0x3] =	stream.linear.gather [hbm4b:s31+s4], $0x80, $0x38;
	[tilespmem:$0x1F000] =	vst v63  }
.LBB2_5:
0x7a: {  	s19 =	sadd.s32 $0x4, s18;
	_ =	swait.ge [sflag:s6], $0x80  }
0x7b: {  	[sflag:s6] =	ssyncset.done $0x0;
	s19 =	sand.u32 $0x7, s19  }
0x7c: {  	[sflag:s6] =	ssyncadd.s32 $0xFFFFFF80;
	s19 =	smul.u32 $0x5000, s19  }
0x7d: {  	_ =	swait.ge [sflag:s6], $0x80  }
0x7e: {  	s20 =	sand.u32 $0x1E00, s12;
	[sflag:s6] =	ssyncset.done $0x0;
	s19 =	sshrl.u32 s19, $0x2  }
0x7f: {  	s20 =	sshrl.u32 s20, $0x2;
	[sflag:s6] =	ssyncadd.s32 $0xFFFFFF80;
	s19 =	sadd.s32 $0x1000, s19  }
0x80: {  	[tilespmem:s19], [sflag:$0x1] =	stream.indirect.gather [hbm4b:s1+s7], $0x80, s20, s7, $0xb8;
	[tilespmem:$0x1F000] =	vst v63  }
.LBB2_6:
0x81: {  	s18 =	sadd.s32 $0x1, s18  }
0x82: {  	p0 =	sne.s32 s18, $0xFA  }
.Ltmp3:
0x83: {  	_ = 	snop;
	(pc) =	sbr.rel @!p0 .LBB2_7-.Ltmp3, $3  }
0x84: {  	_ =	sdelay $0x1  }
0x85: {  	s15 =	sadd.s32 $0x80, s15  }
0x86: {  	s30 =	sadd.s32 $0x10, s30;
	s31 =	sadd.s32 $0x10, s31;
	s12 =	sadd.s32 $0x200, s12  }
.LBB2_2:
0x87: {  	s19 =	sand.u32 $0x7, s18;
	s20 =	sadd.s32 $0xFFFFF800, s12  }
0x88: {  	_ =	swait.ge [sflag:s9], $0x1400;
	p0 =	slt.u32 s18, $0x4;
	s19 =	smul.u32 $0x5000, s19  }
0x89: {  	s20 =	sand.u32 $0x1E00, s20;
	[sflag:s9] =	ssyncset.done $0x0;
	p1 =	sgt.u32 @!p0 s18, $0xEF  }
0x8a: {  	s20 =	sshrl.u32 s20, $0x2;
	[sflag:s9] =	ssyncadd.s32 $0xFFFFEC00;
	s19 =	sshrl.u32 s19, $0x2  }
0x8b: {  	p1 =	por p0, !p1;
	s20 =	sor.u32 $0x800, s20;
	s19 =	sadd.s32 $0x1000, s19  }
0x8c: {  	[spmem:s3] =	stream.indirect.scatter.add.f32 [tilespmem:s19], [sflag:$0x2], $0x80, s20, s7, $0xb8;
	[tilespmem:$0x1F000] =	vst v63  }
.Ltmp4:
0x8d: {  	_ = 	snop;
	(pc) =	sbr.rel @p1 .LBB2_3-.Ltmp4, $4  }
0x8e: {  	s19 =	simm.s32 @!p0 $0x2  }
0x8f: {  	_ =	swait.ge @!p0 [sflag:s19], $0x1400  }
0x90: {  	[sflag:s19] =	ssyncset.done @!p0 $0x0  }
0x91: {  	[sflag:s19] =	ssyncadd.s32 @!p0 $0xFFFFEC00  }
0x92: {  	p0 =	sgt.u32 s18, $0xF5  }
.Ltmp5:
0x93: {  	_ = 	snop;
	(pc) =	sbr.rel @p0 .LBB2_6-.Ltmp5, $4  }
.Ltmp6:
0x94: {  	_ = 	snop;
	(pc) =	sbr.rel @!p0 .LBB2_5-.Ltmp6, $4  }
0x95: {  	_ = 	snop  }
0x96: {  	_ = 	snop  }
0x97: {  	_ = 	snop  }
0x98: {  	_ = 	snop  }
.LBB2_8:
0x99: {  	_ =	sfence.sel $0x180000  }
0x9a: {  	[bflag:$0x0] =	sbarrier.arrive $0xFFFF  }
0x9b: {  	_ =	strace $0x9000004A  }
0x9c: {  	s0 =	stileid.u32;
	[bflag:$0x2] =	sbarrier.arrive $0xFFFF  }
0x9d: {  	p0 =	sne.s32 s0, $0x0;
	s0 =	rddreg [dreg:$0x3]  }
0x9e: {  	s0 =	sadd.s32 @!p0 $0x100000, s0  }
0x9f: {  	[sflag:s0] =	ssyncadd.tile.s32 @!p0 $0x1;
	_ =	shalt  }
.Lfunc_end2:
_tile_overlayer_lowered:
.L_overlay_start_2:
0xa0: {  	(tag) =	ssettag $0x2  }
0xa1: {  	s0 =	rddreg [dreg:$0x0];
	s2 =	stileid.u32  }
0xa2: {  	s1 =	rddreg [dreg:$0x1];
	p0 =	sne.s32 s2, $0x0  }
0xa3: {  	s3 =	rddreg [dreg:$0x2];
	[bflag:$0x3] =	sbarrier.arrive $0xFFFF;
	s2 =	simm.s32 @!p0 $0x1C04  }
0xa4: {  	[timem:s3], [sflag:s2] =	dma.local @!p0 [hbm:s0], s1  }
0xa5: {  	s0 =	simm.s32 @!p0 $0x4  }
0xa6: {  	_ =	swait.ge @!p0 [sflag:s0], s1  }
0xa7: {  	s1 =	ssub.s32 @!p0 $0x0, s1;
	[sflag:s0] =	ssyncset.done @!p0 $0x0  }
0xa8: {  	[sflag:s0] =	ssyncadd.s32 @!p0 s1  }
0xa9: {  	[bflag:$0x3] =	sbarrier.arrive $0xFFFF  }
0xaa: {  	_ =	shalt  }

// kernel: kernel.17.cloned.1.call-start
scs
__scs_entry_jumppad:
0x0: {  	(pc) =	sbr.rel $0x88, $3  }
0x1: {  	(tag) =	ssettag $0x0;
	lr =	simm.s32 $0x1  }
0x2: {  	[smem:$0x3F91] =	sst lr;
	_ =	strace $0xD0000000  }
0x3: {  	_ = 	snop  }
0x4: {  	_ = 	snop  }
0x5: {  	_ = 	snop  }
0x6: {  	_ = 	snop  }
0x7: {  	_ = 	snop  }
__scs_overlays_trampoline_lowered:
0x8: {  	[smem:$0x3FA0] =	sst s0  }
0x9: {  	[smem:$0x3FA1] =	sst s1  }
0xa: {  	[smem:$0x3FA2] =	sst s2  }
0xb: {  	[smem:$0x3FA3] =	sst s3  }
0xc: {  	[smem:$0x3FA4] =	sst s4  }
0xd: {  	[smem:$0x3FA5] =	sst s5  }
0xe: {  	[smem:$0x3FA6] =	sst s6  }
0xf: {  	[smem:$0x3FA7] =	sst s7  }
0x10: {  	[smem:$0x3FA8] =	sst s8  }
0x11: {  	[smem:$0x3FA9] =	sst s9;
	s0 =	simm.s32 @!p0 $0x0  }
0x12: {  	s1 =	sld [smem:$0x3F8F];
	s0 =	simm.s32 @p0 $0x1  }
0x13: {  	[smem:$0x3FAA] =	sst s0;
	s0 =	simm.s32 @!p1 $0x0  }
0x14: {  	s2 =	sld [smem:$0x3F8E];
	s0 =	simm.s32 @p1 $0x1  }
0x15: {  	[smem:$0x3FAB] =	sst s0;
	s0 =	simm.s32 @!p2 $0x0  }
0x16: {  	s3 =	sld [smem:$0x3FDB];
	s0 =	simm.s32 @p2 $0x1  }
0x17: {  	s4 =	simm.s32 $0x1BF5;
	[smem:$0x3FAD] =	sst s0  }
0x18: {  	s0 =	sld [smem:$0x3F90];
	_ =	swait.ge [sflag:s4], $0x0  }
0x19: {  	s7 =	sld [smem:$0x3F91]  }
0x1a: {  	s8 =	sadd.s32 $0xFFFFE003, lr  }
0x1b: {  	s9 =	sadd.s32 $0xFFFFFEF7, lr;
	s5 =	simm.s32 $0xFFFFFFFF;
	p2 =	slt.u32 s8, $0xFFFFF086  }
0x1c: {  	p1 =	slt.u32 s9, $0xF7A;
	s5 =	simm.s32 @!p2 $0x0  }
0x1d: {  	s5 =	simm.s32 @p1 $0x1;
	p0 =	seq.s32 s7, s2  }
0x1e: {  	s7 =	smul.u32 @!p0 $0xF7A, s2;
	p2 =	seq.s32 @!p0 s5, $0x0  }
0x1f: {  	s9 =	smul.u32 $0xF7A, s1;
	s8 =	simm.s32 @!p0 $0x1BF5;
	p2 =	por !p2, p0  }
0x20: {  	[sflag:s8] =	ssyncset.s32 @!p0 $0xFFFFF086;
	s6 =	sadd.s32 @!p0 s3, s7;
	s7 =	simm.s32 @!p0 $0x108  }
0x21: {  	s3 =	sadd.s32 s3, s9;
	s6 =	sadd.s32 @!p0 $0x88, s6;
	s7 =	simm.s32 @p2 $0x1082  }
0x22: {  	[simem:s7], [sflag:s8] =	dma.local @!p0 [hbm:s6], $0xF7A  }
0x23: {  	s9 =	sor.u32 $0xD0000000, s2;
	s6 =	simm.s32 $0x108;
	_ =	swait.ge @!p0 [sflag:s8], $0x0  }
0x24: {  	s3 =	sadd.s32 $0x88, s3;
	s6 =	simm.s32 @!p1 $0x1082;
	[sflag:s4] =	ssyncset.s32 $0xFFFFF086  }
0x25: {  	[simem:s6], [sflag:s4] =	dma.local [hbm:s3], $0xF7A  }
0x26: {  	[smem:$0x3F91] =	sst s1;
	(tag) =	ssettag s2;
	_ =	strace s9  }
0x27: {  	s1 =	sld [smem:$0x3FA1]  }
0x28: {  	s2 =	sld [smem:$0x3FA2]  }
0x29: {  	s4 =	sld [smem:$0x3FA4]  }
0x2a: {  	p0 =	seq.s32 s5, $0x0;
	s5 =	sld [smem:$0x3FA5]  }
0x2b: {  	s6 =	sld [smem:$0x3FA6]  }
0x2c: {  	s7 =	sld [smem:$0x3FA7]  }
0x2d: {  	s3 =	simm.s32 $0x108;
	s8 =	sld [smem:$0x3FA8]  }
0x2e: {  	s3 =	simm.s32 @!p0 $0x1082;
	s9 =	sld [smem:$0x3FA9]  }
0x2f: {  	lr =	sadd.s32 s0, s3;
	s0 =	sld [smem:$0x3FA0]  }
0x30: {  	s3 =	sld [smem:$0x3FA3]  }
0x31: {  	[smem:$0x3FAC] =	sst s10  }
0x32: {  	s10 =	sld [smem:$0x3FAA];
	_ =	sdelay $0x3  }
0x33: {  	p0 =	seq.s32 s10, $0x1;
	s10 =	sld [smem:$0x3FAC];
	_ =	sdelay $0x3  }
0x34: {  	[smem:$0x3FAC] =	sst s10  }
0x35: {  	s10 =	sld [smem:$0x3FAB];
	_ =	sdelay $0x3  }
0x36: {  	p1 =	seq.s32 s10, $0x1;
	s10 =	sld [smem:$0x3FAC];
	_ =	sdelay $0x3  }
0x37: {  	[smem:$0x3FAC] =	sst s10  }
0x38: {  	s10 =	sld [smem:$0x3FAD]  }
0x39: {  	_ = 	snop;
	(pc) =	sbr.ind lr, $3  }
0x3a: {  	_ = 	snop  }
0x3b: {  	_ = 	snop  }
0x3c: {  	p2 =	seq.s32 s10, $0x1;
	s10 =	sld [smem:$0x3FAC]  }
0x3d: {  	_ =	shalt  }
0x3e: {  	_ =	shalt  }
0x3f: {  	_ =	shalt  }
0x40: {  	_ =	shalt  }
0x41: {  	_ =	shalt  }
0x42: {  	_ =	shalt  }
0x43: {  	_ =	shalt  }
0x44: {  	_ =	shalt  }
0x45: {  	_ =	shalt  }
0x46: {  	_ =	shalt  }
0x47: {  	_ =	shalt  }
0x48: {  	_ =	shalt  }
0x49: {  	_ =	shalt  }
0x4a: {  	_ =	shalt  }
0x4b: {  	_ =	shalt  }
0x4c: {  	_ =	shalt  }
0x4d: {  	_ =	shalt  }
0x4e: {  	_ =	shalt  }
0x4f: {  	_ =	shalt  }
0x50: {  	_ =	shalt  }
0x51: {  	_ =	shalt  }
0x52: {  	_ =	shalt  }
0x53: {  	_ =	shalt  }
0x54: {  	_ =	shalt  }
0x55: {  	_ =	shalt  }
0x56: {  	_ =	shalt  }
0x57: {  	_ =	shalt  }
0x58: {  	_ =	shalt  }
0x59: {  	_ =	shalt  }
0x5a: {  	_ =	shalt  }
0x5b: {  	_ =	shalt  }
0x5c: {  	_ =	shalt  }
0x5d: {  	_ =	shalt  }
0x5e: {  	_ =	shalt  }
0x5f: {  	_ =	shalt  }
0x60: {  	_ =	shalt  }
0x61: {  	_ =	shalt  }
0x62: {  	_ =	shalt  }
0x63: {  	_ =	shalt  }
0x64: {  	_ =	shalt  }
0x65: {  	_ =	shalt  }
0x66: {  	_ =	shalt  }
0x67: {  	_ =	shalt  }
0x68: {  	_ =	shalt  }
0x69: {  	_ =	shalt  }
0x6a: {  	_ =	shalt  }
0x6b: {  	_ =	shalt  }
0x6c: {  	_ =	shalt  }
0x6d: {  	_ =	shalt  }
0x6e: {  	_ =	shalt  }
0x6f: {  	_ =	shalt  }
0x70: {  	_ =	shalt  }
0x71: {  	_ =	shalt  }
0x72: {  	_ =	shalt  }
0x73: {  	_ =	shalt  }
0x74: {  	_ =	shalt  }
0x75: {  	_ =	shalt  }
0x76: {  	_ =	shalt  }
0x77: {  	_ =	shalt  }
0x78: {  	_ =	shalt  }
0x79: {  	_ =	shalt  }
0x7a: {  	_ =	shalt  }
0x7b: {  	_ =	shalt  }
0x7c: {  	_ =	shalt  }
0x7d: {  	_ =	shalt  }
0x7e: {  	_ =	shalt  }
0x7f: {  	_ =	shalt  }
0x80: {  	_ =	shalt  }
0x81: {  	_ =	shalt  }
0x82: {  	_ =	shalt  }
0x83: {  	_ =	shalt  }
0x84: {  	_ =	shalt  }
0x85: {  	_ =	shalt  }
0x86: {  	_ =	shalt  }
0x87: {  	_ =	shalt  }
.Lfunc_end0:
.L_simem_size_0:
called_computation.2_lowered:
.L_overlay_start_0:
0x88: {  	s2 =	sld [smem:$0x3FD9]  }
0x89: {  	s3 =	sld [smem:$0x3FFE];
	_ =	sdelay $0x1  }
0x8a: {  	s1 =	srdreg.scid  }
0x8b: {  	s0 =	sand.u32 $0x1, s1  }
0x8c: {  	s17 =	sshll.u32 s0, $0xA;
	s2 =	sadd.s32 s3, s2  }
0x8d: {  	s2 =	sadd.s32 s2, s17  }
0x8e: {  	[smem:$0x3FB8] =	sst s2  }
0x8f: {  	_ = 	snop  }
0x90: {  	s2 =	sld [smem:$0x3FD0];
	(tm) =	ssettm $0x1  }
0x91: {  	s18 =	sld [smem:$0x3FFB];
	_ =	sdelay $0x3  }
0x92: {  	_ =	strace s18  }
0x93: {  	s3 =	sld [smem:$0x3FFC];
	_ =	sdelay $0x3  }
0x94: {  	_ =	strace s3  }
0x95: {  	s3 =	sld [smem:$0x3FFD];
	_ =	sdelay $0x3  }
0x96: {  	_ =	strace s3  }
0x97: {  	_ =	strace $0x8FFFFFFF  }
0x98: {  	s19 =	sld [smem:$0x3FDB];
	_ =	sdelay $0x1  }
0x99: {  	s4 =	simm.s32 $_scs_section_size  }
0x9a: {  	s5 =	simm.s32 $_size__tile_overlayer_lowered;
	s6 =	simm.s32 $_tile_overlayer_lowered  }
0x9b: {  	s22 =	simm.s32 $0x1BFF;
	s21 =	sshll.u32 s6, $0x1;
	s3 =	sadd.s32 s4, s19  }
0x9c: {  	s7 =	simm.s32 $0x0;
	s20 =	sshll.u32 s5, $0x1;
	s5 =	sadd.s32 s21, s3  }
0x9d: {  	[timem:s7], [sflag:s22] =	dma.local [hbm:s5], s20  }
0x9e: {  	_ =	swait.ge [sflag:s22], s20  }
0x9f: {  	s4 =	ssub.s32 $0x0, s20;
	[sflag:s22] =	ssyncset.done $0x0  }
0xa0: {  	[sflag:s22] =	ssyncadd.s32 s4;
	_ =	sdelay $0x1  }
0xa1: {  	s23 =	simm.s32 $0x1B8B  }
0xa2: {  	_ =	swait.ge [sflag:s23], $0x1  }
0xa3: {  	[sflag:s23] =	ssyncset.done $0x0  }
0xa4: {  	s25 =	simm.s32 $0x1B8E;
	s24 =	sld [smem:$0x3FFE];
	[sflag:s23] =	ssyncadd.s32 $0xFFFFFFFF  }
0xa5: {  	s26 =	simm.s32 $execute0_lowered;
	[smem:$0x3FD2] =	sst s25  }
0xa6: {  	s5 =	sshll.u32 s26, $0x1;
	_ =	strace $0x8000004C;
	[dreg:$0x1] =	wrdreg $0xFFFFFFFF  }
0xa7: {  	s28 =	simm.s32 $_size_execute0_lowered;
	s3 =	sadd.s32 s3, s5;
	[dreg:$0x0] =	wrdreg $0x0  }
0xa8: {  	s5 =	sshll.u32 s28, $0x1;
	[dreg:$0x2] =	wrdreg s3  }
0xa9: {  	[dreg:$0x3] =	wrdreg s5  }
0xaa: {  	[dreg:$0x4] =	wrdreg $0xC0  }
0xab: {  	_ =	task [dreg:s7], $0x5FFFF  }
0xac: {  	[dreg:$0x1] =	wrdreg $0xFFFFFFFF  }
0xad: {  	[dreg:$0x0] =	wrdreg $0x60  }
0xae: {  	[dreg:$0x2] =	wrdreg s24  }
0xaf: {  	[dreg:$0x3] =	wrdreg s2  }
0xb0: {  	[dreg:$0x4] =	wrdreg $0xB0000  }
0xb1: {  	[dreg:$0x5] =	wrdreg $0x9  }
0xb2: {  	_ =	task.clear_ibuf [dreg:s7], $0x6FFFF;
	_ =	strace $0x9000004C  }
0xb3: {  	s29 =	simm.s32 $0x9;
	_ =	strace $0x8000004E  }
0xb4: {  	_ =	swait.ge [sflag:s29], $0x1  }
0xb5: {  	[sflag:s29] =	ssyncadd.s32 $0xFFFFFFFF  }
0xb6: {  	_ =	strace $0x9000004E  }
0xb7: {  	_ =	sfence  }
0xb8: {  	s30 =	sld [smem:$0x0];
	_ =	sdelay $0x2  }
0xb9: {  	s31 =	sshll.u32 s1, $0xD;
	s1 =	sshrl.u32 s1, $0x2  }
0xba: {  	s3 =	sand.u32 $0x4000, s31;
	s1 =	sadd.s32 s1, s30  }
0xbb: {  	s0 =	sor.u32 s3, s0;
	s1 =	sshll.u32 s1, $0x11  }
0xbc: {  	s0 =	sor.u32 s1, s0  }
0xbd: {  	s0 =	sadd.s32 $0x8F2B, s0  }
0xbe: {  	[sflag:s0] =	ssyncadd.remote.s32 $0x1  }
0xbf: {  	_ =	sfence.sel $0xFFFF  }
0xc0: {  	[dreg:$0x0] =	wrdreg $0xFFFFFFFF;
	(pc) =	sbr.abs _section_cstart, $3  }
0xc1: {  	[dreg:$0x1] =	wrdreg $0xFFFFFFFF  }
0xc2: {  	_ =	task.clear_ibuf [dreg:s7], $0x2FFFF;
	_ =	strace $0x9FFFFFFF  }
0xc3: {  	(tm) =	ssettm $0x7FFFFFFF  }
tec
execute0_lowered:
.L_overlay_start_1:
0x0: {  	(tag) =	ssettag $0x1  }
0x1: {  	s0 =	rddreg [dreg:$0x0]  }
0x2: {  	s1 =	rddreg [dreg:$0x1];
	s2 =	srdreg.scid  }
0x3: {  	s3 =	rddreg [dreg:$0x2];
	s9 =	stileid.u32;
	s2 =	sand.u32 $0x1, s2  }
0x4: {  	s4 =	simm.s32 $0x0;
	s7 =	sshll.u32 s9, $0xC;
	s6 =	sshll.u32 s2, $0x10  }
0x5: {  	[smem:$0x7FF] =	sst s4;
	s5 =	smul.u32 $0x2800, s9;
	s6 =	sor.u32 s7, s6  }
0x6: {  	s22 =	smul.u32 $0x50000, s9;
	s9 =	simm.s32 $0x1;
	s6 =	sadd.s32 s6, s0  }
0x7: {  	s8 =	smul.u32 $0x28000, s2;
	_ =	strace $0x8000004D;
	s12 =	sadd.s32 $0x25800, s6  }
0x8: {  	s2 =	ssub.s32 $0x2, s2;
	s13 =	sadd.s32 $0x5800, s6;
	[dreg:$0x4] =	wrdreg s12  }
0x9: {  	s11 =	sshrl.u32 s2, $0x1;
	s14 =	sadd.s32 $0x25810, s6;
	[dreg:$0x5] =	wrdreg s13  }
0xa: {  	s7 =	sshrl.u32 s22, $0x2;
	s15 =	sadd.s32 $0x5810, s6;
	[dreg:$0x6] =	wrdreg s14  }
0xb: {  	s10 =	sadd.s32 s5, s8;
	s16 =	sadd.s32 $0x25820, s6;
	[dreg:$0x7] =	wrdreg s15  }
0xc: {  	s5 =	sadd.s32 s5, s0;
	s17 =	sadd.s32 $0x5820, s6;
	[dreg:$0x8] =	wrdreg s16  }
0xd: {  	s2 =	ssub.s32 s2, s11;
	s18 =	sadd.s32 $0x25830, s6;
	[dreg:$0x9] =	wrdreg s17  }
0xe: {  	s8 =	simm.s32 $0x4;
	s19 =	sadd.s32 $0x5830, s6;
	[dreg:$0xa] =	wrdreg s18  }
0xf: {  	s11 =	simm.s32 $0x0;
	s20 =	sadd.s32 $0x25840, s6;
	[dreg:$0xb] =	wrdreg s19  }
0x10: {  	s0 =	sadd.s32 s10, s0;
	s21 =	sadd.s32 $0x5840, s6;
	[dreg:$0xc] =	wrdreg s20  }
0x11: {  	s23 =	sadd.s32 $0x25850, s6;
	s24 =	sadd.s32 $0x5850, s6;
	[dreg:$0xd] =	wrdreg s21  }
0x12: {  	s25 =	sadd.s32 $0x25860, s6;
	s26 =	sadd.s32 $0x5860, s6;
	[dreg:$0xe] =	wrdreg s23  }
0x13: {  	s30 =	sadd.s32 $0x25870, s6;
	s31 =	sadd.s32 $0x5870, s6;
	[dreg:$0xf] =	wrdreg s24  }
0x14: {  	s22 =	sadd.s32 $0x6CA00, s5;
	s28 =	sadd.s32 $0x25890, s6;
	[dreg:$0x10] =	wrdreg s25  }
0x15: {  	s29 =	sadd.s32 $0x5890, s6;
	s5 =	simm.s32 $0x180;
	[dreg:$0x11] =	wrdreg s26  }
.Ltmp0:
0x16: {  	s10 =	simm.s32 $0x2;
	[dreg:$0x12] =	wrdreg s30;
	(pc) =	sbr.rel .LBB2_1-.Ltmp0, $4  }
0x17: {  	[dreg:$0x13] =	wrdreg s31;
	s21 =	sadd.s32 s7, s3;
	s23 =	sadd.s32 $0x94A00, s0  }
0x18: {  	s24 =	smax.u32 s2, $0x1;
	s25 =	sadd.s32 $0x25880, s6;
	s26 =	sadd.s32 $0x5880, s6  }
0x19: {  	s17 =	sadd.s32 $0x258A0, s6;
	s16 =	sadd.s32 $0x58A0, s6;
	s0 =	simm.s32 $0x80  }
0x1a: {  	s2 =	simm.s32 $0x100;
	s6 =	simm.s32 $0x3;
	s7 =	simm.s32 $0x28  }
.LBB2_7:
0x1b: {  	_ =	swait.ge [sflag:s10], $0x1400  }
0x1c: {  	[sflag:s10] =	ssyncset.done $0x0  }
0x1d: {  	[sflag:s10] =	ssyncadd.s32 $0xFFFFEC00  }
0x1e: {  	_ =	swait.ge [sflag:s10], $0x1400  }
0x1f: {  	[sflag:s10] =	ssyncset.done $0x0  }
0x20: {  	[sflag:s10] =	ssyncadd.s32 $0xFFFFEC00  }
0x21: {  	_ =	swait.ge [sflag:s10], $0x1400  }
0x22: {  	[sflag:s10] =	ssyncset.done $0x0  }
0x23: {  	[sflag:s10] =	ssyncadd.s32 $0xFFFFEC00  }
0x24: {  	_ =	swait.ge [sflag:s10], $0x1400  }
0x25: {  	s11 =	sadd.s32 $0x1, s11;
	[sflag:s10] =	ssyncset.done $0x0  }
0x26: {  	p0 =	sne.s32 s11, s24;
	[sflag:s10] =	ssyncadd.s32 $0xFFFFEC00  }
.Ltmp1:
0x27: {  	[bflag:$0x0] =	sbarrier.arrive $0xFFFF;
	(pc) =	sbr.rel @!p0 .LBB2_8-.Ltmp1, $4  }
0x28: {  	[hbm:s23], [sflag:s13] =	dma.local [spmem:s14], $0x2800  }
0x29: {  	_ =	swait.ge [sflag:s8], $0x2800  }
0x2a: {  	[sflag:s8] =	ssyncset.done $0x0  }
0x2b: {  	[sflag:s8] =	ssyncadd.s32 $0xFFFFD800  }
.LBB2_1:
0x2c: {  	s12 =	rddreg [dreg:$0x4]  }
0x2d: {  	[tilespmem:s4], [sflag:$0x3] =	stream.linear.gather [hbm4b:s12+s4], $0x80, $0x38;
	[tilespmem:$0x1F000] =	vst v63  }
0x2e: {  	s13 =	rddreg [dreg:$0x5];
	s12 =	simm.s32 $0x800  }
0x2f: {  	[tilespmem:s12], [sflag:$0x3] =	stream.linear.gather [hbm4b:s13+s4], $0x80, $0x38;
	[tilespmem:$0x1F000] =	vst v63  }
0x30: {  	s18 =	rddreg [dreg:$0x6]  }
0x31: {  	[tilespmem:s0], [sflag:$0x3] =	stream.linear.gather [hbm4b:s18+s4], $0x80, $0x38;
	[tilespmem:$0x1F000] =	vst v63  }
0x32: {  	s19 =	rddreg [dreg:$0x7];
	s14 =	simm.s32 $0x880  }
0x33: {  	[tilespmem:s14], [sflag:$0x3] =	stream.linear.gather [hbm4b:s19+s4], $0x80, $0x38;
	[tilespmem:$0x1F000] =	vst v63  }
0x34: {  	s20 =	rddreg [dreg:$0x8]  }
0x35: {  	[tilespmem:s2], [sflag:$0x3] =	stream.linear.gather [hbm4b:s20+s4], $0x80, $0x38;
	[tilespmem:$0x1F000] =	vst v63  }
0x36: {  	s15 =	simm.s32 $0x900;
	s14 =	rddreg [dreg:$0x9]  }
0x37: {  	[tilespmem:s15], [sflag:$0x3] =	stream.linear.gather [hbm4b:s14+s4], $0x80, $0x38;
	[tilespmem:$0x1F000] =	vst v63  }
0x38: {  	s18 =	rddreg [dreg:$0xa]  }
0x39: {  	[tilespmem:s5], [sflag:$0x3] =	stream.linear.gather [hbm4b:s18+s4], $0x80, $0x38;
	[tilespmem:$0x1F000] =	vst v63  }
0x3a: {  	s19 =	rddreg [dreg:$0xb];
	s20 =	simm.s32 $0x980  }
0x3b: {  	[tilespmem:s20], [sflag:$0x3] =	stream.linear.gather [hbm4b:s19+s4], $0x80, $0x38;
	[tilespmem:$0x1F000] =	vst v63  }
0x3c: {  	s15 =	rddreg [dreg:$0xc];
	s18 =	simm.s32 $0x200  }
0x3d: {  	[tilespmem:s18], [sflag:$0x3] =	stream.linear.gather [hbm4b:s15+s4], $0x80, $0x38;
	[tilespmem:$0x1F000] =	vst v63  }
0x3e: {  	s19 =	rddreg [dreg:$0xd];
	s20 =	simm.s32 $0xA00  }
0x3f: {  	[tilespmem:s20], [sflag:$0x3] =	stream.linear.gather [hbm4b:s19+s4], $0x80, $0x38;
	[tilespmem:$0x1F000] =	vst v63  }
0x40: {  	s15 =	rddreg [dreg:$0xe];
	s18 =	simm.s32 $0x280  }
0x41: {  	[tilespmem:s18], [sflag:$0x3] =	stream.linear.gather [hbm4b:s15+s4], $0x80, $0x38;
	[tilespmem:$0x1F000] =	vst v63  }
0x42: {  	s19 =	rddreg [dreg:$0xf];
	s20 =	simm.s32 $0xA80  }
0x43: {  	[tilespmem:s20], [sflag:$0x3] =	stream.linear.gather [hbm4b:s19+s4], $0x80, $0x38;
	[tilespmem:$0x1F000] =	vst v63  }
0x44: {  	s15 =	rddreg [dreg:$0x10];
	s18 =	simm.s32 $0x300  }
0x45: {  	[tilespmem:s18], [sflag:$0x3] =	stream.linear.gather [hbm4b:s15+s4], $0x80, $0x38;
	[tilespmem:$0x1F000] =	vst v63  }
0x46: {  	s19 =	rddreg [dreg:$0x11];
	s20 =	simm.s32 $0xB00  }
0x47: {  	[tilespmem:s20], [sflag:$0x3] =	stream.linear.gather [hbm4b:s19+s4], $0x80, $0x38;
	[tilespmem:$0x1F000] =	vst v63  }
0x48: {  	s15 =	rddreg [dreg:$0x12];
	s18 =	simm.s32 $0x380  }
0x49: {  	[tilespmem:s18], [sflag:$0x3] =	stream.linear.gather [hbm4b:s15+s4], $0x80, $0x38;
	[tilespmem:$0x1F000] =	vst v63  }
0x4a: {  	s19 =	rddreg [dreg:$0x13];
	s20 =	simm.s32 $0xB80  }
0x4b: {  	[tilespmem:s20], [sflag:$0x3] =	stream.linear.gather [hbm4b:s19+s4], $0x80, $0x38;
	[tilespmem:$0x1F000] =	vst v63  }
0x4c: {  	s15 =	simm.s32 $0x400  }
0x4d: {  	[tilespmem:s15], [sflag:$0x3] =	stream.linear.gather [hbm4b:s25+s4], $0x80, $0x38;
	[tilespmem:$0x1F000] =	vst v63  }
0x4e: {  	s18 =	simm.s32 $0xC00  }
0x4f: {  	[tilespmem:s18], [sflag:$0x3] =	stream.linear.gather [hbm4b:s26+s4], $0x80, $0x38;
	[tilespmem:$0x1F000] =	vst v63  }
0x50: {  	s19 =	simm.s32 $0x480  }
0x51: {  	[tilespmem:s19], [sflag:$0x3] =	stream.linear.gather [hbm4b:s28+s4], $0x80, $0x38;
	[tilespmem:$0x1F000] =	vst v63  }
0x52: {  	s20 =	simm.s32 $0xC80  }
0x53: {  	[tilespmem:s20], [sflag:$0x3] =	stream.linear.gather [hbm4b:s29+s4], $0x80, $0x38;
	[tilespmem:$0x1F000] =	vst v63  }
0x54: {  	_ =	swait.ge [sflag:s6], $0x80  }
0x55: {  	[sflag:s6] =	ssyncset.done $0x0  }
0x56: {  	[sflag:s6] =	ssyncadd.s32 $0xFFFFFF80  }
0x57: {  	_ =	swait.ge [sflag:s6], $0x80  }
0x58: {  	[sflag:s6] =	ssyncset.done $0x0  }
0x59: {  	s14 =	simm.s32 $0x1000;
	[sflag:s6] =	ssyncadd.s32 $0xFFFFFF80  }
0x5a: {  	[tilespmem:s14], [sflag:$0x1] =	stream.indirect.gather [hbm4b:s1+s7], $0x80, s4, s7, $0xb8;
	[tilespmem:$0x1F000] =	vst v63  }
0x5b: {  	_ =	swait.ge [sflag:s6], $0x80  }
0x5c: {  	[sflag:s6] =	ssyncset.done $0x0  }
0x5d: {  	[sflag:s6] =	ssyncadd.s32 $0xFFFFFF80  }
0x5e: {  	_ =	swait.ge [sflag:s6], $0x80  }
0x5f: {  	[sflag:s6] =	ssyncset.done $0x0  }
0x60: {  	s15 =	simm.s32 $0x2400;
	[sflag:s6] =	ssyncadd.s32 $0xFFFFFF80  }
0x61: {  	[tilespmem:s15], [sflag:$0x1] =	stream.indirect.gather [hbm4b:s1+s7], $0x80, s0, s7, $0xb8;
	[tilespmem:$0x1F000] =	vst v63  }
0x62: {  	_ =	swait.ge [sflag:s6], $0x80  }
0x63: {  	[sflag:s6] =	ssyncset.done $0x0  }
0x64: {  	[sflag:s6] =	ssyncadd.s32 $0xFFFFFF80  }
0x65: {  	_ =	swait.ge [sflag:s6], $0x80  }
0x66: {  	[sflag:s6] =	ssyncset.done $0x0  }
0x67: {  	s18 =	simm.s32 $0x3800;
	[sflag:s6] =	ssyncadd.s32 $0xFFFFFF80  }
0x68: {  	[tilespmem:s18], [sflag:$0x1] =	stream.indirect.gather [hbm4b:s1+s7], $0x80, s2, s7, $0xb8;
	[tilespmem:$0x1F000] =	vst v63  }
0x69: {  	_ =	swait.ge [sflag:s6], $0x80  }
0x6a: {  	[sflag:s6] =	ssyncset.done $0x0  }
0x6b: {  	[sflag:s6] =	ssyncadd.s32 $0xFFFFFF80  }
0x6c: {  	s20 =	stileid.u32;
	_ =	swait.ge [sflag:s6], $0x80  }
0x6d: {  	s19 =	simm.s32 $0x4C00;
	s13 =	sshll.u32 s20, $0x6;
	[sflag:s6] =	ssyncset.done $0x0  }
0x6e: {  	s13 =	sor.u32 $0x1C04, s13;
	s14 =	sshrl.u32 s21, $0x3;
	[sflag:s6] =	ssyncadd.s32 $0xFFFFFF80  }
0x6f: {  	[tilespmem:s19], [sflag:$0x1] =	stream.indirect.gather [hbm4b:s1+s7], $0x80, s5, s7, $0xb8;
	[tilespmem:$0x1F000] =	vst v63  }
0x70: {  	[spmem:s14], [sflag:s13] =	dma.local [hbm:s22], $0x2800  }
.Ltmp2:
0x71: {  	_ =	swait.ge [sflag:s8], $0x2800;
	(pc) =	sbr.rel .LBB2_2-.Ltmp2, $4  }
0x72: {  	[sflag:s8] =	ssyncset.done $0x0  }
0x73: {  	[sflag:s8] =	ssyncadd.s32 $0xFFFFD800  }
0x74: {  	s31 =	smov.u32 s16;
	[bflag:$0x0] =	sbarrier.arrive $0xFFFF  }
0x75: {  	s30 =	smov.u32 s17;
	s15 =	simm.s32 $0x500;
	s18 =	simm.s32 $0x0  }
.LBB2_3:
0x76: {  	s19 =	sand.u32 $0x780, s15  }
0x77: {  	[tilespmem:s19], [sflag:$0x3] =	stream.linear.gather [hbm4b:s30+s4], $0x80, $0x38;
	[tilespmem:$0x1F000] =	vst v63  }
0x78: {  	s19 =	sor.u32 $0x800, s19  }
0x79: {  	[tilespmem:s19], [sflag:$0x3] =	stream.linear.gather [hbm4b:s31+s4], $0x80, $0x38;
	[tilespmem:$0x1F000] =	vst v63  }
.LBB2_5:
0x7a: {  	s19 =	sadd.s32 $0x4, s18;
	_ =	swait.ge [sflag:s6], $0x80  }
0x7b: {  	[sflag:s6] =	ssyncset.done $0x0;
	s19 =	sand.u32 $0x7, s19  }
0x7c: {  	[sflag:s6] =	ssyncadd.s32 $0xFFFFFF80;
	s19 =	smul.u32 $0x5000, s19  }
0x7d: {  	_ =	swait.ge [sflag:s6], $0x80  }
0x7e: {  	s20 =	sand.u32 $0x1E00, s12;
	[sflag:s6] =	ssyncset.done $0x0;
	s19 =	sshrl.u32 s19, $0x2  }
0x7f: {  	s20 =	sshrl.u32 s20, $0x2;
	[sflag:s6] =	ssyncadd.s32 $0xFFFFFF80;
	s19 =	sadd.s32 $0x1000, s19  }
0x80: {  	[tilespmem:s19], [sflag:$0x1] =	stream.indirect.gather [hbm4b:s1+s7], $0x80, s20, s7, $0xb8;
	[tilespmem:$0x1F000] =	vst v63  }
.LBB2_6:
0x81: {  	s18 =	sadd.s32 $0x1, s18  }
0x82: {  	p0 =	sne.s32 s18, $0xFA  }
.Ltmp3:
0x83: {  	_ = 	snop;
	(pc) =	sbr.rel @!p0 .LBB2_7-.Ltmp3, $3  }
0x84: {  	_ =	sdelay $0x1  }
0x85: {  	s15 =	sadd.s32 $0x80, s15  }
0x86: {  	s30 =	sadd.s32 $0x10, s30;
	s31 =	sadd.s32 $0x10, s31;
	s12 =	sadd.s32 $0x200, s12  }
.LBB2_2:
0x87: {  	s19 =	sand.u32 $0x7, s18;
	s20 =	sadd.s32 $0xFFFFF800, s12  }
0x88: {  	_ =	swait.ge [sflag:s9], $0x1400;
	p0 =	slt.u32 s18, $0x4;
	s19 =	smul.u32 $0x5000, s19  }
0x89: {  	s20 =	sand.u32 $0x1E00, s20;
	[sflag:s9] =	ssyncset.done $0x0;
	p1 =	sgt.u32 @!p0 s18, $0xEF  }
0x8a: {  	s20 =	sshrl.u32 s20, $0x2;
	[sflag:s9] =	ssyncadd.s32 $0xFFFFEC00;
	s19 =	sshrl.u32 s19, $0x2  }
0x8b: {  	p1 =	por p0, !p1;
	s20 =	sor.u32 $0x800, s20;
	s19 =	sadd.s32 $0x1000, s19  }
0x8c: {  	[spmem:s3] =	stream.indirect.scatter.add.f32 [tilespmem:s19], [sflag:$0x2], $0x80, s20, s7, $0xb8;
	[tilespmem:$0x1F000] =	vst v63  }
.Ltmp4:
0x8d: {  	_ = 	snop;
	(pc) =	sbr.rel @p1 .LBB2_3-.Ltmp4, $4  }
0x8e: {  	s19 =	simm.s32 @!p0 $0x2  }
0x8f: {  	_ =	swait.ge @!p0 [sflag:s19], $0x1400  }
0x90: {  	[sflag:s19] =	ssyncset.done @!p0 $0x0  }
0x91: {  	[sflag:s19] =	ssyncadd.s32 @!p0 $0xFFFFEC00  }
0x92: {  	p0 =	sgt.u32 s18, $0xF5  }
.Ltmp5:
0x93: {  	_ = 	snop;
	(pc) =	sbr.rel @p0 .LBB2_6-.Ltmp5, $4  }
.Ltmp6:
0x94: {  	_ = 	snop;
	(pc) =	sbr.rel @!p0 .LBB2_5-.Ltmp6, $4  }
0x95: {  	_ = 	snop  }
0x96: {  	_ = 	snop  }
0x97: {  	_ = 	snop  }
0x98: {  	_ = 	snop  }
.LBB2_8:
0x99: {  	_ =	sfence.sel $0x180000  }
0x9a: {  	[bflag:$0x0] =	sbarrier.arrive $0xFFFF  }
0x9b: {  	_ =	strace $0x9000004D  }
0x9c: {  	s0 =	stileid.u32;
	[bflag:$0x2] =	sbarrier.arrive $0xFFFF  }
0x9d: {  	p0 =	sne.s32 s0, $0x0;
	s0 =	rddreg [dreg:$0x3]  }
0x9e: {  	s0 =	sadd.s32 @!p0 $0x100000, s0  }
0x9f: {  	[sflag:s0] =	ssyncadd.tile.s32 @!p0 $0x1;
	_ =	shalt  }
.Lfunc_end2:
_tile_overlayer_lowered:
.L_overlay_start_2:
0xa0: {  	(tag) =	ssettag $0x2  }
0xa1: {  	s0 =	rddreg [dreg:$0x0];
	s2 =	stileid.u32  }
0xa2: {  	s1 =	rddreg [dreg:$0x1];
	p0 =	sne.s32 s2, $0x0  }
0xa3: {  	s3 =	rddreg [dreg:$0x2];
	[bflag:$0x3] =	sbarrier.arrive $0xFFFF;
	s2 =	simm.s32 @!p0 $0x1C04  }
0xa4: {  	[timem:s3], [sflag:s2] =	dma.local @!p0 [hbm:s0], s1  }
0xa5: {  	s0 =	simm.s32 @!p0 $0x4  }
0xa6: {  	_ =	swait.ge @!p0 [sflag:s0], s1  }
0xa7: {  	s1 =	ssub.s32 @!p0 $0x0, s1;
	[sflag:s0] =	ssyncset.done @!p0 $0x0  }
0xa8: {  	[sflag:s0] =	ssyncadd.s32 @!p0 s1  }
0xa9: {  	[bflag:$0x3] =	sbarrier.arrive $0xFFFF  }
0xaa: {  	_ =	shalt  }

// kernel: kernel.20.cloned.1.call-start
scs
__scs_entry_jumppad:
0x0: {  	(pc) =	sbr.rel $0x88, $3  }
0x1: {  	(tag) =	ssettag $0x0;
	lr =	simm.s32 $0x1  }
0x2: {  	[smem:$0x3F91] =	sst lr;
	_ =	strace $0xD0000000  }
0x3: {  	_ = 	snop  }
0x4: {  	_ = 	snop  }
0x5: {  	_ = 	snop  }
0x6: {  	_ = 	snop  }
0x7: {  	_ = 	snop  }
__scs_overlays_trampoline_lowered:
0x8: {  	[smem:$0x3FA0] =	sst s0  }
0x9: {  	[smem:$0x3FA1] =	sst s1  }
0xa: {  	[smem:$0x3FA2] =	sst s2  }
0xb: {  	[smem:$0x3FA3] =	sst s3  }
0xc: {  	[smem:$0x3FA4] =	sst s4  }
0xd: {  	[smem:$0x3FA5] =	sst s5  }
0xe: {  	[smem:$0x3FA6] =	sst s6  }
0xf: {  	[smem:$0x3FA7] =	sst s7  }
0x10: {  	[smem:$0x3FA8] =	sst s8  }
0x11: {  	[smem:$0x3FA9] =	sst s9;
	s0 =	simm.s32 @!p0 $0x0  }
0x12: {  	s1 =	sld [smem:$0x3F8F];
	s0 =	simm.s32 @p0 $0x1  }
0x13: {  	[smem:$0x3FAA] =	sst s0;
	s0 =	simm.s32 @!p1 $0x0  }
0x14: {  	s2 =	sld [smem:$0x3F8E];
	s0 =	simm.s32 @p1 $0x1  }
0x15: {  	[smem:$0x3FAB] =	sst s0;
	s0 =	simm.s32 @!p2 $0x0  }
0x16: {  	s3 =	sld [smem:$0x3FDB];
	s0 =	simm.s32 @p2 $0x1  }
0x17: {  	s4 =	simm.s32 $0x1BF5;
	[smem:$0x3FAD] =	sst s0  }
0x18: {  	s0 =	sld [smem:$0x3F90];
	_ =	swait.ge [sflag:s4], $0x0  }
0x19: {  	s7 =	sld [smem:$0x3F91]  }
0x1a: {  	s8 =	sadd.s32 $0xFFFFE003, lr  }
0x1b: {  	s9 =	sadd.s32 $0xFFFFFEF7, lr;
	s5 =	simm.s32 $0xFFFFFFFF;
	p2 =	slt.u32 s8, $0xFFFFF086  }
0x1c: {  	p1 =	slt.u32 s9, $0xF7A;
	s5 =	simm.s32 @!p2 $0x0  }
0x1d: {  	s5 =	simm.s32 @p1 $0x1;
	p0 =	seq.s32 s7, s2  }
0x1e: {  	s7 =	smul.u32 @!p0 $0xF7A, s2;
	p2 =	seq.s32 @!p0 s5, $0x0  }
0x1f: {  	s9 =	smul.u32 $0xF7A, s1;
	s8 =	simm.s32 @!p0 $0x1BF5;
	p2 =	por !p2, p0  }
0x20: {  	[sflag:s8] =	ssyncset.s32 @!p0 $0xFFFFF086;
	s6 =	sadd.s32 @!p0 s3, s7;
	s7 =	simm.s32 @!p0 $0x108  }
0x21: {  	s3 =	sadd.s32 s3, s9;
	s6 =	sadd.s32 @!p0 $0x88, s6;
	s7 =	simm.s32 @p2 $0x1082  }
0x22: {  	[simem:s7], [sflag:s8] =	dma.local @!p0 [hbm:s6], $0xF7A  }
0x23: {  	s9 =	sor.u32 $0xD0000000, s2;
	s6 =	simm.s32 $0x108;
	_ =	swait.ge @!p0 [sflag:s8], $0x0  }
0x24: {  	s3 =	sadd.s32 $0x88, s3;
	s6 =	simm.s32 @!p1 $0x1082;
	[sflag:s4] =	ssyncset.s32 $0xFFFFF086  }
0x25: {  	[simem:s6], [sflag:s4] =	dma.local [hbm:s3], $0xF7A  }
0x26: {  	[smem:$0x3F91] =	sst s1;
	(tag) =	ssettag s2;
	_ =	strace s9  }
0x27: {  	s1 =	sld [smem:$0x3FA1]  }
0x28: {  	s2 =	sld [smem:$0x3FA2]  }
0x29: {  	s4 =	sld [smem:$0x3FA4]  }
0x2a: {  	p0 =	seq.s32 s5, $0x0;
	s5 =	sld [smem:$0x3FA5]  }
0x2b: {  	s6 =	sld [smem:$0x3FA6]  }
0x2c: {  	s7 =	sld [smem:$0x3FA7]  }
0x2d: {  	s3 =	simm.s32 $0x108;
	s8 =	sld [smem:$0x3FA8]  }
0x2e: {  	s3 =	simm.s32 @!p0 $0x1082;
	s9 =	sld [smem:$0x3FA9]  }
0x2f: {  	lr =	sadd.s32 s0, s3;
	s0 =	sld [smem:$0x3FA0]  }
0x30: {  	s3 =	sld [smem:$0x3FA3]  }
0x31: {  	[smem:$0x3FAC] =	sst s10  }
0x32: {  	s10 =	sld [smem:$0x3FAA];
	_ =	sdelay $0x3  }
0x33: {  	p0 =	seq.s32 s10, $0x1;
	s10 =	sld [smem:$0x3FAC];
	_ =	sdelay $0x3  }
0x34: {  	[smem:$0x3FAC] =	sst s10  }
0x35: {  	s10 =	sld [smem:$0x3FAB];
	_ =	sdelay $0x3  }
0x36: {  	p1 =	seq.s32 s10, $0x1;
	s10 =	sld [smem:$0x3FAC];
	_ =	sdelay $0x3  }
0x37: {  	[smem:$0x3FAC] =	sst s10  }
0x38: {  	s10 =	sld [smem:$0x3FAD]  }
0x39: {  	_ = 	snop;
	(pc) =	sbr.ind lr, $3  }
0x3a: {  	_ = 	snop  }
0x3b: {  	_ = 	snop  }
0x3c: {  	p2 =	seq.s32 s10, $0x1;
	s10 =	sld [smem:$0x3FAC]  }
0x3d: {  	_ =	shalt  }
0x3e: {  	_ =	shalt  }
0x3f: {  	_ =	shalt  }
0x40: {  	_ =	shalt  }
0x41: {  	_ =	shalt  }
0x42: {  	_ =	shalt  }
0x43: {  	_ =	shalt  }
0x44: {  	_ =	shalt  }
0x45: {  	_ =	shalt  }
0x46: {  	_ =	shalt  }
0x47: {  	_ =	shalt  }
0x48: {  	_ =	shalt  }
0x49: {  	_ =	shalt  }
0x4a: {  	_ =	shalt  }
0x4b: {  	_ =	shalt  }
0x4c: {  	_ =	shalt  }
0x4d: {  	_ =	shalt  }
0x4e: {  	_ =	shalt  }
0x4f: {  	_ =	shalt  }
0x50: {  	_ =	shalt  }
0x51: {  	_ =	shalt  }
0x52: {  	_ =	shalt  }
0x53: {  	_ =	shalt  }
0x54: {  	_ =	shalt  }
0x55: {  	_ =	shalt  }
0x56: {  	_ =	shalt  }
0x57: {  	_ =	shalt  }
0x58: {  	_ =	shalt  }
0x59: {  	_ =	shalt  }
0x5a: {  	_ =	shalt  }
0x5b: {  	_ =	shalt  }
0x5c: {  	_ =	shalt  }
0x5d: {  	_ =	shalt  }
0x5e: {  	_ =	shalt  }
0x5f: {  	_ =	shalt  }
0x60: {  	_ =	shalt  }
0x61: {  	_ =	shalt  }
0x62: {  	_ =	shalt  }
0x63: {  	_ =	shalt  }
0x64: {  	_ =	shalt  }
0x65: {  	_ =	shalt  }
0x66: {  	_ =	shalt  }
0x67: {  	_ =	shalt  }
0x68: {  	_ =	shalt  }
0x69: {  	_ =	shalt  }
0x6a: {  	_ =	shalt  }
0x6b: {  	_ =	shalt  }
0x6c: {  	_ =	shalt  }
0x6d: {  	_ =	shalt  }
0x6e: {  	_ =	shalt  }
0x6f: {  	_ =	shalt  }
0x70: {  	_ =	shalt  }
0x71: {  	_ =	shalt  }
0x72: {  	_ =	shalt  }
0x73: {  	_ =	shalt  }
0x74: {  	_ =	shalt  }
0x75: {  	_ =	shalt  }
0x76: {  	_ =	shalt  }
0x77: {  	_ =	shalt  }
0x78: {  	_ =	shalt  }
0x79: {  	_ =	shalt  }
0x7a: {  	_ =	shalt  }
0x7b: {  	_ =	shalt  }
0x7c: {  	_ =	shalt  }
0x7d: {  	_ =	shalt  }
0x7e: {  	_ =	shalt  }
0x7f: {  	_ =	shalt  }
0x80: {  	_ =	shalt  }
0x81: {  	_ =	shalt  }
0x82: {  	_ =	shalt  }
0x83: {  	_ =	shalt  }
0x84: {  	_ =	shalt  }
0x85: {  	_ =	shalt  }
0x86: {  	_ =	shalt  }
0x87: {  	_ =	shalt  }
.Lfunc_end0:
.L_simem_size_0:
called_computation.3_lowered:
.L_overlay_start_0:
0x88: {  	s2 =	sld [smem:$0x3FD9]  }
0x89: {  	s3 =	sld [smem:$0x3FFE];
	_ =	sdelay $0x1  }
0x8a: {  	s1 =	srdreg.scid  }
0x8b: {  	s0 =	sand.u32 $0x1, s1  }
0x8c: {  	s17 =	sshll.u32 s0, $0xA;
	s2 =	sadd.s32 s3, s2  }
0x8d: {  	s2 =	sadd.s32 s2, s17  }
0x8e: {  	[smem:$0x3FB8] =	sst s2  }
0x8f: {  	_ = 	snop  }
0x90: {  	s2 =	sld [smem:$0x3FD0];
	(tm) =	ssettm $0x1  }
0x91: {  	s18 =	sld [smem:$0x3FFB];
	_ =	sdelay $0x3  }
0x92: {  	_ =	strace s18  }
0x93: {  	s3 =	sld [smem:$0x3FFC];
	_ =	sdelay $0x3  }
0x94: {  	_ =	strace s3  }
0x95: {  	s3 =	sld [smem:$0x3FFD];
	_ =	sdelay $0x3  }
0x96: {  	_ =	strace s3  }
0x97: {  	_ =	strace $0x8FFFFFFF  }
0x98: {  	s19 =	sld [smem:$0x3FDB];
	_ =	sdelay $0x1  }
0x99: {  	s4 =	simm.s32 $_scs_section_size  }
0x9a: {  	s5 =	simm.s32 $_size__tile_overlayer_lowered;
	s6 =	simm.s32 $_tile_overlayer_lowered  }
0x9b: {  	s22 =	simm.s32 $0x1BFF;
	s21 =	sshll.u32 s6, $0x1;
	s3 =	sadd.s32 s4, s19  }
0x9c: {  	s7 =	simm.s32 $0x0;
	s20 =	sshll.u32 s5, $0x1;
	s5 =	sadd.s32 s21, s3  }
0x9d: {  	[timem:s7], [sflag:s22] =	dma.local [hbm:s5], s20  }
0x9e: {  	_ =	swait.ge [sflag:s22], s20  }
0x9f: {  	s4 =	ssub.s32 $0x0, s20;
	[sflag:s22] =	ssyncset.done $0x0  }
0xa0: {  	[sflag:s22] =	ssyncadd.s32 s4;
	_ =	sdelay $0x1  }
0xa1: {  	s23 =	simm.s32 $0x1B8B  }
0xa2: {  	_ =	swait.ge [sflag:s23], $0x1  }
0xa3: {  	[sflag:s23] =	ssyncset.done $0x0  }
0xa4: {  	s25 =	simm.s32 $0x1B8E;
	s24 =	sld [smem:$0x3FFE];
	[sflag:s23] =	ssyncadd.s32 $0xFFFFFFFF  }
0xa5: {  	s26 =	simm.s32 $execute0_lowered;
	[smem:$0x3FD2] =	sst s25  }
0xa6: {  	s5 =	sshll.u32 s26, $0x1;
	_ =	strace $0x8000004F;
	[dreg:$0x1] =	wrdreg $0xFFFFFFFF  }
0xa7: {  	s28 =	simm.s32 $_size_execute0_lowered;
	s3 =	sadd.s32 s3, s5;
	[dreg:$0x0] =	wrdreg $0x0  }
0xa8: {  	s5 =	sshll.u32 s28, $0x1;
	[dreg:$0x2] =	wrdreg s3  }
0xa9: {  	[dreg:$0x3] =	wrdreg s5  }
0xaa: {  	[dreg:$0x4] =	wrdreg $0xC0  }
0xab: {  	_ =	task [dreg:s7], $0x5FFFF  }
0xac: {  	[dreg:$0x1] =	wrdreg $0xFFFFFFFF  }
0xad: {  	[dreg:$0x0] =	wrdreg $0x60  }
0xae: {  	[dreg:$0x2] =	wrdreg s24  }
0xaf: {  	[dreg:$0x3] =	wrdreg s2  }
0xb0: {  	[dreg:$0x4] =	wrdreg $0xB0000  }
0xb1: {  	[dreg:$0x5] =	wrdreg $0x9  }
0xb2: {  	_ =	task.clear_ibuf [dreg:s7], $0x6FFFF;
	_ =	strace $0x9000004F  }
0xb3: {  	s29 =	simm.s32 $0x9;
	_ =	strace $0x80000051  }
0xb4: {  	_ =	swait.ge [sflag:s29], $0x1  }
0xb5: {  	[sflag:s29] =	ssyncadd.s32 $0xFFFFFFFF  }
0xb6: {  	_ =	strace $0x90000051  }
0xb7: {  	_ =	sfence  }
0xb8: {  	s30 =	sld [smem:$0x0];
	_ =	sdelay $0x2  }
0xb9: {  	s31 =	sshll.u32 s1, $0xD;
	s1 =	sshrl.u32 s1, $0x2  }
0xba: {  	s3 =	sand.u32 $0x4000, s31;
	s1 =	sadd.s32 s1, s30  }
0xbb: {  	s0 =	sor.u32 s3, s0;
	s1 =	sshll.u32 s1, $0x11  }
0xbc: {  	s0 =	sor.u32 s1, s0  }
0xbd: {  	s0 =	sadd.s32 $0x8F2B, s0  }
0xbe: {  	[sflag:s0] =	ssyncadd.remote.s32 $0x1  }
0xbf: {  	_ =	sfence.sel $0xFFFF  }
0xc0: {  	[dreg:$0x0] =	wrdreg $0xFFFFFFFF;
	(pc) =	sbr.abs _section_cstart, $3  }
0xc1: {  	[dreg:$0x1] =	wrdreg $0xFFFFFFFF  }
0xc2: {  	_ =	task.clear_ibuf [dreg:s7], $0x2FFFF;
	_ =	strace $0x9FFFFFFF  }
0xc3: {  	(tm) =	ssettm $0x7FFFFFFF  }
tec
execute0_lowered:
.L_overlay_start_1:
0x0: {  	(tag) =	ssettag $0x1  }
0x1: {  	s0 =	rddreg [dreg:$0x0]  }
0x2: {  	s1 =	rddreg [dreg:$0x1];
	s2 =	srdreg.scid  }
0x3: {  	s3 =	rddreg [dreg:$0x2];
	s9 =	stileid.u32;
	s2 =	sand.u32 $0x1, s2  }
0x4: {  	s4 =	simm.s32 $0x0;
	s7 =	sshll.u32 s9, $0xC;
	s6 =	sshll.u32 s2, $0x10  }
0x5: {  	[smem:$0x7FF] =	sst s4;
	s5 =	smul.u32 $0x2800, s9;
	s6 =	sor.u32 s7, s6  }
0x6: {  	s22 =	smul.u32 $0x50000, s9;
	s9 =	simm.s32 $0x1;
	s6 =	sadd.s32 s6, s0  }
0x7: {  	s8 =	smul.u32 $0x28000, s2;
	_ =	strace $0x80000050;
	s12 =	sadd.s32 $0x25800, s6  }
0x8: {  	s2 =	ssub.s32 $0x2, s2;
	s13 =	sadd.s32 $0x5800, s6;
	[dreg:$0x4] =	wrdreg s12  }
0x9: {  	s11 =	sshrl.u32 s2, $0x1;
	s14 =	sadd.s32 $0x25810, s6;
	[dreg:$0x5] =	wrdreg s13  }
0xa: {  	s7 =	sshrl.u32 s22, $0x2;
	s15 =	sadd.s32 $0x5810, s6;
	[dreg:$0x6] =	wrdreg s14  }
0xb: {  	s10 =	sadd.s32 s5, s8;
	s16 =	sadd.s32 $0x25820, s6;
	[dreg:$0x7] =	wrdreg s15  }
0xc: {  	s5 =	sadd.s32 s5, s0;
	s17 =	sadd.s32 $0x5820, s6;
	[dreg:$0x8] =	wrdreg s16  }
0xd: {  	s2 =	ssub.s32 s2, s11;
	s18 =	sadd.s32 $0x25830, s6;
	[dreg:$0x9] =	wrdreg s17  }
0xe: {  	s8 =	simm.s32 $0x4;
	s19 =	sadd.s32 $0x5830, s6;
	[dreg:$0xa] =	wrdreg s18  }
0xf: {  	s11 =	simm.s32 $0x0;
	s20 =	sadd.s32 $0x25840, s6;
	[dreg:$0xb] =	wrdreg s19  }
0x10: {  	s0 =	sadd.s32 s10, s0;
	s21 =	sadd.s32 $0x5840, s6;
	[dreg:$0xc] =	wrdreg s20  }
0x11: {  	s23 =	sadd.s32 $0x25850, s6;
	s24 =	sadd.s32 $0x5850, s6;
	[dreg:$0xd] =	wrdreg s21  }
0x12: {  	s25 =	sadd.s32 $0x25860, s6;
	s26 =	sadd.s32 $0x5860, s6;
	[dreg:$0xe] =	wrdreg s23  }
0x13: {  	s30 =	sadd.s32 $0x25870, s6;
	s31 =	sadd.s32 $0x5870, s6;
	[dreg:$0xf] =	wrdreg s24  }
0x14: {  	s22 =	sadd.s32 $0x6CA00, s5;
	s28 =	sadd.s32 $0x25890, s6;
	[dreg:$0x10] =	wrdreg s25  }
0x15: {  	s29 =	sadd.s32 $0x5890, s6;
	s5 =	simm.s32 $0x180;
	[dreg:$0x11] =	wrdreg s26  }
.Ltmp0:
0x16: {  	s10 =	simm.s32 $0x2;
	[dreg:$0x12] =	wrdreg s30;
	(pc) =	sbr.rel .LBB2_1-.Ltmp0, $4  }
0x17: {  	[dreg:$0x13] =	wrdreg s31;
	s21 =	sadd.s32 s7, s3;
	s23 =	sadd.s32 $0x94A00, s0  }
0x18: {  	s24 =	smax.u32 s2, $0x1;
	s25 =	sadd.s32 $0x25880, s6;
	s26 =	sadd.s32 $0x5880, s6  }
0x19: {  	s17 =	sadd.s32 $0x258A0, s6;
	s16 =	sadd.s32 $0x58A0, s6;
	s0 =	simm.s32 $0x80  }
0x1a: {  	s2 =	simm.s32 $0x100;
	s6 =	simm.s32 $0x3;
	s7 =	simm.s32 $0x28  }
.LBB2_7:
0x1b: {  	_ =	swait.ge [sflag:s10], $0x1400  }
0x1c: {  	[sflag:s10] =	ssyncset.done $0x0  }
0x1d: {  	[sflag:s10] =	ssyncadd.s32 $0xFFFFEC00  }
0x1e: {  	_ =	swait.ge [sflag:s10], $0x1400  }
0x1f: {  	[sflag:s10] =	ssyncset.done $0x0  }
0x20: {  	[sflag:s10] =	ssyncadd.s32 $0xFFFFEC00  }
0x21: {  	_ =	swait.ge [sflag:s10], $0x1400  }
0x22: {  	[sflag:s10] =	ssyncset.done $0x0  }
0x23: {  	[sflag:s10] =	ssyncadd.s32 $0xFFFFEC00  }
0x24: {  	_ =	swait.ge [sflag:s10], $0x1400  }
0x25: {  	s11 =	sadd.s32 $0x1, s11;
	[sflag:s10] =	ssyncset.done $0x0  }
0x26: {  	p0 =	sne.s32 s11, s24;
	[sflag:s10] =	ssyncadd.s32 $0xFFFFEC00  }
.Ltmp1:
0x27: {  	[bflag:$0x0] =	sbarrier.arrive $0xFFFF;
	(pc) =	sbr.rel @!p0 .LBB2_8-.Ltmp1, $4  }
0x28: {  	[hbm:s23], [sflag:s13] =	dma.local [spmem:s14], $0x2800  }
0x29: {  	_ =	swait.ge [sflag:s8], $0x2800  }
0x2a: {  	[sflag:s8] =	ssyncset.done $0x0  }
0x2b: {  	[sflag:s8] =	ssyncadd.s32 $0xFFFFD800  }
.LBB2_1:
0x2c: {  	s12 =	rddreg [dreg:$0x4]  }
0x2d: {  	[tilespmem:s4], [sflag:$0x3] =	stream.linear.gather [hbm4b:s12+s4], $0x80, $0x38;
	[tilespmem:$0x1F000] =	vst v63  }
0x2e: {  	s13 =	rddreg [dreg:$0x5];
	s12 =	simm.s32 $0x800  }
0x2f: {  	[tilespmem:s12], [sflag:$0x3] =	stream.linear.gather [hbm4b:s13+s4], $0x80, $0x38;
	[tilespmem:$0x1F000] =	vst v63  }
0x30: {  	s18 =	rddreg [dreg:$0x6]  }
0x31: {  	[tilespmem:s0], [sflag:$0x3] =	stream.linear.gather [hbm4b:s18+s4], $0x80, $0x38;
	[tilespmem:$0x1F000] =	vst v63  }
0x32: {  	s19 =	rddreg [dreg:$0x7];
	s14 =	simm.s32 $0x880  }
0x33: {  	[tilespmem:s14], [sflag:$0x3] =	stream.linear.gather [hbm4b:s19+s4], $0x80, $0x38;
	[tilespmem:$0x1F000] =	vst v63  }
0x34: {  	s20 =	rddreg [dreg:$0x8]  }
0x35: {  	[tilespmem:s2], [sflag:$0x3] =	stream.linear.gather [hbm4b:s20+s4], $0x80, $0x38;
	[tilespmem:$0x1F000] =	vst v63  }
0x36: {  	s15 =	simm.s32 $0x900;
	s14 =	rddreg [dreg:$0x9]  }
0x37: {  	[tilespmem:s15], [sflag:$0x3] =	stream.linear.gather [hbm4b:s14+s4], $0x80, $0x38;
	[tilespmem:$0x1F000] =	vst v63  }
0x38: {  	s18 =	rddreg [dreg:$0xa]  }
0x39: {  	[tilespmem:s5], [sflag:$0x3] =	stream.linear.gather [hbm4b:s18+s4], $0x80, $0x38;
	[tilespmem:$0x1F000] =	vst v63  }
0x3a: {  	s19 =	rddreg [dreg:$0xb];
	s20 =	simm.s32 $0x980  }
0x3b: {  	[tilespmem:s20], [sflag:$0x3] =	stream.linear.gather [hbm4b:s19+s4], $0x80, $0x38;
	[tilespmem:$0x1F000] =	vst v63  }
0x3c: {  	s15 =	rddreg [dreg:$0xc];
	s18 =	simm.s32 $0x200  }
0x3d: {  	[tilespmem:s18], [sflag:$0x3] =	stream.linear.gather [hbm4b:s15+s4], $0x80, $0x38;
	[tilespmem:$0x1F000] =	vst v63  }
0x3e: {  	s19 =	rddreg [dreg:$0xd];
	s20 =	simm.s32 $0xA00  }
0x3f: {  	[tilespmem:s20], [sflag:$0x3] =	stream.linear.gather [hbm4b:s19+s4], $0x80, $0x38;
	[tilespmem:$0x1F000] =	vst v63  }
0x40: {  	s15 =	rddreg [dreg:$0xe];
	s18 =	simm.s32 $0x280  }
0x41: {  	[tilespmem:s18], [sflag:$0x3] =	stream.linear.gather [hbm4b:s15+s4], $0x80, $0x38;
	[tilespmem:$0x1F000] =	vst v63  }
0x42: {  	s19 =	rddreg [dreg:$0xf];
	s20 =	simm.s32 $0xA80  }
0x43: {  	[tilespmem:s20], [sflag:$0x3] =	stream.linear.gather [hbm4b:s19+s4], $0x80, $0x38;
	[tilespmem:$0x1F000] =	vst v63  }
0x44: {  	s15 =	rddreg [dreg:$0x10];
	s18 =	simm.s32 $0x300  }
0x45: {  	[tilespmem:s18], [sflag:$0x3] =	stream.linear.gather [hbm4b:s15+s4], $0x80, $0x38;
	[tilespmem:$0x1F000] =	vst v63  }
0x46: {  	s19 =	rddreg [dreg:$0x11];
	s20 =	simm.s32 $0xB00  }
0x47: {  	[tilespmem:s20], [sflag:$0x3] =	stream.linear.gather [hbm4b:s19+s4], $0x80, $0x38;
	[tilespmem:$0x1F000] =	vst v63  }
0x48: {  	s15 =	rddreg [dreg:$0x12];
	s18 =	simm.s32 $0x380  }
0x49: {  	[tilespmem:s18], [sflag:$0x3] =	stream.linear.gather [hbm4b:s15+s4], $0x80, $0x38;
	[tilespmem:$0x1F000] =	vst v63  }
0x4a: {  	s19 =	rddreg [dreg:$0x13];
	s20 =	simm.s32 $0xB80  }
0x4b: {  	[tilespmem:s20], [sflag:$0x3] =	stream.linear.gather [hbm4b:s19+s4], $0x80, $0x38;
	[tilespmem:$0x1F000] =	vst v63  }
0x4c: {  	s15 =	simm.s32 $0x400  }
0x4d: {  	[tilespmem:s15], [sflag:$0x3] =	stream.linear.gather [hbm4b:s25+s4], $0x80, $0x38;
	[tilespmem:$0x1F000] =	vst v63  }
0x4e: {  	s18 =	simm.s32 $0xC00  }
0x4f: {  	[tilespmem:s18], [sflag:$0x3] =	stream.linear.gather [hbm4b:s26+s4], $0x80, $0x38;
	[tilespmem:$0x1F000] =	vst v63  }
0x50: {  	s19 =	simm.s32 $0x480  }
0x51: {  	[tilespmem:s19], [sflag:$0x3] =	stream.linear.gather [hbm4b:s28+s4], $0x80, $0x38;
	[tilespmem:$0x1F000] =	vst v63  }
0x52: {  	s20 =	simm.s32 $0xC80  }
0x53: {  	[tilespmem:s20], [sflag:$0x3] =	stream.linear.gather [hbm4b:s29+s4], $0x80, $0x38;
	[tilespmem:$0x1F000] =	vst v63  }
0x54: {  	_ =	swait.ge [sflag:s6], $0x80  }
0x55: {  	[sflag:s6] =	ssyncset.done $0x0  }
0x56: {  	[sflag:s6] =	ssyncadd.s32 $0xFFFFFF80  }
0x57: {  	_ =	swait.ge [sflag:s6], $0x80  }
0x58: {  	[sflag:s6] =	ssyncset.done $0x0  }
0x59: {  	s14 =	simm.s32 $0x1000;
	[sflag:s6] =	ssyncadd.s32 $0xFFFFFF80  }
0x5a: {  	[tilespmem:s14], [sflag:$0x1] =	stream.indirect.gather [hbm4b:s1+s7], $0x80, s4, s7, $0xb8;
	[tilespmem:$0x1F000] =	vst v63  }
0x5b: {  	_ =	swait.ge [sflag:s6], $0x80  }
0x5c: {  	[sflag:s6] =	ssyncset.done $0x0  }
0x5d: {  	[sflag:s6] =	ssyncadd.s32 $0xFFFFFF80  }
0x5e: {  	_ =	swait.ge [sflag:s6], $0x80  }
0x5f: {  	[sflag:s6] =	ssyncset.done $0x0  }
0x60: {  	s15 =	simm.s32 $0x2400;
	[sflag:s6] =	ssyncadd.s32 $0xFFFFFF80  }
0x61: {  	[tilespmem:s15], [sflag:$0x1] =	stream.indirect.gather [hbm4b:s1+s7], $0x80, s0, s7, $0xb8;
	[tilespmem:$0x1F000] =	vst v63  }
0x62: {  	_ =	swait.ge [sflag:s6], $0x80  }
0x63: {  	[sflag:s6] =	ssyncset.done $0x0  }
0x64: {  	[sflag:s6] =	ssyncadd.s32 $0xFFFFFF80  }
0x65: {  	_ =	swait.ge [sflag:s6], $0x80  }
0x66: {  	[sflag:s6] =	ssyncset.done $0x0  }
0x67: {  	s18 =	simm.s32 $0x3800;
	[sflag:s6] =	ssyncadd.s32 $0xFFFFFF80  }
0x68: {  	[tilespmem:s18], [sflag:$0x1] =	stream.indirect.gather [hbm4b:s1+s7], $0x80, s2, s7, $0xb8;
	[tilespmem:$0x1F000] =	vst v63  }
0x69: {  	_ =	swait.ge [sflag:s6], $0x80  }
0x6a: {  	[sflag:s6] =	ssyncset.done $0x0  }
0x6b: {  	[sflag:s6] =	ssyncadd.s32 $0xFFFFFF80  }
0x6c: {  	s20 =	stileid.u32;
	_ =	swait.ge [sflag:s6], $0x80  }
0x6d: {  	s19 =	simm.s32 $0x4C00;
	s13 =	sshll.u32 s20, $0x6;
	[sflag:s6] =	ssyncset.done $0x0  }
0x6e: {  	s13 =	sor.u32 $0x1C04, s13;
	s14 =	sshrl.u32 s21, $0x3;
	[sflag:s6] =	ssyncadd.s32 $0xFFFFFF80  }
0x6f: {  	[tilespmem:s19], [sflag:$0x1] =	stream.indirect.gather [hbm4b:s1+s7], $0x80, s5, s7, $0xb8;
	[tilespmem:$0x1F000] =	vst v63  }
0x70: {  	[spmem:s14], [sflag:s13] =	dma.local [hbm:s22], $0x2800  }
.Ltmp2:
0x71: {  	_ =	swait.ge [sflag:s8], $0x2800;
	(pc) =	sbr.rel .LBB2_2-.Ltmp2, $4  }
0x72: {  	[sflag:s8] =	ssyncset.done $0x0  }
0x73: {  	[sflag:s8] =	ssyncadd.s32 $0xFFFFD800  }
0x74: {  	s31 =	smov.u32 s16;
	[bflag:$0x0] =	sbarrier.arrive $0xFFFF  }
0x75: {  	s30 =	smov.u32 s17;
	s15 =	simm.s32 $0x500;
	s18 =	simm.s32 $0x0  }
.LBB2_3:
0x76: {  	s19 =	sand.u32 $0x780, s15  }
0x77: {  	[tilespmem:s19], [sflag:$0x3] =	stream.linear.gather [hbm4b:s30+s4], $0x80, $0x38;
	[tilespmem:$0x1F000] =	vst v63  }
0x78: {  	s19 =	sor.u32 $0x800, s19  }
0x79: {  	[tilespmem:s19], [sflag:$0x3] =	stream.linear.gather [hbm4b:s31+s4], $0x80, $0x38;
	[tilespmem:$0x1F000] =	vst v63  }
.LBB2_5:
0x7a: {  	s19 =	sadd.s32 $0x4, s18;
	_ =	swait.ge [sflag:s6], $0x80  }
0x7b: {  	[sflag:s6] =	ssyncset.done $0x0;
	s19 =	sand.u32 $0x7, s19  }
0x7c: {  	[sflag:s6] =	ssyncadd.s32 $0xFFFFFF80;
	s19 =	smul.u32 $0x5000, s19  }
0x7d: {  	_ =	swait.ge [sflag:s6], $0x80  }
0x7e: {  	s20 =	sand.u32 $0x1E00, s12;
	[sflag:s6] =	ssyncset.done $0x0;
	s19 =	sshrl.u32 s19, $0x2  }
0x7f: {  	s20 =	sshrl.u32 s20, $0x2;
	[sflag:s6] =	ssyncadd.s32 $0xFFFFFF80;
	s19 =	sadd.s32 $0x1000, s19  }
0x80: {  	[tilespmem:s19], [sflag:$0x1] =	stream.indirect.gather [hbm4b:s1+s7], $0x80, s20, s7, $0xb8;
	[tilespmem:$0x1F000] =	vst v63  }
.LBB2_6:
0x81: {  	s18 =	sadd.s32 $0x1, s18  }
0x82: {  	p0 =	sne.s32 s18, $0xFA  }
.Ltmp3:
0x83: {  	_ = 	snop;
	(pc) =	sbr.rel @!p0 .LBB2_7-.Ltmp3, $3  }
0x84: {  	_ =	sdelay $0x1  }
0x85: {  	s15 =	sadd.s32 $0x80, s15  }
0x86: {  	s30 =	sadd.s32 $0x10, s30;
	s31 =	sadd.s32 $0x10, s31;
	s12 =	sadd.s32 $0x200, s12  }
.LBB2_2:
0x87: {  	s19 =	sand.u32 $0x7, s18;
	s20 =	sadd.s32 $0xFFFFF800, s12  }
0x88: {  	_ =	swait.ge [sflag:s9], $0x1400;
	p0 =	slt.u32 s18, $0x4;
	s19 =	smul.u32 $0x5000, s19  }
0x89: {  	s20 =	sand.u32 $0x1E00, s20;
	[sflag:s9] =	ssyncset.done $0x0;
	p1 =	sgt.u32 @!p0 s18, $0xEF  }
0x8a: {  	s20 =	sshrl.u32 s20, $0x2;
	[sflag:s9] =	ssyncadd.s32 $0xFFFFEC00;
	s19 =	sshrl.u32 s19, $0x2  }
0x8b: {  	p1 =	por p0, !p1;
	s20 =	sor.u32 $0x800, s20;
	s19 =	sadd.s32 $0x1000, s19  }
0x8c: {  	[spmem:s3] =	stream.indirect.scatter.add.f32 [tilespmem:s19], [sflag:$0x2], $0x80, s20, s7, $0xb8;
	[tilespmem:$0x1F000] =	vst v63  }
.Ltmp4:
0x8d: {  	_ = 	snop;
	(pc) =	sbr.rel @p1 .LBB2_3-.Ltmp4, $4  }
0x8e: {  	s19 =	simm.s32 @!p0 $0x2  }
0x8f: {  	_ =	swait.ge @!p0 [sflag:s19], $0x1400  }
0x90: {  	[sflag:s19] =	ssyncset.done @!p0 $0x0  }
0x91: {  	[sflag:s19] =	ssyncadd.s32 @!p0 $0xFFFFEC00  }
0x92: {  	p0 =	sgt.u32 s18, $0xF5  }
.Ltmp5:
0x93: {  	_ = 	snop;
	(pc) =	sbr.rel @p0 .LBB2_6-.Ltmp5, $4  }
.Ltmp6:
0x94: {  	_ = 	snop;
	(pc) =	sbr.rel @!p0 .LBB2_5-.Ltmp6, $4  }
0x95: {  	_ = 	snop  }
0x96: {  	_ = 	snop  }
0x97: {  	_ = 	snop  }
0x98: {  	_ = 	snop  }
.LBB2_8:
0x99: {  	_ =	sfence.sel $0x180000  }
0x9a: {  	[bflag:$0x0] =	sbarrier.arrive $0xFFFF  }
0x9b: {  	_ =	strace $0x90000050  }
0x9c: {  	s0 =	stileid.u32;
	[bflag:$0x2] =	sbarrier.arrive $0xFFFF  }
0x9d: {  	p0 =	sne.s32 s0, $0x0;
	s0 =	rddreg [dreg:$0x3]  }
0x9e: {  	s0 =	sadd.s32 @!p0 $0x100000, s0  }
0x9f: {  	[sflag:s0] =	ssyncadd.tile.s32 @!p0 $0x1;
	_ =	shalt  }
.Lfunc_end2:
_tile_overlayer_lowered:
.L_overlay_start_2:
0xa0: {  	(tag) =	ssettag $0x2  }
0xa1: {  	s0 =	rddreg [dreg:$0x0];
	s2 =	stileid.u32  }
0xa2: {  	s1 =	rddreg [dreg:$0x1];
	p0 =	sne.s32 s2, $0x0  }
0xa3: {  	s3 =	rddreg [dreg:$0x2];
	[bflag:$0x3] =	sbarrier.arrive $0xFFFF;
	s2 =	simm.s32 @!p0 $0x1C04  }
0xa4: {  	[timem:s3], [sflag:s2] =	dma.local @!p0 [hbm:s0], s1  }
0xa5: {  	s0 =	simm.s32 @!p0 $0x4  }
0xa6: {  	_ =	swait.ge @!p0 [sflag:s0], s1  }
0xa7: {  	s1 =	ssub.s32 @!p0 $0x0, s1;
	[sflag:s0] =	ssyncset.done @!p0 $0x0  }
0xa8: {  	[sflag:s0] =	ssyncadd.s32 @!p0 s1  }
0xa9: {  	[bflag:$0x3] =	sbarrier.arrive $0xFFFF  }
0xaa: {  	_ =	shalt  }

</sc_bundles>
